<compile_context>
chip_gen: v7x
topology: tpu7x:2x2x1
jax: 0.10.2.dev20260603
libtpu: 0.0.44.dev20260713+nightly
codegen_flags: <defaults>
</compile_context>

<pallas_src>
import functools

import jax
import jax.numpy as jnp
from jax import lax
from jax.experimental import pallas as pl
from jax.experimental.pallas import tpu as pltpu
from jax.experimental.pallas import tpu_sc as plsc

N_NODES = 10000
N_EDGES = 320000
F = 128

NC = 2
NS = 16
L = 16
NW = NC * NS
E_PER_W = N_EDGES // NW
CHUNK = 80
N_CHUNKS = E_PER_W // CHUNK
ZROWS = 200
N_ZCHUNKS = N_NODES // ZROWS
ZPT = 4

_TC_BLOCK = 2000


def _proj_body(x_ref, wsT_ref, wdT_ref, b_ref, p_ref, q_ref):
    x = x_ref[...]
    p_ref[...] = jnp.dot(x, wsT_ref[...], preferred_element_type=jnp.float32)
    q_ref[...] = (
        jnp.dot(x, wdT_ref[...], preferred_element_type=jnp.float32) + b_ref[...]
    )


def _project(x, wsT, wdT, b):
    grid = (N_NODES // _TC_BLOCK,)
    blk = pl.BlockSpec((_TC_BLOCK, F), lambda i: (i, 0))
    wblk = pl.BlockSpec((F, F), lambda i: (0, 0))
    bblk = pl.BlockSpec((1, F), lambda i: (0, 0))
    return pl.pallas_call(
        _proj_body,
        grid=grid,
        in_specs=[blk, wblk, wblk, bblk],
        out_specs=[blk, blk],
        out_shape=[
            jax.ShapeDtypeStruct((N_NODES, F), jnp.float32),
            jax.ShapeDtypeStruct((N_NODES, F), jnp.float32),
        ],
    )(x, wsT, wdT, b)


def _edge_body(row_hbm, col_hbm, dist_hbm, p_hbm, q_hbm, wd_hbm, zero_hbm,
               out_hbm,
               ridx_v, cidx_v, dist_v, p_v, q_v, wd_v, zbuf_v, aggr_sh,
               sem1, sem2):
    cid = lax.axis_index("c")
    sid = lax.axis_index("s")
    wid = cid * NS + sid

    pltpu.sync_copy(wd_hbm, wd_v)

    pltpu.sync_copy(zero_hbm, zbuf_v)
    for j in range(ZPT):
        c = sid * ZPT + j

        @pl.when(c < N_ZCHUNKS)
        def _():
            pltpu.sync_copy(zbuf_v, aggr_sh.at[pl.ds(c * ZROWS, ZROWS)])

    plsc.subcore_barrier()

    def chunk_body(i, carry):
        base = wid * E_PER_W + i * CHUNK
        pltpu.sync_copy(row_hbm.at[pl.ds(base, CHUNK)], ridx_v)
        pltpu.sync_copy(col_hbm.at[pl.ds(base, CHUNK)], cidx_v)
        pltpu.sync_copy(dist_hbm.at[pl.ds(base, CHUNK)], dist_v)
        cp1 = pltpu.async_copy(p_hbm.at[ridx_v], p_v, sem1)
        cp2 = pltpu.async_copy(q_hbm.at[cidx_v], q_v, sem2)
        cp1.wait()
        cp2.wait()

        def group_body(g, c):
            dvec = dist_v[pl.ds(g * L, L)]
            for j in range(L):
                e = g * L + j
                dsplat = jnp.full((L,), dvec[j], jnp.float32)
                for k in range(F // L):
                    s = pl.ds(k * L, L)
                    m = p_v[e, s] + q_v[e, s] + dsplat * wd_v[s]
                    p_v[e, s] = jnp.maximum(m, 0.0)
            return c

        lax.fori_loop(0, CHUNK // L, group_body, 0, unroll=False)
        pltpu.sync_copy(p_v, aggr_sh.at[cidx_v], add=True)
        return carry

    lax.fori_loop(0, N_CHUNKS, chunk_body, 0, unroll=False)
    plsc.subcore_barrier()

    for j in range(ZPT):
        c = sid * ZPT + j

        @pl.when(c < N_ZCHUNKS)
        def _():
            off = c * ZROWS
            pltpu.sync_copy(aggr_sh.at[pl.ds(off, ZROWS)], zbuf_v)
            pltpu.sync_copy(zbuf_v, out_hbm.at[cid, pl.ds(off, ZROWS)])


def _edge_aggregate(row, col, dist, p, q, wd, zero_rows):
    mesh = plsc.VectorSubcoreMesh(
        core_axis_name="c", subcore_axis_name="s", num_cores=NC, num_subcores=NS
    )
    kern = pl.kernel(
        _edge_body,
        out_type=jax.ShapeDtypeStruct((NC, N_NODES, F), jnp.float32),
        mesh=mesh,
        scratch_types=[
            pltpu.VMEM((CHUNK,), jnp.int32),
            pltpu.VMEM((CHUNK,), jnp.int32),
            pltpu.VMEM((CHUNK,), jnp.float32),
            pltpu.VMEM((CHUNK, F), jnp.float32),
            pltpu.VMEM((CHUNK, F), jnp.float32),
            pltpu.VMEM((F,), jnp.float32),
            pltpu.VMEM((ZROWS, F), jnp.float32),
            pltpu.VMEM_SHARED((N_NODES, F), jnp.float32),
            pltpu.SemaphoreType.DMA,
            pltpu.SemaphoreType.DMA,
        ],
    )
    return kern(row, col, dist, p, q, wd, zero_rows)


def _upd_body(x_ref, a0_ref, a1_ref, wrT_ref, waT_ref, wbT_ref, b_ref, o_ref):
    x = x_ref[...]
    a = a0_ref[...] + a1_ref[...]
    h = (
        jnp.dot(x, waT_ref[...], preferred_element_type=jnp.float32)
        + jnp.dot(a, wbT_ref[...], preferred_element_type=jnp.float32)
        + b_ref[...]
    )
    o_ref[...] = jnp.dot(x, wrT_ref[...], preferred_element_type=jnp.float32) + (
        jnp.maximum(h, 0.0)
    )


def _update(x, a0, a1, wrT, waT, wbT, b):
    grid = (N_NODES // _TC_BLOCK,)
    blk = pl.BlockSpec((_TC_BLOCK, F), lambda i: (i, 0))
    wblk = pl.BlockSpec((F, F), lambda i: (0, 0))
    bblk = pl.BlockSpec((1, F), lambda i: (0, 0))
    return pl.pallas_call(
        _upd_body,
        grid=grid,
        in_specs=[blk, blk, blk, wblk, wblk, wblk, bblk],
        out_specs=blk,
        out_shape=jax.ShapeDtypeStruct((N_NODES, F), jnp.float32),
    )(x, a0, a1, wrT, waT, wbT, b)


def kernel(node_embed, edge_dist, edge_index, W_res, W_msg, b_msg, W_upd, b_upd):
    row = edge_index[0].astype(jnp.int32)
    col = edge_index[1].astype(jnp.int32)
    dist = edge_dist.reshape(-1)

    wsT = W_msg[:, :F].T
    wdT = W_msg[:, F : 2 * F].T
    wd = W_msg[:, 2 * F]
    b2 = b_msg.reshape(1, F)

    p, q = _project(node_embed, wsT, wdT, b2)

    zero_rows = jnp.zeros((ZROWS, F), jnp.float32)
    partials = _edge_aggregate(row, col, dist, p, q, wd, zero_rows)

    wrT = W_res.T
    waT = W_upd[:, :F].T
    wbT = W_upd[:, F:].T
    return _update(
        node_embed, partials[0], partials[1], wrT, waT, wbT, b_upd.reshape(1, F)
    )

# --- scband reference (transcript-rebuilt; emitter-appended) ---
"""Pipeline reference for scband-equivariant-mplayer-50637664420142 (READ-ONLY COPY).

The authoritative reference and input builder live on the scoring server;
editing this copy changes nothing except your own understanding.
"""

import jax, jax.numpy as jnp
import numpy as np

N_NODES = 10000
N_EDGES = 320000
IN_CH = 128
HID_CH = 128


def setup_inputs(seed: int = 0) -> dict:
    key = jax.random.key(seed)
    ks = jax.random.split(key, 8)
    node_embed = jax.random.normal(ks[0], (N_NODES, IN_CH), dtype=jnp.float32)
    edge_dist = jax.random.uniform(ks[1], (N_EDGES, 1), dtype=jnp.float32)
    edge_index = jax.random.randint(ks[2], (2, N_EDGES), 0, N_NODES, dtype=jnp.int64)
    # learned params (torch nn.Linear stores W as [out, in]; y = x @ W.T + b)
    msg_in = 2 * IN_CH + 1
    s_res = 1.0 / np.sqrt(IN_CH)
    s_msg = 1.0 / np.sqrt(msg_in)
    s_upd = 1.0 / np.sqrt(IN_CH + HID_CH)
    W_res = jax.random.uniform(ks[3], (HID_CH, IN_CH), minval=-s_res, maxval=s_res, dtype=jnp.float32)
    W_msg = jax.random.uniform(ks[4], (HID_CH, msg_in), minval=-s_msg, maxval=s_msg, dtype=jnp.float32)
    b_msg = jax.random.uniform(ks[5], (HID_CH,), minval=-s_msg, maxval=s_msg, dtype=jnp.float32)
    W_upd = jax.random.uniform(ks[6], (HID_CH, IN_CH + HID_CH), minval=-s_upd, maxval=s_upd, dtype=jnp.float32)
    b_upd = jax.random.uniform(ks[7], (HID_CH,), minval=-s_upd, maxval=s_upd, dtype=jnp.float32)
    return {"node_embed": node_embed, "edge_dist": edge_dist, "edge_index": edge_index,
            "W_res": W_res, "W_msg": W_msg, "b_msg": b_msg, "W_upd": W_upd, "b_upd": b_upd}


def reference(node_embed, edge_dist, edge_index, W_res, W_msg, b_msg, W_upd, b_upd):
    row = edge_index[0]
    col = edge_index[1]
    src = jnp.take(node_embed, row, axis=0)   # gather source node embeddings [E, IN_CH]
    dst = jnp.take(node_embed, col, axis=0)   # gather target node embeddings [E, IN_CH]
    message_repr = jnp.concatenate((src, dst, edge_dist), axis=-1)  # [E, 2*IN_CH+1]
    node_messages = jax.nn.relu(message_repr @ W_msg.T + b_msg)     # message MLP + act
    aggr = jax.ops.segment_sum(node_messages, col, num_segments=N_NODES)  # scatter-add by dst
    upd_in = jnp.concatenate((node_embed, aggr), axis=-1)
    new_node_embed = node_embed @ W_res.T + jax.nn.relu(upd_in @ W_upd.T + b_upd)
    return new_node_embed

if __name__ == "__main__":
    import jax
    _d = setup_inputs()
    print(jax.jit(kernel)(*tuple(_d.values())))

</pallas_src>

<mosaic_0001>
#map = affine_map<(d0, d1) -> (0)>
#map1 = affine_map<(d0, d1) -> (0, 0)>
#map2 = affine_map<(d0, d1) -> (0, 0, 0)>
module attributes {stable_mosaic.version = 14 : i64} {
  func.func @_edge_body(%arg0: i32, %arg1: i32, %arg2: memref<320000xi32, #tpu.memory_space<hbm>>, %arg3: memref<320000xi32, #tpu.memory_space<hbm>>, %arg4: memref<320000xf32, #tpu.memory_space<hbm>>, %arg5: memref<10000x128xf32, #tpu.memory_space<hbm>>, %arg6: memref<10000x128xf32, #tpu.memory_space<hbm>>, %arg7: memref<128xf32, #tpu.memory_space<hbm>>, %arg8: memref<200x128xf32, #tpu.memory_space<hbm>>, %arg9: memref<2x10000x128xf32, #tpu.memory_space<hbm>>, %arg10: memref<80xi32, #tpu.memory_space<vmem>>, %arg11: memref<80xi32, #tpu.memory_space<vmem>>, %arg12: memref<80xf32, #tpu.memory_space<vmem>>, %arg13: memref<80x128xf32, #tpu.memory_space<vmem>>, %arg14: memref<80x128xf32, #tpu.memory_space<vmem>>, %arg15: memref<128xf32, #tpu.memory_space<vmem>>, %arg16: memref<200x128xf32, #tpu.memory_space<vmem>>, %arg17: memref<10000x128xf32, #tpu.memory_space<vmem_shared>>, %arg18: memref<!tpu.dma_semaphore, #tpu.memory_space<semaphore_mem>>, %arg19: memref<!tpu.dma_semaphore, #tpu.memory_space<semaphore_mem>>) attributes {dimension_semantics = [#tpu.dimension_semantics<core_parallel>, #tpu.dimension_semantics<subcore_parallel>], iteration_bounds = array<i64: 2, 16>, scalar_prefetch = 0 : i64, scratch_operands = 10 : i64, tpu.core_type = #tpu.core_type<sc_vector_subcore>, window_params = [{transform_indices = #map}, {transform_indices = #map}, {transform_indices = #map}, {transform_indices = #map1}, {transform_indices = #map1}, {transform_indices = #map}, {transform_indices = #map1}, {transform_indices = #map2}]} {
    %mul3A = arith.constant 16 : i32
    %mul3A_0 = arith.muli %arg0, %mul3A : i32
    %add3A = arith.addi %mul3A_0, %arg1 : i32
    "tpu.region"() ({
      %run_scoped3A = tpu.sem_alloc : memref<!tpu.dma_semaphore, #tpu.memory_space<semaphore_mem>>
      tpu.enqueue_dma source(%arg7 : memref<128xf32, #tpu.memory_space<hbm>>) target(%arg15 : memref<128xf32, #tpu.memory_space<vmem>>) target_semaphore(%run_scoped3A : memref<!tpu.dma_semaphore, #tpu.memory_space<semaphore_mem>>)
      tpu.wait_dma2 semaphore(%run_scoped3A : memref<!tpu.dma_semaphore, #tpu.memory_space<semaphore_mem>>) src(%arg7 : memref<128xf32, #tpu.memory_space<hbm>>) dst(%arg15 : memref<128xf32, #tpu.memory_space<vmem>>)
      tpu.yield
    }) : () -> ()
    "tpu.region"() ({
      %run_scoped3A = tpu.sem_alloc : memref<!tpu.dma_semaphore, #tpu.memory_space<semaphore_mem>>
      tpu.enqueue_dma source(%arg8 : memref<200x128xf32, #tpu.memory_space<hbm>>) target(%arg16 : memref<200x128xf32, #tpu.memory_space<vmem>>) target_semaphore(%run_scoped3A : memref<!tpu.dma_semaphore, #tpu.memory_space<semaphore_mem>>)
      tpu.wait_dma2 semaphore(%run_scoped3A : memref<!tpu.dma_semaphore, #tpu.memory_space<semaphore_mem>>) src(%arg8 : memref<200x128xf32, #tpu.memory_space<hbm>>) dst(%arg16 : memref<200x128xf32, #tpu.memory_space<vmem>>)
      tpu.yield
    }) : () -> ()
    %mul3A_1 = arith.constant 4 : i32
    %mul3A_2 = arith.muli %arg1, %mul3A_1 : i32
    %add3A_3 = arith.constant 0 : i32
    %add3A_4 = arith.addi %mul3A_2, %add3A_3 : i32
    %lt3A = arith.constant 50 : i32
    %lt3A_5 = arith.cmpi slt, %add3A_4, %lt3A : i32
    %convert_element_type3A = arith.extui %lt3A_5 : i1 to i32
    %cond3A = arith.constant 0 : i32
    %cond3A_6 = arith.cmpi ne, %convert_element_type3A, %cond3A : i32
    scf.if %cond3A_6 {
      %mul3A_76 = arith.constant 200 : i32
      %mul3A_77 = arith.muli %add3A_4, %mul3A_76 : i32
      "tpu.region"() ({
        %run_scoped3A = tpu.sem_alloc : memref<!tpu.dma_semaphore, #tpu.memory_space<semaphore_mem>>
        %dma_start3A = arith.constant 0 : i32
        %dma_start3A_78 = tpu.memref_slice %arg17[%mul3A_77, %dma_start3A] : memref<10000x128xf32, #tpu.memory_space<vmem_shared>> -> memref<200x128xf32, #tpu.memory_space<vmem_shared>>
        %dma_start3A_79 = arith.constant 0 : i32
        %dma_start3A_80 = tpu.memref_slice %arg17[%mul3A_77, %dma_start3A_79] : memref<10000x128xf32, #tpu.memory_space<vmem_shared>> -> memref<200x128xf32, #tpu.memory_space<vmem_shared>>
        tpu.enqueue_dma source(%arg16 : memref<200x128xf32, #tpu.memory_space<vmem>>) target(%dma_start3A_80 : memref<200x128xf32, #tpu.memory_space<vmem_shared>>) target_semaphore(%run_scoped3A : memref<!tpu.dma_semaphore, #tpu.memory_space<semaphore_mem>>)
        %dma_wait3A = arith.constant 0 : i32
        %dma_wait3A_81 = tpu.memref_slice %arg17[%mul3A_77, %dma_wait3A] : memref<10000x128xf32, #tpu.memory_space<vmem_shared>> -> memref<200x128xf32, #tpu.memory_space<vmem_shared>>
        %dma_wait3A_82 = arith.constant 0 : i32
        %dma_wait3A_83 = tpu.memref_slice %arg17[%mul3A_77, %dma_wait3A_82] : memref<10000x128xf32, #tpu.memory_space<vmem_shared>> -> memref<200x128xf32, #tpu.memory_space<vmem_shared>>
        tpu.wait_dma2 semaphore(%run_scoped3A : memref<!tpu.dma_semaphore, #tpu.memory_space<semaphore_mem>>) src(%arg16 : memref<200x128xf32, #tpu.memory_space<vmem>>) dst(%dma_wait3A_83 : memref<200x128xf32, #tpu.memory_space<vmem_shared>>)
        tpu.yield
      }) : () -> ()
    } else {
    }
    %mul3A_7 = arith.constant 4 : i32
    %mul3A_8 = arith.muli %arg1, %mul3A_7 : i32
    %add3A_9 = arith.constant 1 : i32
    %add3A_10 = arith.addi %mul3A_8, %add3A_9 : i32
    %lt3A_11 = arith.constant 50 : i32
    %lt3A_12 = arith.cmpi slt, %add3A_10, %lt3A_11 : i32
    %convert_element_type3A_13 = arith.extui %lt3A_12 : i1 to i32
    %cond3A_14 = arith.constant 0 : i32
    %cond3A_15 = arith.cmpi ne, %convert_element_type3A_13, %cond3A_14 : i32
    scf.if %cond3A_15 {
      %mul3A_76 = arith.constant 200 : i32
      %mul3A_77 = arith.muli %add3A_10, %mul3A_76 : i32
      "tpu.region"() ({
        %run_scoped3A = tpu.sem_alloc : memref<!tpu.dma_semaphore, #tpu.memory_space<semaphore_mem>>
        %dma_start3A = arith.constant 0 : i32
        %dma_start3A_78 = tpu.memref_slice %arg17[%mul3A_77, %dma_start3A] : memref<10000x128xf32, #tpu.memory_space<vmem_shared>> -> memref<200x128xf32, #tpu.memory_space<vmem_shared>>
        %dma_start3A_79 = arith.constant 0 : i32
        %dma_start3A_80 = tpu.memref_slice %arg17[%mul3A_77, %dma_start3A_79] : memref<10000x128xf32, #tpu.memory_space<vmem_shared>> -> memref<200x128xf32, #tpu.memory_space<vmem_shared>>
        tpu.enqueue_dma source(%arg16 : memref<200x128xf32, #tpu.memory_space<vmem>>) target(%dma_start3A_80 : memref<200x128xf32, #tpu.memory_space<vmem_shared>>) target_semaphore(%run_scoped3A : memref<!tpu.dma_semaphore, #tpu.memory_space<semaphore_mem>>)
        %dma_wait3A = arith.constant 0 : i32
        %dma_wait3A_81 = tpu.memref_slice %arg17[%mul3A_77, %dma_wait3A] : memref<10000x128xf32, #tpu.memory_space<vmem_shared>> -> memref<200x128xf32, #tpu.memory_space<vmem_shared>>
        %dma_wait3A_82 = arith.constant 0 : i32
        %dma_wait3A_83 = tpu.memref_slice %arg17[%mul3A_77, %dma_wait3A_82] : memref<10000x128xf32, #tpu.memory_space<vmem_shared>> -> memref<200x128xf32, #tpu.memory_space<vmem_shared>>
        tpu.wait_dma2 semaphore(%run_scoped3A : memref<!tpu.dma_semaphore, #tpu.memory_space<semaphore_mem>>) src(%arg16 : memref<200x128xf32, #tpu.memory_space<vmem>>) dst(%dma_wait3A_83 : memref<200x128xf32, #tpu.memory_space<vmem_shared>>)
        tpu.yield
      }) : () -> ()
    } else {
    }
    %mul3A_16 = arith.constant 4 : i32
    %mul3A_17 = arith.muli %arg1, %mul3A_16 : i32
    %add3A_18 = arith.constant 2 : i32
    %add3A_19 = arith.addi %mul3A_17, %add3A_18 : i32
    %lt3A_20 = arith.constant 50 : i32
    %lt3A_21 = arith.cmpi slt, %add3A_19, %lt3A_20 : i32
    %convert_element_type3A_22 = arith.extui %lt3A_21 : i1 to i32
    %cond3A_23 = arith.constant 0 : i32
    %cond3A_24 = arith.cmpi ne, %convert_element_type3A_22, %cond3A_23 : i32
    scf.if %cond3A_24 {
      %mul3A_76 = arith.constant 200 : i32
      %mul3A_77 = arith.muli %add3A_19, %mul3A_76 : i32
      "tpu.region"() ({
        %run_scoped3A = tpu.sem_alloc : memref<!tpu.dma_semaphore, #tpu.memory_space<semaphore_mem>>
        %dma_start3A = arith.constant 0 : i32
        %dma_start3A_78 = tpu.memref_slice %arg17[%mul3A_77, %dma_start3A] : memref<10000x128xf32, #tpu.memory_space<vmem_shared>> -> memref<200x128xf32, #tpu.memory_space<vmem_shared>>
        %dma_start3A_79 = arith.constant 0 : i32
        %dma_start3A_80 = tpu.memref_slice %arg17[%mul3A_77, %dma_start3A_79] : memref<10000x128xf32, #tpu.memory_space<vmem_shared>> -> memref<200x128xf32, #tpu.memory_space<vmem_shared>>
        tpu.enqueue_dma source(%arg16 : memref<200x128xf32, #tpu.memory_space<vmem>>) target(%dma_start3A_80 : memref<200x128xf32, #tpu.memory_space<vmem_shared>>) target_semaphore(%run_scoped3A : memref<!tpu.dma_semaphore, #tpu.memory_space<semaphore_mem>>)
        %dma_wait3A = arith.constant 0 : i32
        %dma_wait3A_81 = tpu.memref_slice %arg17[%mul3A_77, %dma_wait3A] : memref<10000x128xf32, #tpu.memory_space<vmem_shared>> -> memref<200x128xf32, #tpu.memory_space<vmem_shared>>
        %dma_wait3A_82 = arith.constant 0 : i32
        %dma_wait3A_83 = tpu.memref_slice %arg17[%mul3A_77, %dma_wait3A_82] : memref<10000x128xf32, #tpu.memory_space<vmem_shared>> -> memref<200x128xf32, #tpu.memory_space<vmem_shared>>
        tpu.wait_dma2 semaphore(%run_scoped3A : memref<!tpu.dma_semaphore, #tpu.memory_space<semaphore_mem>>) src(%arg16 : memref<200x128xf32, #tpu.memory_space<vmem>>) dst(%dma_wait3A_83 : memref<200x128xf32, #tpu.memory_space<vmem_shared>>)
        tpu.yield
      }) : () -> ()
    } else {
    }
    %mul3A_25 = arith.constant 4 : i32
    %mul3A_26 = arith.muli %arg1, %mul3A_25 : i32
    %add3A_27 = arith.constant 3 : i32
    %add3A_28 = arith.addi %mul3A_26, %add3A_27 : i32
    %lt3A_29 = arith.constant 50 : i32
    %lt3A_30 = arith.cmpi slt, %add3A_28, %lt3A_29 : i32
    %convert_element_type3A_31 = arith.extui %lt3A_30 : i1 to i32
    %cond3A_32 = arith.constant 0 : i32
    %cond3A_33 = arith.cmpi ne, %convert_element_type3A_31, %cond3A_32 : i32
    scf.if %cond3A_33 {
      %mul3A_76 = arith.constant 200 : i32
      %mul3A_77 = arith.muli %add3A_28, %mul3A_76 : i32
      "tpu.region"() ({
        %run_scoped3A = tpu.sem_alloc : memref<!tpu.dma_semaphore, #tpu.memory_space<semaphore_mem>>
        %dma_start3A = arith.constant 0 : i32
        %dma_start3A_78 = tpu.memref_slice %arg17[%mul3A_77, %dma_start3A] : memref<10000x128xf32, #tpu.memory_space<vmem_shared>> -> memref<200x128xf32, #tpu.memory_space<vmem_shared>>
        %dma_start3A_79 = arith.constant 0 : i32
        %dma_start3A_80 = tpu.memref_slice %arg17[%mul3A_77, %dma_start3A_79] : memref<10000x128xf32, #tpu.memory_space<vmem_shared>> -> memref<200x128xf32, #tpu.memory_space<vmem_shared>>
        tpu.enqueue_dma source(%arg16 : memref<200x128xf32, #tpu.memory_space<vmem>>) target(%dma_start3A_80 : memref<200x128xf32, #tpu.memory_space<vmem_shared>>) target_semaphore(%run_scoped3A : memref<!tpu.dma_semaphore, #tpu.memory_space<semaphore_mem>>)
        %dma_wait3A = arith.constant 0 : i32
        %dma_wait3A_81 = tpu.memref_slice %arg17[%mul3A_77, %dma_wait3A] : memref<10000x128xf32, #tpu.memory_space<vmem_shared>> -> memref<200x128xf32, #tpu.memory_space<vmem_shared>>
        %dma_wait3A_82 = arith.constant 0 : i32
        %dma_wait3A_83 = tpu.memref_slice %arg17[%mul3A_77, %dma_wait3A_82] : memref<10000x128xf32, #tpu.memory_space<vmem_shared>> -> memref<200x128xf32, #tpu.memory_space<vmem_shared>>
        tpu.wait_dma2 semaphore(%run_scoped3A : memref<!tpu.dma_semaphore, #tpu.memory_space<semaphore_mem>>) src(%arg16 : memref<200x128xf32, #tpu.memory_space<vmem>>) dst(%dma_wait3A_83 : memref<200x128xf32, #tpu.memory_space<vmem_shared>>)
        tpu.yield
      }) : () -> ()
    } else {
    }
    %barrier3A = arith.constant 0 : index
    tpu.barrier barrier_id(%barrier3A)
    %scan3A = arith.constant 0 : i32
    %scan3A_34 = arith.constant 0 : i32
    %scan3A_35 = arith.constant 125 : i32
    %scan3A_36 = arith.addi %scan3A_34, %scan3A_35 : i32
    %scan3A_37 = arith.constant 1 : i32
    scf.for %scan3A_76 = %scan3A_34 to %scan3A_36 step %scan3A_37  : i32 {
      %mul3A_77 = arith.constant 10000 : i32
      %mul3A_78 = arith.muli %add3A, %mul3A_77 : i32
      %mul3A_79 = arith.constant 80 : i32
      %mul3A_80 = arith.muli %scan3A_76, %mul3A_79 : i32
      %add3A_81 = arith.addi %mul3A_78, %mul3A_80 : i32
      "tpu.region"() ({
        %run_scoped3A = tpu.sem_alloc : memref<!tpu.dma_semaphore, #tpu.memory_space<semaphore_mem>>
        %dma_start3A_98 = tpu.memref_slice %arg2[%add3A_81] : memref<320000xi32, #tpu.memory_space<hbm>> -> memref<80xi32, #tpu.memory_space<hbm>>
        %dma_start3A_99 = tpu.memref_slice %arg2[%add3A_81] : memref<320000xi32, #tpu.memory_space<hbm>> -> memref<80xi32, #tpu.memory_space<hbm>>
        tpu.enqueue_dma source(%dma_start3A_99 : memref<80xi32, #tpu.memory_space<hbm>>) target(%arg10 : memref<80xi32, #tpu.memory_space<vmem>>) target_semaphore(%run_scoped3A : memref<!tpu.dma_semaphore, #tpu.memory_space<semaphore_mem>>)
        %dma_wait3A_100 = tpu.memref_slice %arg2[%add3A_81] : memref<320000xi32, #tpu.memory_space<hbm>> -> memref<80xi32, #tpu.memory_space<hbm>>
        %dma_wait3A_101 = tpu.memref_slice %arg2[%add3A_81] : memref<320000xi32, #tpu.memory_space<hbm>> -> memref<80xi32, #tpu.memory_space<hbm>>
        tpu.wait_dma2 semaphore(%run_scoped3A : memref<!tpu.dma_semaphore, #tpu.memory_space<semaphore_mem>>) src(%dma_wait3A_101 : memref<80xi32, #tpu.memory_space<hbm>>) dst(%arg10 : memref<80xi32, #tpu.memory_space<vmem>>)
        tpu.yield
      }) : () -> ()
      "tpu.region"() ({
        %run_scoped3A = tpu.sem_alloc : memref<!tpu.dma_semaphore, #tpu.memory_space<semaphore_mem>>
        %dma_start3A_98 = tpu.memref_slice %arg3[%add3A_81] : memref<320000xi32, #tpu.memory_space<hbm>> -> memref<80xi32, #tpu.memory_space<hbm>>
        %dma_start3A_99 = tpu.memref_slice %arg3[%add3A_81] : memref<320000xi32, #tpu.memory_space<hbm>> -> memref<80xi32, #tpu.memory_space<hbm>>
        tpu.enqueue_dma source(%dma_start3A_99 : memref<80xi32, #tpu.memory_space<hbm>>) target(%arg11 : memref<80xi32, #tpu.memory_space<vmem>>) target_semaphore(%run_scoped3A : memref<!tpu.dma_semaphore, #tpu.memory_space<semaphore_mem>>)
        %dma_wait3A_100 = tpu.memref_slice %arg3[%add3A_81] : memref<320000xi32, #tpu.memory_space<hbm>> -> memref<80xi32, #tpu.memory_space<hbm>>
        %dma_wait3A_101 = tpu.memref_slice %arg3[%add3A_81] : memref<320000xi32, #tpu.memory_space<hbm>> -> memref<80xi32, #tpu.memory_space<hbm>>
        tpu.wait_dma2 semaphore(%run_scoped3A : memref<!tpu.dma_semaphore, #tpu.memory_space<semaphore_mem>>) src(%dma_wait3A_101 : memref<80xi32, #tpu.memory_space<hbm>>) dst(%arg11 : memref<80xi32, #tpu.memory_space<vmem>>)
        tpu.yield
      }) : () -> ()
      "tpu.region"() ({
        %run_scoped3A = tpu.sem_alloc : memref<!tpu.dma_semaphore, #tpu.memory_space<semaphore_mem>>
        %dma_start3A_98 = tpu.memref_slice %arg4[%add3A_81] : memref<320000xf32, #tpu.memory_space<hbm>> -> memref<80xf32, #tpu.memory_space<hbm>>
        %dma_start3A_99 = tpu.memref_slice %arg4[%add3A_81] : memref<320000xf32, #tpu.memory_space<hbm>> -> memref<80xf32, #tpu.memory_space<hbm>>
        tpu.enqueue_dma source(%dma_start3A_99 : memref<80xf32, #tpu.memory_space<hbm>>) target(%arg12 : memref<80xf32, #tpu.memory_space<vmem>>) target_semaphore(%run_scoped3A : memref<!tpu.dma_semaphore, #tpu.memory_space<semaphore_mem>>)
        %dma_wait3A_100 = tpu.memref_slice %arg4[%add3A_81] : memref<320000xf32, #tpu.memory_space<hbm>> -> memref<80xf32, #tpu.memory_space<hbm>>
        %dma_wait3A_101 = tpu.memref_slice %arg4[%add3A_81] : memref<320000xf32, #tpu.memory_space<hbm>> -> memref<80xf32, #tpu.memory_space<hbm>>
        tpu.wait_dma2 semaphore(%run_scoped3A : memref<!tpu.dma_semaphore, #tpu.memory_space<semaphore_mem>>) src(%dma_wait3A_101 : memref<80xf32, #tpu.memory_space<hbm>>) dst(%arg12 : memref<80xf32, #tpu.memory_space<vmem>>)
        tpu.yield
      }) : () -> ()
      %dma_start3A = arith.constant 0 : i32
      %dma_start3A_82 = arith.constant 0 : i32
      %dma_start3A_83 = tpu.memref_slice %arg5[%dma_start3A, %dma_start3A_82] : memref<10000x128xf32, #tpu.memory_space<hbm>> -> memref<10000x128xf32, #tpu.memory_space<hbm>>
      tpu.enqueue_indirect_dma source(%dma_start3A_83 : memref<10000x128xf32, #tpu.memory_space<hbm>>) target(%arg13 : memref<80x128xf32, #tpu.memory_space<vmem>>) offsets(%arg10 : memref<80xi32, #tpu.memory_space<vmem>>) semaphore(%arg18 : memref<!tpu.dma_semaphore, #tpu.memory_space<semaphore_mem>>)
      %dma_start3A_84 = arith.constant 0 : i32
      %dma_start3A_85 = arith.constant 0 : i32
      %dma_start3A_86 = tpu.memref_slice %arg6[%dma_start3A_84, %dma_start3A_85] : memref<10000x128xf32, #tpu.memory_space<hbm>> -> memref<10000x128xf32, #tpu.memory_space<hbm>>
      tpu.enqueue_indirect_dma source(%dma_start3A_86 : memref<10000x128xf32, #tpu.memory_space<hbm>>) target(%arg14 : memref<80x128xf32, #tpu.memory_space<vmem>>) offsets(%arg11 : memref<80xi32, #tpu.memory_space<vmem>>) semaphore(%arg19 : memref<!tpu.dma_semaphore, #tpu.memory_space<semaphore_mem>>)
      %dma_wait3A = arith.constant 0 : i32
      %dma_wait3A_87 = arith.constant 0 : i32
      %dma_wait3A_88 = tpu.memref_slice %arg5[%dma_wait3A, %dma_wait3A_87] : memref<10000x128xf32, #tpu.memory_space<hbm>> -> memref<10000x128xf32, #tpu.memory_space<hbm>>
      tpu.wait_indirect_dma semaphore(%arg18 : memref<!tpu.dma_semaphore, #tpu.memory_space<semaphore_mem>>) src(%dma_wait3A_88 : memref<10000x128xf32, #tpu.memory_space<hbm>>) dst(%arg13 : memref<80x128xf32, #tpu.memory_space<vmem>>)
      %dma_wait3A_89 = arith.constant 0 : i32
      %dma_wait3A_90 = arith.constant 0 : i32
      %dma_wait3A_91 = tpu.memref_slice %arg6[%dma_wait3A_89, %dma_wait3A_90] : memref<10000x128xf32, #tpu.memory_space<hbm>> -> memref<10000x128xf32, #tpu.memory_space<hbm>>
      tpu.wait_indirect_dma semaphore(%arg19 : memref<!tpu.dma_semaphore, #tpu.memory_space<semaphore_mem>>) src(%dma_wait3A_91 : memref<10000x128xf32, #tpu.memory_space<hbm>>) dst(%arg14 : memref<80x128xf32, #tpu.memory_space<vmem>>)
      %scan3A_92 = arith.constant 0 : i32
      %scan3A_93 = arith.constant 0 : i32
      %scan3A_94 = arith.constant 5 : i32
      %scan3A_95 = arith.addi %scan3A_93, %scan3A_94 : i32
      %scan3A_96 = arith.constant 1 : i32
      scf.for %scan3A_98 = %scan3A_93 to %scan3A_95 step %scan3A_96  : i32 {
        %mul3A_99 = arith.constant 16 : i32
        %mul3A_100 = arith.muli %scan3A_98, %mul3A_99 : i32
        %get3A = arith.index_cast %mul3A_100 : i32 to index
        %get3A_101 = tpu.vector_load %arg12[%get3A] {strides = array<i32>} : memref<80xf32, #tpu.memory_space<vmem>>, vector<16xf32>,
        %get3A_102 = vector.shape_cast %get3A_101 : vector<16xf32> to vector<16xf32>
        %mul3A_103 = arith.constant 16 : i32
        %mul3A_104 = arith.muli %scan3A_98, %mul3A_103 : i32
        %add3A_105 = arith.constant 0 : i32
        %add3A_106 = arith.addi %mul3A_104, %add3A_105 : i32
        %slice3A = vector.extract_strided_slice %get3A_102 {offsets = [0], sizes = [1], strides = [1]} : vector<16xf32> to vector<1xf32>
        %squeeze3A = vector.extract %slice3A[0] : f32 from vector<1xf32>
        %broadcast_in_dim3A = vector.broadcast %squeeze3A : f32 to vector<16xf32>
        %get3A_107 = arith.index_cast %add3A_106 : i32 to index
        %get3A_108 = arith.constant 0 : index
        %get3A_109 = tpu.vector_load %arg13[%get3A_107, %get3A_108] {strides = array<i32>} : memref<80x128xf32, #tpu.memory_space<vmem>>, vector<1x16xf32>,
        %get3A_110 = vector.shape_cast %get3A_109 : vector<1x16xf32> to vector<16xf32>
        %get3A_111 = arith.index_cast %add3A_106 : i32 to index
        %get3A_112 = arith.constant 0 : index
        %get3A_113 = tpu.vector_load %arg14[%get3A_111, %get3A_112] {strides = array<i32>} : memref<80x128xf32, #tpu.memory_space<vmem>>, vector<1x16xf32>,
        %get3A_114 = vector.shape_cast %get3A_113 : vector<1x16xf32> to vector<16xf32>
        %add3A_115 = arith.addf %get3A_110, %get3A_114 : vector<16xf32>
        %get3A_116 = arith.constant 0 : index
        %get3A_117 = tpu.vector_load %arg15[%get3A_116] {strides = array<i32>} : memref<128xf32, #tpu.memory_space<vmem>>, vector<16xf32>,
        %get3A_118 = vector.shape_cast %get3A_117 : vector<16xf32> to vector<16xf32>
        %mul3A_119 = arith.mulf %broadcast_in_dim3A, %get3A_118 : vector<16xf32>
        %add3A_120 = arith.addf %add3A_115, %mul3A_119 : vector<16xf32>
        %max3A = arith.constant 0.000000e+00 : f32
        %max3A_121 = vector.broadcast %max3A : f32 to vector<16xf32>
        %max3A_122 = arith.maximumf %add3A_120, %max3A_121 : vector<16xf32>
        %swap3A = arith.index_cast %add3A_106 : i32 to index
        %swap3A_123 = arith.constant 0 : index
        %swap3A_124 = tpu.vector_load %arg13[%swap3A, %swap3A_123] {strides = array<i32>} : memref<80x128xf32, #tpu.memory_space<vmem>>, vector<1x16xf32>,
        %swap3A_125 = vector.shape_cast %swap3A_124 : vector<1x16xf32> to vector<16xf32>
        %swap3A_126 = vector.shape_cast %max3A_122 : vector<16xf32> to vector<1x16xf32>
        tpu.vector_store %arg13[%swap3A, %swap3A_123], %swap3A_126 {strides = array<i32>} : memref<80x128xf32, #tpu.memory_space<vmem>>, vector<1x16xf32>,
        %get3A_127 = arith.index_cast %add3A_106 : i32 to index
        %get3A_128 = arith.constant 16 : index
        %get3A_129 = tpu.vector_load %arg13[%get3A_127, %get3A_128] {strides = array<i32>} : memref<80x128xf32, #tpu.memory_space<vmem>>, vector<1x16xf32>,
        %get3A_130 = vector.shape_cast %get3A_129 : vector<1x16xf32> to vector<16xf32>
        %get3A_131 = arith.index_cast %add3A_106 : i32 to index
        %get3A_132 = arith.constant 16 : index
        %get3A_133 = tpu.vector_load %arg14[%get3A_131, %get3A_132] {strides = array<i32>} : memref<80x128xf32, #tpu.memory_space<vmem>>, vector<1x16xf32>,
        %get3A_134 = vector.shape_cast %get3A_133 : vector<1x16xf32> to vector<16xf32>
        %add3A_135 = arith.addf %get3A_130, %get3A_134 : vector<16xf32>
        %get3A_136 = arith.constant 16 : index
        %get3A_137 = tpu.vector_load %arg15[%get3A_136] {strides = array<i32>} : memref<128xf32, #tpu.memory_space<vmem>>, vector<16xf32>,
        %get3A_138 = vector.shape_cast %get3A_137 : vector<16xf32> to vector<16xf32>
        %mul3A_139 = arith.mulf %broadcast_in_dim3A, %get3A_138 : vector<16xf32>
        %add3A_140 = arith.addf %add3A_135, %mul3A_139 : vector<16xf32>
        %max3A_141 = arith.constant 0.000000e+00 : f32
        %max3A_142 = vector.broadcast %max3A_141 : f32 to vector<16xf32>
        %max3A_143 = arith.maximumf %add3A_140, %max3A_142 : vector<16xf32>
        %swap3A_144 = arith.index_cast %add3A_106 : i32 to index
        %swap3A_145 = arith.constant 16 : index
        %swap3A_146 = tpu.vector_load %arg13[%swap3A_144, %swap3A_145] {strides = array<i32>} : memref<80x128xf32, #tpu.memory_space<vmem>>, vector<1x16xf32>,
        %swap3A_147 = vector.shape_cast %swap3A_146 : vector<1x16xf32> to vector<16xf32>
        %swap3A_148 = vector.shape_cast %max3A_143 : vector<16xf32> to vector<1x16xf32>
        tpu.vector_store %arg13[%swap3A_144, %swap3A_145], %swap3A_148 {strides = array<i32>} : memref<80x128xf32, #tpu.memory_space<vmem>>, vector<1x16xf32>,
        %get3A_149 = arith.index_cast %add3A_106 : i32 to index
        %get3A_150 = arith.constant 32 : index
        %get3A_151 = tpu.vector_load %arg13[%get3A_149, %get3A_150] {strides = array<i32>} : memref<80x128xf32, #tpu.memory_space<vmem>>, vector<1x16xf32>,
        %get3A_152 = vector.shape_cast %get3A_151 : vector<1x16xf32> to vector<16xf32>
        %get3A_153 = arith.index_cast %add3A_106 : i32 to index
        %get3A_154 = arith.constant 32 : index
        %get3A_155 = tpu.vector_load %arg14[%get3A_153, %get3A_154] {strides = array<i32>} : memref<80x128xf32, #tpu.memory_space<vmem>>, vector<1x16xf32>,
        %get3A_156 = vector.shape_cast %get3A_155 : vector<1x16xf32> to vector<16xf32>
        %add3A_157 = arith.addf %get3A_152, %get3A_156 : vector<16xf32>
        %get3A_158 = arith.constant 32 : index
        %get3A_159 = tpu.vector_load %arg15[%get3A_158] {strides = array<i32>} : memref<128xf32, #tpu.memory_space<vmem>>, vector<16xf32>,
        %get3A_160 = vector.shape_cast %get3A_159 : vector<16xf32> to vector<16xf32>
        %mul3A_161 = arith.mulf %broadcast_in_dim3A, %get3A_160 : vector<16xf32>
        %add3A_162 = arith.addf %add3A_157, %mul3A_161 : vector<16xf32>
        %max3A_163 = arith.constant 0.000000e+00 : f32
        %max3A_164 = vector.broadcast %max3A_163 : f32 to vector<16xf32>
        %max3A_165 = arith.maximumf %add3A_162, %max3A_164 : vector<16xf32>
        %swap3A_166 = arith.index_cast %add3A_106 : i32 to index
        %swap3A_167 = arith.constant 32 : index
        %swap3A_168 = tpu.vector_load %arg13[%swap3A_166, %swap3A_167] {strides = array<i32>} : memref<80x128xf32, #tpu.memory_space<vmem>>, vector<1x16xf32>,
        %swap3A_169 = vector.shape_cast %swap3A_168 : vector<1x16xf32> to vector<16xf32>
        %swap3A_170 = vector.shape_cast %max3A_165 : vector<16xf32> to vector<1x16xf32>
        tpu.vector_store %arg13[%swap3A_166, %swap3A_167], %swap3A_170 {strides = array<i32>} : memref<80x128xf32, #tpu.memory_space<vmem>>, vector<1x16xf32>,
        %get3A_171 = arith.index_cast %add3A_106 : i32 to index
        %get3A_172 = arith.constant 48 : index
        %get3A_173 = tpu.vector_load %arg13[%get3A_171, %get3A_172] {strides = array<i32>} : memref<80x128xf32, #tpu.memory_space<vmem>>, vector<1x16xf32>,
        %get3A_174 = vector.shape_cast %get3A_173 : vector<1x16xf32> to vector<16xf32>
        %get3A_175 = arith.index_cast %add3A_106 : i32 to index
        %get3A_176 = arith.constant 48 : index
        %get3A_177 = tpu.vector_load %arg14[%get3A_175, %get3A_176] {strides = array<i32>} : memref<80x128xf32, #tpu.memory_space<vmem>>, vector<1x16xf32>,
        %get3A_178 = vector.shape_cast %get3A_177 : vector<1x16xf32> to vector<16xf32>
        %add3A_179 = arith.addf %get3A_174, %get3A_178 : vector<16xf32>
        %get3A_180 = arith.constant 48 : index
        %get3A_181 = tpu.vector_load %arg15[%get3A_180] {strides = array<i32>} : memref<128xf32, #tpu.memory_space<vmem>>, vector<16xf32>,
        %get3A_182 = vector.shape_cast %get3A_181 : vector<16xf32> to vector<16xf32>
        %mul3A_183 = arith.mulf %broadcast_in_dim3A, %get3A_182 : vector<16xf32>
        %add3A_184 = arith.addf %add3A_179, %mul3A_183 : vector<16xf32>
        %max3A_185 = arith.constant 0.000000e+00 : f32
        %max3A_186 = vector.broadcast %max3A_185 : f32 to vector<16xf32>
        %max3A_187 = arith.maximumf %add3A_184, %max3A_186 : vector<16xf32>
        %swap3A_188 = arith.index_cast %add3A_106 : i32 to index
        %swap3A_189 = arith.constant 48 : index
        %swap3A_190 = tpu.vector_load %arg13[%swap3A_188, %swap3A_189] {strides = array<i32>} : memref<80x128xf32, #tpu.memory_space<vmem>>, vector<1x16xf32>,
        %swap3A_191 = vector.shape_cast %swap3A_190 : vector<1x16xf32> to vector<16xf32>
        %swap3A_192 = vector.shape_cast %max3A_187 : vector<16xf32> to vector<1x16xf32>
        tpu.vector_store %arg13[%swap3A_188, %swap3A_189], %swap3A_192 {strides = array<i32>} : memref<80x128xf32, #tpu.memory_space<vmem>>, vector<1x16xf32>,
        %get3A_193 = arith.index_cast %add3A_106 : i32 to index
        %get3A_194 = arith.constant 64 : index
        %get3A_195 = tpu.vector_load %arg13[%get3A_193, %get3A_194] {strides = array<i32>} : memref<80x128xf32, #tpu.memory_space<vmem>>, vector<1x16xf32>,
        %get3A_196 = vector.shape_cast %get3A_195 : vector<1x16xf32> to vector<16xf32>
        %get3A_197 = arith.index_cast %add3A_106 : i32 to index
        %get3A_198 = arith.constant 64 : index
        %get3A_199 = tpu.vector_load %arg14[%get3A_197, %get3A_198] {strides = array<i32>} : memref<80x128xf32, #tpu.memory_space<vmem>>, vector<1x16xf32>,
        %get3A_200 = vector.shape_cast %get3A_199 : vector<1x16xf32> to vector<16xf32>
        %add3A_201 = arith.addf %get3A_196, %get3A_200 : vector<16xf32>
        %get3A_202 = arith.constant 64 : index
        %get3A_203 = tpu.vector_load %arg15[%get3A_202] {strides = array<i32>} : memref<128xf32, #tpu.memory_space<vmem>>, vector<16xf32>,
        %get3A_204 = vector.shape_cast %get3A_203 : vector<16xf32> to vector<16xf32>
        %mul3A_205 = arith.mulf %broadcast_in_dim3A, %get3A_204 : vector<16xf32>
        %add3A_206 = arith.addf %add3A_201, %mul3A_205 : vector<16xf32>
        %max3A_207 = arith.constant 0.000000e+00 : f32
        %max3A_208 = vector.broadcast %max3A_207 : f32 to vector<16xf32>
        %max3A_209 = arith.maximumf %add3A_206, %max3A_208 : vector<16xf32>
        %swap3A_210 = arith.index_cast %add3A_106 : i32 to index
        %swap3A_211 = arith.constant 64 : index
        %swap3A_212 = tpu.vector_load %arg13[%swap3A_210, %swap3A_211] {strides = array<i32>} : memref<80x128xf32, #tpu.memory_space<vmem>>, vector<1x16xf32>,
        %swap3A_213 = vector.shape_cast %swap3A_212 : vector<1x16xf32> to vector<16xf32>
        %swap3A_214 = vector.shape_cast %max3A_209 : vector<16xf32> to vector<1x16xf32>
        tpu.vector_store %arg13[%swap3A_210, %swap3A_211], %swap3A_214 {strides = array<i32>} : memref<80x128xf32, #tpu.memory_space<vmem>>, vector<1x16xf32>,
        %get3A_215 = arith.index_cast %add3A_106 : i32 to index
        %get3A_216 = arith.constant 80 : index
        %get3A_217 = tpu.vector_load %arg13[%get3A_215, %get3A_216] {strides = array<i32>} : memref<80x128xf32, #tpu.memory_space<vmem>>, vector<1x16xf32>,
        %get3A_218 = vector.shape_cast %get3A_217 : vector<1x16xf32> to vector<16xf32>
        %get3A_219 = arith.index_cast %add3A_106 : i32 to index
        %get3A_220 = arith.constant 80 : index
        %get3A_221 = tpu.vector_load %arg14[%get3A_219, %get3A_220] {strides = array<i32>} : memref<80x128xf32, #tpu.memory_space<vmem>>, vector<1x16xf32>,
        %get3A_222 = vector.shape_cast %get3A_221 : vector<1x16xf32> to vector<16xf32>
        %add3A_223 = arith.addf %get3A_218, %get3A_222 : vector<16xf32>
        %get3A_224 = arith.constant 80 : index
        %get3A_225 = tpu.vector_load %arg15[%get3A_224] {strides = array<i32>} : memref<128xf32, #tpu.memory_space<vmem>>, vector<16xf32>,
        %get3A_226 = vector.shape_cast %get3A_225 : vector<16xf32> to vector<16xf32>
        %mul3A_227 = arith.mulf %broadcast_in_dim3A, %get3A_226 : vector<16xf32>
        %add3A_228 = arith.addf %add3A_223, %mul3A_227 : vector<16xf32>
        %max3A_229 = arith.constant 0.000000e+00 : f32
        %max3A_230 = vector.broadcast %max3A_229 : f32 to vector<16xf32>
        %max3A_231 = arith.maximumf %add3A_228, %max3A_230 : vector<16xf32>
        %swap3A_232 = arith.index_cast %add3A_106 : i32 to index
        %swap3A_233 = arith.constant 80 : index
        %swap3A_234 = tpu.vector_load %arg13[%swap3A_232, %swap3A_233] {strides = array<i32>} : memref<80x128xf32, #tpu.memory_space<vmem>>, vector<1x16xf32>,
        %swap3A_235 = vector.shape_cast %swap3A_234 : vector<1x16xf32> to vector<16xf32>
        %swap3A_236 = vector.shape_cast %max3A_231 : vector<16xf32> to vector<1x16xf32>
        tpu.vector_store %arg13[%swap3A_232, %swap3A_233], %swap3A_236 {strides = array<i32>} : memref<80x128xf32, #tpu.memory_space<vmem>>, vector<1x16xf32>,
        %get3A_237 = arith.index_cast %add3A_106 : i32 to index
        %get3A_238 = arith.constant 96 : index
        %get3A_239 = tpu.vector_load %arg13[%get3A_237, %get3A_238] {strides = array<i32>} : memref<80x128xf32, #tpu.memory_space<vmem>>, vector<1x16xf32>,
        %get3A_240 = vector.shape_cast %get3A_239 : vector<1x16xf32> to vector<16xf32>
        %get3A_241 = arith.index_cast %add3A_106 : i32 to index
        %get3A_242 = arith.constant 96 : index
        %get3A_243 = tpu.vector_load %arg14[%get3A_241, %get3A_242] {strides = array<i32>} : memref<80x128xf32, #tpu.memory_space<vmem>>, vector<1x16xf32>,
        %get3A_244 = vector.shape_cast %get3A_243 : vector<1x16xf32> to vector<16xf32>
        %add3A_245 = arith.addf %get3A_240, %get3A_244 : vector<16xf32>
        %get3A_246 = arith.constant 96 : index
        %get3A_247 = tpu.vector_load %arg15[%get3A_246] {strides = array<i32>} : memref<128xf32, #tpu.memory_space<vmem>>, vector<16xf32>,
        %get3A_248 = vector.shape_cast %get3A_247 : vector<16xf32> to vector<16xf32>
        %mul3A_249 = arith.mulf %broadcast_in_dim3A, %get3A_248 : vector<16xf32>
        %add3A_250 = arith.addf %add3A_245, %mul3A_249 : vector<16xf32>
        %max3A_251 = arith.constant 0.000000e+00 : f32
        %max3A_252 = vector.broadcast %max3A_251 : f32 to vector<16xf32>
        %max3A_253 = arith.maximumf %add3A_250, %max3A_252 : vector<16xf32>
        %swap3A_254 = arith.index_cast %add3A_106 : i32 to index
        %swap3A_255 = arith.constant 96 : index
        %swap3A_256 = tpu.vector_load %arg13[%swap3A_254, %swap3A_255] {strides = array<i32>} : memref<80x128xf32, #tpu.memory_space<vmem>>, vector<1x16xf32>,
        %swap3A_257 = vector.shape_cast %swap3A_256 : vector<1x16xf32> to vector<16xf32>
        %swap3A_258 = vector.shape_cast %max3A_253 : vector<16xf32> to vector<1x16xf32>
        tpu.vector_store %arg13[%swap3A_254, %swap3A_255], %swap3A_258 {strides = array<i32>} : memref<80x128xf32, #tpu.memory_space<vmem>>, vector<1x16xf32>,
        %get3A_259 = arith.index_cast %add3A_106 : i32 to index
        %get3A_260 = arith.constant 112 : index
        %get3A_261 = tpu.vector_load %arg13[%get3A_259, %get3A_260] {strides = array<i32>} : memref<80x128xf32, #tpu.memory_space<vmem>>, vector<1x16xf32>,
        %get3A_262 = vector.shape_cast %get3A_261 : vector<1x16xf32> to vector<16xf32>
        %get3A_263 = arith.index_cast %add3A_106 : i32 to index
        %get3A_264 = arith.constant 112 : index
        %get3A_265 = tpu.vector_load %arg14[%get3A_263, %get3A_264] {strides = array<i32>} : memref<80x128xf32, #tpu.memory_space<vmem>>, vector<1x16xf32>,
        %get3A_266 = vector.shape_cast %get3A_265 : vector<1x16xf32> to vector<16xf32>
        %add3A_267 = arith.addf %get3A_262, %get3A_266 : vector<16xf32>
        %get3A_268 = arith.constant 112 : index
        %get3A_269 = tpu.vector_load %arg15[%get3A_268] {strides = array<i32>} : memref<128xf32, #tpu.memory_space<vmem>>, vector<16xf32>,
        %get3A_270 = vector.shape_cast %get3A_269 : vector<16xf32> to vector<16xf32>
        %mul3A_271 = arith.mulf %broadcast_in_dim3A, %get3A_270 : vector<16xf32>
        %add3A_272 = arith.addf %add3A_267, %mul3A_271 : vector<16xf32>
        %max3A_273 = arith.constant 0.000000e+00 : f32
        %max3A_274 = vector.broadcast %max3A_273 : f32 to vector<16xf32>
        %max3A_275 = arith.maximumf %add3A_272, %max3A_274 : vector<16xf32>
        %swap3A_276 = arith.index_cast %add3A_106 : i32 to index
        %swap3A_277 = arith.constant 112 : index
        %swap3A_278 = tpu.vector_load %arg13[%swap3A_276, %swap3A_277] {strides = array<i32>} : memref<80x128xf32, #tpu.memory_space<vmem>>, vector<1x16xf32>,
        %swap3A_279 = vector.shape_cast %swap3A_278 : vector<1x16xf32> to vector<16xf32>
        %swap3A_280 = vector.shape_cast %max3A_275 : vector<16xf32> to vector<1x16xf32>
        tpu.vector_store %arg13[%swap3A_276, %swap3A_277], %swap3A_280 {strides = array<i32>} : memref<80x128xf32, #tpu.memory_space<vmem>>, vector<1x16xf32>,
        %mul3A_281 = arith.constant 16 : i32
        %mul3A_282 = arith.muli %scan3A_98, %mul3A_281 : i32
        %add3A_283 = arith.constant 1 : i32
        %add3A_284 = arith.addi %mul3A_282, %add3A_283 : i32
        %slice3A_285 = vector.extract_strided_slice %get3A_102 {offsets = [1], sizes = [1], strides = [1]} : vector<16xf32> to vector<1xf32>
        %squeeze3A_286 = vector.extract %slice3A_285[0] : f32 from vector<1xf32>
        %broadcast_in_dim3A_287 = vector.broadcast %squeeze3A_286 : f32 to vector<16xf32>
        %get3A_288 = arith.index_cast %add3A_284 : i32 to index
        %get3A_289 = arith.constant 0 : index
        %get3A_290 = tpu.vector_load %arg13[%get3A_288, %get3A_289] {strides = array<i32>} : memref<80x128xf32, #tpu.memory_space<vmem>>, vector<1x16xf32>,
        %get3A_291 = vector.shape_cast %get3A_290 : vector<1x16xf32> to vector<16xf32>
        %get3A_292 = arith.index_cast %add3A_284 : i32 to index
        %get3A_293 = arith.constant 0 : index
        %get3A_294 = tpu.vector_load %arg14[%get3A_292, %get3A_293] {strides = array<i32>} : memref<80x128xf32, #tpu.memory_space<vmem>>, vector<1x16xf32>,
        %get3A_295 = vector.shape_cast %get3A_294 : vector<1x16xf32> to vector<16xf32>
        %add3A_296 = arith.addf %get3A_291, %get3A_295 : vector<16xf32>
        %get3A_297 = arith.constant 0 : index
        %get3A_298 = tpu.vector_load %arg15[%get3A_297] {strides = array<i32>} : memref<128xf32, #tpu.memory_space<vmem>>, vector<16xf32>,
        %get3A_299 = vector.shape_cast %get3A_298 : vector<16xf32> to vector<16xf32>
        %mul3A_300 = arith.mulf %broadcast_in_dim3A_287, %get3A_299 : vector<16xf32>
        %add3A_301 = arith.addf %add3A_296, %mul3A_300 : vector<16xf32>
        %max3A_302 = arith.constant 0.000000e+00 : f32
        %max3A_303 = vector.broadcast %max3A_302 : f32 to vector<16xf32>
        %max3A_304 = arith.maximumf %add3A_301, %max3A_303 : vector<16xf32>
        %swap3A_305 = arith.index_cast %add3A_284 : i32 to index
        %swap3A_306 = arith.constant 0 : index
        %swap3A_307 = tpu.vector_load %arg13[%swap3A_305, %swap3A_306] {strides = array<i32>} : memref<80x128xf32, #tpu.memory_space<vmem>>, vector<1x16xf32>,
        %swap3A_308 = vector.shape_cast %swap3A_307 : vector<1x16xf32> to vector<16xf32>
        %swap3A_309 = vector.shape_cast %max3A_304 : vector<16xf32> to vector<1x16xf32>
        tpu.vector_store %arg13[%swap3A_305, %swap3A_306], %swap3A_309 {strides = array<i32>} : memref<80x128xf32, #tpu.memory_space<vmem>>, vector<1x16xf32>,
        %get3A_310 = arith.index_cast %add3A_284 : i32 to index
        %get3A_311 = arith.constant 16 : index
        %get3A_312 = tpu.vector_load %arg13[%get3A_310, %get3A_311] {strides = array<i32>} : memref<80x128xf32, #tpu.memory_space<vmem>>, vector<1x16xf32>,
        %get3A_313 = vector.shape_cast %get3A_312 : vector<1x16xf32> to vector<16xf32>
        %get3A_314 = arith.index_cast %add3A_284 : i32 to index
        %get3A_315 = arith.constant 16 : index
        %get3A_316 = tpu.vector_load %arg14[%get3A_314, %get3A_315] {strides = array<i32>} : memref<80x128xf32, #tpu.memory_space<vmem>>, vector<1x16xf32>,
        %get3A_317 = vector.shape_cast %get3A_316 : vector<1x16xf32> to vector<16xf32>
        %add3A_318 = arith.addf %get3A_313, %get3A_317 : vector<16xf32>
        %get3A_319 = arith.constant 16 : index
        %get3A_320 = tpu.vector_load %arg15[%get3A_319] {strides = array<i32>} : memref<128xf32, #tpu.memory_space<vmem>>, vector<16xf32>,
        %get3A_321 = vector.shape_cast %get3A_320 : vector<16xf32> to vector<16xf32>
        %mul3A_322 = arith.mulf %broadcast_in_dim3A_287, %get3A_321 : vector<16xf32>
        %add3A_323 = arith.addf %add3A_318, %mul3A_322 : vector<16xf32>
        %max3A_324 = arith.constant 0.000000e+00 : f32
        %max3A_325 = vector.broadcast %max3A_324 : f32 to vector<16xf32>
        %max3A_326 = arith.maximumf %add3A_323, %max3A_325 : vector<16xf32>
        %swap3A_327 = arith.index_cast %add3A_284 : i32 to index
        %swap3A_328 = arith.constant 16 : index
        %swap3A_329 = tpu.vector_load %arg13[%swap3A_327, %swap3A_328] {strides = array<i32>} : memref<80x128xf32, #tpu.memory_space<vmem>>, vector<1x16xf32>,
        %swap3A_330 = vector.shape_cast %swap3A_329 : vector<1x16xf32> to vector<16xf32>
        %swap3A_331 = vector.shape_cast %max3A_326 : vector<16xf32> to vector<1x16xf32>
        tpu.vector_store %arg13[%swap3A_327, %swap3A_328], %swap3A_331 {strides = array<i32>} : memref<80x128xf32, #tpu.memory_space<vmem>>, vector<1x16xf32>,
        %get3A_332 = arith.index_cast %add3A_284 : i32 to index
        %get3A_333 = arith.constant 32 : index
        %get3A_334 = tpu.vector_load %arg13[%get3A_332, %get3A_333] {strides = array<i32>} : memref<80x128xf32, #tpu.memory_space<vmem>>, vector<1x16xf32>,
        %get3A_335 = vector.shape_cast %get3A_334 : vector<1x16xf32> to vector<16xf32>
        %get3A_336 = arith.index_cast %add3A_284 : i32 to index
        %get3A_337 = arith.constant 32 : index
        %get3A_338 = tpu.vector_load %arg14[%get3A_336, %get3A_337] {strides = array<i32>} : memref<80x128xf32, #tpu.memory_space<vmem>>, vector<1x16xf32>,
        %get3A_339 = vector.shape_cast %get3A_338 : vector<1x16xf32> to vector<16xf32>
        %add3A_340 = arith.addf %get3A_335, %get3A_339 : vector<16xf32>
        %get3A_341 = arith.constant 32 : index
        %get3A_342 = tpu.vector_load %arg15[%get3A_341] {strides = array<i32>} : memref<128xf32, #tpu.memory_space<vmem>>, vector<16xf32>,
        %get3A_343 = vector.shape_cast %get3A_342 : vector<16xf32> to vector<16xf32>
        %mul3A_344 = arith.mulf %broadcast_in_dim3A_287, %get3A_343 : vector<16xf32>
        %add3A_345 = arith.addf %add3A_340, %mul3A_344 : vector<16xf32>
        %max3A_346 = arith.constant 0.000000e+00 : f32
        %max3A_347 = vector.broadcast %max3A_346 : f32 to vector<16xf32>
        %max3A_348 = arith.maximumf %add3A_345, %max3A_347 : vector<16xf32>
        %swap3A_349 = arith.index_cast %add3A_284 : i32 to index
        %swap3A_350 = arith.constant 32 : index
        %swap3A_351 = tpu.vector_load %arg13[%swap3A_349, %swap3A_350] {strides = array<i32>} : memref<80x128xf32, #tpu.memory_space<vmem>>, vector<1x16xf32>,
        %swap3A_352 = vector.shape_cast %swap3A_351 : vector<1x16xf32> to vector<16xf32>
        %swap3A_353 = vector.shape_cast %max3A_348 : vector<16xf32> to vector<1x16xf32>
        tpu.vector_store %arg13[%swap3A_349, %swap3A_350], %swap3A_353 {strides = array<i32>} : memref<80x128xf32, #tpu.memory_space<vmem>>, vector<1x16xf32>,
        %get3A_354 = arith.index_cast %add3A_284 : i32 to index
        %get3A_355 = arith.constant 48 : index
        %get3A_356 = tpu.vector_load %arg13[%get3A_354, %get3A_355] {strides = array<i32>} : memref<80x128xf32, #tpu.memory_space<vmem>>, vector<1x16xf32>,
        %get3A_357 = vector.shape_cast %get3A_356 : vector<1x16xf32> to vector<16xf32>
        %get3A_358 = arith.index_cast %add3A_284 : i32 to index
        %get3A_359 = arith.constant 48 : index
        %get3A_360 = tpu.vector_load %arg14[%get3A_358, %get3A_359] {strides = array<i32>} : memref<80x128xf32, #tpu.memory_space<vmem>>, vector<1x16xf32>,
        %get3A_361 = vector.shape_cast %get3A_360 : vector<1x16xf32> to vector<16xf32>
        %add3A_362 = arith.addf %get3A_357, %get3A_361 : vector<16xf32>
        %get3A_363 = arith.constant 48 : index
        %get3A_364 = tpu.vector_load %arg15[%get3A_363] {strides = array<i32>} : memref<128xf32, #tpu.memory_space<vmem>>, vector<16xf32>,
        %get3A_365 = vector.shape_cast %get3A_364 : vector<16xf32> to vector<16xf32>
        %mul3A_366 = arith.mulf %broadcast_in_dim3A_287, %get3A_365 : vector<16xf32>
        %add3A_367 = arith.addf %add3A_362, %mul3A_366 : vector<16xf32>
        %max3A_368 = arith.constant 0.000000e+00 : f32
        %max3A_369 = vector.broadcast %max3A_368 : f32 to vector<16xf32>
        %max3A_370 = arith.maximumf %add3A_367, %max3A_369 : vector<16xf32>
        %swap3A_371 = arith.index_cast %add3A_284 : i32 to index
        %swap3A_372 = arith.constant 48 : index
        %swap3A_373 = tpu.vector_load %arg13[%swap3A_371, %swap3A_372] {strides = array<i32>} : memref<80x128xf32, #tpu.memory_space<vmem>>, vector<1x16xf32>,
        %swap3A_374 = vector.shape_cast %swap3A_373 : vector<1x16xf32> to vector<16xf32>
        %swap3A_375 = vector.shape_cast %max3A_370 : vector<16xf32> to vector<1x16xf32>
        tpu.vector_store %arg13[%swap3A_371, %swap3A_372], %swap3A_375 {strides = array<i32>} : memref<80x128xf32, #tpu.memory_space<vmem>>, vector<1x16xf32>,
        %get3A_376 = arith.index_cast %add3A_284 : i32 to index
        %get3A_377 = arith.constant 64 : index
        %get3A_378 = tpu.vector_load %arg13[%get3A_376, %get3A_377] {strides = array<i32>} : memref<80x128xf32, #tpu.memory_space<vmem>>, vector<1x16xf32>,
        %get3A_379 = vector.shape_cast %get3A_378 : vector<1x16xf32> to vector<16xf32>
        %get3A_380 = arith.index_cast %add3A_284 : i32 to index
        %get3A_381 = arith.constant 64 : index
        %get3A_382 = tpu.vector_load %arg14[%get3A_380, %get3A_381] {strides = array<i32>} : memref<80x128xf32, #tpu.memory_space<vmem>>, vector<1x16xf32>,
        %get3A_383 = vector.shape_cast %get3A_382 : vector<1x16xf32> to vector<16xf32>
        %add3A_384 = arith.addf %get3A_379, %get3A_383 : vector<16xf32>
        %get3A_385 = arith.constant 64 : index
        %get3A_386 = tpu.vector_load %arg15[%get3A_385] {strides = array<i32>} : memref<128xf32, #tpu.memory_space<vmem>>, vector<16xf32>,
        %get3A_387 = vector.shape_cast %get3A_386 : vector<16xf32> to vector<16xf32>
        %mul3A_388 = arith.mulf %broadcast_in_dim3A_287, %get3A_387 : vector<16xf32>
        %add3A_389 = arith.addf %add3A_384, %mul3A_388 : vector<16xf32>
        %max3A_390 = arith.constant 0.000000e+00 : f32
        %max3A_391 = vector.broadcast %max3A_390 : f32 to vector<16xf32>
        %max3A_392 = arith.maximumf %add3A_389, %max3A_391 : vector<16xf32>
        %swap3A_393 = arith.index_cast %add3A_284 : i32 to index
        %swap3A_394 = arith.constant 64 : index
        %swap3A_395 = tpu.vector_load %arg13[%swap3A_393, %swap3A_394] {strides = array<i32>} : memref<80x128xf32, #tpu.memory_space<vmem>>, vector<1x16xf32>,
        %swap3A_396 = vector.shape_cast %swap3A_395 : vector<1x16xf32> to vector<16xf32>
        %swap3A_397 = vector.shape_cast %max3A_392 : vector<16xf32> to vector<1x16xf32>
        tpu.vector_store %arg13[%swap3A_393, %swap3A_394], %swap3A_397 {strides = array<i32>} : memref<80x128xf32, #tpu.memory_space<vmem>>, vector<1x16xf32>,
        %get3A_398 = arith.index_cast %add3A_284 : i32 to index
        %get3A_399 = arith.constant 80 : index
        %get3A_400 = tpu.vector_load %arg13[%get3A_398, %get3A_399] {strides = array<i32>} : memref<80x128xf32, #tpu.memory_space<vmem>>, vector<1x16xf32>,
        %get3A_401 = vector.shape_cast %get3A_400 : vector<1x16xf32> to vector<16xf32>
        %get3A_402 = arith.index_cast %add3A_284 : i32 to index
        %get3A_403 = arith.constant 80 : index
        %get3A_404 = tpu.vector_load %arg14[%get3A_402, %get3A_403] {strides = array<i32>} : memref<80x128xf32, #tpu.memory_space<vmem>>, vector<1x16xf32>,
        %get3A_405 = vector.shape_cast %get3A_404 : vector<1x16xf32> to vector<16xf32>
        %add3A_406 = arith.addf %get3A_401, %get3A_405 : vector<16xf32>
        %get3A_407 = arith.constant 80 : index
        %get3A_408 = tpu.vector_load %arg15[%get3A_407] {strides = array<i32>} : memref<128xf32, #tpu.memory_space<vmem>>, vector<16xf32>,
        %get3A_409 = vector.shape_cast %get3A_408 : vector<16xf32> to vector<16xf32>
        %mul3A_410 = arith.mulf %broadcast_in_dim3A_287, %get3A_409 : vector<16xf32>
        %add3A_411 = arith.addf %add3A_406, %mul3A_410 : vector<16xf32>
        %max3A_412 = arith.constant 0.000000e+00 : f32
        %max3A_413 = vector.broadcast %max3A_412 : f32 to vector<16xf32>
        %max3A_414 = arith.maximumf %add3A_411, %max3A_413 : vector<16xf32>
        %swap3A_415 = arith.index_cast %add3A_284 : i32 to index
        %swap3A_416 = arith.constant 80 : index
        %swap3A_417 = tpu.vector_load %arg13[%swap3A_415, %swap3A_416] {strides = array<i32>} : memref<80x128xf32, #tpu.memory_space<vmem>>, vector<1x16xf32>,
        %swap3A_418 = vector.shape_cast %swap3A_417 : vector<1x16xf32> to vector<16xf32>
        %swap3A_419 = vector.shape_cast %max3A_414 : vector<16xf32> to vector<1x16xf32>
        tpu.vector_store %arg13[%swap3A_415, %swap3A_416], %swap3A_419 {strides = array<i32>} : memref<80x128xf32, #tpu.memory_space<vmem>>, vector<1x16xf32>,
        %get3A_420 = arith.index_cast %add3A_284 : i32 to index
        %get3A_421 = arith.constant 96 : index
        %get3A_422 = tpu.vector_load %arg13[%get3A_420, %get3A_421] {strides = array<i32>} : memref<80x128xf32, #tpu.memory_space<vmem>>, vector<1x16xf32>,
        %get3A_423 = vector.shape_cast %get3A_422 : vector<1x16xf32> to vector<16xf32>
        %get3A_424 = arith.index_cast %add3A_284 : i32 to index
        %get3A_425 = arith.constant 96 : index
        %get3A_426 = tpu.vector_load %arg14[%get3A_424, %get3A_425] {strides = array<i32>} : memref<80x128xf32, #tpu.memory_space<vmem>>, vector<1x16xf32>,
        %get3A_427 = vector.shape_cast %get3A_426 : vector<1x16xf32> to vector<16xf32>
        %add3A_428 = arith.addf %get3A_423, %get3A_427 : vector<16xf32>
        %get3A_429 = arith.constant 96 : index
        %get3A_430 = tpu.vector_load %arg15[%get3A_429] {strides = array<i32>} : memref<128xf32, #tpu.memory_space<vmem>>, vector<16xf32>,
        %get3A_431 = vector.shape_cast %get3A_430 : vector<16xf32> to vector<16xf32>
        %mul3A_432 = arith.mulf %broadcast_in_dim3A_287, %get3A_431 : vector<16xf32>
        %add3A_433 = arith.addf %add3A_428, %mul3A_432 : vector<16xf32>
        %max3A_434 = arith.constant 0.000000e+00 : f32
        %max3A_435 = vector.broadcast %max3A_434 : f32 to vector<16xf32>
        %max3A_436 = arith.maximumf %add3A_433, %max3A_435 : vector<16xf32>
        %swap3A_437 = arith.index_cast %add3A_284 : i32 to index
        %swap3A_438 = arith.constant 96 : index
        %swap3A_439 = tpu.vector_load %arg13[%swap3A_437, %swap3A_438] {strides = array<i32>} : memref<80x128xf32, #tpu.memory_space<vmem>>, vector<1x16xf32>,
        %swap3A_440 = vector.shape_cast %swap3A_439 : vector<1x16xf32> to vector<16xf32>
        %swap3A_441 = vector.shape_cast %max3A_436 : vector<16xf32> to vector<1x16xf32>
        tpu.vector_store %arg13[%swap3A_437, %swap3A_438], %swap3A_441 {strides = array<i32>} : memref<80x128xf32, #tpu.memory_space<vmem>>, vector<1x16xf32>,
        %get3A_442 = arith.index_cast %add3A_284 : i32 to index
        %get3A_443 = arith.constant 112 : index
        %get3A_444 = tpu.vector_load %arg13[%get3A_442, %get3A_443] {strides = array<i32>} : memref<80x128xf32, #tpu.memory_space<vmem>>, vector<1x16xf32>,
        %get3A_445 = vector.shape_cast %get3A_444 : vector<1x16xf32> to vector<16xf32>
        %get3A_446 = arith.index_cast %add3A_284 : i32 to index
        %get3A_447 = arith.constant 112 : index
        %get3A_448 = tpu.vector_load %arg14[%get3A_446, %get3A_447] {strides = array<i32>} : memref<80x128xf32, #tpu.memory_space<vmem>>, vector<1x16xf32>,
        %get3A_449 = vector.shape_cast %get3A_448 : vector<1x16xf32> to vector<16xf32>
        %add3A_450 = arith.addf %get3A_445, %get3A_449 : vector<16xf32>
        %get3A_451 = arith.constant 112 : index
        %get3A_452 = tpu.vector_load %arg15[%get3A_451] {strides = array<i32>} : memref<128xf32, #tpu.memory_space<vmem>>, vector<16xf32>,
        %get3A_453 = vector.shape_cast %get3A_452 : vector<16xf32> to vector<16xf32>
        %mul3A_454 = arith.mulf %broadcast_in_dim3A_287, %get3A_453 : vector<16xf32>
        %add3A_455 = arith.addf %add3A_450, %mul3A_454 : vector<16xf32>
        %max3A_456 = arith.constant 0.000000e+00 : f32
        %max3A_457 = vector.broadcast %max3A_456 : f32 to vector<16xf32>
        %max3A_458 = arith.maximumf %add3A_455, %max3A_457 : vector<16xf32>
        %swap3A_459 = arith.index_cast %add3A_284 : i32 to index
        %swap3A_460 = arith.constant 112 : index
        %swap3A_461 = tpu.vector_load %arg13[%swap3A_459, %swap3A_460] {strides = array<i32>} : memref<80x128xf32, #tpu.memory_space<vmem>>, vector<1x16xf32>,
        %swap3A_462 = vector.shape_cast %swap3A_461 : vector<1x16xf32> to vector<16xf32>
        %swap3A_463 = vector.shape_cast %max3A_458 : vector<16xf32> to vector<1x16xf32>
        tpu.vector_store %arg13[%swap3A_459, %swap3A_460], %swap3A_463 {strides = array<i32>} : memref<80x128xf32, #tpu.memory_space<vmem>>, vector<1x16xf32>,
        %mul3A_464 = arith.constant 16 : i32
        %mul3A_465 = arith.muli %scan3A_98, %mul3A_464 : i32
        %add3A_466 = arith.constant 2 : i32
        %add3A_467 = arith.addi %mul3A_465, %add3A_466 : i32
        %slice3A_468 = vector.extract_strided_slice %get3A_102 {offsets = [2], sizes = [1], strides = [1]} : vector<16xf32> to vector<1xf32>
        %squeeze3A_469 = vector.extract %slice3A_468[0] : f32 from vector<1xf32>
        %broadcast_in_dim3A_470 = vector.broadcast %squeeze3A_469 : f32 to vector<16xf32>
        %get3A_471 = arith.index_cast %add3A_467 : i32 to index
        %get3A_472 = arith.constant 0 : index
        %get3A_473 = tpu.vector_load %arg13[%get3A_471, %get3A_472] {strides = array<i32>} : memref<80x128xf32, #tpu.memory_space<vmem>>, vector<1x16xf32>,
        %get3A_474 = vector.shape_cast %get3A_473 : vector<1x16xf32> to vector<16xf32>
        %get3A_475 = arith.index_cast %add3A_467 : i32 to index
        %get3A_476 = arith.constant 0 : index
        %get3A_477 = tpu.vector_load %arg14[%get3A_475, %get3A_476] {strides = array<i32>} : memref<80x128xf32, #tpu.memory_space<vmem>>, vector<1x16xf32>,
        %get3A_478 = vector.shape_cast %get3A_477 : vector<1x16xf32> to vector<16xf32>
        %add3A_479 = arith.addf %get3A_474, %get3A_478 : vector<16xf32>
        %get3A_480 = arith.constant 0 : index
        %get3A_481 = tpu.vector_load %arg15[%get3A_480] {strides = array<i32>} : memref<128xf32, #tpu.memory_space<vmem>>, vector<16xf32>,
        %get3A_482 = vector.shape_cast %get3A_481 : vector<16xf32> to vector<16xf32>
        %mul3A_483 = arith.mulf %broadcast_in_dim3A_470, %get3A_482 : vector<16xf32>
        %add3A_484 = arith.addf %add3A_479, %mul3A_483 : vector<16xf32>
        %max3A_485 = arith.constant 0.000000e+00 : f32
        %max3A_486 = vector.broadcast %max3A_485 : f32 to vector<16xf32>
        %max3A_487 = arith.maximumf %add3A_484, %max3A_486 : vector<16xf32>
        %swap3A_488 = arith.index_cast %add3A_467 : i32 to index
        %swap3A_489 = arith.constant 0 : index
        %swap3A_490 = tpu.vector_load %arg13[%swap3A_488, %swap3A_489] {strides = array<i32>} : memref<80x128xf32, #tpu.memory_space<vmem>>, vector<1x16xf32>,
        %swap3A_491 = vector.shape_cast %swap3A_490 : vector<1x16xf32> to vector<16xf32>
        %swap3A_492 = vector.shape_cast %max3A_487 : vector<16xf32> to vector<1x16xf32>
        tpu.vector_store %arg13[%swap3A_488, %swap3A_489], %swap3A_492 {strides = array<i32>} : memref<80x128xf32, #tpu.memory_space<vmem>>, vector<1x16xf32>,
        %get3A_493 = arith.index_cast %add3A_467 : i32 to index
        %get3A_494 = arith.constant 16 : index
        %get3A_495 = tpu.vector_load %arg13[%get3A_493, %get3A_494] {strides = array<i32>} : memref<80x128xf32, #tpu.memory_space<vmem>>, vector<1x16xf32>,
        %get3A_496 = vector.shape_cast %get3A_495 : vector<1x16xf32> to vector<16xf32>
        %get3A_497 = arith.index_cast %add3A_467 : i32 to index
        %get3A_498 = arith.constant 16 : index
        %get3A_499 = tpu.vector_load %arg14[%get3A_497, %get3A_498] {strides = array<i32>} : memref<80x128xf32, #tpu.memory_space<vmem>>, vector<1x16xf32>,
        %get3A_500 = vector.shape_cast %get3A_499 : vector<1x16xf32> to vector<16xf32>
        %add3A_501 = arith.addf %get3A_496, %get3A_500 : vector<16xf32>
        %get3A_502 = arith.constant 16 : index
        %get3A_503 = tpu.vector_load %arg15[%get3A_502] {strides = array<i32>} : memref<128xf32, #tpu.memory_space<vmem>>, vector<16xf32>,
        %get3A_504 = vector.shape_cast %get3A_503 : vector<16xf32> to vector<16xf32>
        %mul3A_505 = arith.mulf %broadcast_in_dim3A_470, %get3A_504 : vector<16xf32>
        %add3A_506 = arith.addf %add3A_501, %mul3A_505 : vector<16xf32>
        %max3A_507 = arith.constant 0.000000e+00 : f32
        %max3A_508 = vector.broadcast %max3A_507 : f32 to vector<16xf32>
        %max3A_509 = arith.maximumf %add3A_506, %max3A_508 : vector<16xf32>
        %swap3A_510 = arith.index_cast %add3A_467 : i32 to index
        %swap3A_511 = arith.constant 16 : index
        %swap3A_512 = tpu.vector_load %arg13[%swap3A_510, %swap3A_511] {strides = array<i32>} : memref<80x128xf32, #tpu.memory_space<vmem>>, vector<1x16xf32>,
        %swap3A_513 = vector.shape_cast %swap3A_512 : vector<1x16xf32> to vector<16xf32>
        %swap3A_514 = vector.shape_cast %max3A_509 : vector<16xf32> to vector<1x16xf32>
        tpu.vector_store %arg13[%swap3A_510, %swap3A_511], %swap3A_514 {strides = array<i32>} : memref<80x128xf32, #tpu.memory_space<vmem>>, vector<1x16xf32>,
        %get3A_515 = arith.index_cast %add3A_467 : i32 to index
        %get3A_516 = arith.constant 32 : index
        %get3A_517 = tpu.vector_load %arg13[%get3A_515, %get3A_516] {strides = array<i32>} : memref<80x128xf32, #tpu.memory_space<vmem>>, vector<1x16xf32>,
        %get3A_518 = vector.shape_cast %get3A_517 : vector<1x16xf32> to vector<16xf32>
        %get3A_519 = arith.index_cast %add3A_467 : i32 to index
        %get3A_520 = arith.constant 32 : index
        %get3A_521 = tpu.vector_load %arg14[%get3A_519, %get3A_520] {strides = array<i32>} : memref<80x128xf32, #tpu.memory_space<vmem>>, vector<1x16xf32>,
        %get3A_522 = vector.shape_cast %get3A_521 : vector<1x16xf32> to vector<16xf32>
        %add3A_523 = arith.addf %get3A_518, %get3A_522 : vector<16xf32>
        %get3A_524 = arith.constant 32 : index
        %get3A_525 = tpu.vector_load %arg15[%get3A_524] {strides = array<i32>} : memref<128xf32, #tpu.memory_space<vmem>>, vector<16xf32>,
        %get3A_526 = vector.shape_cast %get3A_525 : vector<16xf32> to vector<16xf32>
        %mul3A_527 = arith.mulf %broadcast_in_dim3A_470, %get3A_526 : vector<16xf32>
        %add3A_528 = arith.addf %add3A_523, %mul3A_527 : vector<16xf32>
        %max3A_529 = arith.constant 0.000000e+00 : f32
        %max3A_530 = vector.broadcast %max3A_529 : f32 to vector<16xf32>
        %max3A_531 = arith.maximumf %add3A_528, %max3A_530 : vector<16xf32>
        %swap3A_532 = arith.index_cast %add3A_467 : i32 to index
        %swap3A_533 = arith.constant 32 : index
        %swap3A_534 = tpu.vector_load %arg13[%swap3A_532, %swap3A_533] {strides = array<i32>} : memref<80x128xf32, #tpu.memory_space<vmem>>, vector<1x16xf32>,
        %swap3A_535 = vector.shape_cast %swap3A_534 : vector<1x16xf32> to vector<16xf32>
        %swap3A_536 = vector.shape_cast %max3A_531 : vector<16xf32> to vector<1x16xf32>
        tpu.vector_store %arg13[%swap3A_532, %swap3A_533], %swap3A_536 {strides = array<i32>} : memref<80x128xf32, #tpu.memory_space<vmem>>, vector<1x16xf32>,
        %get3A_537 = arith.index_cast %add3A_467 : i32 to index
        %get3A_538 = arith.constant 48 : index
        %get3A_539 = tpu.vector_load %arg13[%get3A_537, %get3A_538] {strides = array<i32>} : memref<80x128xf32, #tpu.memory_space<vmem>>, vector<1x16xf32>,
        %get3A_540 = vector.shape_cast %get3A_539 : vector<1x16xf32> to vector<16xf32>
        %get3A_541 = arith.index_cast %add3A_467 : i32 to index
        %get3A_542 = arith.constant 48 : index
        %get3A_543 = tpu.vector_load %arg14[%get3A_541, %get3A_542] {strides = array<i32>} : memref<80x128xf32, #tpu.memory_space<vmem>>, vector<1x16xf32>,
        %get3A_544 = vector.shape_cast %get3A_543 : vector<1x16xf32> to vector<16xf32>
        %add3A_545 = arith.addf %get3A_540, %get3A_544 : vector<16xf32>
        %get3A_546 = arith.constant 48 : index
        %get3A_547 = tpu.vector_load %arg15[%get3A_546] {strides = array<i32>} : memref<128xf32, #tpu.memory_space<vmem>>, vector<16xf32>,
        %get3A_548 = vector.shape_cast %get3A_547 : vector<16xf32> to vector<16xf32>
        %mul3A_549 = arith.mulf %broadcast_in_dim3A_470, %get3A_548 : vector<16xf32>
        %add3A_550 = arith.addf %add3A_545, %mul3A_549 : vector<16xf32>
        %max3A_551 = arith.constant 0.000000e+00 : f32
        %max3A_552 = vector.broadcast %max3A_551 : f32 to vector<16xf32>
        %max3A_553 = arith.maximumf %add3A_550, %max3A_552 : vector<16xf32>
        %swap3A_554 = arith.index_cast %add3A_467 : i32 to index
        %swap3A_555 = arith.constant 48 : index
        %swap3A_556 = tpu.vector_load %arg13[%swap3A_554, %swap3A_555] {strides = array<i32>} : memref<80x128xf32, #tpu.memory_space<vmem>>, vector<1x16xf32>,
        %swap3A_557 = vector.shape_cast %swap3A_556 : vector<1x16xf32> to vector<16xf32>
        %swap3A_558 = vector.shape_cast %max3A_553 : vector<16xf32> to vector<1x16xf32>
        tpu.vector_store %arg13[%swap3A_554, %swap3A_555], %swap3A_558 {strides = array<i32>} : memref<80x128xf32, #tpu.memory_space<vmem>>, vector<1x16xf32>,
        %get3A_559 = arith.index_cast %add3A_467 : i32 to index
        %get3A_560 = arith.constant 64 : index
        %get3A_561 = tpu.vector_load %arg13[%get3A_559, %get3A_560] {strides = array<i32>} : memref<80x128xf32, #tpu.memory_space<vmem>>, vector<1x16xf32>,
        %get3A_562 = vector.shape_cast %get3A_561 : vector<1x16xf32> to vector<16xf32>
        %get3A_563 = arith.index_cast %add3A_467 : i32 to index
        %get3A_564 = arith.constant 64 : index
        %get3A_565 = tpu.vector_load %arg14[%get3A_563, %get3A_564] {strides = array<i32>} : memref<80x128xf32, #tpu.memory_space<vmem>>, vector<1x16xf32>,
        %get3A_566 = vector.shape_cast %get3A_565 : vector<1x16xf32> to vector<16xf32>
        %add3A_567 = arith.addf %get3A_562, %get3A_566 : vector<16xf32>
        %get3A_568 = arith.constant 64 : index
        %get3A_569 = tpu.vector_load %arg15[%get3A_568] {strides = array<i32>} : memref<128xf32, #tpu.memory_space<vmem>>, vector<16xf32>,
        %get3A_570 = vector.shape_cast %get3A_569 : vector<16xf32> to vector<16xf32>
        %mul3A_571 = arith.mulf %broadcast_in_dim3A_470, %get3A_570 : vector<16xf32>
        %add3A_572 = arith.addf %add3A_567, %mul3A_571 : vector<16xf32>
        %max3A_573 = arith.constant 0.000000e+00 : f32
        %max3A_574 = vector.broadcast %max3A_573 : f32 to vector<16xf32>
        %max3A_575 = arith.maximumf %add3A_572, %max3A_574 : vector<16xf32>
        %swap3A_576 = arith.index_cast %add3A_467 : i32 to index
        %swap3A_577 = arith.constant 64 : index
        %swap3A_578 = tpu.vector_load %arg13[%swap3A_576, %swap3A_577] {strides = array<i32>} : memref<80x128xf32, #tpu.memory_space<vmem>>, vector<1x16xf32>,
        %swap3A_579 = vector.shape_cast %swap3A_578 : vector<1x16xf32> to vector<16xf32>
        %swap3A_580 = vector.shape_cast %max3A_575 : vector<16xf32> to vector<1x16xf32>
        tpu.vector_store %arg13[%swap3A_576, %swap3A_577], %swap3A_580 {strides = array<i32>} : memref<80x128xf32, #tpu.memory_space<vmem>>, vector<1x16xf32>,
        %get3A_581 = arith.index_cast %add3A_467 : i32 to index
        %get3A_582 = arith.constant 80 : index
        %get3A_583 = tpu.vector_load %arg13[%get3A_581, %get3A_582] {strides = array<i32>} : memref<80x128xf32, #tpu.memory_space<vmem>>, vector<1x16xf32>,
        %get3A_584 = vector.shape_cast %get3A_583 : vector<1x16xf32> to vector<16xf32>
        %get3A_585 = arith.index_cast %add3A_467 : i32 to index
        %get3A_586 = arith.constant 80 : index
        %get3A_587 = tpu.vector_load %arg14[%get3A_585, %get3A_586] {strides = array<i32>} : memref<80x128xf32, #tpu.memory_space<vmem>>, vector<1x16xf32>,
        %get3A_588 = vector.shape_cast %get3A_587 : vector<1x16xf32> to vector<16xf32>
        %add3A_589 = arith.addf %get3A_584, %get3A_588 : vector<16xf32>
        %get3A_590 = arith.constant 80 : index
        %get3A_591 = tpu.vector_load %arg15[%get3A_590] {strides = array<i32>} : memref<128xf32, #tpu.memory_space<vmem>>, vector<16xf32>,
        %get3A_592 = vector.shape_cast %get3A_591 : vector<16xf32> to vector<16xf32>
        %mul3A_593 = arith.mulf %broadcast_in_dim3A_470, %get3A_592 : vector<16xf32>
        %add3A_594 = arith.addf %add3A_589, %mul3A_593 : vector<16xf32>
        %max3A_595 = arith.constant 0.000000e+00 : f32
        %max3A_596 = vector.broadcast %max3A_595 : f32 to vector<16xf32>
        %max3A_597 = arith.maximumf %add3A_594, %max3A_596 : vector<16xf32>
        %swap3A_598 = arith.index_cast %add3A_467 : i32 to index
        %swap3A_599 = arith.constant 80 : index
        %swap3A_600 = tpu.vector_load %arg13[%swap3A_598, %swap3A_599] {strides = array<i32>} : memref<80x128xf32, #tpu.memory_space<vmem>>, vector<1x16xf32>,
        %swap3A_601 = vector.shape_cast %swap3A_600 : vector<1x16xf32> to vector<16xf32>
        %swap3A_602 = vector.shape_cast %max3A_597 : vector<16xf32> to vector<1x16xf32>
        tpu.vector_store %arg13[%swap3A_598, %swap3A_599], %swap3A_602 {strides = array<i32>} : memref<80x128xf32, #tpu.memory_space<vmem>>, vector<1x16xf32>,
        %get3A_603 = arith.index_cast %add3A_467 : i32 to index
        %get3A_604 = arith.constant 96 : index
        %get3A_605 = tpu.vector_load %arg13[%get3A_603, %get3A_604] {strides = array<i32>} : memref<80x128xf32, #tpu.memory_space<vmem>>, vector<1x16xf32>,
        %get3A_606 = vector.shape_cast %get3A_605 : vector<1x16xf32> to vector<16xf32>
        %get3A_607 = arith.index_cast %add3A_467 : i32 to index
        %get3A_608 = arith.constant 96 : index
        %get3A_609 = tpu.vector_load %arg14[%get3A_607, %get3A_608] {strides = array<i32>} : memref<80x128xf32, #tpu.memory_space<vmem>>, vector<1x16xf32>,
        %get3A_610 = vector.shape_cast %get3A_609 : vector<1x16xf32> to vector<16xf32>
        %add3A_611 = arith.addf %get3A_606, %get3A_610 : vector<16xf32>
        %get3A_612 = arith.constant 96 : index
        %get3A_613 = tpu.vector_load %arg15[%get3A_612] {strides = array<i32>} : memref<128xf32, #tpu.memory_space<vmem>>, vector<16xf32>,
        %get3A_614 = vector.shape_cast %get3A_613 : vector<16xf32> to vector<16xf32>
        %mul3A_615 = arith.mulf %broadcast_in_dim3A_470, %get3A_614 : vector<16xf32>
        %add3A_616 = arith.addf %add3A_611, %mul3A_615 : vector<16xf32>
        %max3A_617 = arith.constant 0.000000e+00 : f32
        %max3A_618 = vector.broadcast %max3A_617 : f32 to vector<16xf32>
        %max3A_619 = arith.maximumf %add3A_616, %max3A_618 : vector<16xf32>
        %swap3A_620 = arith.index_cast %add3A_467 : i32 to index
        %swap3A_621 = arith.constant 96 : index
        %swap3A_622 = tpu.vector_load %arg13[%swap3A_620, %swap3A_621] {strides = array<i32>} : memref<80x128xf32, #tpu.memory_space<vmem>>, vector<1x16xf32>,
        %swap3A_623 = vector.shape_cast %swap3A_622 : vector<1x16xf32> to vector<16xf32>
        %swap3A_624 = vector.shape_cast %max3A_619 : vector<16xf32> to vector<1x16xf32>
        tpu.vector_store %arg13[%swap3A_620, %swap3A_621], %swap3A_624 {strides = array<i32>} : memref<80x128xf32, #tpu.memory_space<vmem>>, vector<1x16xf32>,
        %get3A_625 = arith.index_cast %add3A_467 : i32 to index
        %get3A_626 = arith.constant 112 : index
        %get3A_627 = tpu.vector_load %arg13[%get3A_625, %get3A_626] {strides = array<i32>} : memref<80x128xf32, #tpu.memory_space<vmem>>, vector<1x16xf32>,
        %get3A_628 = vector.shape_cast %get3A_627 : vector<1x16xf32> to vector<16xf32>
        %get3A_629 = arith.index_cast %add3A_467 : i32 to index
        %get3A_630 = arith.constant 112 : index
        %get3A_631 = tpu.vector_load %arg14[%get3A_629, %get3A_630] {strides = array<i32>} : memref<80x128xf32, #tpu.memory_space<vmem>>, vector<1x16xf32>,
        %get3A_632 = vector.shape_cast %get3A_631 : vector<1x16xf32> to vector<16xf32>
        %add3A_633 = arith.addf %get3A_628, %get3A_632 : vector<16xf32>
        %get3A_634 = arith.constant 112 : index
        %get3A_635 = tpu.vector_load %arg15[%get3A_634] {strides = array<i32>} : memref<128xf32, #tpu.memory_space<vmem>>, vector<16xf32>,
        %get3A_636 = vector.shape_cast %get3A_635 : vector<16xf32> to vector<16xf32>
        %mul3A_637 = arith.mulf %broadcast_in_dim3A_470, %get3A_636 : vector<16xf32>
        %add3A_638 = arith.addf %add3A_633, %mul3A_637 : vector<16xf32>
        %max3A_639 = arith.constant 0.000000e+00 : f32
        %max3A_640 = vector.broadcast %max3A_639 : f32 to vector<16xf32>
        %max3A_641 = arith.maximumf %add3A_638, %max3A_640 : vector<16xf32>
        %swap3A_642 = arith.index_cast %add3A_467 : i32 to index
        %swap3A_643 = arith.constant 112 : index
        %swap3A_644 = tpu.vector_load %arg13[%swap3A_642, %swap3A_643] {strides = array<i32>} : memref<80x128xf32, #tpu.memory_space<vmem>>, vector<1x16xf32>,
        %swap3A_645 = vector.shape_cast %swap3A_644 : vector<1x16xf32> to vector<16xf32>
        %swap3A_646 = vector.shape_cast %max3A_641 : vector<16xf32> to vector<1x16xf32>
        tpu.vector_store %arg13[%swap3A_642, %swap3A_643], %swap3A_646 {strides = array<i32>} : memref<80x128xf32, #tpu.memory_space<vmem>>, vector<1x16xf32>,
        %mul3A_647 = arith.constant 16 : i32
        %mul3A_648 = arith.muli %scan3A_98, %mul3A_647 : i32
        %add3A_649 = arith.constant 3 : i32
        %add3A_650 = arith.addi %mul3A_648, %add3A_649 : i32
        %slice3A_651 = vector.extract_strided_slice %get3A_102 {offsets = [3], sizes = [1], strides = [1]} : vector<16xf32> to vector<1xf32>
        %squeeze3A_652 = vector.extract %slice3A_651[0] : f32 from vector<1xf32>
        %broadcast_in_dim3A_653 = vector.broadcast %squeeze3A_652 : f32 to vector<16xf32>
        %get3A_654 = arith.index_cast %add3A_650 : i32 to index
        %get3A_655 = arith.constant 0 : index
        %get3A_656 = tpu.vector_load %arg13[%get3A_654, %get3A_655] {strides = array<i32>} : memref<80x128xf32, #tpu.memory_space<vmem>>, vector<1x16xf32>,
        %get3A_657 = vector.shape_cast %get3A_656 : vector<1x16xf32> to vector<16xf32>
        %get3A_658 = arith.index_cast %add3A_650 : i32 to index
        %get3A_659 = arith.constant 0 : index
        %get3A_660 = tpu.vector_load %arg14[%get3A_658, %get3A_659] {strides = array<i32>} : memref<80x128xf32, #tpu.memory_space<vmem>>, vector<1x16xf32>,
        %get3A_661 = vector.shape_cast %get3A_660 : vector<1x16xf32> to vector<16xf32>
        %add3A_662 = arith.addf %get3A_657, %get3A_661 : vector<16xf32>
        %get3A_663 = arith.constant 0 : index
        %get3A_664 = tpu.vector_load %arg15[%get3A_663] {strides = array<i32>} : memref<128xf32, #tpu.memory_space<vmem>>, vector<16xf32>,
        %get3A_665 = vector.shape_cast %get3A_664 : vector<16xf32> to vector<16xf32>
        %mul3A_666 = arith.mulf %broadcast_in_dim3A_653, %get3A_665 : vector<16xf32>
        %add3A_667 = arith.addf %add3A_662, %mul3A_666 : vector<16xf32>
        %max3A_668 = arith.constant 0.000000e+00 : f32
        %max3A_669 = vector.broadcast %max3A_668 : f32 to vector<16xf32>
        %max3A_670 = arith.maximumf %add3A_667, %max3A_669 : vector<16xf32>
        %swap3A_671 = arith.index_cast %add3A_650 : i32 to index
        %swap3A_672 = arith.constant 0 : index
        %swap3A_673 = tpu.vector_load %arg13[%swap3A_671, %swap3A_672] {strides = array<i32>} : memref<80x128xf32, #tpu.memory_space<vmem>>, vector<1x16xf32>,
        %swap3A_674 = vector.shape_cast %swap3A_673 : vector<1x16xf32> to vector<16xf32>
        %swap3A_675 = vector.shape_cast %max3A_670 : vector<16xf32> to vector<1x16xf32>
        tpu.vector_store %arg13[%swap3A_671, %swap3A_672], %swap3A_675 {strides = array<i32>} : memref<80x128xf32, #tpu.memory_space<vmem>>, vector<1x16xf32>,
        %get3A_676 = arith.index_cast %add3A_650 : i32 to index
        %get3A_677 = arith.constant 16 : index
        %get3A_678 = tpu.vector_load %arg13[%get3A_676, %get3A_677] {strides = array<i32>} : memref<80x128xf32, #tpu.memory_space<vmem>>, vector<1x16xf32>,
        %get3A_679 = vector.shape_cast %get3A_678 : vector<1x16xf32> to vector<16xf32>
        %get3A_680 = arith.index_cast %add3A_650 : i32 to index
        %get3A_681 = arith.constant 16 : index
        %get3A_682 = tpu.vector_load %arg14[%get3A_680, %get3A_681] {strides = array<i32>} : memref<80x128xf32, #tpu.memory_space<vmem>>, vector<1x16xf32>,
        %get3A_683 = vector.shape_cast %get3A_682 : vector<1x16xf32> to vector<16xf32>
        %add3A_684 = arith.addf %get3A_679, %get3A_683 : vector<16xf32>
        %get3A_685 = arith.constant 16 : index
        %get3A_686 = tpu.vector_load %arg15[%get3A_685] {strides = array<i32>} : memref<128xf32, #tpu.memory_space<vmem>>, vector<16xf32>,
        %get3A_687 = vector.shape_cast %get3A_686 : vector<16xf32> to vector<16xf32>
        %mul3A_688 = arith.mulf %broadcast_in_dim3A_653, %get3A_687 : vector<16xf32>
        %add3A_689 = arith.addf %add3A_684, %mul3A_688 : vector<16xf32>
        %max3A_690 = arith.constant 0.000000e+00 : f32
        %max3A_691 = vector.broadcast %max3A_690 : f32 to vector<16xf32>
        %max3A_692 = arith.maximumf %add3A_689, %max3A_691 : vector<16xf32>
        %swap3A_693 = arith.index_cast %add3A_650 : i32 to index
        %swap3A_694 = arith.constant 16 : index
        %swap3A_695 = tpu.vector_load %arg13[%swap3A_693, %swap3A_694] {strides = array<i32>} : memref<80x128xf32, #tpu.memory_space<vmem>>, vector<1x16xf32>,
        %swap3A_696 = vector.shape_cast %swap3A_695 : vector<1x16xf32> to vector<16xf32>
        %swap3A_697 = vector.shape_cast %max3A_692 : vector<16xf32> to vector<1x16xf32>
        tpu.vector_store %arg13[%swap3A_693, %swap3A_694], %swap3A_697 {strides = array<i32>} : memref<80x128xf32, #tpu.memory_space<vmem>>, vector<1x16xf32>,
        %get3A_698 = arith.index_cast %add3A_650 : i32 to index
        %get3A_699 = arith.constant 32 : index
        %get3A_700 = tpu.vector_load %arg13[%get3A_698, %get3A_699] {strides = array<i32>} : memref<80x128xf32, #tpu.memory_space<vmem>>, vector<1x16xf32>,
        %get3A_701 = vector.shape_cast %get3A_700 : vector<1x16xf32> to vector<16xf32>
        %get3A_702 = arith.index_cast %add3A_650 : i32 to index
        %get3A_703 = arith.constant 32 : index
        %get3A_704 = tpu.vector_load %arg14[%get3A_702, %get3A_703] {strides = array<i32>} : memref<80x128xf32, #tpu.memory_space<vmem>>, vector<1x16xf32>,
        %get3A_705 = vector.shape_cast %get3A_704 : vector<1x16xf32> to vector<16xf32>
        %add3A_706 = arith.addf %get3A_701, %get3A_705 : vector<16xf32>
        %get3A_707 = arith.constant 32 : index
        %get3A_708 = tpu.vector_load %arg15[%get3A_707] {strides = array<i32>} : memref<128xf32, #tpu.memory_space<vmem>>, vector<16xf32>,
        %get3A_709 = vector.shape_cast %get3A_708 : vector<16xf32> to vector<16xf32>
        %mul3A_710 = arith.mulf %broadcast_in_dim3A_653, %get3A_709 : vector<16xf32>
        %add3A_711 = arith.addf %add3A_706, %mul3A_710 : vector<16xf32>
        %max3A_712 = arith.constant 0.000000e+00 : f32
        %max3A_713 = vector.broadcast %max3A_712 : f32 to vector<16xf32>
        %max3A_714 = arith.maximumf %add3A_711, %max3A_713 : vector<16xf32>
        %swap3A_715 = arith.index_cast %add3A_650 : i32 to index
        %swap3A_716 = arith.constant 32 : index
        %swap3A_717 = tpu.vector_load %arg13[%swap3A_715, %swap3A_716] {strides = array<i32>} : memref<80x128xf32, #tpu.memory_space<vmem>>, vector<1x16xf32>,
        %swap3A_718 = vector.shape_cast %swap3A_717 : vector<1x16xf32> to vector<16xf32>
        %swap3A_719 = vector.shape_cast %max3A_714 : vector<16xf32> to vector<1x16xf32>
        tpu.vector_store %arg13[%swap3A_715, %swap3A_716], %swap3A_719 {strides = array<i32>} : memref<80x128xf32, #tpu.memory_space<vmem>>, vector<1x16xf32>,
        %get3A_720 = arith.index_cast %add3A_650 : i32 to index
        %get3A_721 = arith.constant 48 : index
        %get3A_722 = tpu.vector_load %arg13[%get3A_720, %get3A_721] {strides = array<i32>} : memref<80x128xf32, #tpu.memory_space<vmem>>, vector<1x16xf32>,
        %get3A_723 = vector.shape_cast %get3A_722 : vector<1x16xf32> to vector<16xf32>
        %get3A_724 = arith.index_cast %add3A_650 : i32 to index
        %get3A_725 = arith.constant 48 : index
        %get3A_726 = tpu.vector_load %arg14[%get3A_724, %get3A_725] {strides = array<i32>} : memref<80x128xf32, #tpu.memory_space<vmem>>, vector<1x16xf32>,
        %get3A_727 = vector.shape_cast %get3A_726 : vector<1x16xf32> to vector<16xf32>
        %add3A_728 = arith.addf %get3A_723, %get3A_727 : vector<16xf32>
        %get3A_729 = arith.constant 48 : index
        %get3A_730 = tpu.vector_load %arg15[%get3A_729] {strides = array<i32>} : memref<128xf32, #tpu.memory_space<vmem>>, vector<16xf32>,
        %get3A_731 = vector.shape_cast %get3A_730 : vector<16xf32> to vector<16xf32>
        %mul3A_732 = arith.mulf %broadcast_in_dim3A_653, %get3A_731 : vector<16xf32>
        %add3A_733 = arith.addf %add3A_728, %mul3A_732 : vector<16xf32>
        %max3A_734 = arith.constant 0.000000e+00 : f32
        %max3A_735 = vector.broadcast %max3A_734 : f32 to vector<16xf32>
        %max3A_736 = arith.maximumf %add3A_733, %max3A_735 : vector<16xf32>
        %swap3A_737 = arith.index_cast %add3A_650 : i32 to index
        %swap3A_738 = arith.constant 48 : index
        %swap3A_739 = tpu.vector_load %arg13[%swap3A_737, %swap3A_738] {strides = array<i32>} : memref<80x128xf32, #tpu.memory_space<vmem>>, vector<1x16xf32>,
        %swap3A_740 = vector.shape_cast %swap3A_739 : vector<1x16xf32> to vector<16xf32>
        %swap3A_741 = vector.shape_cast %max3A_736 : vector<16xf32> to vector<1x16xf32>
        tpu.vector_store %arg13[%swap3A_737, %swap3A_738], %swap3A_741 {strides = array<i32>} : memref<80x128xf32, #tpu.memory_space<vmem>>, vector<1x16xf32>,
        %get3A_742 = arith.index_cast %add3A_650 : i32 to index
        %get3A_743 = arith.constant 64 : index
        %get3A_744 = tpu.vector_load %arg13[%get3A_742, %get3A_743] {strides = array<i32>} : memref<80x128xf32, #tpu.memory_space<vmem>>, vector<1x16xf32>,
        %get3A_745 = vector.shape_cast %get3A_744 : vector<1x16xf32> to vector<16xf32>
        %get3A_746 = arith.index_cast %add3A_650 : i32 to index
        %get3A_747 = arith.constant 64 : index
        %get3A_748 = tpu.vector_load %arg14[%get3A_746, %get3A_747] {strides = array<i32>} : memref<80x128xf32, #tpu.memory_space<vmem>>, vector<1x16xf32>,
        %get3A_749 = vector.shape_cast %get3A_748 : vector<1x16xf32> to vector<16xf32>
        %add3A_750 = arith.addf %get3A_745, %get3A_749 : vector<16xf32>
        %get3A_751 = arith.constant 64 : index
        %get3A_752 = tpu.vector_load %arg15[%get3A_751] {strides = array<i32>} : memref<128xf32, #tpu.memory_space<vmem>>, vector<16xf32>,
        %get3A_753 = vector.shape_cast %get3A_752 : vector<16xf32> to vector<16xf32>
        %mul3A_754 = arith.mulf %broadcast_in_dim3A_653, %get3A_753 : vector<16xf32>
        %add3A_755 = arith.addf %add3A_750, %mul3A_754 : vector<16xf32>
        %max3A_756 = arith.constant 0.000000e+00 : f32
        %max3A_757 = vector.broadcast %max3A_756 : f32 to vector<16xf32>
        %max3A_758 = arith.maximumf %add3A_755, %max3A_757 : vector<16xf32>
        %swap3A_759 = arith.index_cast %add3A_650 : i32 to index
        %swap3A_760 = arith.constant 64 : index
        %swap3A_761 = tpu.vector_load %arg13[%swap3A_759, %swap3A_760] {strides = array<i32>} : memref<80x128xf32, #tpu.memory_space<vmem>>, vector<1x16xf32>,
        %swap3A_762 = vector.shape_cast %swap3A_761 : vector<1x16xf32> to vector<16xf32>
        %swap3A_763 = vector.shape_cast %max3A_758 : vector<16xf32> to vector<1x16xf32>
        tpu.vector_store %arg13[%swap3A_759, %swap3A_760], %swap3A_763 {strides = array<i32>} : memref<80x128xf32, #tpu.memory_space<vmem>>, vector<1x16xf32>,
        %get3A_764 = arith.index_cast %add3A_650 : i32 to index
        %get3A_765 = arith.constant 80 : index
        %get3A_766 = tpu.vector_load %arg13[%get3A_764, %get3A_765] {strides = array<i32>} : memref<80x128xf32, #tpu.memory_space<vmem>>, vector<1x16xf32>,
        %get3A_767 = vector.shape_cast %get3A_766 : vector<1x16xf32> to vector<16xf32>
        %get3A_768 = arith.index_cast %add3A_650 : i32 to index
        %get3A_769 = arith.constant 80 : index
        %get3A_770 = tpu.vector_load %arg14[%get3A_768, %get3A_769] {strides = array<i32>} : memref<80x128xf32, #tpu.memory_space<vmem>>, vector<1x16xf32>,
        %get3A_771 = vector.shape_cast %get3A_770 : vector<1x16xf32> to vector<16xf32>
        %add3A_772 = arith.addf %get3A_767, %get3A_771 : vector<16xf32>
        %get3A_773 = arith.constant 80 : index
        %get3A_774 = tpu.vector_load %arg15[%get3A_773] {strides = array<i32>} : memref<128xf32, #tpu.memory_space<vmem>>, vector<16xf32>,
        %get3A_775 = vector.shape_cast %get3A_774 : vector<16xf32> to vector<16xf32>
        %mul3A_776 = arith.mulf %broadcast_in_dim3A_653, %get3A_775 : vector<16xf32>
        %add3A_777 = arith.addf %add3A_772, %mul3A_776 : vector<16xf32>
        %max3A_778 = arith.constant 0.000000e+00 : f32
        %max3A_779 = vector.broadcast %max3A_778 : f32 to vector<16xf32>
        %max3A_780 = arith.maximumf %add3A_777, %max3A_779 : vector<16xf32>
        %swap3A_781 = arith.index_cast %add3A_650 : i32 to index
        %swap3A_782 = arith.constant 80 : index
        %swap3A_783 = tpu.vector_load %arg13[%swap3A_781, %swap3A_782] {strides = array<i32>} : memref<80x128xf32, #tpu.memory_space<vmem>>, vector<1x16xf32>,
        %swap3A_784 = vector.shape_cast %swap3A_783 : vector<1x16xf32> to vector<16xf32>
        %swap3A_785 = vector.shape_cast %max3A_780 : vector<16xf32> to vector<1x16xf32>
        tpu.vector_store %arg13[%swap3A_781, %swap3A_782], %swap3A_785 {strides = array<i32>} : memref<80x128xf32, #tpu.memory_space<vmem>>, vector<1x16xf32>,
        %get3A_786 = arith.index_cast %add3A_650 : i32 to index
        %get3A_787 = arith.constant 96 : index
        %get3A_788 = tpu.vector_load %arg13[%get3A_786, %get3A_787] {strides = array<i32>} : memref<80x128xf32, #tpu.memory_space<vmem>>, vector<1x16xf32>,
        %get3A_789 = vector.shape_cast %get3A_788 : vector<1x16xf32> to vector<16xf32>
        %get3A_790 = arith.index_cast %add3A_650 : i32 to index
        %get3A_791 = arith.constant 96 : index
        %get3A_792 = tpu.vector_load %arg14[%get3A_790, %get3A_791] {strides = array<i32>} : memref<80x128xf32, #tpu.memory_space<vmem>>, vector<1x16xf32>,
        %get3A_793 = vector.shape_cast %get3A_792 : vector<1x16xf32> to vector<16xf32>
        %add3A_794 = arith.addf %get3A_789, %get3A_793 : vector<16xf32>
        %get3A_795 = arith.constant 96 : index
        %get3A_796 = tpu.vector_load %arg15[%get3A_795] {strides = array<i32>} : memref<128xf32, #tpu.memory_space<vmem>>, vector<16xf32>,
        %get3A_797 = vector.shape_cast %get3A_796 : vector<16xf32> to vector<16xf32>
        %mul3A_798 = arith.mulf %broadcast_in_dim3A_653, %get3A_797 : vector<16xf32>
        %add3A_799 = arith.addf %add3A_794, %mul3A_798 : vector<16xf32>
        %max3A_800 = arith.constant 0.000000e+00 : f32
        %max3A_801 = vector.broadcast %max3A_800 : f32 to vector<16xf32>
        %max3A_802 = arith.maximumf %add3A_799, %max3A_801 : vector<16xf32>
        %swap3A_803 = arith.index_cast %add3A_650 : i32 to index
        %swap3A_804 = arith.constant 96 : index
        %swap3A_805 = tpu.vector_load %arg13[%swap3A_803, %swap3A_804] {strides = array<i32>} : memref<80x128xf32, #tpu.memory_space<vmem>>, vector<1x16xf32>,
        %swap3A_806 = vector.shape_cast %swap3A_805 : vector<1x16xf32> to vector<16xf32>
        %swap3A_807 = vector.shape_cast %max3A_802 : vector<16xf32> to vector<1x16xf32>
        tpu.vector_store %arg13[%swap3A_803, %swap3A_804], %swap3A_807 {strides = array<i32>} : memref<80x128xf32, #tpu.memory_space<vmem>>, vector<1x16xf32>,
        %get3A_808 = arith.index_cast %add3A_650 : i32 to index
        %get3A_809 = arith.constant 112 : index
        %get3A_810 = tpu.vector_load %arg13[%get3A_808, %get3A_809] {strides = array<i32>} : memref<80x128xf32, #tpu.memory_space<vmem>>, vector<1x16xf32>,
        %get3A_811 = vector.shape_cast %get3A_810 : vector<1x16xf32> to vector<16xf32>
        %get3A_812 = arith.index_cast %add3A_650 : i32 to index
        %get3A_813 = arith.constant 112 : index
        %get3A_814 = tpu.vector_load %arg14[%get3A_812, %get3A_813] {strides = array<i32>} : memref<80x128xf32, #tpu.memory_space<vmem>>, vector<1x16xf32>,
        %get3A_815 = vector.shape_cast %get3A_814 : vector<1x16xf32> to vector<16xf32>
        %add3A_816 = arith.addf %get3A_811, %get3A_815 : vector<16xf32>
        %get3A_817 = arith.constant 112 : index
        %get3A_818 = tpu.vector_load %arg15[%get3A_817] {strides = array<i32>} : memref<128xf32, #tpu.memory_space<vmem>>, vector<16xf32>,
        %get3A_819 = vector.shape_cast %get3A_818 : vector<16xf32> to vector<16xf32>
        %mul3A_820 = arith.mulf %broadcast_in_dim3A_653, %get3A_819 : vector<16xf32>
        %add3A_821 = arith.addf %add3A_816, %mul3A_820 : vector<16xf32>
        %max3A_822 = arith.constant 0.000000e+00 : f32
        %max3A_823 = vector.broadcast %max3A_822 : f32 to vector<16xf32>
        %max3A_824 = arith.maximumf %add3A_821, %max3A_823 : vector<16xf32>
        %swap3A_825 = arith.index_cast %add3A_650 : i32 to index
        %swap3A_826 = arith.constant 112 : index
        %swap3A_827 = tpu.vector_load %arg13[%swap3A_825, %swap3A_826] {strides = array<i32>} : memref<80x128xf32, #tpu.memory_space<vmem>>, vector<1x16xf32>,
        %swap3A_828 = vector.shape_cast %swap3A_827 : vector<1x16xf32> to vector<16xf32>
        %swap3A_829 = vector.shape_cast %max3A_824 : vector<16xf32> to vector<1x16xf32>
        tpu.vector_store %arg13[%swap3A_825, %swap3A_826], %swap3A_829 {strides = array<i32>} : memref<80x128xf32, #tpu.memory_space<vmem>>, vector<1x16xf32>,
        %mul3A_830 = arith.constant 16 : i32
        %mul3A_831 = arith.muli %scan3A_98, %mul3A_830 : i32
        %add3A_832 = arith.constant 4 : i32
        %add3A_833 = arith.addi %mul3A_831, %add3A_832 : i32
        %slice3A_834 = vector.extract_strided_slice %get3A_102 {offsets = [4], sizes = [1], strides = [1]} : vector<16xf32> to vector<1xf32>
        %squeeze3A_835 = vector.extract %slice3A_834[0] : f32 from vector<1xf32>
        %broadcast_in_dim3A_836 = vector.broadcast %squeeze3A_835 : f32 to vector<16xf32>
        %get3A_837 = arith.index_cast %add3A_833 : i32 to index
        %get3A_838 = arith.constant 0 : index
        %get3A_839 = tpu.vector_load %arg13[%get3A_837, %get3A_838] {strides = array<i32>} : memref<80x128xf32, #tpu.memory_space<vmem>>, vector<1x16xf32>,
        %get3A_840 = vector.shape_cast %get3A_839 : vector<1x16xf32> to vector<16xf32>
        %get3A_841 = arith.index_cast %add3A_833 : i32 to index
        %get3A_842 = arith.constant 0 : index
        %get3A_843 = tpu.vector_load %arg14[%get3A_841, %get3A_842] {strides = array<i32>} : memref<80x128xf32, #tpu.memory_space<vmem>>, vector<1x16xf32>,
        %get3A_844 = vector.shape_cast %get3A_843 : vector<1x16xf32> to vector<16xf32>
        %add3A_845 = arith.addf %get3A_840, %get3A_844 : vector<16xf32>
        %get3A_846 = arith.constant 0 : index
        %get3A_847 = tpu.vector_load %arg15[%get3A_846] {strides = array<i32>} : memref<128xf32, #tpu.memory_space<vmem>>, vector<16xf32>,
        %get3A_848 = vector.shape_cast %get3A_847 : vector<16xf32> to vector<16xf32>
        %mul3A_849 = arith.mulf %broadcast_in_dim3A_836, %get3A_848 : vector<16xf32>
        %add3A_850 = arith.addf %add3A_845, %mul3A_849 : vector<16xf32>
        %max3A_851 = arith.constant 0.000000e+00 : f32
        %max3A_852 = vector.broadcast %max3A_851 : f32 to vector<16xf32>
        %max3A_853 = arith.maximumf %add3A_850, %max3A_852 : vector<16xf32>
        %swap3A_854 = arith.index_cast %add3A_833 : i32 to index
        %swap3A_855 = arith.constant 0 : index
        %swap3A_856 = tpu.vector_load %arg13[%swap3A_854, %swap3A_855] {strides = array<i32>} : memref<80x128xf32, #tpu.memory_space<vmem>>, vector<1x16xf32>,
        %swap3A_857 = vector.shape_cast %swap3A_856 : vector<1x16xf32> to vector<16xf32>
        %swap3A_858 = vector.shape_cast %max3A_853 : vector<16xf32> to vector<1x16xf32>
        tpu.vector_store %arg13[%swap3A_854, %swap3A_855], %swap3A_858 {strides = array<i32>} : memref<80x128xf32, #tpu.memory_space<vmem>>, vector<1x16xf32>,
        %get3A_859 = arith.index_cast %add3A_833 : i32 to index
        %get3A_860 = arith.constant 16 : index
        %get3A_861 = tpu.vector_load %arg13[%get3A_859, %get3A_860] {strides = array<i32>} : memref<80x128xf32, #tpu.memory_space<vmem>>, vector<1x16xf32>,
        %get3A_862 = vector.shape_cast %get3A_861 : vector<1x16xf32> to vector<16xf32>
        %get3A_863 = arith.index_cast %add3A_833 : i32 to index
        %get3A_864 = arith.constant 16 : index
        %get3A_865 = tpu.vector_load %arg14[%get3A_863, %get3A_864] {strides = array<i32>} : memref<80x128xf32, #tpu.memory_space<vmem>>, vector<1x16xf32>,
        %get3A_866 = vector.shape_cast %get3A_865 : vector<1x16xf32> to vector<16xf32>
        %add3A_867 = arith.addf %get3A_862, %get3A_866 : vector<16xf32>
        %get3A_868 = arith.constant 16 : index
        %get3A_869 = tpu.vector_load %arg15[%get3A_868] {strides = array<i32>} : memref<128xf32, #tpu.memory_space<vmem>>, vector<16xf32>,
        %get3A_870 = vector.shape_cast %get3A_869 : vector<16xf32> to vector<16xf32>
        %mul3A_871 = arith.mulf %broadcast_in_dim3A_836, %get3A_870 : vector<16xf32>
        %add3A_872 = arith.addf %add3A_867, %mul3A_871 : vector<16xf32>
        %max3A_873 = arith.constant 0.000000e+00 : f32
        %max3A_874 = vector.broadcast %max3A_873 : f32 to vector<16xf32>
        %max3A_875 = arith.maximumf %add3A_872, %max3A_874 : vector<16xf32>
        %swap3A_876 = arith.index_cast %add3A_833 : i32 to index
        %swap3A_877 = arith.constant 16 : index
        %swap3A_878 = tpu.vector_load %arg13[%swap3A_876, %swap3A_877] {strides = array<i32>} : memref<80x128xf32, #tpu.memory_space<vmem>>, vector<1x16xf32>,
        %swap3A_879 = vector.shape_cast %swap3A_878 : vector<1x16xf32> to vector<16xf32>
        %swap3A_880 = vector.shape_cast %max3A_875 : vector<16xf32> to vector<1x16xf32>
        tpu.vector_store %arg13[%swap3A_876, %swap3A_877], %swap3A_880 {strides = array<i32>} : memref<80x128xf32, #tpu.memory_space<vmem>>, vector<1x16xf32>,
        %get3A_881 = arith.index_cast %add3A_833 : i32 to index
        %get3A_882 = arith.constant 32 : index
        %get3A_883 = tpu.vector_load %arg13[%get3A_881, %get3A_882] {strides = array<i32>} : memref<80x128xf32, #tpu.memory_space<vmem>>, vector<1x16xf32>,
        %get3A_884 = vector.shape_cast %get3A_883 : vector<1x16xf32> to vector<16xf32>
        %get3A_885 = arith.index_cast %add3A_833 : i32 to index
        %get3A_886 = arith.constant 32 : index
        %get3A_887 = tpu.vector_load %arg14[%get3A_885, %get3A_886] {strides = array<i32>} : memref<80x128xf32, #tpu.memory_space<vmem>>, vector<1x16xf32>,
        %get3A_888 = vector.shape_cast %get3A_887 : vector<1x16xf32> to vector<16xf32>
        %add3A_889 = arith.addf %get3A_884, %get3A_888 : vector<16xf32>
        %get3A_890 = arith.constant 32 : index
        %get3A_891 = tpu.vector_load %arg15[%get3A_890] {strides = array<i32>} : memref<128xf32, #tpu.memory_space<vmem>>, vector<16xf32>,
        %get3A_892 = vector.shape_cast %get3A_891 : vector<16xf32> to vector<16xf32>
        %mul3A_893 = arith.mulf %broadcast_in_dim3A_836, %get3A_892 : vector<16xf32>
        %add3A_894 = arith.addf %add3A_889, %mul3A_893 : vector<16xf32>
        %max3A_895 = arith.constant 0.000000e+00 : f32
        %max3A_896 = vector.broadcast %max3A_895 : f32 to vector<16xf32>
        %max3A_897 = arith.maximumf %add3A_894, %max3A_896 : vector<16xf32>
        %swap3A_898 = arith.index_cast %add3A_833 : i32 to index
        %swap3A_899 = arith.constant 32 : index
        %swap3A_900 = tpu.vector_load %arg13[%swap3A_898, %swap3A_899] {strides = array<i32>} : memref<80x128xf32, #tpu.memory_space<vmem>>, vector<1x16xf32>,
        %swap3A_901 = vector.shape_cast %swap3A_900 : vector<1x16xf32> to vector<16xf32>
        %swap3A_902 = vector.shape_cast %max3A_897 : vector<16xf32> to vector<1x16xf32>
        tpu.vector_store %arg13[%swap3A_898, %swap3A_899], %swap3A_902 {strides = array<i32>} : memref<80x128xf32, #tpu.memory_space<vmem>>, vector<1x16xf32>,
        %get3A_903 = arith.index_cast %add3A_833 : i32 to index
        %get3A_904 = arith.constant 48 : index
        %get3A_905 = tpu.vector_load %arg13[%get3A_903, %get3A_904] {strides = array<i32>} : memref<80x128xf32, #tpu.memory_space<vmem>>, vector<1x16xf32>,
        %get3A_906 = vector.shape_cast %get3A_905 : vector<1x16xf32> to vector<16xf32>
        %get3A_907 = arith.index_cast %add3A_833 : i32 to index
        %get3A_908 = arith.constant 48 : index
        %get3A_909 = tpu.vector_load %arg14[%get3A_907, %get3A_908] {strides = array<i32>} : memref<80x128xf32, #tpu.memory_space<vmem>>, vector<1x16xf32>,
        %get3A_910 = vector.shape_cast %get3A_909 : vector<1x16xf32> to vector<16xf32>
        %add3A_911 = arith.addf %get3A_906, %get3A_910 : vector<16xf32>
        %get3A_912 = arith.constant 48 : index
        %get3A_913 = tpu.vector_load %arg15[%get3A_912] {strides = array<i32>} : memref<128xf32, #tpu.memory_space<vmem>>, vector<16xf32>,
        %get3A_914 = vector.shape_cast %get3A_913 : vector<16xf32> to vector<16xf32>
        %mul3A_915 = arith.mulf %broadcast_in_dim3A_836, %get3A_914 : vector<16xf32>
        %add3A_916 = arith.addf %add3A_911, %mul3A_915 : vector<16xf32>
        %max3A_917 = arith.constant 0.000000e+00 : f32
        %max3A_918 = vector.broadcast %max3A_917 : f32 to vector<16xf32>
        %max3A_919 = arith.maximumf %add3A_916, %max3A_918 : vector<16xf32>
        %swap3A_920 = arith.index_cast %add3A_833 : i32 to index
        %swap3A_921 = arith.constant 48 : index
        %swap3A_922 = tpu.vector_load %arg13[%swap3A_920, %swap3A_921] {strides = array<i32>} : memref<80x128xf32, #tpu.memory_space<vmem>>, vector<1x16xf32>,
        %swap3A_923 = vector.shape_cast %swap3A_922 : vector<1x16xf32> to vector<16xf32>
        %swap3A_924 = vector.shape_cast %max3A_919 : vector<16xf32> to vector<1x16xf32>
        tpu.vector_store %arg13[%swap3A_920, %swap3A_921], %swap3A_924 {strides = array<i32>} : memref<80x128xf32, #tpu.memory_space<vmem>>, vector<1x16xf32>,
        %get3A_925 = arith.index_cast %add3A_833 : i32 to index
        %get3A_926 = arith.constant 64 : index
        %get3A_927 = tpu.vector_load %arg13[%get3A_925, %get3A_926] {strides = array<i32>} : memref<80x128xf32, #tpu.memory_space<vmem>>, vector<1x16xf32>,
        %get3A_928 = vector.shape_cast %get3A_927 : vector<1x16xf32> to vector<16xf32>
        %get3A_929 = arith.index_cast %add3A_833 : i32 to index
        %get3A_930 = arith.constant 64 : index
        %get3A_931 = tpu.vector_load %arg14[%get3A_929, %get3A_930] {strides = array<i32>} : memref<80x128xf32, #tpu.memory_space<vmem>>, vector<1x16xf32>,
        %get3A_932 = vector.shape_cast %get3A_931 : vector<1x16xf32> to vector<16xf32>
        %add3A_933 = arith.addf %get3A_928, %get3A_932 : vector<16xf32>
        %get3A_934 = arith.constant 64 : index
        %get3A_935 = tpu.vector_load %arg15[%get3A_934] {strides = array<i32>} : memref<128xf32, #tpu.memory_space<vmem>>, vector<16xf32>,
        %get3A_936 = vector.shape_cast %get3A_935 : vector<16xf32> to vector<16xf32>
        %mul3A_937 = arith.mulf %broadcast_in_dim3A_836, %get3A_936 : vector<16xf32>
        %add3A_938 = arith.addf %add3A_933, %mul3A_937 : vector<16xf32>
        %max3A_939 = arith.constant 0.000000e+00 : f32
        %max3A_940 = vector.broadcast %max3A_939 : f32 to vector<16xf32>
        %max3A_941 = arith.maximumf %add3A_938, %max3A_940 : vector<16xf32>
        %swap3A_942 = arith.index_cast %add3A_833 : i32 to index
        %swap3A_943 = arith.constant 64 : index
        %swap3A_944 = tpu.vector_load %arg13[%swap3A_942, %swap3A_943] {strides = array<i32>} : memref<80x128xf32, #tpu.memory_space<vmem>>, vector<1x16xf32>,
        %swap3A_945 = vector.shape_cast %swap3A_944 : vector<1x16xf32> to vector<16xf32>
        %swap3A_946 = vector.shape_cast %max3A_941 : vector<16xf32> to vector<1x16xf32>
        tpu.vector_store %arg13[%swap3A_942, %swap3A_943], %swap3A_946 {strides = array<i32>} : memref<80x128xf32, #tpu.memory_space<vmem>>, vector<1x16xf32>,
        %get3A_947 = arith.index_cast %add3A_833 : i32 to index
        %get3A_948 = arith.constant 80 : index
        %get3A_949 = tpu.vector_load %arg13[%get3A_947, %get3A_948] {strides = array<i32>} : memref<80x128xf32, #tpu.memory_space<vmem>>, vector<1x16xf32>,
        %get3A_950 = vector.shape_cast %get3A_949 : vector<1x16xf32> to vector<16xf32>
        %get3A_951 = arith.index_cast %add3A_833 : i32 to index
        %get3A_952 = arith.constant 80 : index
        %get3A_953 = tpu.vector_load %arg14[%get3A_951, %get3A_952] {strides = array<i32>} : memref<80x128xf32, #tpu.memory_space<vmem>>, vector<1x16xf32>,
        %get3A_954 = vector.shape_cast %get3A_953 : vector<1x16xf32> to vector<16xf32>
        %add3A_955 = arith.addf %get3A_950, %get3A_954 : vector<16xf32>
        %get3A_956 = arith.constant 80 : index
        %get3A_957 = tpu.vector_load %arg15[%get3A_956] {strides = array<i32>} : memref<128xf32, #tpu.memory_space<vmem>>, vector<16xf32>,
        %get3A_958 = vector.shape_cast %get3A_957 : vector<16xf32> to vector<16xf32>
        %mul3A_959 = arith.mulf %broadcast_in_dim3A_836, %get3A_958 : vector<16xf32>
        %add3A_960 = arith.addf %add3A_955, %mul3A_959 : vector<16xf32>
        %max3A_961 = arith.constant 0.000000e+00 : f32
        %max3A_962 = vector.broadcast %max3A_961 : f32 to vector<16xf32>
        %max3A_963 = arith.maximumf %add3A_960, %max3A_962 : vector<16xf32>
        %swap3A_964 = arith.index_cast %add3A_833 : i32 to index
        %swap3A_965 = arith.constant 80 : index
        %swap3A_966 = tpu.vector_load %arg13[%swap3A_964, %swap3A_965] {strides = array<i32>} : memref<80x128xf32, #tpu.memory_space<vmem>>, vector<1x16xf32>,
        %swap3A_967 = vector.shape_cast %swap3A_966 : vector<1x16xf32> to vector<16xf32>
        %swap3A_968 = vector.shape_cast %max3A_963 : vector<16xf32> to vector<1x16xf32>
        tpu.vector_store %arg13[%swap3A_964, %swap3A_965], %swap3A_968 {strides = array<i32>} : memref<80x128xf32, #tpu.memory_space<vmem>>, vector<1x16xf32>,
        %get3A_969 = arith.index_cast %add3A_833 : i32 to index
        %get3A_970 = arith.constant 96 : index
        %get3A_971 = tpu.vector_load %arg13[%get3A_969, %get3A_970] {strides = array<i32>} : memref<80x128xf32, #tpu.memory_space<vmem>>, vector<1x16xf32>,
        %get3A_972 = vector.shape_cast %get3A_971 : vector<1x16xf32> to vector<16xf32>
        %get3A_973 = arith.index_cast %add3A_833 : i32 to index
        %get3A_974 = arith.constant 96 : index
        %get3A_975 = tpu.vector_load %arg14[%get3A_973, %get3A_974] {strides = array<i32>} : memref<80x128xf32, #tpu.memory_space<vmem>>, vector<1x16xf32>,
        %get3A_976 = vector.shape_cast %get3A_975 : vector<1x16xf32> to vector<16xf32>
        %add3A_977 = arith.addf %get3A_972, %get3A_976 : vector<16xf32>
        %get3A_978 = arith.constant 96 : index
        %get3A_979 = tpu.vector_load %arg15[%get3A_978] {strides = array<i32>} : memref<128xf32, #tpu.memory_space<vmem>>, vector<16xf32>,
        %get3A_980 = vector.shape_cast %get3A_979 : vector<16xf32> to vector<16xf32>
        %mul3A_981 = arith.mulf %broadcast_in_dim3A_836, %get3A_980 : vector<16xf32>
        %add3A_982 = arith.addf %add3A_977, %mul3A_981 : vector<16xf32>
        %max3A_983 = arith.constant 0.000000e+00 : f32
        %max3A_984 = vector.broadcast %max3A_983 : f32 to vector<16xf32>
        %max3A_985 = arith.maximumf %add3A_982, %max3A_984 : vector<16xf32>
        %swap3A_986 = arith.index_cast %add3A_833 : i32 to index
        %swap3A_987 = arith.constant 96 : index
        %swap3A_988 = tpu.vector_load %arg13[%swap3A_986, %swap3A_987] {strides = array<i32>} : memref<80x128xf32, #tpu.memory_space<vmem>>, vector<1x16xf32>,
        %swap3A_989 = vector.shape_cast %swap3A_988 : vector<1x16xf32> to vector<16xf32>
        %swap3A_990 = vector.shape_cast %max3A_985 : vector<16xf32> to vector<1x16xf32>
        tpu.vector_store %arg13[%swap3A_986, %swap3A_987], %swap3A_990 {strides = array<i32>} : memref<80x128xf32, #tpu.memory_space<vmem>>, vector<1x16xf32>,
        %get3A_991 = arith.index_cast %add3A_833 : i32 to index
        %get3A_992 = arith.constant 112 : index
        %get3A_993 = tpu.vector_load %arg13[%get3A_991, %get3A_992] {strides = array<i32>} : memref<80x128xf32, #tpu.memory_space<vmem>>, vector<1x16xf32>,
        %get3A_994 = vector.shape_cast %get3A_993 : vector<1x16xf32> to vector<16xf32>
        %get3A_995 = arith.index_cast %add3A_833 : i32 to index
        %get3A_996 = arith.constant 112 : index
        %get3A_997 = tpu.vector_load %arg14[%get3A_995, %get3A_996] {strides = array<i32>} : memref<80x128xf32, #tpu.memory_space<vmem>>, vector<1x16xf32>,
        %get3A_998 = vector.shape_cast %get3A_997 : vector<1x16xf32> to vector<16xf32>
        %add3A_999 = arith.addf %get3A_994, %get3A_998 : vector<16xf32>
        %get3A_1000 = arith.constant 112 : index
        %get3A_1001 = tpu.vector_load %arg15[%get3A_1000] {strides = array<i32>} : memref<128xf32, #tpu.memory_space<vmem>>, vector<16xf32>,
        %get3A_1002 = vector.shape_cast %get3A_1001 : vector<16xf32> to vector<16xf32>
        %mul3A_1003 = arith.mulf %broadcast_in_dim3A_836, %get3A_1002 : vector<16xf32>
        %add3A_1004 = arith.addf %add3A_999, %mul3A_1003 : vector<16xf32>
        %max3A_1005 = arith.constant 0.000000e+00 : f32
        %max3A_1006 = vector.broadcast %max3A_1005 : f32 to vector<16xf32>
        %max3A_1007 = arith.maximumf %add3A_1004, %max3A_1006 : vector<16xf32>
        %swap3A_1008 = arith.index_cast %add3A_833 : i32 to index
        %swap3A_1009 = arith.constant 112 : index
        %swap3A_1010 = tpu.vector_load %arg13[%swap3A_1008, %swap3A_1009] {strides = array<i32>} : memref<80x128xf32, #tpu.memory_space<vmem>>, vector<1x16xf32>,
        %swap3A_1011 = vector.shape_cast %swap3A_1010 : vector<1x16xf32> to vector<16xf32>
        %swap3A_1012 = vector.shape_cast %max3A_1007 : vector<16xf32> to vector<1x16xf32>
        tpu.vector_store %arg13[%swap3A_1008, %swap3A_1009], %swap3A_1012 {strides = array<i32>} : memref<80x128xf32, #tpu.memory_space<vmem>>, vector<1x16xf32>,
        %mul3A_1013 = arith.constant 16 : i32
        %mul3A_1014 = arith.muli %scan3A_98, %mul3A_1013 : i32
        %add3A_1015 = arith.constant 5 : i32
        %add3A_1016 = arith.addi %mul3A_1014, %add3A_1015 : i32
        %slice3A_1017 = vector.extract_strided_slice %get3A_102 {offsets = [5], sizes = [1], strides = [1]} : vector<16xf32> to vector<1xf32>
        %squeeze3A_1018 = vector.extract %slice3A_1017[0] : f32 from vector<1xf32>
        %broadcast_in_dim3A_1019 = vector.broadcast %squeeze3A_1018 : f32 to vector<16xf32>
        %get3A_1020 = arith.index_cast %add3A_1016 : i32 to index
        %get3A_1021 = arith.constant 0 : index
        %get3A_1022 = tpu.vector_load %arg13[%get3A_1020, %get3A_1021] {strides = array<i32>} : memref<80x128xf32, #tpu.memory_space<vmem>>, vector<1x16xf32>,
        %get3A_1023 = vector.shape_cast %get3A_1022 : vector<1x16xf32> to vector<16xf32>
        %get3A_1024 = arith.index_cast %add3A_1016 : i32 to index
        %get3A_1025 = arith.constant 0 : index
        %get3A_1026 = tpu.vector_load %arg14[%get3A_1024, %get3A_1025] {strides = array<i32>} : memref<80x128xf32, #tpu.memory_space<vmem>>, vector<1x16xf32>,
        %get3A_1027 = vector.shape_cast %get3A_1026 : vector<1x16xf32> to vector<16xf32>
        %add3A_1028 = arith.addf %get3A_1023, %get3A_1027 : vector<16xf32>
        %get3A_1029 = arith.constant 0 : index
        %get3A_1030 = tpu.vector_load %arg15[%get3A_1029] {strides = array<i32>} : memref<128xf32, #tpu.memory_space<vmem>>, vector<16xf32>,
        %get3A_1031 = vector.shape_cast %get3A_1030 : vector<16xf32> to vector<16xf32>
        %mul3A_1032 = arith.mulf %broadcast_in_dim3A_1019, %get3A_1031 : vector<16xf32>
        %add3A_1033 = arith.addf %add3A_1028, %mul3A_1032 : vector<16xf32>
        %max3A_1034 = arith.constant 0.000000e+00 : f32
        %max3A_1035 = vector.broadcast %max3A_1034 : f32 to vector<16xf32>
        %max3A_1036 = arith.maximumf %add3A_1033, %max3A_1035 : vector<16xf32>
        %swap3A_1037 = arith.index_cast %add3A_1016 : i32 to index
        %swap3A_1038 = arith.constant 0 : index
        %swap3A_1039 = tpu.vector_load %arg13[%swap3A_1037, %swap3A_1038] {strides = array<i32>} : memref<80x128xf32, #tpu.memory_space<vmem>>, vector<1x16xf32>,
        %swap3A_1040 = vector.shape_cast %swap3A_1039 : vector<1x16xf32> to vector<16xf32>
        %swap3A_1041 = vector.shape_cast %max3A_1036 : vector<16xf32> to vector<1x16xf32>
        tpu.vector_store %arg13[%swap3A_1037, %swap3A_1038], %swap3A_1041 {strides = array<i32>} : memref<80x128xf32, #tpu.memory_space<vmem>>, vector<1x16xf32>,
        %get3A_1042 = arith.index_cast %add3A_1016 : i32 to index
        %get3A_1043 = arith.constant 16 : index
        %get3A_1044 = tpu.vector_load %arg13[%get3A_1042, %get3A_1043] {strides = array<i32>} : memref<80x128xf32, #tpu.memory_space<vmem>>, vector<1x16xf32>,
        %get3A_1045 = vector.shape_cast %get3A_1044 : vector<1x16xf32> to vector<16xf32>
        %get3A_1046 = arith.index_cast %add3A_1016 : i32 to index
        %get3A_1047 = arith.constant 16 : index
        %get3A_1048 = tpu.vector_load %arg14[%get3A_1046, %get3A_1047] {strides = array<i32>} : memref<80x128xf32, #tpu.memory_space<vmem>>, vector<1x16xf32>,
        %get3A_1049 = vector.shape_cast %get3A_1048 : vector<1x16xf32> to vector<16xf32>
        %add3A_1050 = arith.addf %get3A_1045, %get3A_1049 : vector<16xf32>
        %get3A_1051 = arith.constant 16 : index
        %get3A_1052 = tpu.vector_load %arg15[%get3A_1051] {strides = array<i32>} : memref<128xf32, #tpu.memory_space<vmem>>, vector<16xf32>,
        %get3A_1053 = vector.shape_cast %get3A_1052 : vector<16xf32> to vector<16xf32>
        %mul3A_1054 = arith.mulf %broadcast_in_dim3A_1019, %get3A_1053 : vector<16xf32>
        %add3A_1055 = arith.addf %add3A_1050, %mul3A_1054 : vector<16xf32>
        %max3A_1056 = arith.constant 0.000000e+00 : f32
        %max3A_1057 = vector.broadcast %max3A_1056 : f32 to vector<16xf32>
        %max3A_1058 = arith.maximumf %add3A_1055, %max3A_1057 : vector<16xf32>
        %swap3A_1059 = arith.index_cast %add3A_1016 : i32 to index
        %swap3A_1060 = arith.constant 16 : index
        %swap3A_1061 = tpu.vector_load %arg13[%swap3A_1059, %swap3A_1060] {strides = array<i32>} : memref<80x128xf32, #tpu.memory_space<vmem>>, vector<1x16xf32>,
        %swap3A_1062 = vector.shape_cast %swap3A_1061 : vector<1x16xf32> to vector<16xf32>
        %swap3A_1063 = vector.shape_cast %max3A_1058 : vector<16xf32> to vector<1x16xf32>
        tpu.vector_store %arg13[%swap3A_1059, %swap3A_1060], %swap3A_1063 {strides = array<i32>} : memref<80x128xf32, #tpu.memory_space<vmem>>, vector<1x16xf32>,
        %get3A_1064 = arith.index_cast %add3A_1016 : i32 to index
        %get3A_1065 = arith.constant 32 : index
        %get3A_1066 = tpu.vector_load %arg13[%get3A_1064, %get3A_1065] {strides = array<i32>} : memref<80x128xf32, #tpu.memory_space<vmem>>, vector<1x16xf32>,
        %get3A_1067 = vector.shape_cast %get3A_1066 : vector<1x16xf32> to vector<16xf32>
        %get3A_1068 = arith.index_cast %add3A_1016 : i32 to index
        %get3A_1069 = arith.constant 32 : index
        %get3A_1070 = tpu.vector_load %arg14[%get3A_1068, %get3A_1069] {strides = array<i32>} : memref<80x128xf32, #tpu.memory_space<vmem>>, vector<1x16xf32>,
        %get3A_1071 = vector.shape_cast %get3A_1070 : vector<1x16xf32> to vector<16xf32>
        %add3A_1072 = arith.addf %get3A_1067, %get3A_1071 : vector<16xf32>
        %get3A_1073 = arith.constant 32 : index
        %get3A_1074 = tpu.vector_load %arg15[%get3A_1073] {strides = array<i32>} : memref<128xf32, #tpu.memory_space<vmem>>, vector<16xf32>,
        %get3A_1075 = vector.shape_cast %get3A_1074 : vector<16xf32> to vector<16xf32>
        %mul3A_1076 = arith.mulf %broadcast_in_dim3A_1019, %get3A_1075 : vector<16xf32>
        %add3A_1077 = arith.addf %add3A_1072, %mul3A_1076 : vector<16xf32>
        %max3A_1078 = arith.constant 0.000000e+00 : f32
        %max3A_1079 = vector.broadcast %max3A_1078 : f32 to vector<16xf32>
        %max3A_1080 = arith.maximumf %add3A_1077, %max3A_1079 : vector<16xf32>
        %swap3A_1081 = arith.index_cast %add3A_1016 : i32 to index
        %swap3A_1082 = arith.constant 32 : index
        %swap3A_1083 = tpu.vector_load %arg13[%swap3A_1081, %swap3A_1082] {strides = array<i32>} : memref<80x128xf32, #tpu.memory_space<vmem>>, vector<1x16xf32>,
        %swap3A_1084 = vector.shape_cast %swap3A_1083 : vector<1x16xf32> to vector<16xf32>
        %swap3A_1085 = vector.shape_cast %max3A_1080 : vector<16xf32> to vector<1x16xf32>
        tpu.vector_store %arg13[%swap3A_1081, %swap3A_1082], %swap3A_1085 {strides = array<i32>} : memref<80x128xf32, #tpu.memory_space<vmem>>, vector<1x16xf32>,
        %get3A_1086 = arith.index_cast %add3A_1016 : i32 to index
        %get3A_1087 = arith.constant 48 : index
        %get3A_1088 = tpu.vector_load %arg13[%get3A_1086, %get3A_1087] {strides = array<i32>} : memref<80x128xf32, #tpu.memory_space<vmem>>, vector<1x16xf32>,
        %get3A_1089 = vector.shape_cast %get3A_1088 : vector<1x16xf32> to vector<16xf32>
        %get3A_1090 = arith.index_cast %add3A_1016 : i32 to index
        %get3A_1091 = arith.constant 48 : index
        %get3A_1092 = tpu.vector_load %arg14[%get3A_1090, %get3A_1091] {strides = array<i32>} : memref<80x128xf32, #tpu.memory_space<vmem>>, vector<1x16xf32>,
        %get3A_1093 = vector.shape_cast %get3A_1092 : vector<1x16xf32> to vector<16xf32>
        %add3A_1094 = arith.addf %get3A_1089, %get3A_1093 : vector<16xf32>
        %get3A_1095 = arith.constant 48 : index
        %get3A_1096 = tpu.vector_load %arg15[%get3A_1095] {strides = array<i32>} : memref<128xf32, #tpu.memory_space<vmem>>, vector<16xf32>,
        %get3A_1097 = vector.shape_cast %get3A_1096 : vector<16xf32> to vector<16xf32>
        %mul3A_1098 = arith.mulf %broadcast_in_dim3A_1019, %get3A_1097 : vector<16xf32>
        %add3A_1099 = arith.addf %add3A_1094, %mul3A_1098 : vector<16xf32>
        %max3A_1100 = arith.constant 0.000000e+00 : f32
        %max3A_1101 = vector.broadcast %max3A_1100 : f32 to vector<16xf32>
        %max3A_1102 = arith.maximumf %add3A_1099, %max3A_1101 : vector<16xf32>
        %swap3A_1103 = arith.index_cast %add3A_1016 : i32 to index
        %swap3A_1104 = arith.constant 48 : index
        %swap3A_1105 = tpu.vector_load %arg13[%swap3A_1103, %swap3A_1104] {strides = array<i32>} : memref<80x128xf32, #tpu.memory_space<vmem>>, vector<1x16xf32>,
        %swap3A_1106 = vector.shape_cast %swap3A_1105 : vector<1x16xf32> to vector<16xf32>
        %swap3A_1107 = vector.shape_cast %max3A_1102 : vector<16xf32> to vector<1x16xf32>
        tpu.vector_store %arg13[%swap3A_1103, %swap3A_1104], %swap3A_1107 {strides = array<i32>} : memref<80x128xf32, #tpu.memory_space<vmem>>, vector<1x16xf32>,
        %get3A_1108 = arith.index_cast %add3A_1016 : i32 to index
        %get3A_1109 = arith.constant 64 : index
        %get3A_1110 = tpu.vector_load %arg13[%get3A_1108, %get3A_1109] {strides = array<i32>} : memref<80x128xf32, #tpu.memory_space<vmem>>, vector<1x16xf32>,
        %get3A_1111 = vector.shape_cast %get3A_1110 : vector<1x16xf32> to vector<16xf32>
        %get3A_1112 = arith.index_cast %add3A_1016 : i32 to index
        %get3A_1113 = arith.constant 64 : index
        %get3A_1114 = tpu.vector_load %arg14[%get3A_1112, %get3A_1113] {strides = array<i32>} : memref<80x128xf32, #tpu.memory_space<vmem>>, vector<1x16xf32>,
        %get3A_1115 = vector.shape_cast %get3A_1114 : vector<1x16xf32> to vector<16xf32>
        %add3A_1116 = arith.addf %get3A_1111, %get3A_1115 : vector<16xf32>
        %get3A_1117 = arith.constant 64 : index
        %get3A_1118 = tpu.vector_load %arg15[%get3A_1117] {strides = array<i32>} : memref<128xf32, #tpu.memory_space<vmem>>, vector<16xf32>,
        %get3A_1119 = vector.shape_cast %get3A_1118 : vector<16xf32> to vector<16xf32>
        %mul3A_1120 = arith.mulf %broadcast_in_dim3A_1019, %get3A_1119 : vector<16xf32>
        %add3A_1121 = arith.addf %add3A_1116, %mul3A_1120 : vector<16xf32>
        %max3A_1122 = arith.constant 0.000000e+00 : f32
        %max3A_1123 = vector.broadcast %max3A_1122 : f32 to vector<16xf32>
        %max3A_1124 = arith.maximumf %add3A_1121, %max3A_1123 : vector<16xf32>
        %swap3A_1125 = arith.index_cast %add3A_1016 : i32 to index
        %swap3A_1126 = arith.constant 64 : index
        %swap3A_1127 = tpu.vector_load %arg13[%swap3A_1125, %swap3A_1126] {strides = array<i32>} : memref<80x128xf32, #tpu.memory_space<vmem>>, vector<1x16xf32>,
        %swap3A_1128 = vector.shape_cast %swap3A_1127 : vector<1x16xf32> to vector<16xf32>
        %swap3A_1129 = vector.shape_cast %max3A_1124 : vector<16xf32> to vector<1x16xf32>
        tpu.vector_store %arg13[%swap3A_1125, %swap3A_1126], %swap3A_1129 {strides = array<i32>} : memref<80x128xf32, #tpu.memory_space<vmem>>, vector<1x16xf32>,
        %get3A_1130 = arith.index_cast %add3A_1016 : i32 to index
        %get3A_1131 = arith.constant 80 : index
        %get3A_1132 = tpu.vector_load %arg13[%get3A_1130, %get3A_1131] {strides = array<i32>} : memref<80x128xf32, #tpu.memory_space<vmem>>, vector<1x16xf32>,
        %get3A_1133 = vector.shape_cast %get3A_1132 : vector<1x16xf32> to vector<16xf32>
        %get3A_1134 = arith.index_cast %add3A_1016 : i32 to index
        %get3A_1135 = arith.constant 80 : index
        %get3A_1136 = tpu.vector_load %arg14[%get3A_1134, %get3A_1135] {strides = array<i32>} : memref<80x128xf32, #tpu.memory_space<vmem>>, vector<1x16xf32>,
        %get3A_1137 = vector.shape_cast %get3A_1136 : vector<1x16xf32> to vector<16xf32>
        %add3A_1138 = arith.addf %get3A_1133, %get3A_1137 : vector<16xf32>
        %get3A_1139 = arith.constant 80 : index
        %get3A_1140 = tpu.vector_load %arg15[%get3A_1139] {strides = array<i32>} : memref<128xf32, #tpu.memory_space<vmem>>, vector<16xf32>,
        %get3A_1141 = vector.shape_cast %get3A_1140 : vector<16xf32> to vector<16xf32>
        %mul3A_1142 = arith.mulf %broadcast_in_dim3A_1019, %get3A_1141 : vector<16xf32>
        %add3A_1143 = arith.addf %add3A_1138, %mul3A_1142 : vector<16xf32>
        %max3A_1144 = arith.constant 0.000000e+00 : f32
        %max3A_1145 = vector.broadcast %max3A_1144 : f32 to vector<16xf32>
        %max3A_1146 = arith.maximumf %add3A_1143, %max3A_1145 : vector<16xf32>
        %swap3A_1147 = arith.index_cast %add3A_1016 : i32 to index
        %swap3A_1148 = arith.constant 80 : index
        %swap3A_1149 = tpu.vector_load %arg13[%swap3A_1147, %swap3A_1148] {strides = array<i32>} : memref<80x128xf32, #tpu.memory_space<vmem>>, vector<1x16xf32>,
        %swap3A_1150 = vector.shape_cast %swap3A_1149 : vector<1x16xf32> to vector<16xf32>
        %swap3A_1151 = vector.shape_cast %max3A_1146 : vector<16xf32> to vector<1x16xf32>
        tpu.vector_store %arg13[%swap3A_1147, %swap3A_1148], %swap3A_1151 {strides = array<i32>} : memref<80x128xf32, #tpu.memory_space<vmem>>, vector<1x16xf32>,
        %get3A_1152 = arith.index_cast %add3A_1016 : i32 to index
        %get3A_1153 = arith.constant 96 : index
        %get3A_1154 = tpu.vector_load %arg13[%get3A_1152, %get3A_1153] {strides = array<i32>} : memref<80x128xf32, #tpu.memory_space<vmem>>, vector<1x16xf32>,
        %get3A_1155 = vector.shape_cast %get3A_1154 : vector<1x16xf32> to vector<16xf32>
        %get3A_1156 = arith.index_cast %add3A_1016 : i32 to index
        %get3A_1157 = arith.constant 96 : index
        %get3A_1158 = tpu.vector_load %arg14[%get3A_1156, %get3A_1157] {strides = array<i32>} : memref<80x128xf32, #tpu.memory_space<vmem>>, vector<1x16xf32>,
        %get3A_1159 = vector.shape_cast %get3A_1158 : vector<1x16xf32> to vector<16xf32>
        %add3A_1160 = arith.addf %get3A_1155, %get3A_1159 : vector<16xf32>
        %get3A_1161 = arith.constant 96 : index
        %get3A_1162 = tpu.vector_load %arg15[%get3A_1161] {strides = array<i32>} : memref<128xf32, #tpu.memory_space<vmem>>, vector<16xf32>,
        %get3A_1163 = vector.shape_cast %get3A_1162 : vector<16xf32> to vector<16xf32>
        %mul3A_1164 = arith.mulf %broadcast_in_dim3A_1019, %get3A_1163 : vector<16xf32>
        %add3A_1165 = arith.addf %add3A_1160, %mul3A_1164 : vector<16xf32>
        %max3A_1166 = arith.constant 0.000000e+00 : f32
        %max3A_1167 = vector.broadcast %max3A_1166 : f32 to vector<16xf32>
        %max3A_1168 = arith.maximumf %add3A_1165, %max3A_1167 : vector<16xf32>
        %swap3A_1169 = arith.index_cast %add3A_1016 : i32 to index
        %swap3A_1170 = arith.constant 96 : index
        %swap3A_1171 = tpu.vector_load %arg13[%swap3A_1169, %swap3A_1170] {strides = array<i32>} : memref<80x128xf32, #tpu.memory_space<vmem>>, vector<1x16xf32>,
        %swap3A_1172 = vector.shape_cast %swap3A_1171 : vector<1x16xf32> to vector<16xf32>
        %swap3A_1173 = vector.shape_cast %max3A_1168 : vector<16xf32> to vector<1x16xf32>
        tpu.vector_store %arg13[%swap3A_1169, %swap3A_1170], %swap3A_1173 {strides = array<i32>} : memref<80x128xf32, #tpu.memory_space<vmem>>, vector<1x16xf32>,
        %get3A_1174 = arith.index_cast %add3A_1016 : i32 to index
        %get3A_1175 = arith.constant 112 : index
        %get3A_1176 = tpu.vector_load %arg13[%get3A_1174, %get3A_1175] {strides = array<i32>} : memref<80x128xf32, #tpu.memory_space<vmem>>, vector<1x16xf32>,
        %get3A_1177 = vector.shape_cast %get3A_1176 : vector<1x16xf32> to vector<16xf32>
        %get3A_1178 = arith.index_cast %add3A_1016 : i32 to index
        %get3A_1179 = arith.constant 112 : index
        %get3A_1180 = tpu.vector_load %arg14[%get3A_1178, %get3A_1179] {strides = array<i32>} : memref<80x128xf32, #tpu.memory_space<vmem>>, vector<1x16xf32>,
        %get3A_1181 = vector.shape_cast %get3A_1180 : vector<1x16xf32> to vector<16xf32>
        %add3A_1182 = arith.addf %get3A_1177, %get3A_1181 : vector<16xf32>
        %get3A_1183 = arith.constant 112 : index
        %get3A_1184 = tpu.vector_load %arg15[%get3A_1183] {strides = array<i32>} : memref<128xf32, #tpu.memory_space<vmem>>, vector<16xf32>,
        %get3A_1185 = vector.shape_cast %get3A_1184 : vector<16xf32> to vector<16xf32>
        %mul3A_1186 = arith.mulf %broadcast_in_dim3A_1019, %get3A_1185 : vector<16xf32>
        %add3A_1187 = arith.addf %add3A_1182, %mul3A_1186 : vector<16xf32>
        %max3A_1188 = arith.constant 0.000000e+00 : f32
        %max3A_1189 = vector.broadcast %max3A_1188 : f32 to vector<16xf32>
        %max3A_1190 = arith.maximumf %add3A_1187, %max3A_1189 : vector<16xf32>
        %swap3A_1191 = arith.index_cast %add3A_1016 : i32 to index
        %swap3A_1192 = arith.constant 112 : index
        %swap3A_1193 = tpu.vector_load %arg13[%swap3A_1191, %swap3A_1192] {strides = array<i32>} : memref<80x128xf32, #tpu.memory_space<vmem>>, vector<1x16xf32>,
        %swap3A_1194 = vector.shape_cast %swap3A_1193 : vector<1x16xf32> to vector<16xf32>
        %swap3A_1195 = vector.shape_cast %max3A_1190 : vector<16xf32> to vector<1x16xf32>
        tpu.vector_store %arg13[%swap3A_1191, %swap3A_1192], %swap3A_1195 {strides = array<i32>} : memref<80x128xf32, #tpu.memory_space<vmem>>, vector<1x16xf32>,
        %mul3A_1196 = arith.constant 16 : i32
        %mul3A_1197 = arith.muli %scan3A_98, %mul3A_1196 : i32
        %add3A_1198 = arith.constant 6 : i32
        %add3A_1199 = arith.addi %mul3A_1197, %add3A_1198 : i32
        %slice3A_1200 = vector.extract_strided_slice %get3A_102 {offsets = [6], sizes = [1], strides = [1]} : vector<16xf32> to vector<1xf32>
        %squeeze3A_1201 = vector.extract %slice3A_1200[0] : f32 from vector<1xf32>
        %broadcast_in_dim3A_1202 = vector.broadcast %squeeze3A_1201 : f32 to vector<16xf32>
        %get3A_1203 = arith.index_cast %add3A_1199 : i32 to index
        %get3A_1204 = arith.constant 0 : index
        %get3A_1205 = tpu.vector_load %arg13[%get3A_1203, %get3A_1204] {strides = array<i32>} : memref<80x128xf32, #tpu.memory_space<vmem>>, vector<1x16xf32>,
        %get3A_1206 = vector.shape_cast %get3A_1205 : vector<1x16xf32> to vector<16xf32>
        %get3A_1207 = arith.index_cast %add3A_1199 : i32 to index
        %get3A_1208 = arith.constant 0 : index
        %get3A_1209 = tpu.vector_load %arg14[%get3A_1207, %get3A_1208] {strides = array<i32>} : memref<80x128xf32, #tpu.memory_space<vmem>>, vector<1x16xf32>,
        %get3A_1210 = vector.shape_cast %get3A_1209 : vector<1x16xf32> to vector<16xf32>
        %add3A_1211 = arith.addf %get3A_1206, %get3A_1210 : vector<16xf32>
        %get3A_1212 = arith.constant 0 : index
        %get3A_1213 = tpu.vector_load %arg15[%get3A_1212] {strides = array<i32>} : memref<128xf32, #tpu.memory_space<vmem>>, vector<16xf32>,
        %get3A_1214 = vector.shape_cast %get3A_1213 : vector<16xf32> to vector<16xf32>
        %mul3A_1215 = arith.mulf %broadcast_in_dim3A_1202, %get3A_1214 : vector<16xf32>
        %add3A_1216 = arith.addf %add3A_1211, %mul3A_1215 : vector<16xf32>
        %max3A_1217 = arith.constant 0.000000e+00 : f32
        %max3A_1218 = vector.broadcast %max3A_1217 : f32 to vector<16xf32>
        %max3A_1219 = arith.maximumf %add3A_1216, %max3A_1218 : vector<16xf32>
        %swap3A_1220 = arith.index_cast %add3A_1199 : i32 to index
        %swap3A_1221 = arith.constant 0 : index
        %swap3A_1222 = tpu.vector_load %arg13[%swap3A_1220, %swap3A_1221] {strides = array<i32>} : memref<80x128xf32, #tpu.memory_space<vmem>>, vector<1x16xf32>,
        %swap3A_1223 = vector.shape_cast %swap3A_1222 : vector<1x16xf32> to vector<16xf32>
        %swap3A_1224 = vector.shape_cast %max3A_1219 : vector<16xf32> to vector<1x16xf32>
        tpu.vector_store %arg13[%swap3A_1220, %swap3A_1221], %swap3A_1224 {strides = array<i32>} : memref<80x128xf32, #tpu.memory_space<vmem>>, vector<1x16xf32>,
        %get3A_1225 = arith.index_cast %add3A_1199 : i32 to index
        %get3A_1226 = arith.constant 16 : index
        %get3A_1227 = tpu.vector_load %arg13[%get3A_1225, %get3A_1226] {strides = array<i32>} : memref<80x128xf32, #tpu.memory_space<vmem>>, vector<1x16xf32>,
        %get3A_1228 = vector.shape_cast %get3A_1227 : vector<1x16xf32> to vector<16xf32>
        %get3A_1229 = arith.index_cast %add3A_1199 : i32 to index
        %get3A_1230 = arith.constant 16 : index
        %get3A_1231 = tpu.vector_load %arg14[%get3A_1229, %get3A_1230] {strides = array<i32>} : memref<80x128xf32, #tpu.memory_space<vmem>>, vector<1x16xf32>,
        %get3A_1232 = vector.shape_cast %get3A_1231 : vector<1x16xf32> to vector<16xf32>
        %add3A_1233 = arith.addf %get3A_1228, %get3A_1232 : vector<16xf32>
        %get3A_1234 = arith.constant 16 : index
        %get3A_1235 = tpu.vector_load %arg15[%get3A_1234] {strides = array<i32>} : memref<128xf32, #tpu.memory_space<vmem>>, vector<16xf32>,
        %get3A_1236 = vector.shape_cast %get3A_1235 : vector<16xf32> to vector<16xf32>
        %mul3A_1237 = arith.mulf %broadcast_in_dim3A_1202, %get3A_1236 : vector<16xf32>
        %add3A_1238 = arith.addf %add3A_1233, %mul3A_1237 : vector<16xf32>
        %max3A_1239 = arith.constant 0.000000e+00 : f32
        %max3A_1240 = vector.broadcast %max3A_1239 : f32 to vector<16xf32>
        %max3A_1241 = arith.maximumf %add3A_1238, %max3A_1240 : vector<16xf32>
        %swap3A_1242 = arith.index_cast %add3A_1199 : i32 to index
        %swap3A_1243 = arith.constant 16 : index
        %swap3A_1244 = tpu.vector_load %arg13[%swap3A_1242, %swap3A_1243] {strides = array<i32>} : memref<80x128xf32, #tpu.memory_space<vmem>>, vector<1x16xf32>,
        %swap3A_1245 = vector.shape_cast %swap3A_1244 : vector<1x16xf32> to vector<16xf32>
        %swap3A_1246 = vector.shape_cast %max3A_1241 : vector<16xf32> to vector<1x16xf32>
        tpu.vector_store %arg13[%swap3A_1242, %swap3A_1243], %swap3A_1246 {strides = array<i32>} : memref<80x128xf32, #tpu.memory_space<vmem>>, vector<1x16xf32>,
        %get3A_1247 = arith.index_cast %add3A_1199 : i32 to index
        %get3A_1248 = arith.constant 32 : index
        %get3A_1249 = tpu.vector_load %arg13[%get3A_1247, %get3A_1248] {strides = array<i32>} : memref<80x128xf32, #tpu.memory_space<vmem>>, vector<1x16xf32>,
        %get3A_1250 = vector.shape_cast %get3A_1249 : vector<1x16xf32> to vector<16xf32>
        %get3A_1251 = arith.index_cast %add3A_1199 : i32 to index
        %get3A_1252 = arith.constant 32 : index
        %get3A_1253 = tpu.vector_load %arg14[%get3A_1251, %get3A_1252] {strides = array<i32>} : memref<80x128xf32, #tpu.memory_space<vmem>>, vector<1x16xf32>,
        %get3A_1254 = vector.shape_cast %get3A_1253 : vector<1x16xf32> to vector<16xf32>
        %add3A_1255 = arith.addf %get3A_1250, %get3A_1254 : vector<16xf32>
        %get3A_1256 = arith.constant 32 : index
        %get3A_1257 = tpu.vector_load %arg15[%get3A_1256] {strides = array<i32>} : memref<128xf32, #tpu.memory_space<vmem>>, vector<16xf32>,
        %get3A_1258 = vector.shape_cast %get3A_1257 : vector<16xf32> to vector<16xf32>
        %mul3A_1259 = arith.mulf %broadcast_in_dim3A_1202, %get3A_1258 : vector<16xf32>
        %add3A_1260 = arith.addf %add3A_1255, %mul3A_1259 : vector<16xf32>
        %max3A_1261 = arith.constant 0.000000e+00 : f32
        %max3A_1262 = vector.broadcast %max3A_1261 : f32 to vector<16xf32>
        %max3A_1263 = arith.maximumf %add3A_1260, %max3A_1262 : vector<16xf32>
        %swap3A_1264 = arith.index_cast %add3A_1199 : i32 to index
        %swap3A_1265 = arith.constant 32 : index
        %swap3A_1266 = tpu.vector_load %arg13[%swap3A_1264, %swap3A_1265] {strides = array<i32>} : memref<80x128xf32, #tpu.memory_space<vmem>>, vector<1x16xf32>,
        %swap3A_1267 = vector.shape_cast %swap3A_1266 : vector<1x16xf32> to vector<16xf32>
        %swap3A_1268 = vector.shape_cast %max3A_1263 : vector<16xf32> to vector<1x16xf32>
        tpu.vector_store %arg13[%swap3A_1264, %swap3A_1265], %swap3A_1268 {strides = array<i32>} : memref<80x128xf32, #tpu.memory_space<vmem>>, vector<1x16xf32>,
        %get3A_1269 = arith.index_cast %add3A_1199 : i32 to index
        %get3A_1270 = arith.constant 48 : index
        %get3A_1271 = tpu.vector_load %arg13[%get3A_1269, %get3A_1270] {strides = array<i32>} : memref<80x128xf32, #tpu.memory_space<vmem>>, vector<1x16xf32>,
        %get3A_1272 = vector.shape_cast %get3A_1271 : vector<1x16xf32> to vector<16xf32>
        %get3A_1273 = arith.index_cast %add3A_1199 : i32 to index
        %get3A_1274 = arith.constant 48 : index
        %get3A_1275 = tpu.vector_load %arg14[%get3A_1273, %get3A_1274] {strides = array<i32>} : memref<80x128xf32, #tpu.memory_space<vmem>>, vector<1x16xf32>,
        %get3A_1276 = vector.shape_cast %get3A_1275 : vector<1x16xf32> to vector<16xf32>
        %add3A_1277 = arith.addf %get3A_1272, %get3A_1276 : vector<16xf32>
        %get3A_1278 = arith.constant 48 : index
        %get3A_1279 = tpu.vector_load %arg15[%get3A_1278] {strides = array<i32>} : memref<128xf32, #tpu.memory_space<vmem>>, vector<16xf32>,
        %get3A_1280 = vector.shape_cast %get3A_1279 : vector<16xf32> to vector<16xf32>
        %mul3A_1281 = arith.mulf %broadcast_in_dim3A_1202, %get3A_1280 : vector<16xf32>
        %add3A_1282 = arith.addf %add3A_1277, %mul3A_1281 : vector<16xf32>
        %max3A_1283 = arith.constant 0.000000e+00 : f32
        %max3A_1284 = vector.broadcast %max3A_1283 : f32 to vector<16xf32>
        %max3A_1285 = arith.maximumf %add3A_1282, %max3A_1284 : vector<16xf32>
        %swap3A_1286 = arith.index_cast %add3A_1199 : i32 to index
        %swap3A_1287 = arith.constant 48 : index
        %swap3A_1288 = tpu.vector_load %arg13[%swap3A_1286, %swap3A_1287] {strides = array<i32>} : memref<80x128xf32, #tpu.memory_space<vmem>>, vector<1x16xf32>,
        %swap3A_1289 = vector.shape_cast %swap3A_1288 : vector<1x16xf32> to vector<16xf32>
        %swap3A_1290 = vector.shape_cast %max3A_1285 : vector<16xf32> to vector<1x16xf32>
        tpu.vector_store %arg13[%swap3A_1286, %swap3A_1287], %swap3A_1290 {strides = array<i32>} : memref<80x128xf32, #tpu.memory_space<vmem>>, vector<1x16xf32>,
        %get3A_1291 = arith.index_cast %add3A_1199 : i32 to index
        %get3A_1292 = arith.constant 64 : index
        %get3A_1293 = tpu.vector_load %arg13[%get3A_1291, %get3A_1292] {strides = array<i32>} : memref<80x128xf32, #tpu.memory_space<vmem>>, vector<1x16xf32>,
        %get3A_1294 = vector.shape_cast %get3A_1293 : vector<1x16xf32> to vector<16xf32>
        %get3A_1295 = arith.index_cast %add3A_1199 : i32 to index
        %get3A_1296 = arith.constant 64 : index
        %get3A_1297 = tpu.vector_load %arg14[%get3A_1295, %get3A_1296] {strides = array<i32>} : memref<80x128xf32, #tpu.memory_space<vmem>>, vector<1x16xf32>,
        %get3A_1298 = vector.shape_cast %get3A_1297 : vector<1x16xf32> to vector<16xf32>
        %add3A_1299 = arith.addf %get3A_1294, %get3A_1298 : vector<16xf32>
        %get3A_1300 = arith.constant 64 : index
        %get3A_1301 = tpu.vector_load %arg15[%get3A_1300] {strides = array<i32>} : memref<128xf32, #tpu.memory_space<vmem>>, vector<16xf32>,
        %get3A_1302 = vector.shape_cast %get3A_1301 : vector<16xf32> to vector<16xf32>
        %mul3A_1303 = arith.mulf %broadcast_in_dim3A_1202, %get3A_1302 : vector<16xf32>
        %add3A_1304 = arith.addf %add3A_1299, %mul3A_1303 : vector<16xf32>
        %max3A_1305 = arith.constant 0.000000e+00 : f32
        %max3A_1306 = vector.broadcast %max3A_1305 : f32 to vector<16xf32>
        %max3A_1307 = arith.maximumf %add3A_1304, %max3A_1306 : vector<16xf32>
        %swap3A_1308 = arith.index_cast %add3A_1199 : i32 to index
        %swap3A_1309 = arith.constant 64 : index
        %swap3A_1310 = tpu.vector_load %arg13[%swap3A_1308, %swap3A_1309] {strides = array<i32>} : memref<80x128xf32, #tpu.memory_space<vmem>>, vector<1x16xf32>,
        %swap3A_1311 = vector.shape_cast %swap3A_1310 : vector<1x16xf32> to vector<16xf32>
        %swap3A_1312 = vector.shape_cast %max3A_1307 : vector<16xf32> to vector<1x16xf32>
        tpu.vector_store %arg13[%swap3A_1308, %swap3A_1309], %swap3A_1312 {strides = array<i32>} : memref<80x128xf32, #tpu.memory_space<vmem>>, vector<1x16xf32>,
        %get3A_1313 = arith.index_cast %add3A_1199 : i32 to index
        %get3A_1314 = arith.constant 80 : index
        %get3A_1315 = tpu.vector_load %arg13[%get3A_1313, %get3A_1314] {strides = array<i32>} : memref<80x128xf32, #tpu.memory_space<vmem>>, vector<1x16xf32>,
        %get3A_1316 = vector.shape_cast %get3A_1315 : vector<1x16xf32> to vector<16xf32>
        %get3A_1317 = arith.index_cast %add3A_1199 : i32 to index
        %get3A_1318 = arith.constant 80 : index
        %get3A_1319 = tpu.vector_load %arg14[%get3A_1317, %get3A_1318] {strides = array<i32>} : memref<80x128xf32, #tpu.memory_space<vmem>>, vector<1x16xf32>,
        %get3A_1320 = vector.shape_cast %get3A_1319 : vector<1x16xf32> to vector<16xf32>
        %add3A_1321 = arith.addf %get3A_1316, %get3A_1320 : vector<16xf32>
        %get3A_1322 = arith.constant 80 : index
        %get3A_1323 = tpu.vector_load %arg15[%get3A_1322] {strides = array<i32>} : memref<128xf32, #tpu.memory_space<vmem>>, vector<16xf32>,
        %get3A_1324 = vector.shape_cast %get3A_1323 : vector<16xf32> to vector<16xf32>
        %mul3A_1325 = arith.mulf %broadcast_in_dim3A_1202, %get3A_1324 : vector<16xf32>
        %add3A_1326 = arith.addf %add3A_1321, %mul3A_1325 : vector<16xf32>
        %max3A_1327 = arith.constant 0.000000e+00 : f32
        %max3A_1328 = vector.broadcast %max3A_1327 : f32 to vector<16xf32>
        %max3A_1329 = arith.maximumf %add3A_1326, %max3A_1328 : vector<16xf32>
        %swap3A_1330 = arith.index_cast %add3A_1199 : i32 to index
        %swap3A_1331 = arith.constant 80 : index
        %swap3A_1332 = tpu.vector_load %arg13[%swap3A_1330, %swap3A_1331] {strides = array<i32>} : memref<80x128xf32, #tpu.memory_space<vmem>>, vector<1x16xf32>,
        %swap3A_1333 = vector.shape_cast %swap3A_1332 : vector<1x16xf32> to vector<16xf32>
        %swap3A_1334 = vector.shape_cast %max3A_1329 : vector<16xf32> to vector<1x16xf32>
        tpu.vector_store %arg13[%swap3A_1330, %swap3A_1331], %swap3A_1334 {strides = array<i32>} : memref<80x128xf32, #tpu.memory_space<vmem>>, vector<1x16xf32>,
        %get3A_1335 = arith.index_cast %add3A_1199 : i32 to index
        %get3A_1336 = arith.constant 96 : index
        %get3A_1337 = tpu.vector_load %arg13[%get3A_1335, %get3A_1336] {strides = array<i32>} : memref<80x128xf32, #tpu.memory_space<vmem>>, vector<1x16xf32>,
        %get3A_1338 = vector.shape_cast %get3A_1337 : vector<1x16xf32> to vector<16xf32>
        %get3A_1339 = arith.index_cast %add3A_1199 : i32 to index
        %get3A_1340 = arith.constant 96 : index
        %get3A_1341 = tpu.vector_load %arg14[%get3A_1339, %get3A_1340] {strides = array<i32>} : memref<80x128xf32, #tpu.memory_space<vmem>>, vector<1x16xf32>,
        %get3A_1342 = vector.shape_cast %get3A_1341 : vector<1x16xf32> to vector<16xf32>
        %add3A_1343 = arith.addf %get3A_1338, %get3A_1342 : vector<16xf32>
        %get3A_1344 = arith.constant 96 : index
        %get3A_1345 = tpu.vector_load %arg15[%get3A_1344] {strides = array<i32>} : memref<128xf32, #tpu.memory_space<vmem>>, vector<16xf32>,
        %get3A_1346 = vector.shape_cast %get3A_1345 : vector<16xf32> to vector<16xf32>
        %mul3A_1347 = arith.mulf %broadcast_in_dim3A_1202, %get3A_1346 : vector<16xf32>
        %add3A_1348 = arith.addf %add3A_1343, %mul3A_1347 : vector<16xf32>
        %max3A_1349 = arith.constant 0.000000e+00 : f32
        %max3A_1350 = vector.broadcast %max3A_1349 : f32 to vector<16xf32>
        %max3A_1351 = arith.maximumf %add3A_1348, %max3A_1350 : vector<16xf32>
        %swap3A_1352 = arith.index_cast %add3A_1199 : i32 to index
        %swap3A_1353 = arith.constant 96 : index
        %swap3A_1354 = tpu.vector_load %arg13[%swap3A_1352, %swap3A_1353] {strides = array<i32>} : memref<80x128xf32, #tpu.memory_space<vmem>>, vector<1x16xf32>,
        %swap3A_1355 = vector.shape_cast %swap3A_1354 : vector<1x16xf32> to vector<16xf32>
        %swap3A_1356 = vector.shape_cast %max3A_1351 : vector<16xf32> to vector<1x16xf32>
        tpu.vector_store %arg13[%swap3A_1352, %swap3A_1353], %swap3A_1356 {strides = array<i32>} : memref<80x128xf32, #tpu.memory_space<vmem>>, vector<1x16xf32>,
        %get3A_1357 = arith.index_cast %add3A_1199 : i32 to index
        %get3A_1358 = arith.constant 112 : index
        %get3A_1359 = tpu.vector_load %arg13[%get3A_1357, %get3A_1358] {strides = array<i32>} : memref<80x128xf32, #tpu.memory_space<vmem>>, vector<1x16xf32>,
        %get3A_1360 = vector.shape_cast %get3A_1359 : vector<1x16xf32> to vector<16xf32>
        %get3A_1361 = arith.index_cast %add3A_1199 : i32 to index
        %get3A_1362 = arith.constant 112 : index
        %get3A_1363 = tpu.vector_load %arg14[%get3A_1361, %get3A_1362] {strides = array<i32>} : memref<80x128xf32, #tpu.memory_space<vmem>>, vector<1x16xf32>,
        %get3A_1364 = vector.shape_cast %get3A_1363 : vector<1x16xf32> to vector<16xf32>
        %add3A_1365 = arith.addf %get3A_1360, %get3A_1364 : vector<16xf32>
        %get3A_1366 = arith.constant 112 : index
        %get3A_1367 = tpu.vector_load %arg15[%get3A_1366] {strides = array<i32>} : memref<128xf32, #tpu.memory_space<vmem>>, vector<16xf32>,
        %get3A_1368 = vector.shape_cast %get3A_1367 : vector<16xf32> to vector<16xf32>
        %mul3A_1369 = arith.mulf %broadcast_in_dim3A_1202, %get3A_1368 : vector<16xf32>
        %add3A_1370 = arith.addf %add3A_1365, %mul3A_1369 : vector<16xf32>
        %max3A_1371 = arith.constant 0.000000e+00 : f32
        %max3A_1372 = vector.broadcast %max3A_1371 : f32 to vector<16xf32>
        %max3A_1373 = arith.maximumf %add3A_1370, %max3A_1372 : vector<16xf32>
        %swap3A_1374 = arith.index_cast %add3A_1199 : i32 to index
        %swap3A_1375 = arith.constant 112 : index
        %swap3A_1376 = tpu.vector_load %arg13[%swap3A_1374, %swap3A_1375] {strides = array<i32>} : memref<80x128xf32, #tpu.memory_space<vmem>>, vector<1x16xf32>,
        %swap3A_1377 = vector.shape_cast %swap3A_1376 : vector<1x16xf32> to vector<16xf32>
        %swap3A_1378 = vector.shape_cast %max3A_1373 : vector<16xf32> to vector<1x16xf32>
        tpu.vector_store %arg13[%swap3A_1374, %swap3A_1375], %swap3A_1378 {strides = array<i32>} : memref<80x128xf32, #tpu.memory_space<vmem>>, vector<1x16xf32>,
        %mul3A_1379 = arith.constant 16 : i32
        %mul3A_1380 = arith.muli %scan3A_98, %mul3A_1379 : i32
        %add3A_1381 = arith.constant 7 : i32
        %add3A_1382 = arith.addi %mul3A_1380, %add3A_1381 : i32
        %slice3A_1383 = vector.extract_strided_slice %get3A_102 {offsets = [7], sizes = [1], strides = [1]} : vector<16xf32> to vector<1xf32>
        %squeeze3A_1384 = vector.extract %slice3A_1383[0] : f32 from vector<1xf32>
        %broadcast_in_dim3A_1385 = vector.broadcast %squeeze3A_1384 : f32 to vector<16xf32>
        %get3A_1386 = arith.index_cast %add3A_1382 : i32 to index
        %get3A_1387 = arith.constant 0 : index
        %get3A_1388 = tpu.vector_load %arg13[%get3A_1386, %get3A_1387] {strides = array<i32>} : memref<80x128xf32, #tpu.memory_space<vmem>>, vector<1x16xf32>,
        %get3A_1389 = vector.shape_cast %get3A_1388 : vector<1x16xf32> to vector<16xf32>
        %get3A_1390 = arith.index_cast %add3A_1382 : i32 to index
        %get3A_1391 = arith.constant 0 : index
        %get3A_1392 = tpu.vector_load %arg14[%get3A_1390, %get3A_1391] {strides = array<i32>} : memref<80x128xf32, #tpu.memory_space<vmem>>, vector<1x16xf32>,
        %get3A_1393 = vector.shape_cast %get3A_1392 : vector<1x16xf32> to vector<16xf32>
        %add3A_1394 = arith.addf %get3A_1389, %get3A_1393 : vector<16xf32>
        %get3A_1395 = arith.constant 0 : index
        %get3A_1396 = tpu.vector_load %arg15[%get3A_1395] {strides = array<i32>} : memref<128xf32, #tpu.memory_space<vmem>>, vector<16xf32>,
        %get3A_1397 = vector.shape_cast %get3A_1396 : vector<16xf32> to vector<16xf32>
        %mul3A_1398 = arith.mulf %broadcast_in_dim3A_1385, %get3A_1397 : vector<16xf32>
        %add3A_1399 = arith.addf %add3A_1394, %mul3A_1398 : vector<16xf32>
        %max3A_1400 = arith.constant 0.000000e+00 : f32
        %max3A_1401 = vector.broadcast %max3A_1400 : f32 to vector<16xf32>
        %max3A_1402 = arith.maximumf %add3A_1399, %max3A_1401 : vector<16xf32>
        %swap3A_1403 = arith.index_cast %add3A_1382 : i32 to index
        %swap3A_1404 = arith.constant 0 : index
        %swap3A_1405 = tpu.vector_load %arg13[%swap3A_1403, %swap3A_1404] {strides = array<i32>} : memref<80x128xf32, #tpu.memory_space<vmem>>, vector<1x16xf32>,
        %swap3A_1406 = vector.shape_cast %swap3A_1405 : vector<1x16xf32> to vector<16xf32>
        %swap3A_1407 = vector.shape_cast %max3A_1402 : vector<16xf32> to vector<1x16xf32>
        tpu.vector_store %arg13[%swap3A_1403, %swap3A_1404], %swap3A_1407 {strides = array<i32>} : memref<80x128xf32, #tpu.memory_space<vmem>>, vector<1x16xf32>,
        %get3A_1408 = arith.index_cast %add3A_1382 : i32 to index
        %get3A_1409 = arith.constant 16 : index
        %get3A_1410 = tpu.vector_load %arg13[%get3A_1408, %get3A_1409] {strides = array<i32>} : memref<80x128xf32, #tpu.memory_space<vmem>>, vector<1x16xf32>,
        %get3A_1411 = vector.shape_cast %get3A_1410 : vector<1x16xf32> to vector<16xf32>
        %get3A_1412 = arith.index_cast %add3A_1382 : i32 to index
        %get3A_1413 = arith.constant 16 : index
        %get3A_1414 = tpu.vector_load %arg14[%get3A_1412, %get3A_1413] {strides = array<i32>} : memref<80x128xf32, #tpu.memory_space<vmem>>, vector<1x16xf32>,
        %get3A_1415 = vector.shape_cast %get3A_1414 : vector<1x16xf32> to vector<16xf32>
        %add3A_1416 = arith.addf %get3A_1411, %get3A_1415 : vector<16xf32>
        %get3A_1417 = arith.constant 16 : index
        %get3A_1418 = tpu.vector_load %arg15[%get3A_1417] {strides = array<i32>} : memref<128xf32, #tpu.memory_space<vmem>>, vector<16xf32>,
        %get3A_1419 = vector.shape_cast %get3A_1418 : vector<16xf32> to vector<16xf32>
        %mul3A_1420 = arith.mulf %broadcast_in_dim3A_1385, %get3A_1419 : vector<16xf32>
        %add3A_1421 = arith.addf %add3A_1416, %mul3A_1420 : vector<16xf32>
        %max3A_1422 = arith.constant 0.000000e+00 : f32
        %max3A_1423 = vector.broadcast %max3A_1422 : f32 to vector<16xf32>
        %max3A_1424 = arith.maximumf %add3A_1421, %max3A_1423 : vector<16xf32>
        %swap3A_1425 = arith.index_cast %add3A_1382 : i32 to index
        %swap3A_1426 = arith.constant 16 : index
        %swap3A_1427 = tpu.vector_load %arg13[%swap3A_1425, %swap3A_1426] {strides = array<i32>} : memref<80x128xf32, #tpu.memory_space<vmem>>, vector<1x16xf32>,
        %swap3A_1428 = vector.shape_cast %swap3A_1427 : vector<1x16xf32> to vector<16xf32>
        %swap3A_1429 = vector.shape_cast %max3A_1424 : vector<16xf32> to vector<1x16xf32>
        tpu.vector_store %arg13[%swap3A_1425, %swap3A_1426], %swap3A_1429 {strides = array<i32>} : memref<80x128xf32, #tpu.memory_space<vmem>>, vector<1x16xf32>,
        %get3A_1430 = arith.index_cast %add3A_1382 : i32 to index
        %get3A_1431 = arith.constant 32 : index
        %get3A_1432 = tpu.vector_load %arg13[%get3A_1430, %get3A_1431] {strides = array<i32>} : memref<80x128xf32, #tpu.memory_space<vmem>>, vector<1x16xf32>,
        %get3A_1433 = vector.shape_cast %get3A_1432 : vector<1x16xf32> to vector<16xf32>
        %get3A_1434 = arith.index_cast %add3A_1382 : i32 to index
        %get3A_1435 = arith.constant 32 : index
        %get3A_1436 = tpu.vector_load %arg14[%get3A_1434, %get3A_1435] {strides = array<i32>} : memref<80x128xf32, #tpu.memory_space<vmem>>, vector<1x16xf32>,
        %get3A_1437 = vector.shape_cast %get3A_1436 : vector<1x16xf32> to vector<16xf32>
        %add3A_1438 = arith.addf %get3A_1433, %get3A_1437 : vector<16xf32>
        %get3A_1439 = arith.constant 32 : index
        %get3A_1440 = tpu.vector_load %arg15[%get3A_1439] {strides = array<i32>} : memref<128xf32, #tpu.memory_space<vmem>>, vector<16xf32>,
        %get3A_1441 = vector.shape_cast %get3A_1440 : vector<16xf32> to vector<16xf32>
        %mul3A_1442 = arith.mulf %broadcast_in_dim3A_1385, %get3A_1441 : vector<16xf32>
        %add3A_1443 = arith.addf %add3A_1438, %mul3A_1442 : vector<16xf32>
        %max3A_1444 = arith.constant 0.000000e+00 : f32
        %max3A_1445 = vector.broadcast %max3A_1444 : f32 to vector<16xf32>
        %max3A_1446 = arith.maximumf %add3A_1443, %max3A_1445 : vector<16xf32>
        %swap3A_1447 = arith.index_cast %add3A_1382 : i32 to index
        %swap3A_1448 = arith.constant 32 : index
        %swap3A_1449 = tpu.vector_load %arg13[%swap3A_1447, %swap3A_1448] {strides = array<i32>} : memref<80x128xf32, #tpu.memory_space<vmem>>, vector<1x16xf32>,
        %swap3A_1450 = vector.shape_cast %swap3A_1449 : vector<1x16xf32> to vector<16xf32>
        %swap3A_1451 = vector.shape_cast %max3A_1446 : vector<16xf32> to vector<1x16xf32>
        tpu.vector_store %arg13[%swap3A_1447, %swap3A_1448], %swap3A_1451 {strides = array<i32>} : memref<80x128xf32, #tpu.memory_space<vmem>>, vector<1x16xf32>,
        %get3A_1452 = arith.index_cast %add3A_1382 : i32 to index
        %get3A_1453 = arith.constant 48 : index
        %get3A_1454 = tpu.vector_load %arg13[%get3A_1452, %get3A_1453] {strides = array<i32>} : memref<80x128xf32, #tpu.memory_space<vmem>>, vector<1x16xf32>,
        %get3A_1455 = vector.shape_cast %get3A_1454 : vector<1x16xf32> to vector<16xf32>
        %get3A_1456 = arith.index_cast %add3A_1382 : i32 to index
        %get3A_1457 = arith.constant 48 : index
        %get3A_1458 = tpu.vector_load %arg14[%get3A_1456, %get3A_1457] {strides = array<i32>} : memref<80x128xf32, #tpu.memory_space<vmem>>, vector<1x16xf32>,
        %get3A_1459 = vector.shape_cast %get3A_1458 : vector<1x16xf32> to vector<16xf32>
        %add3A_1460 = arith.addf %get3A_1455, %get3A_1459 : vector<16xf32>
        %get3A_1461 = arith.constant 48 : index
        %get3A_1462 = tpu.vector_load %arg15[%get3A_1461] {strides = array<i32>} : memref<128xf32, #tpu.memory_space<vmem>>, vector<16xf32>,
        %get3A_1463 = vector.shape_cast %get3A_1462 : vector<16xf32> to vector<16xf32>
        %mul3A_1464 = arith.mulf %broadcast_in_dim3A_1385, %get3A_1463 : vector<16xf32>
        %add3A_1465 = arith.addf %add3A_1460, %mul3A_1464 : vector<16xf32>
        %max3A_1466 = arith.constant 0.000000e+00 : f32
        %max3A_1467 = vector.broadcast %max3A_1466 : f32 to vector<16xf32>
        %max3A_1468 = arith.maximumf %add3A_1465, %max3A_1467 : vector<16xf32>
        %swap3A_1469 = arith.index_cast %add3A_1382 : i32 to index
        %swap3A_1470 = arith.constant 48 : index
        %swap3A_1471 = tpu.vector_load %arg13[%swap3A_1469, %swap3A_1470] {strides = array<i32>} : memref<80x128xf32, #tpu.memory_space<vmem>>, vector<1x16xf32>,
        %swap3A_1472 = vector.shape_cast %swap3A_1471 : vector<1x16xf32> to vector<16xf32>
        %swap3A_1473 = vector.shape_cast %max3A_1468 : vector<16xf32> to vector<1x16xf32>
        tpu.vector_store %arg13[%swap3A_1469, %swap3A_1470], %swap3A_1473 {strides = array<i32>} : memref<80x128xf32, #tpu.memory_space<vmem>>, vector<1x16xf32>,
        %get3A_1474 = arith.index_cast %add3A_1382 : i32 to index
        %get3A_1475 = arith.constant 64 : index
        %get3A_1476 = tpu.vector_load %arg13[%get3A_1474, %get3A_1475] {strides = array<i32>} : memref<80x128xf32, #tpu.memory_space<vmem>>, vector<1x16xf32>,
        %get3A_1477 = vector.shape_cast %get3A_1476 : vector<1x16xf32> to vector<16xf32>
        %get3A_1478 = arith.index_cast %add3A_1382 : i32 to index
        %get3A_1479 = arith.constant 64 : index
        %get3A_1480 = tpu.vector_load %arg14[%get3A_1478, %get3A_1479] {strides = array<i32>} : memref<80x128xf32, #tpu.memory_space<vmem>>, vector<1x16xf32>,
        %get3A_1481 = vector.shape_cast %get3A_1480 : vector<1x16xf32> to vector<16xf32>
        %add3A_1482 = arith.addf %get3A_1477, %get3A_1481 : vector<16xf32>
        %get3A_1483 = arith.constant 64 : index
        %get3A_1484 = tpu.vector_load %arg15[%get3A_1483] {strides = array<i32>} : memref<128xf32, #tpu.memory_space<vmem>>, vector<16xf32>,
        %get3A_1485 = vector.shape_cast %get3A_1484 : vector<16xf32> to vector<16xf32>
        %mul3A_1486 = arith.mulf %broadcast_in_dim3A_1385, %get3A_1485 : vector<16xf32>
        %add3A_1487 = arith.addf %add3A_1482, %mul3A_1486 : vector<16xf32>
        %max3A_1488 = arith.constant 0.000000e+00 : f32
        %max3A_1489 = vector.broadcast %max3A_1488 : f32 to vector<16xf32>
        %max3A_1490 = arith.maximumf %add3A_1487, %max3A_1489 : vector<16xf32>
        %swap3A_1491 = arith.index_cast %add3A_1382 : i32 to index
        %swap3A_1492 = arith.constant 64 : index
        %swap3A_1493 = tpu.vector_load %arg13[%swap3A_1491, %swap3A_1492] {strides = array<i32>} : memref<80x128xf32, #tpu.memory_space<vmem>>, vector<1x16xf32>,
        %swap3A_1494 = vector.shape_cast %swap3A_1493 : vector<1x16xf32> to vector<16xf32>
        %swap3A_1495 = vector.shape_cast %max3A_1490 : vector<16xf32> to vector<1x16xf32>
        tpu.vector_store %arg13[%swap3A_1491, %swap3A_1492], %swap3A_1495 {strides = array<i32>} : memref<80x128xf32, #tpu.memory_space<vmem>>, vector<1x16xf32>,
        %get3A_1496 = arith.index_cast %add3A_1382 : i32 to index
        %get3A_1497 = arith.constant 80 : index
        %get3A_1498 = tpu.vector_load %arg13[%get3A_1496, %get3A_1497] {strides = array<i32>} : memref<80x128xf32, #tpu.memory_space<vmem>>, vector<1x16xf32>,
        %get3A_1499 = vector.shape_cast %get3A_1498 : vector<1x16xf32> to vector<16xf32>
        %get3A_1500 = arith.index_cast %add3A_1382 : i32 to index
        %get3A_1501 = arith.constant 80 : index
        %get3A_1502 = tpu.vector_load %arg14[%get3A_1500, %get3A_1501] {strides = array<i32>} : memref<80x128xf32, #tpu.memory_space<vmem>>, vector<1x16xf32>,
        %get3A_1503 = vector.shape_cast %get3A_1502 : vector<1x16xf32> to vector<16xf32>
        %add3A_1504 = arith.addf %get3A_1499, %get3A_1503 : vector<16xf32>
        %get3A_1505 = arith.constant 80 : index
        %get3A_1506 = tpu.vector_load %arg15[%get3A_1505] {strides = array<i32>} : memref<128xf32, #tpu.memory_space<vmem>>, vector<16xf32>,
        %get3A_1507 = vector.shape_cast %get3A_1506 : vector<16xf32> to vector<16xf32>
        %mul3A_1508 = arith.mulf %broadcast_in_dim3A_1385, %get3A_1507 : vector<16xf32>
        %add3A_1509 = arith.addf %add3A_1504, %mul3A_1508 : vector<16xf32>
        %max3A_1510 = arith.constant 0.000000e+00 : f32
        %max3A_1511 = vector.broadcast %max3A_1510 : f32 to vector<16xf32>
        %max3A_1512 = arith.maximumf %add3A_1509, %max3A_1511 : vector<16xf32>
        %swap3A_1513 = arith.index_cast %add3A_1382 : i32 to index
        %swap3A_1514 = arith.constant 80 : index
        %swap3A_1515 = tpu.vector_load %arg13[%swap3A_1513, %swap3A_1514] {strides = array<i32>} : memref<80x128xf32, #tpu.memory_space<vmem>>, vector<1x16xf32>,
        %swap3A_1516 = vector.shape_cast %swap3A_1515 : vector<1x16xf32> to vector<16xf32>
        %swap3A_1517 = vector.shape_cast %max3A_1512 : vector<16xf32> to vector<1x16xf32>
        tpu.vector_store %arg13[%swap3A_1513, %swap3A_1514], %swap3A_1517 {strides = array<i32>} : memref<80x128xf32, #tpu.memory_space<vmem>>, vector<1x16xf32>,
        %get3A_1518 = arith.index_cast %add3A_1382 : i32 to index
        %get3A_1519 = arith.constant 96 : index
        %get3A_1520 = tpu.vector_load %arg13[%get3A_1518, %get3A_1519] {strides = array<i32>} : memref<80x128xf32, #tpu.memory_space<vmem>>, vector<1x16xf32>,
        %get3A_1521 = vector.shape_cast %get3A_1520 : vector<1x16xf32> to vector<16xf32>
        %get3A_1522 = arith.index_cast %add3A_1382 : i32 to index
        %get3A_1523 = arith.constant 96 : index
        %get3A_1524 = tpu.vector_load %arg14[%get3A_1522, %get3A_1523] {strides = array<i32>} : memref<80x128xf32, #tpu.memory_space<vmem>>, vector<1x16xf32>,
        %get3A_1525 = vector.shape_cast %get3A_1524 : vector<1x16xf32> to vector<16xf32>
        %add3A_1526 = arith.addf %get3A_1521, %get3A_1525 : vector<16xf32>
        %get3A_1527 = arith.constant 96 : index
        %get3A_1528 = tpu.vector_load %arg15[%get3A_1527] {strides = array<i32>} : memref<128xf32, #tpu.memory_space<vmem>>, vector<16xf32>,
        %get3A_1529 = vector.shape_cast %get3A_1528 : vector<16xf32> to vector<16xf32>
        %mul3A_1530 = arith.mulf %broadcast_in_dim3A_1385, %get3A_1529 : vector<16xf32>
        %add3A_1531 = arith.addf %add3A_1526, %mul3A_1530 : vector<16xf32>
        %max3A_1532 = arith.constant 0.000000e+00 : f32
        %max3A_1533 = vector.broadcast %max3A_1532 : f32 to vector<16xf32>
        %max3A_1534 = arith.maximumf %add3A_1531, %max3A_1533 : vector<16xf32>
        %swap3A_1535 = arith.index_cast %add3A_1382 : i32 to index
        %swap3A_1536 = arith.constant 96 : index
        %swap3A_1537 = tpu.vector_load %arg13[%swap3A_1535, %swap3A_1536] {strides = array<i32>} : memref<80x128xf32, #tpu.memory_space<vmem>>, vector<1x16xf32>,
        %swap3A_1538 = vector.shape_cast %swap3A_1537 : vector<1x16xf32> to vector<16xf32>
        %swap3A_1539 = vector.shape_cast %max3A_1534 : vector<16xf32> to vector<1x16xf32>
        tpu.vector_store %arg13[%swap3A_1535, %swap3A_1536], %swap3A_1539 {strides = array<i32>} : memref<80x128xf32, #tpu.memory_space<vmem>>, vector<1x16xf32>,
        %get3A_1540 = arith.index_cast %add3A_1382 : i32 to index
        %get3A_1541 = arith.constant 112 : index
        %get3A_1542 = tpu.vector_load %arg13[%get3A_1540, %get3A_1541] {strides = array<i32>} : memref<80x128xf32, #tpu.memory_space<vmem>>, vector<1x16xf32>,
        %get3A_1543 = vector.shape_cast %get3A_1542 : vector<1x16xf32> to vector<16xf32>
        %get3A_1544 = arith.index_cast %add3A_1382 : i32 to index
        %get3A_1545 = arith.constant 112 : index
        %get3A_1546 = tpu.vector_load %arg14[%get3A_1544, %get3A_1545] {strides = array<i32>} : memref<80x128xf32, #tpu.memory_space<vmem>>, vector<1x16xf32>,
        %get3A_1547 = vector.shape_cast %get3A_1546 : vector<1x16xf32> to vector<16xf32>
        %add3A_1548 = arith.addf %get3A_1543, %get3A_1547 : vector<16xf32>
        %get3A_1549 = arith.constant 112 : index
        %get3A_1550 = tpu.vector_load %arg15[%get3A_1549] {strides = array<i32>} : memref<128xf32, #tpu.memory_space<vmem>>, vector<16xf32>,
        %get3A_1551 = vector.shape_cast %get3A_1550 : vector<16xf32> to vector<16xf32>
        %mul3A_1552 = arith.mulf %broadcast_in_dim3A_1385, %get3A_1551 : vector<16xf32>
        %add3A_1553 = arith.addf %add3A_1548, %mul3A_1552 : vector<16xf32>
        %max3A_1554 = arith.constant 0.000000e+00 : f32
        %max3A_1555 = vector.broadcast %max3A_1554 : f32 to vector<16xf32>
        %max3A_1556 = arith.maximumf %add3A_1553, %max3A_1555 : vector<16xf32>
        %swap3A_1557 = arith.index_cast %add3A_1382 : i32 to index
        %swap3A_1558 = arith.constant 112 : index
        %swap3A_1559 = tpu.vector_load %arg13[%swap3A_1557, %swap3A_1558] {strides = array<i32>} : memref<80x128xf32, #tpu.memory_space<vmem>>, vector<1x16xf32>,
        %swap3A_1560 = vector.shape_cast %swap3A_1559 : vector<1x16xf32> to vector<16xf32>
        %swap3A_1561 = vector.shape_cast %max3A_1556 : vector<16xf32> to vector<1x16xf32>
        tpu.vector_store %arg13[%swap3A_1557, %swap3A_1558], %swap3A_1561 {strides = array<i32>} : memref<80x128xf32, #tpu.memory_space<vmem>>, vector<1x16xf32>,
        %mul3A_1562 = arith.constant 16 : i32
        %mul3A_1563 = arith.muli %scan3A_98, %mul3A_1562 : i32
        %add3A_1564 = arith.constant 8 : i32
        %add3A_1565 = arith.addi %mul3A_1563, %add3A_1564 : i32
        %slice3A_1566 = vector.extract_strided_slice %get3A_102 {offsets = [8], sizes = [1], strides = [1]} : vector<16xf32> to vector<1xf32>
        %squeeze3A_1567 = vector.extract %slice3A_1566[0] : f32 from vector<1xf32>
        %broadcast_in_dim3A_1568 = vector.broadcast %squeeze3A_1567 : f32 to vector<16xf32>
        %get3A_1569 = arith.index_cast %add3A_1565 : i32 to index
        %get3A_1570 = arith.constant 0 : index
        %get3A_1571 = tpu.vector_load %arg13[%get3A_1569, %get3A_1570] {strides = array<i32>} : memref<80x128xf32, #tpu.memory_space<vmem>>, vector<1x16xf32>,
        %get3A_1572 = vector.shape_cast %get3A_1571 : vector<1x16xf32> to vector<16xf32>
        %get3A_1573 = arith.index_cast %add3A_1565 : i32 to index
        %get3A_1574 = arith.constant 0 : index
        %get3A_1575 = tpu.vector_load %arg14[%get3A_1573, %get3A_1574] {strides = array<i32>} : memref<80x128xf32, #tpu.memory_space<vmem>>, vector<1x16xf32>,
        %get3A_1576 = vector.shape_cast %get3A_1575 : vector<1x16xf32> to vector<16xf32>
        %add3A_1577 = arith.addf %get3A_1572, %get3A_1576 : vector<16xf32>
        %get3A_1578 = arith.constant 0 : index
        %get3A_1579 = tpu.vector_load %arg15[%get3A_1578] {strides = array<i32>} : memref<128xf32, #tpu.memory_space<vmem>>, vector<16xf32>,
        %get3A_1580 = vector.shape_cast %get3A_1579 : vector<16xf32> to vector<16xf32>
        %mul3A_1581 = arith.mulf %broadcast_in_dim3A_1568, %get3A_1580 : vector<16xf32>
        %add3A_1582 = arith.addf %add3A_1577, %mul3A_1581 : vector<16xf32>
        %max3A_1583 = arith.constant 0.000000e+00 : f32
        %max3A_1584 = vector.broadcast %max3A_1583 : f32 to vector<16xf32>
        %max3A_1585 = arith.maximumf %add3A_1582, %max3A_1584 : vector<16xf32>
        %swap3A_1586 = arith.index_cast %add3A_1565 : i32 to index
        %swap3A_1587 = arith.constant 0 : index
        %swap3A_1588 = tpu.vector_load %arg13[%swap3A_1586, %swap3A_1587] {strides = array<i32>} : memref<80x128xf32, #tpu.memory_space<vmem>>, vector<1x16xf32>,
        %swap3A_1589 = vector.shape_cast %swap3A_1588 : vector<1x16xf32> to vector<16xf32>
        %swap3A_1590 = vector.shape_cast %max3A_1585 : vector<16xf32> to vector<1x16xf32>
        tpu.vector_store %arg13[%swap3A_1586, %swap3A_1587], %swap3A_1590 {strides = array<i32>} : memref<80x128xf32, #tpu.memory_space<vmem>>, vector<1x16xf32>,
        %get3A_1591 = arith.index_cast %add3A_1565 : i32 to index
        %get3A_1592 = arith.constant 16 : index
        %get3A_1593 = tpu.vector_load %arg13[%get3A_1591, %get3A_1592] {strides = array<i32>} : memref<80x128xf32, #tpu.memory_space<vmem>>, vector<1x16xf32>,
        %get3A_1594 = vector.shape_cast %get3A_1593 : vector<1x16xf32> to vector<16xf32>
        %get3A_1595 = arith.index_cast %add3A_1565 : i32 to index
        %get3A_1596 = arith.constant 16 : index
        %get3A_1597 = tpu.vector_load %arg14[%get3A_1595, %get3A_1596] {strides = array<i32>} : memref<80x128xf32, #tpu.memory_space<vmem>>, vector<1x16xf32>,
        %get3A_1598 = vector.shape_cast %get3A_1597 : vector<1x16xf32> to vector<16xf32>
        %add3A_1599 = arith.addf %get3A_1594, %get3A_1598 : vector<16xf32>
        %get3A_1600 = arith.constant 16 : index
        %get3A_1601 = tpu.vector_load %arg15[%get3A_1600] {strides = array<i32>} : memref<128xf32, #tpu.memory_space<vmem>>, vector<16xf32>,
        %get3A_1602 = vector.shape_cast %get3A_1601 : vector<16xf32> to vector<16xf32>
        %mul3A_1603 = arith.mulf %broadcast_in_dim3A_1568, %get3A_1602 : vector<16xf32>
        %add3A_1604 = arith.addf %add3A_1599, %mul3A_1603 : vector<16xf32>
        %max3A_1605 = arith.constant 0.000000e+00 : f32
        %max3A_1606 = vector.broadcast %max3A_1605 : f32 to vector<16xf32>
        %max3A_1607 = arith.maximumf %add3A_1604, %max3A_1606 : vector<16xf32>
        %swap3A_1608 = arith.index_cast %add3A_1565 : i32 to index
        %swap3A_1609 = arith.constant 16 : index
        %swap3A_1610 = tpu.vector_load %arg13[%swap3A_1608, %swap3A_1609] {strides = array<i32>} : memref<80x128xf32, #tpu.memory_space<vmem>>, vector<1x16xf32>,
        %swap3A_1611 = vector.shape_cast %swap3A_1610 : vector<1x16xf32> to vector<16xf32>
        %swap3A_1612 = vector.shape_cast %max3A_1607 : vector<16xf32> to vector<1x16xf32>
        tpu.vector_store %arg13[%swap3A_1608, %swap3A_1609], %swap3A_1612 {strides = array<i32>} : memref<80x128xf32, #tpu.memory_space<vmem>>, vector<1x16xf32>,
        %get3A_1613 = arith.index_cast %add3A_1565 : i32 to index
        %get3A_1614 = arith.constant 32 : index
        %get3A_1615 = tpu.vector_load %arg13[%get3A_1613, %get3A_1614] {strides = array<i32>} : memref<80x128xf32, #tpu.memory_space<vmem>>, vector<1x16xf32>,
        %get3A_1616 = vector.shape_cast %get3A_1615 : vector<1x16xf32> to vector<16xf32>
        %get3A_1617 = arith.index_cast %add3A_1565 : i32 to index
        %get3A_1618 = arith.constant 32 : index
        %get3A_1619 = tpu.vector_load %arg14[%get3A_1617, %get3A_1618] {strides = array<i32>} : memref<80x128xf32, #tpu.memory_space<vmem>>, vector<1x16xf32>,
        %get3A_1620 = vector.shape_cast %get3A_1619 : vector<1x16xf32> to vector<16xf32>
        %add3A_1621 = arith.addf %get3A_1616, %get3A_1620 : vector<16xf32>
        %get3A_1622 = arith.constant 32 : index
        %get3A_1623 = tpu.vector_load %arg15[%get3A_1622] {strides = array<i32>} : memref<128xf32, #tpu.memory_space<vmem>>, vector<16xf32>,
        %get3A_1624 = vector.shape_cast %get3A_1623 : vector<16xf32> to vector<16xf32>
        %mul3A_1625 = arith.mulf %broadcast_in_dim3A_1568, %get3A_1624 : vector<16xf32>
        %add3A_1626 = arith.addf %add3A_1621, %mul3A_1625 : vector<16xf32>
        %max3A_1627 = arith.constant 0.000000e+00 : f32
        %max3A_1628 = vector.broadcast %max3A_1627 : f32 to vector<16xf32>
        %max3A_1629 = arith.maximumf %add3A_1626, %max3A_1628 : vector<16xf32>
        %swap3A_1630 = arith.index_cast %add3A_1565 : i32 to index
        %swap3A_1631 = arith.constant 32 : index
        %swap3A_1632 = tpu.vector_load %arg13[%swap3A_1630, %swap3A_1631] {strides = array<i32>} : memref<80x128xf32, #tpu.memory_space<vmem>>, vector<1x16xf32>,
        %swap3A_1633 = vector.shape_cast %swap3A_1632 : vector<1x16xf32> to vector<16xf32>
        %swap3A_1634 = vector.shape_cast %max3A_1629 : vector<16xf32> to vector<1x16xf32>
        tpu.vector_store %arg13[%swap3A_1630, %swap3A_1631], %swap3A_1634 {strides = array<i32>} : memref<80x128xf32, #tpu.memory_space<vmem>>, vector<1x16xf32>,
        %get3A_1635 = arith.index_cast %add3A_1565 : i32 to index
        %get3A_1636 = arith.constant 48 : index
        %get3A_1637 = tpu.vector_load %arg13[%get3A_1635, %get3A_1636] {strides = array<i32>} : memref<80x128xf32, #tpu.memory_space<vmem>>, vector<1x16xf32>,
        %get3A_1638 = vector.shape_cast %get3A_1637 : vector<1x16xf32> to vector<16xf32>
        %get3A_1639 = arith.index_cast %add3A_1565 : i32 to index
        %get3A_1640 = arith.constant 48 : index
        %get3A_1641 = tpu.vector_load %arg14[%get3A_1639, %get3A_1640] {strides = array<i32>} : memref<80x128xf32, #tpu.memory_space<vmem>>, vector<1x16xf32>,
        %get3A_1642 = vector.shape_cast %get3A_1641 : vector<1x16xf32> to vector<16xf32>
        %add3A_1643 = arith.addf %get3A_1638, %get3A_1642 : vector<16xf32>
        %get3A_1644 = arith.constant 48 : index
        %get3A_1645 = tpu.vector_load %arg15[%get3A_1644] {strides = array<i32>} : memref<128xf32, #tpu.memory_space<vmem>>, vector<16xf32>,
        %get3A_1646 = vector.shape_cast %get3A_1645 : vector<16xf32> to vector<16xf32>
        %mul3A_1647 = arith.mulf %broadcast_in_dim3A_1568, %get3A_1646 : vector<16xf32>
        %add3A_1648 = arith.addf %add3A_1643, %mul3A_1647 : vector<16xf32>
        %max3A_1649 = arith.constant 0.000000e+00 : f32
        %max3A_1650 = vector.broadcast %max3A_1649 : f32 to vector<16xf32>
        %max3A_1651 = arith.maximumf %add3A_1648, %max3A_1650 : vector<16xf32>
        %swap3A_1652 = arith.index_cast %add3A_1565 : i32 to index
        %swap3A_1653 = arith.constant 48 : index
        %swap3A_1654 = tpu.vector_load %arg13[%swap3A_1652, %swap3A_1653] {strides = array<i32>} : memref<80x128xf32, #tpu.memory_space<vmem>>, vector<1x16xf32>,
        %swap3A_1655 = vector.shape_cast %swap3A_1654 : vector<1x16xf32> to vector<16xf32>
        %swap3A_1656 = vector.shape_cast %max3A_1651 : vector<16xf32> to vector<1x16xf32>
        tpu.vector_store %arg13[%swap3A_1652, %swap3A_1653], %swap3A_1656 {strides = array<i32>} : memref<80x128xf32, #tpu.memory_space<vmem>>, vector<1x16xf32>,
        %get3A_1657 = arith.index_cast %add3A_1565 : i32 to index
        %get3A_1658 = arith.constant 64 : index
        %get3A_1659 = tpu.vector_load %arg13[%get3A_1657, %get3A_1658] {strides = array<i32>} : memref<80x128xf32, #tpu.memory_space<vmem>>, vector<1x16xf32>,
        %get3A_1660 = vector.shape_cast %get3A_1659 : vector<1x16xf32> to vector<16xf32>
        %get3A_1661 = arith.index_cast %add3A_1565 : i32 to index
        %get3A_1662 = arith.constant 64 : index
        %get3A_1663 = tpu.vector_load %arg14[%get3A_1661, %get3A_1662] {strides = array<i32>} : memref<80x128xf32, #tpu.memory_space<vmem>>, vector<1x16xf32>,
        %get3A_1664 = vector.shape_cast %get3A_1663 : vector<1x16xf32> to vector<16xf32>
        %add3A_1665 = arith.addf %get3A_1660, %get3A_1664 : vector<16xf32>
        %get3A_1666 = arith.constant 64 : index
        %get3A_1667 = tpu.vector_load %arg15[%get3A_1666] {strides = array<i32>} : memref<128xf32, #tpu.memory_space<vmem>>, vector<16xf32>,
        %get3A_1668 = vector.shape_cast %get3A_1667 : vector<16xf32> to vector<16xf32>
        %mul3A_1669 = arith.mulf %broadcast_in_dim3A_1568, %get3A_1668 : vector<16xf32>
        %add3A_1670 = arith.addf %add3A_1665, %mul3A_1669 : vector<16xf32>
        %max3A_1671 = arith.constant 0.000000e+00 : f32
        %max3A_1672 = vector.broadcast %max3A_1671 : f32 to vector<16xf32>
        %max3A_1673 = arith.maximumf %add3A_1670, %max3A_1672 : vector<16xf32>
        %swap3A_1674 = arith.index_cast %add3A_1565 : i32 to index
        %swap3A_1675 = arith.constant 64 : index
        %swap3A_1676 = tpu.vector_load %arg13[%swap3A_1674, %swap3A_1675] {strides = array<i32>} : memref<80x128xf32, #tpu.memory_space<vmem>>, vector<1x16xf32>,
        %swap3A_1677 = vector.shape_cast %swap3A_1676 : vector<1x16xf32> to vector<16xf32>
        %swap3A_1678 = vector.shape_cast %max3A_1673 : vector<16xf32> to vector<1x16xf32>
        tpu.vector_store %arg13[%swap3A_1674, %swap3A_1675], %swap3A_1678 {strides = array<i32>} : memref<80x128xf32, #tpu.memory_space<vmem>>, vector<1x16xf32>,
        %get3A_1679 = arith.index_cast %add3A_1565 : i32 to index
        %get3A_1680 = arith.constant 80 : index
        %get3A_1681 = tpu.vector_load %arg13[%get3A_1679, %get3A_1680] {strides = array<i32>} : memref<80x128xf32, #tpu.memory_space<vmem>>, vector<1x16xf32>,
        %get3A_1682 = vector.shape_cast %get3A_1681 : vector<1x16xf32> to vector<16xf32>
        %get3A_1683 = arith.index_cast %add3A_1565 : i32 to index
        %get3A_1684 = arith.constant 80 : index
        %get3A_1685 = tpu.vector_load %arg14[%get3A_1683, %get3A_1684] {strides = array<i32>} : memref<80x128xf32, #tpu.memory_space<vmem>>, vector<1x16xf32>,
        %get3A_1686 = vector.shape_cast %get3A_1685 : vector<1x16xf32> to vector<16xf32>
        %add3A_1687 = arith.addf %get3A_1682, %get3A_1686 : vector<16xf32>
        %get3A_1688 = arith.constant 80 : index
        %get3A_1689 = tpu.vector_load %arg15[%get3A_1688] {strides = array<i32>} : memref<128xf32, #tpu.memory_space<vmem>>, vector<16xf32>,
        %get3A_1690 = vector.shape_cast %get3A_1689 : vector<16xf32> to vector<16xf32>
        %mul3A_1691 = arith.mulf %broadcast_in_dim3A_1568, %get3A_1690 : vector<16xf32>
        %add3A_1692 = arith.addf %add3A_1687, %mul3A_1691 : vector<16xf32>
        %max3A_1693 = arith.constant 0.000000e+00 : f32
        %max3A_1694 = vector.broadcast %max3A_1693 : f32 to vector<16xf32>
        %max3A_1695 = arith.maximumf %add3A_1692, %max3A_1694 : vector<16xf32>
        %swap3A_1696 = arith.index_cast %add3A_1565 : i32 to index
        %swap3A_1697 = arith.constant 80 : index
        %swap3A_1698 = tpu.vector_load %arg13[%swap3A_1696, %swap3A_1697] {strides = array<i32>} : memref<80x128xf32, #tpu.memory_space<vmem>>, vector<1x16xf32>,
        %swap3A_1699 = vector.shape_cast %swap3A_1698 : vector<1x16xf32> to vector<16xf32>
        %swap3A_1700 = vector.shape_cast %max3A_1695 : vector<16xf32> to vector<1x16xf32>
        tpu.vector_store %arg13[%swap3A_1696, %swap3A_1697], %swap3A_1700 {strides = array<i32>} : memref<80x128xf32, #tpu.memory_space<vmem>>, vector<1x16xf32>,
        %get3A_1701 = arith.index_cast %add3A_1565 : i32 to index
        %get3A_1702 = arith.constant 96 : index
        %get3A_1703 = tpu.vector_load %arg13[%get3A_1701, %get3A_1702] {strides = array<i32>} : memref<80x128xf32, #tpu.memory_space<vmem>>, vector<1x16xf32>,
        %get3A_1704 = vector.shape_cast %get3A_1703 : vector<1x16xf32> to vector<16xf32>
        %get3A_1705 = arith.index_cast %add3A_1565 : i32 to index
        %get3A_1706 = arith.constant 96 : index
        %get3A_1707 = tpu.vector_load %arg14[%get3A_1705, %get3A_1706] {strides = array<i32>} : memref<80x128xf32, #tpu.memory_space<vmem>>, vector<1x16xf32>,
        %get3A_1708 = vector.shape_cast %get3A_1707 : vector<1x16xf32> to vector<16xf32>
        %add3A_1709 = arith.addf %get3A_1704, %get3A_1708 : vector<16xf32>
        %get3A_1710 = arith.constant 96 : index
        %get3A_1711 = tpu.vector_load %arg15[%get3A_1710] {strides = array<i32>} : memref<128xf32, #tpu.memory_space<vmem>>, vector<16xf32>,
        %get3A_1712 = vector.shape_cast %get3A_1711 : vector<16xf32> to vector<16xf32>
        %mul3A_1713 = arith.mulf %broadcast_in_dim3A_1568, %get3A_1712 : vector<16xf32>
        %add3A_1714 = arith.addf %add3A_1709, %mul3A_1713 : vector<16xf32>
        %max3A_1715 = arith.constant 0.000000e+00 : f32
        %max3A_1716 = vector.broadcast %max3A_1715 : f32 to vector<16xf32>
        %max3A_1717 = arith.maximumf %add3A_1714, %max3A_1716 : vector<16xf32>
        %swap3A_1718 = arith.index_cast %add3A_1565 : i32 to index
        %swap3A_1719 = arith.constant 96 : index
        %swap3A_1720 = tpu.vector_load %arg13[%swap3A_1718, %swap3A_1719] {strides = array<i32>} : memref<80x128xf32, #tpu.memory_space<vmem>>, vector<1x16xf32>,
        %swap3A_1721 = vector.shape_cast %swap3A_1720 : vector<1x16xf32> to vector<16xf32>
        %swap3A_1722 = vector.shape_cast %max3A_1717 : vector<16xf32> to vector<1x16xf32>
        tpu.vector_store %arg13[%swap3A_1718, %swap3A_1719], %swap3A_1722 {strides = array<i32>} : memref<80x128xf32, #tpu.memory_space<vmem>>, vector<1x16xf32>,
        %get3A_1723 = arith.index_cast %add3A_1565 : i32 to index
        %get3A_1724 = arith.constant 112 : index
        %get3A_1725 = tpu.vector_load %arg13[%get3A_1723, %get3A_1724] {strides = array<i32>} : memref<80x128xf32, #tpu.memory_space<vmem>>, vector<1x16xf32>,
        %get3A_1726 = vector.shape_cast %get3A_1725 : vector<1x16xf32> to vector<16xf32>
        %get3A_1727 = arith.index_cast %add3A_1565 : i32 to index
        %get3A_1728 = arith.constant 112 : index
        %get3A_1729 = tpu.vector_load %arg14[%get3A_1727, %get3A_1728] {strides = array<i32>} : memref<80x128xf32, #tpu.memory_space<vmem>>, vector<1x16xf32>,
        %get3A_1730 = vector.shape_cast %get3A_1729 : vector<1x16xf32> to vector<16xf32>
        %add3A_1731 = arith.addf %get3A_1726, %get3A_1730 : vector<16xf32>
        %get3A_1732 = arith.constant 112 : index
        %get3A_1733 = tpu.vector_load %arg15[%get3A_1732] {strides = array<i32>} : memref<128xf32, #tpu.memory_space<vmem>>, vector<16xf32>,
        %get3A_1734 = vector.shape_cast %get3A_1733 : vector<16xf32> to vector<16xf32>
        %mul3A_1735 = arith.mulf %broadcast_in_dim3A_1568, %get3A_1734 : vector<16xf32>
        %add3A_1736 = arith.addf %add3A_1731, %mul3A_1735 : vector<16xf32>
        %max3A_1737 = arith.constant 0.000000e+00 : f32
        %max3A_1738 = vector.broadcast %max3A_1737 : f32 to vector<16xf32>
        %max3A_1739 = arith.maximumf %add3A_1736, %max3A_1738 : vector<16xf32>
        %swap3A_1740 = arith.index_cast %add3A_1565 : i32 to index
        %swap3A_1741 = arith.constant 112 : index
        %swap3A_1742 = tpu.vector_load %arg13[%swap3A_1740, %swap3A_1741] {strides = array<i32>} : memref<80x128xf32, #tpu.memory_space<vmem>>, vector<1x16xf32>,
        %swap3A_1743 = vector.shape_cast %swap3A_1742 : vector<1x16xf32> to vector<16xf32>
        %swap3A_1744 = vector.shape_cast %max3A_1739 : vector<16xf32> to vector<1x16xf32>
        tpu.vector_store %arg13[%swap3A_1740, %swap3A_1741], %swap3A_1744 {strides = array<i32>} : memref<80x128xf32, #tpu.memory_space<vmem>>, vector<1x16xf32>,
        %mul3A_1745 = arith.constant 16 : i32
        %mul3A_1746 = arith.muli %scan3A_98, %mul3A_1745 : i32
        %add3A_1747 = arith.constant 9 : i32
        %add3A_1748 = arith.addi %mul3A_1746, %add3A_1747 : i32
        %slice3A_1749 = vector.extract_strided_slice %get3A_102 {offsets = [9], sizes = [1], strides = [1]} : vector<16xf32> to vector<1xf32>
        %squeeze3A_1750 = vector.extract %slice3A_1749[0] : f32 from vector<1xf32>
        %broadcast_in_dim3A_1751 = vector.broadcast %squeeze3A_1750 : f32 to vector<16xf32>
        %get3A_1752 = arith.index_cast %add3A_1748 : i32 to index
        %get3A_1753 = arith.constant 0 : index
        %get3A_1754 = tpu.vector_load %arg13[%get3A_1752, %get3A_1753] {strides = array<i32>} : memref<80x128xf32, #tpu.memory_space<vmem>>, vector<1x16xf32>,
        %get3A_1755 = vector.shape_cast %get3A_1754 : vector<1x16xf32> to vector<16xf32>
        %get3A_1756 = arith.index_cast %add3A_1748 : i32 to index
        %get3A_1757 = arith.constant 0 : index
        %get3A_1758 = tpu.vector_load %arg14[%get3A_1756, %get3A_1757] {strides = array<i32>} : memref<80x128xf32, #tpu.memory_space<vmem>>, vector<1x16xf32>,
        %get3A_1759 = vector.shape_cast %get3A_1758 : vector<1x16xf32> to vector<16xf32>
        %add3A_1760 = arith.addf %get3A_1755, %get3A_1759 : vector<16xf32>
        %get3A_1761 = arith.constant 0 : index
        %get3A_1762 = tpu.vector_load %arg15[%get3A_1761] {strides = array<i32>} : memref<128xf32, #tpu.memory_space<vmem>>, vector<16xf32>,
        %get3A_1763 = vector.shape_cast %get3A_1762 : vector<16xf32> to vector<16xf32>
        %mul3A_1764 = arith.mulf %broadcast_in_dim3A_1751, %get3A_1763 : vector<16xf32>
        %add3A_1765 = arith.addf %add3A_1760, %mul3A_1764 : vector<16xf32>
        %max3A_1766 = arith.constant 0.000000e+00 : f32
        %max3A_1767 = vector.broadcast %max3A_1766 : f32 to vector<16xf32>
        %max3A_1768 = arith.maximumf %add3A_1765, %max3A_1767 : vector<16xf32>
        %swap3A_1769 = arith.index_cast %add3A_1748 : i32 to index
        %swap3A_1770 = arith.constant 0 : index
        %swap3A_1771 = tpu.vector_load %arg13[%swap3A_1769, %swap3A_1770] {strides = array<i32>} : memref<80x128xf32, #tpu.memory_space<vmem>>, vector<1x16xf32>,
        %swap3A_1772 = vector.shape_cast %swap3A_1771 : vector<1x16xf32> to vector<16xf32>
        %swap3A_1773 = vector.shape_cast %max3A_1768 : vector<16xf32> to vector<1x16xf32>
        tpu.vector_store %arg13[%swap3A_1769, %swap3A_1770], %swap3A_1773 {strides = array<i32>} : memref<80x128xf32, #tpu.memory_space<vmem>>, vector<1x16xf32>,
        %get3A_1774 = arith.index_cast %add3A_1748 : i32 to index
        %get3A_1775 = arith.constant 16 : index
        %get3A_1776 = tpu.vector_load %arg13[%get3A_1774, %get3A_1775] {strides = array<i32>} : memref<80x128xf32, #tpu.memory_space<vmem>>, vector<1x16xf32>,
        %get3A_1777 = vector.shape_cast %get3A_1776 : vector<1x16xf32> to vector<16xf32>
        %get3A_1778 = arith.index_cast %add3A_1748 : i32 to index
        %get3A_1779 = arith.constant 16 : index
        %get3A_1780 = tpu.vector_load %arg14[%get3A_1778, %get3A_1779] {strides = array<i32>} : memref<80x128xf32, #tpu.memory_space<vmem>>, vector<1x16xf32>,
        %get3A_1781 = vector.shape_cast %get3A_1780 : vector<1x16xf32> to vector<16xf32>
        %add3A_1782 = arith.addf %get3A_1777, %get3A_1781 : vector<16xf32>
        %get3A_1783 = arith.constant 16 : index
        %get3A_1784 = tpu.vector_load %arg15[%get3A_1783] {strides = array<i32>} : memref<128xf32, #tpu.memory_space<vmem>>, vector<16xf32>,
        %get3A_1785 = vector.shape_cast %get3A_1784 : vector<16xf32> to vector<16xf32>
        %mul3A_1786 = arith.mulf %broadcast_in_dim3A_1751, %get3A_1785 : vector<16xf32>
        %add3A_1787 = arith.addf %add3A_1782, %mul3A_1786 : vector<16xf32>
        %max3A_1788 = arith.constant 0.000000e+00 : f32
        %max3A_1789 = vector.broadcast %max3A_1788 : f32 to vector<16xf32>
        %max3A_1790 = arith.maximumf %add3A_1787, %max3A_1789 : vector<16xf32>
        %swap3A_1791 = arith.index_cast %add3A_1748 : i32 to index
        %swap3A_1792 = arith.constant 16 : index
        %swap3A_1793 = tpu.vector_load %arg13[%swap3A_1791, %swap3A_1792] {strides = array<i32>} : memref<80x128xf32, #tpu.memory_space<vmem>>, vector<1x16xf32>,
        %swap3A_1794 = vector.shape_cast %swap3A_1793 : vector<1x16xf32> to vector<16xf32>
        %swap3A_1795 = vector.shape_cast %max3A_1790 : vector<16xf32> to vector<1x16xf32>
        tpu.vector_store %arg13[%swap3A_1791, %swap3A_1792], %swap3A_1795 {strides = array<i32>} : memref<80x128xf32, #tpu.memory_space<vmem>>, vector<1x16xf32>,
        %get3A_1796 = arith.index_cast %add3A_1748 : i32 to index
        %get3A_1797 = arith.constant 32 : index
        %get3A_1798 = tpu.vector_load %arg13[%get3A_1796, %get3A_1797] {strides = array<i32>} : memref<80x128xf32, #tpu.memory_space<vmem>>, vector<1x16xf32>,
        %get3A_1799 = vector.shape_cast %get3A_1798 : vector<1x16xf32> to vector<16xf32>
        %get3A_1800 = arith.index_cast %add3A_1748 : i32 to index
        %get3A_1801 = arith.constant 32 : index
        %get3A_1802 = tpu.vector_load %arg14[%get3A_1800, %get3A_1801] {strides = array<i32>} : memref<80x128xf32, #tpu.memory_space<vmem>>, vector<1x16xf32>,
        %get3A_1803 = vector.shape_cast %get3A_1802 : vector<1x16xf32> to vector<16xf32>
        %add3A_1804 = arith.addf %get3A_1799, %get3A_1803 : vector<16xf32>
        %get3A_1805 = arith.constant 32 : index
        %get3A_1806 = tpu.vector_load %arg15[%get3A_1805] {strides = array<i32>} : memref<128xf32, #tpu.memory_space<vmem>>, vector<16xf32>,
        %get3A_1807 = vector.shape_cast %get3A_1806 : vector<16xf32> to vector<16xf32>
        %mul3A_1808 = arith.mulf %broadcast_in_dim3A_1751, %get3A_1807 : vector<16xf32>
        %add3A_1809 = arith.addf %add3A_1804, %mul3A_1808 : vector<16xf32>
        %max3A_1810 = arith.constant 0.000000e+00 : f32
        %max3A_1811 = vector.broadcast %max3A_1810 : f32 to vector<16xf32>
        %max3A_1812 = arith.maximumf %add3A_1809, %max3A_1811 : vector<16xf32>
        %swap3A_1813 = arith.index_cast %add3A_1748 : i32 to index
        %swap3A_1814 = arith.constant 32 : index
        %swap3A_1815 = tpu.vector_load %arg13[%swap3A_1813, %swap3A_1814] {strides = array<i32>} : memref<80x128xf32, #tpu.memory_space<vmem>>, vector<1x16xf32>,
        %swap3A_1816 = vector.shape_cast %swap3A_1815 : vector<1x16xf32> to vector<16xf32>
        %swap3A_1817 = vector.shape_cast %max3A_1812 : vector<16xf32> to vector<1x16xf32>
        tpu.vector_store %arg13[%swap3A_1813, %swap3A_1814], %swap3A_1817 {strides = array<i32>} : memref<80x128xf32, #tpu.memory_space<vmem>>, vector<1x16xf32>,
        %get3A_1818 = arith.index_cast %add3A_1748 : i32 to index
        %get3A_1819 = arith.constant 48 : index
        %get3A_1820 = tpu.vector_load %arg13[%get3A_1818, %get3A_1819] {strides = array<i32>} : memref<80x128xf32, #tpu.memory_space<vmem>>, vector<1x16xf32>,
        %get3A_1821 = vector.shape_cast %get3A_1820 : vector<1x16xf32> to vector<16xf32>
        %get3A_1822 = arith.index_cast %add3A_1748 : i32 to index
        %get3A_1823 = arith.constant 48 : index
        %get3A_1824 = tpu.vector_load %arg14[%get3A_1822, %get3A_1823] {strides = array<i32>} : memref<80x128xf32, #tpu.memory_space<vmem>>, vector<1x16xf32>,
        %get3A_1825 = vector.shape_cast %get3A_1824 : vector<1x16xf32> to vector<16xf32>
        %add3A_1826 = arith.addf %get3A_1821, %get3A_1825 : vector<16xf32>
        %get3A_1827 = arith.constant 48 : index
        %get3A_1828 = tpu.vector_load %arg15[%get3A_1827] {strides = array<i32>} : memref<128xf32, #tpu.memory_space<vmem>>, vector<16xf32>,
        %get3A_1829 = vector.shape_cast %get3A_1828 : vector<16xf32> to vector<16xf32>
        %mul3A_1830 = arith.mulf %broadcast_in_dim3A_1751, %get3A_1829 : vector<16xf32>
        %add3A_1831 = arith.addf %add3A_1826, %mul3A_1830 : vector<16xf32>
        %max3A_1832 = arith.constant 0.000000e+00 : f32
        %max3A_1833 = vector.broadcast %max3A_1832 : f32 to vector<16xf32>
        %max3A_1834 = arith.maximumf %add3A_1831, %max3A_1833 : vector<16xf32>
        %swap3A_1835 = arith.index_cast %add3A_1748 : i32 to index
        %swap3A_1836 = arith.constant 48 : index
        %swap3A_1837 = tpu.vector_load %arg13[%swap3A_1835, %swap3A_1836] {strides = array<i32>} : memref<80x128xf32, #tpu.memory_space<vmem>>, vector<1x16xf32>,
        %swap3A_1838 = vector.shape_cast %swap3A_1837 : vector<1x16xf32> to vector<16xf32>
        %swap3A_1839 = vector.shape_cast %max3A_1834 : vector<16xf32> to vector<1x16xf32>
        tpu.vector_store %arg13[%swap3A_1835, %swap3A_1836], %swap3A_1839 {strides = array<i32>} : memref<80x128xf32, #tpu.memory_space<vmem>>, vector<1x16xf32>,
        %get3A_1840 = arith.index_cast %add3A_1748 : i32 to index
        %get3A_1841 = arith.constant 64 : index
        %get3A_1842 = tpu.vector_load %arg13[%get3A_1840, %get3A_1841] {strides = array<i32>} : memref<80x128xf32, #tpu.memory_space<vmem>>, vector<1x16xf32>,
        %get3A_1843 = vector.shape_cast %get3A_1842 : vector<1x16xf32> to vector<16xf32>
        %get3A_1844 = arith.index_cast %add3A_1748 : i32 to index
        %get3A_1845 = arith.constant 64 : index
        %get3A_1846 = tpu.vector_load %arg14[%get3A_1844, %get3A_1845] {strides = array<i32>} : memref<80x128xf32, #tpu.memory_space<vmem>>, vector<1x16xf32>,
        %get3A_1847 = vector.shape_cast %get3A_1846 : vector<1x16xf32> to vector<16xf32>
        %add3A_1848 = arith.addf %get3A_1843, %get3A_1847 : vector<16xf32>
        %get3A_1849 = arith.constant 64 : index
        %get3A_1850 = tpu.vector_load %arg15[%get3A_1849] {strides = array<i32>} : memref<128xf32, #tpu.memory_space<vmem>>, vector<16xf32>,
        %get3A_1851 = vector.shape_cast %get3A_1850 : vector<16xf32> to vector<16xf32>
        %mul3A_1852 = arith.mulf %broadcast_in_dim3A_1751, %get3A_1851 : vector<16xf32>
        %add3A_1853 = arith.addf %add3A_1848, %mul3A_1852 : vector<16xf32>
        %max3A_1854 = arith.constant 0.000000e+00 : f32
        %max3A_1855 = vector.broadcast %max3A_1854 : f32 to vector<16xf32>
        %max3A_1856 = arith.maximumf %add3A_1853, %max3A_1855 : vector<16xf32>
        %swap3A_1857 = arith.index_cast %add3A_1748 : i32 to index
        %swap3A_1858 = arith.constant 64 : index
        %swap3A_1859 = tpu.vector_load %arg13[%swap3A_1857, %swap3A_1858] {strides = array<i32>} : memref<80x128xf32, #tpu.memory_space<vmem>>, vector<1x16xf32>,
        %swap3A_1860 = vector.shape_cast %swap3A_1859 : vector<1x16xf32> to vector<16xf32>
        %swap3A_1861 = vector.shape_cast %max3A_1856 : vector<16xf32> to vector<1x16xf32>
        tpu.vector_store %arg13[%swap3A_1857, %swap3A_1858], %swap3A_1861 {strides = array<i32>} : memref<80x128xf32, #tpu.memory_space<vmem>>, vector<1x16xf32>,
        %get3A_1862 = arith.index_cast %add3A_1748 : i32 to index
        %get3A_1863 = arith.constant 80 : index
        %get3A_1864 = tpu.vector_load %arg13[%get3A_1862, %get3A_1863] {strides = array<i32>} : memref<80x128xf32, #tpu.memory_space<vmem>>, vector<1x16xf32>,
        %get3A_1865 = vector.shape_cast %get3A_1864 : vector<1x16xf32> to vector<16xf32>
        %get3A_1866 = arith.index_cast %add3A_1748 : i32 to index
        %get3A_1867 = arith.constant 80 : index
        %get3A_1868 = tpu.vector_load %arg14[%get3A_1866, %get3A_1867] {strides = array<i32>} : memref<80x128xf32, #tpu.memory_space<vmem>>, vector<1x16xf32>,
        %get3A_1869 = vector.shape_cast %get3A_1868 : vector<1x16xf32> to vector<16xf32>
        %add3A_1870 = arith.addf %get3A_1865, %get3A_1869 : vector<16xf32>
        %get3A_1871 = arith.constant 80 : index
        %get3A_1872 = tpu.vector_load %arg15[%get3A_1871] {strides = array<i32>} : memref<128xf32, #tpu.memory_space<vmem>>, vector<16xf32>,
        %get3A_1873 = vector.shape_cast %get3A_1872 : vector<16xf32> to vector<16xf32>
        %mul3A_1874 = arith.mulf %broadcast_in_dim3A_1751, %get3A_1873 : vector<16xf32>
        %add3A_1875 = arith.addf %add3A_1870, %mul3A_1874 : vector<16xf32>
        %max3A_1876 = arith.constant 0.000000e+00 : f32
        %max3A_1877 = vector.broadcast %max3A_1876 : f32 to vector<16xf32>
        %max3A_1878 = arith.maximumf %add3A_1875, %max3A_1877 : vector<16xf32>
        %swap3A_1879 = arith.index_cast %add3A_1748 : i32 to index
        %swap3A_1880 = arith.constant 80 : index
        %swap3A_1881 = tpu.vector_load %arg13[%swap3A_1879, %swap3A_1880] {strides = array<i32>} : memref<80x128xf32, #tpu.memory_space<vmem>>, vector<1x16xf32>,
        %swap3A_1882 = vector.shape_cast %swap3A_1881 : vector<1x16xf32> to vector<16xf32>
        %swap3A_1883 = vector.shape_cast %max3A_1878 : vector<16xf32> to vector<1x16xf32>
        tpu.vector_store %arg13[%swap3A_1879, %swap3A_1880], %swap3A_1883 {strides = array<i32>} : memref<80x128xf32, #tpu.memory_space<vmem>>, vector<1x16xf32>,
        %get3A_1884 = arith.index_cast %add3A_1748 : i32 to index
        %get3A_1885 = arith.constant 96 : index
        %get3A_1886 = tpu.vector_load %arg13[%get3A_1884, %get3A_1885] {strides = array<i32>} : memref<80x128xf32, #tpu.memory_space<vmem>>, vector<1x16xf32>,
        %get3A_1887 = vector.shape_cast %get3A_1886 : vector<1x16xf32> to vector<16xf32>
        %get3A_1888 = arith.index_cast %add3A_1748 : i32 to index
        %get3A_1889 = arith.constant 96 : index
        %get3A_1890 = tpu.vector_load %arg14[%get3A_1888, %get3A_1889] {strides = array<i32>} : memref<80x128xf32, #tpu.memory_space<vmem>>, vector<1x16xf32>,
        %get3A_1891 = vector.shape_cast %get3A_1890 : vector<1x16xf32> to vector<16xf32>
        %add3A_1892 = arith.addf %get3A_1887, %get3A_1891 : vector<16xf32>
        %get3A_1893 = arith.constant 96 : index
        %get3A_1894 = tpu.vector_load %arg15[%get3A_1893] {strides = array<i32>} : memref<128xf32, #tpu.memory_space<vmem>>, vector<16xf32>,
        %get3A_1895 = vector.shape_cast %get3A_1894 : vector<16xf32> to vector<16xf32>
        %mul3A_1896 = arith.mulf %broadcast_in_dim3A_1751, %get3A_1895 : vector<16xf32>
        %add3A_1897 = arith.addf %add3A_1892, %mul3A_1896 : vector<16xf32>
        %max3A_1898 = arith.constant 0.000000e+00 : f32
        %max3A_1899 = vector.broadcast %max3A_1898 : f32 to vector<16xf32>
        %max3A_1900 = arith.maximumf %add3A_1897, %max3A_1899 : vector<16xf32>
        %swap3A_1901 = arith.index_cast %add3A_1748 : i32 to index
        %swap3A_1902 = arith.constant 96 : index
        %swap3A_1903 = tpu.vector_load %arg13[%swap3A_1901, %swap3A_1902] {strides = array<i32>} : memref<80x128xf32, #tpu.memory_space<vmem>>, vector<1x16xf32>,
        %swap3A_1904 = vector.shape_cast %swap3A_1903 : vector<1x16xf32> to vector<16xf32>
        %swap3A_1905 = vector.shape_cast %max3A_1900 : vector<16xf32> to vector<1x16xf32>
        tpu.vector_store %arg13[%swap3A_1901, %swap3A_1902], %swap3A_1905 {strides = array<i32>} : memref<80x128xf32, #tpu.memory_space<vmem>>, vector<1x16xf32>,
        %get3A_1906 = arith.index_cast %add3A_1748 : i32 to index
        %get3A_1907 = arith.constant 112 : index
        %get3A_1908 = tpu.vector_load %arg13[%get3A_1906, %get3A_1907] {strides = array<i32>} : memref<80x128xf32, #tpu.memory_space<vmem>>, vector<1x16xf32>,
        %get3A_1909 = vector.shape_cast %get3A_1908 : vector<1x16xf32> to vector<16xf32>
        %get3A_1910 = arith.index_cast %add3A_1748 : i32 to index
        %get3A_1911 = arith.constant 112 : index
        %get3A_1912 = tpu.vector_load %arg14[%get3A_1910, %get3A_1911] {strides = array<i32>} : memref<80x128xf32, #tpu.memory_space<vmem>>, vector<1x16xf32>,
        %get3A_1913 = vector.shape_cast %get3A_1912 : vector<1x16xf32> to vector<16xf32>
        %add3A_1914 = arith.addf %get3A_1909, %get3A_1913 : vector<16xf32>
        %get3A_1915 = arith.constant 112 : index
        %get3A_1916 = tpu.vector_load %arg15[%get3A_1915] {strides = array<i32>} : memref<128xf32, #tpu.memory_space<vmem>>, vector<16xf32>,
        %get3A_1917 = vector.shape_cast %get3A_1916 : vector<16xf32> to vector<16xf32>
        %mul3A_1918 = arith.mulf %broadcast_in_dim3A_1751, %get3A_1917 : vector<16xf32>
        %add3A_1919 = arith.addf %add3A_1914, %mul3A_1918 : vector<16xf32>
        %max3A_1920 = arith.constant 0.000000e+00 : f32
        %max3A_1921 = vector.broadcast %max3A_1920 : f32 to vector<16xf32>
        %max3A_1922 = arith.maximumf %add3A_1919, %max3A_1921 : vector<16xf32>
        %swap3A_1923 = arith.index_cast %add3A_1748 : i32 to index
        %swap3A_1924 = arith.constant 112 : index
        %swap3A_1925 = tpu.vector_load %arg13[%swap3A_1923, %swap3A_1924] {strides = array<i32>} : memref<80x128xf32, #tpu.memory_space<vmem>>, vector<1x16xf32>,
        %swap3A_1926 = vector.shape_cast %swap3A_1925 : vector<1x16xf32> to vector<16xf32>
        %swap3A_1927 = vector.shape_cast %max3A_1922 : vector<16xf32> to vector<1x16xf32>
        tpu.vector_store %arg13[%swap3A_1923, %swap3A_1924], %swap3A_1927 {strides = array<i32>} : memref<80x128xf32, #tpu.memory_space<vmem>>, vector<1x16xf32>,
        %mul3A_1928 = arith.constant 16 : i32
        %mul3A_1929 = arith.muli %scan3A_98, %mul3A_1928 : i32
        %add3A_1930 = arith.constant 10 : i32
        %add3A_1931 = arith.addi %mul3A_1929, %add3A_1930 : i32
        %slice3A_1932 = vector.extract_strided_slice %get3A_102 {offsets = [10], sizes = [1], strides = [1]} : vector<16xf32> to vector<1xf32>
        %squeeze3A_1933 = vector.extract %slice3A_1932[0] : f32 from vector<1xf32>
        %broadcast_in_dim3A_1934 = vector.broadcast %squeeze3A_1933 : f32 to vector<16xf32>
        %get3A_1935 = arith.index_cast %add3A_1931 : i32 to index
        %get3A_1936 = arith.constant 0 : index
        %get3A_1937 = tpu.vector_load %arg13[%get3A_1935, %get3A_1936] {strides = array<i32>} : memref<80x128xf32, #tpu.memory_space<vmem>>, vector<1x16xf32>,
        %get3A_1938 = vector.shape_cast %get3A_1937 : vector<1x16xf32> to vector<16xf32>
        %get3A_1939 = arith.index_cast %add3A_1931 : i32 to index
        %get3A_1940 = arith.constant 0 : index
        %get3A_1941 = tpu.vector_load %arg14[%get3A_1939, %get3A_1940] {strides = array<i32>} : memref<80x128xf32, #tpu.memory_space<vmem>>, vector<1x16xf32>,
        %get3A_1942 = vector.shape_cast %get3A_1941 : vector<1x16xf32> to vector<16xf32>
        %add3A_1943 = arith.addf %get3A_1938, %get3A_1942 : vector<16xf32>
        %get3A_1944 = arith.constant 0 : index
        %get3A_1945 = tpu.vector_load %arg15[%get3A_1944] {strides = array<i32>} : memref<128xf32, #tpu.memory_space<vmem>>, vector<16xf32>,
        %get3A_1946 = vector.shape_cast %get3A_1945 : vector<16xf32> to vector<16xf32>
        %mul3A_1947 = arith.mulf %broadcast_in_dim3A_1934, %get3A_1946 : vector<16xf32>
        %add3A_1948 = arith.addf %add3A_1943, %mul3A_1947 : vector<16xf32>
        %max3A_1949 = arith.constant 0.000000e+00 : f32
        %max3A_1950 = vector.broadcast %max3A_1949 : f32 to vector<16xf32>
        %max3A_1951 = arith.maximumf %add3A_1948, %max3A_1950 : vector<16xf32>
        %swap3A_1952 = arith.index_cast %add3A_1931 : i32 to index
        %swap3A_1953 = arith.constant 0 : index
        %swap3A_1954 = tpu.vector_load %arg13[%swap3A_1952, %swap3A_1953] {strides = array<i32>} : memref<80x128xf32, #tpu.memory_space<vmem>>, vector<1x16xf32>,
        %swap3A_1955 = vector.shape_cast %swap3A_1954 : vector<1x16xf32> to vector<16xf32>
        %swap3A_1956 = vector.shape_cast %max3A_1951 : vector<16xf32> to vector<1x16xf32>
        tpu.vector_store %arg13[%swap3A_1952, %swap3A_1953], %swap3A_1956 {strides = array<i32>} : memref<80x128xf32, #tpu.memory_space<vmem>>, vector<1x16xf32>,
        %get3A_1957 = arith.index_cast %add3A_1931 : i32 to index
        %get3A_1958 = arith.constant 16 : index
        %get3A_1959 = tpu.vector_load %arg13[%get3A_1957, %get3A_1958] {strides = array<i32>} : memref<80x128xf32, #tpu.memory_space<vmem>>, vector<1x16xf32>,
        %get3A_1960 = vector.shape_cast %get3A_1959 : vector<1x16xf32> to vector<16xf32>
        %get3A_1961 = arith.index_cast %add3A_1931 : i32 to index
        %get3A_1962 = arith.constant 16 : index
        %get3A_1963 = tpu.vector_load %arg14[%get3A_1961, %get3A_1962] {strides = array<i32>} : memref<80x128xf32, #tpu.memory_space<vmem>>, vector<1x16xf32>,
        %get3A_1964 = vector.shape_cast %get3A_1963 : vector<1x16xf32> to vector<16xf32>
        %add3A_1965 = arith.addf %get3A_1960, %get3A_1964 : vector<16xf32>
        %get3A_1966 = arith.constant 16 : index
        %get3A_1967 = tpu.vector_load %arg15[%get3A_1966] {strides = array<i32>} : memref<128xf32, #tpu.memory_space<vmem>>, vector<16xf32>,
        %get3A_1968 = vector.shape_cast %get3A_1967 : vector<16xf32> to vector<16xf32>
        %mul3A_1969 = arith.mulf %broadcast_in_dim3A_1934, %get3A_1968 : vector<16xf32>
        %add3A_1970 = arith.addf %add3A_1965, %mul3A_1969 : vector<16xf32>
        %max3A_1971 = arith.constant 0.000000e+00 : f32
        %max3A_1972 = vector.broadcast %max3A_1971 : f32 to vector<16xf32>
        %max3A_1973 = arith.maximumf %add3A_1970, %max3A_1972 : vector<16xf32>
        %swap3A_1974 = arith.index_cast %add3A_1931 : i32 to index
        %swap3A_1975 = arith.constant 16 : index
        %swap3A_1976 = tpu.vector_load %arg13[%swap3A_1974, %swap3A_1975] {strides = array<i32>} : memref<80x128xf32, #tpu.memory_space<vmem>>, vector<1x16xf32>,
        %swap3A_1977 = vector.shape_cast %swap3A_1976 : vector<1x16xf32> to vector<16xf32>
        %swap3A_1978 = vector.shape_cast %max3A_1973 : vector<16xf32> to vector<1x16xf32>
        tpu.vector_store %arg13[%swap3A_1974, %swap3A_1975], %swap3A_1978 {strides = array<i32>} : memref<80x128xf32, #tpu.memory_space<vmem>>, vector<1x16xf32>,
        %get3A_1979 = arith.index_cast %add3A_1931 : i32 to index
        %get3A_1980 = arith.constant 32 : index
        %get3A_1981 = tpu.vector_load %arg13[%get3A_1979, %get3A_1980] {strides = array<i32>} : memref<80x128xf32, #tpu.memory_space<vmem>>, vector<1x16xf32>,
        %get3A_1982 = vector.shape_cast %get3A_1981 : vector<1x16xf32> to vector<16xf32>
        %get3A_1983 = arith.index_cast %add3A_1931 : i32 to index
        %get3A_1984 = arith.constant 32 : index
        %get3A_1985 = tpu.vector_load %arg14[%get3A_1983, %get3A_1984] {strides = array<i32>} : memref<80x128xf32, #tpu.memory_space<vmem>>, vector<1x16xf32>,
        %get3A_1986 = vector.shape_cast %get3A_1985 : vector<1x16xf32> to vector<16xf32>
        %add3A_1987 = arith.addf %get3A_1982, %get3A_1986 : vector<16xf32>
        %get3A_1988 = arith.constant 32 : index
        %get3A_1989 = tpu.vector_load %arg15[%get3A_1988] {strides = array<i32>} : memref<128xf32, #tpu.memory_space<vmem>>, vector<16xf32>,
        %get3A_1990 = vector.shape_cast %get3A_1989 : vector<16xf32> to vector<16xf32>
        %mul3A_1991 = arith.mulf %broadcast_in_dim3A_1934, %get3A_1990 : vector<16xf32>
        %add3A_1992 = arith.addf %add3A_1987, %mul3A_1991 : vector<16xf32>
        %max3A_1993 = arith.constant 0.000000e+00 : f32
        %max3A_1994 = vector.broadcast %max3A_1993 : f32 to vector<16xf32>
        %max3A_1995 = arith.maximumf %add3A_1992, %max3A_1994 : vector<16xf32>
        %swap3A_1996 = arith.index_cast %add3A_1931 : i32 to index
        %swap3A_1997 = arith.constant 32 : index
        %swap3A_1998 = tpu.vector_load %arg13[%swap3A_1996, %swap3A_1997] {strides = array<i32>} : memref<80x128xf32, #tpu.memory_space<vmem>>, vector<1x16xf32>,
        %swap3A_1999 = vector.shape_cast %swap3A_1998 : vector<1x16xf32> to vector<16xf32>
        %swap3A_2000 = vector.shape_cast %max3A_1995 : vector<16xf32> to vector<1x16xf32>
        tpu.vector_store %arg13[%swap3A_1996, %swap3A_1997], %swap3A_2000 {strides = array<i32>} : memref<80x128xf32, #tpu.memory_space<vmem>>, vector<1x16xf32>,
        %get3A_2001 = arith.index_cast %add3A_1931 : i32 to index
        %get3A_2002 = arith.constant 48 : index
        %get3A_2003 = tpu.vector_load %arg13[%get3A_2001, %get3A_2002] {strides = array<i32>} : memref<80x128xf32, #tpu.memory_space<vmem>>, vector<1x16xf32>,
        %get3A_2004 = vector.shape_cast %get3A_2003 : vector<1x16xf32> to vector<16xf32>
        %get3A_2005 = arith.index_cast %add3A_1931 : i32 to index
        %get3A_2006 = arith.constant 48 : index
        %get3A_2007 = tpu.vector_load %arg14[%get3A_2005, %get3A_2006] {strides = array<i32>} : memref<80x128xf32, #tpu.memory_space<vmem>>, vector<1x16xf32>,
        %get3A_2008 = vector.shape_cast %get3A_2007 : vector<1x16xf32> to vector<16xf32>
        %add3A_2009 = arith.addf %get3A_2004, %get3A_2008 : vector<16xf32>
        %get3A_2010 = arith.constant 48 : index
        %get3A_2011 = tpu.vector_load %arg15[%get3A_2010] {strides = array<i32>} : memref<128xf32, #tpu.memory_space<vmem>>, vector<16xf32>,
        %get3A_2012 = vector.shape_cast %get3A_2011 : vector<16xf32> to vector<16xf32>
        %mul3A_2013 = arith.mulf %broadcast_in_dim3A_1934, %get3A_2012 : vector<16xf32>
        %add3A_2014 = arith.addf %add3A_2009, %mul3A_2013 : vector<16xf32>
        %max3A_2015 = arith.constant 0.000000e+00 : f32
        %max3A_2016 = vector.broadcast %max3A_2015 : f32 to vector<16xf32>
        %max3A_2017 = arith.maximumf %add3A_2014, %max3A_2016 : vector<16xf32>
        %swap3A_2018 = arith.index_cast %add3A_1931 : i32 to index
        %swap3A_2019 = arith.constant 48 : index
        %swap3A_2020 = tpu.vector_load %arg13[%swap3A_2018, %swap3A_2019] {strides = array<i32>} : memref<80x128xf32, #tpu.memory_space<vmem>>, vector<1x16xf32>,
        %swap3A_2021 = vector.shape_cast %swap3A_2020 : vector<1x16xf32> to vector<16xf32>
        %swap3A_2022 = vector.shape_cast %max3A_2017 : vector<16xf32> to vector<1x16xf32>
        tpu.vector_store %arg13[%swap3A_2018, %swap3A_2019], %swap3A_2022 {strides = array<i32>} : memref<80x128xf32, #tpu.memory_space<vmem>>, vector<1x16xf32>,
        %get3A_2023 = arith.index_cast %add3A_1931 : i32 to index
        %get3A_2024 = arith.constant 64 : index
        %get3A_2025 = tpu.vector_load %arg13[%get3A_2023, %get3A_2024] {strides = array<i32>} : memref<80x128xf32, #tpu.memory_space<vmem>>, vector<1x16xf32>,
        %get3A_2026 = vector.shape_cast %get3A_2025 : vector<1x16xf32> to vector<16xf32>
        %get3A_2027 = arith.index_cast %add3A_1931 : i32 to index
        %get3A_2028 = arith.constant 64 : index
        %get3A_2029 = tpu.vector_load %arg14[%get3A_2027, %get3A_2028] {strides = array<i32>} : memref<80x128xf32, #tpu.memory_space<vmem>>, vector<1x16xf32>,
        %get3A_2030 = vector.shape_cast %get3A_2029 : vector<1x16xf32> to vector<16xf32>
        %add3A_2031 = arith.addf %get3A_2026, %get3A_2030 : vector<16xf32>
        %get3A_2032 = arith.constant 64 : index
        %get3A_2033 = tpu.vector_load %arg15[%get3A_2032] {strides = array<i32>} : memref<128xf32, #tpu.memory_space<vmem>>, vector<16xf32>,
        %get3A_2034 = vector.shape_cast %get3A_2033 : vector<16xf32> to vector<16xf32>
        %mul3A_2035 = arith.mulf %broadcast_in_dim3A_1934, %get3A_2034 : vector<16xf32>
        %add3A_2036 = arith.addf %add3A_2031, %mul3A_2035 : vector<16xf32>
        %max3A_2037 = arith.constant 0.000000e+00 : f32
        %max3A_2038 = vector.broadcast %max3A_2037 : f32 to vector<16xf32>
        %max3A_2039 = arith.maximumf %add3A_2036, %max3A_2038 : vector<16xf32>
        %swap3A_2040 = arith.index_cast %add3A_1931 : i32 to index
        %swap3A_2041 = arith.constant 64 : index
        %swap3A_2042 = tpu.vector_load %arg13[%swap3A_2040, %swap3A_2041] {strides = array<i32>} : memref<80x128xf32, #tpu.memory_space<vmem>>, vector<1x16xf32>,
        %swap3A_2043 = vector.shape_cast %swap3A_2042 : vector<1x16xf32> to vector<16xf32>
        %swap3A_2044 = vector.shape_cast %max3A_2039 : vector<16xf32> to vector<1x16xf32>
        tpu.vector_store %arg13[%swap3A_2040, %swap3A_2041], %swap3A_2044 {strides = array<i32>} : memref<80x128xf32, #tpu.memory_space<vmem>>, vector<1x16xf32>,
        %get3A_2045 = arith.index_cast %add3A_1931 : i32 to index
        %get3A_2046 = arith.constant 80 : index
        %get3A_2047 = tpu.vector_load %arg13[%get3A_2045, %get3A_2046] {strides = array<i32>} : memref<80x128xf32, #tpu.memory_space<vmem>>, vector<1x16xf32>,
        %get3A_2048 = vector.shape_cast %get3A_2047 : vector<1x16xf32> to vector<16xf32>
        %get3A_2049 = arith.index_cast %add3A_1931 : i32 to index
        %get3A_2050 = arith.constant 80 : index
        %get3A_2051 = tpu.vector_load %arg14[%get3A_2049, %get3A_2050] {strides = array<i32>} : memref<80x128xf32, #tpu.memory_space<vmem>>, vector<1x16xf32>,
        %get3A_2052 = vector.shape_cast %get3A_2051 : vector<1x16xf32> to vector<16xf32>
        %add3A_2053 = arith.addf %get3A_2048, %get3A_2052 : vector<16xf32>
        %get3A_2054 = arith.constant 80 : index
        %get3A_2055 = tpu.vector_load %arg15[%get3A_2054] {strides = array<i32>} : memref<128xf32, #tpu.memory_space<vmem>>, vector<16xf32>,
        %get3A_2056 = vector.shape_cast %get3A_2055 : vector<16xf32> to vector<16xf32>
        %mul3A_2057 = arith.mulf %broadcast_in_dim3A_1934, %get3A_2056 : vector<16xf32>
        %add3A_2058 = arith.addf %add3A_2053, %mul3A_2057 : vector<16xf32>
        %max3A_2059 = arith.constant 0.000000e+00 : f32
        %max3A_2060 = vector.broadcast %max3A_2059 : f32 to vector<16xf32>
        %max3A_2061 = arith.maximumf %add3A_2058, %max3A_2060 : vector<16xf32>
        %swap3A_2062 = arith.index_cast %add3A_1931 : i32 to index
        %swap3A_2063 = arith.constant 80 : index
        %swap3A_2064 = tpu.vector_load %arg13[%swap3A_2062, %swap3A_2063] {strides = array<i32>} : memref<80x128xf32, #tpu.memory_space<vmem>>, vector<1x16xf32>,
        %swap3A_2065 = vector.shape_cast %swap3A_2064 : vector<1x16xf32> to vector<16xf32>
        %swap3A_2066 = vector.shape_cast %max3A_2061 : vector<16xf32> to vector<1x16xf32>
        tpu.vector_store %arg13[%swap3A_2062, %swap3A_2063], %swap3A_2066 {strides = array<i32>} : memref<80x128xf32, #tpu.memory_space<vmem>>, vector<1x16xf32>,
        %get3A_2067 = arith.index_cast %add3A_1931 : i32 to index
        %get3A_2068 = arith.constant 96 : index
        %get3A_2069 = tpu.vector_load %arg13[%get3A_2067, %get3A_2068] {strides = array<i32>} : memref<80x128xf32, #tpu.memory_space<vmem>>, vector<1x16xf32>,
        %get3A_2070 = vector.shape_cast %get3A_2069 : vector<1x16xf32> to vector<16xf32>
        %get3A_2071 = arith.index_cast %add3A_1931 : i32 to index
        %get3A_2072 = arith.constant 96 : index
        %get3A_2073 = tpu.vector_load %arg14[%get3A_2071, %get3A_2072] {strides = array<i32>} : memref<80x128xf32, #tpu.memory_space<vmem>>, vector<1x16xf32>,
        %get3A_2074 = vector.shape_cast %get3A_2073 : vector<1x16xf32> to vector<16xf32>
        %add3A_2075 = arith.addf %get3A_2070, %get3A_2074 : vector<16xf32>
        %get3A_2076 = arith.constant 96 : index
        %get3A_2077 = tpu.vector_load %arg15[%get3A_2076] {strides = array<i32>} : memref<128xf32, #tpu.memory_space<vmem>>, vector<16xf32>,
        %get3A_2078 = vector.shape_cast %get3A_2077 : vector<16xf32> to vector<16xf32>
        %mul3A_2079 = arith.mulf %broadcast_in_dim3A_1934, %get3A_2078 : vector<16xf32>
        %add3A_2080 = arith.addf %add3A_2075, %mul3A_2079 : vector<16xf32>
        %max3A_2081 = arith.constant 0.000000e+00 : f32
        %max3A_2082 = vector.broadcast %max3A_2081 : f32 to vector<16xf32>
        %max3A_2083 = arith.maximumf %add3A_2080, %max3A_2082 : vector<16xf32>
        %swap3A_2084 = arith.index_cast %add3A_1931 : i32 to index
        %swap3A_2085 = arith.constant 96 : index
        %swap3A_2086 = tpu.vector_load %arg13[%swap3A_2084, %swap3A_2085] {strides = array<i32>} : memref<80x128xf32, #tpu.memory_space<vmem>>, vector<1x16xf32>,
        %swap3A_2087 = vector.shape_cast %swap3A_2086 : vector<1x16xf32> to vector<16xf32>
        %swap3A_2088 = vector.shape_cast %max3A_2083 : vector<16xf32> to vector<1x16xf32>
        tpu.vector_store %arg13[%swap3A_2084, %swap3A_2085], %swap3A_2088 {strides = array<i32>} : memref<80x128xf32, #tpu.memory_space<vmem>>, vector<1x16xf32>,
        %get3A_2089 = arith.index_cast %add3A_1931 : i32 to index
        %get3A_2090 = arith.constant 112 : index
        %get3A_2091 = tpu.vector_load %arg13[%get3A_2089, %get3A_2090] {strides = array<i32>} : memref<80x128xf32, #tpu.memory_space<vmem>>, vector<1x16xf32>,
        %get3A_2092 = vector.shape_cast %get3A_2091 : vector<1x16xf32> to vector<16xf32>
        %get3A_2093 = arith.index_cast %add3A_1931 : i32 to index
        %get3A_2094 = arith.constant 112 : index
        %get3A_2095 = tpu.vector_load %arg14[%get3A_2093, %get3A_2094] {strides = array<i32>} : memref<80x128xf32, #tpu.memory_space<vmem>>, vector<1x16xf32>,
        %get3A_2096 = vector.shape_cast %get3A_2095 : vector<1x16xf32> to vector<16xf32>
        %add3A_2097 = arith.addf %get3A_2092, %get3A_2096 : vector<16xf32>
        %get3A_2098 = arith.constant 112 : index
        %get3A_2099 = tpu.vector_load %arg15[%get3A_2098] {strides = array<i32>} : memref<128xf32, #tpu.memory_space<vmem>>, vector<16xf32>,
        %get3A_2100 = vector.shape_cast %get3A_2099 : vector<16xf32> to vector<16xf32>
        %mul3A_2101 = arith.mulf %broadcast_in_dim3A_1934, %get3A_2100 : vector<16xf32>
        %add3A_2102 = arith.addf %add3A_2097, %mul3A_2101 : vector<16xf32>
        %max3A_2103 = arith.constant 0.000000e+00 : f32
        %max3A_2104 = vector.broadcast %max3A_2103 : f32 to vector<16xf32>
        %max3A_2105 = arith.maximumf %add3A_2102, %max3A_2104 : vector<16xf32>
        %swap3A_2106 = arith.index_cast %add3A_1931 : i32 to index
        %swap3A_2107 = arith.constant 112 : index
        %swap3A_2108 = tpu.vector_load %arg13[%swap3A_2106, %swap3A_2107] {strides = array<i32>} : memref<80x128xf32, #tpu.memory_space<vmem>>, vector<1x16xf32>,
        %swap3A_2109 = vector.shape_cast %swap3A_2108 : vector<1x16xf32> to vector<16xf32>
        %swap3A_2110 = vector.shape_cast %max3A_2105 : vector<16xf32> to vector<1x16xf32>
        tpu.vector_store %arg13[%swap3A_2106, %swap3A_2107], %swap3A_2110 {strides = array<i32>} : memref<80x128xf32, #tpu.memory_space<vmem>>, vector<1x16xf32>,
        %mul3A_2111 = arith.constant 16 : i32
        %mul3A_2112 = arith.muli %scan3A_98, %mul3A_2111 : i32
        %add3A_2113 = arith.constant 11 : i32
        %add3A_2114 = arith.addi %mul3A_2112, %add3A_2113 : i32
        %slice3A_2115 = vector.extract_strided_slice %get3A_102 {offsets = [11], sizes = [1], strides = [1]} : vector<16xf32> to vector<1xf32>
        %squeeze3A_2116 = vector.extract %slice3A_2115[0] : f32 from vector<1xf32>
        %broadcast_in_dim3A_2117 = vector.broadcast %squeeze3A_2116 : f32 to vector<16xf32>
        %get3A_2118 = arith.index_cast %add3A_2114 : i32 to index
        %get3A_2119 = arith.constant 0 : index
        %get3A_2120 = tpu.vector_load %arg13[%get3A_2118, %get3A_2119] {strides = array<i32>} : memref<80x128xf32, #tpu.memory_space<vmem>>, vector<1x16xf32>,
        %get3A_2121 = vector.shape_cast %get3A_2120 : vector<1x16xf32> to vector<16xf32>
        %get3A_2122 = arith.index_cast %add3A_2114 : i32 to index
        %get3A_2123 = arith.constant 0 : index
        %get3A_2124 = tpu.vector_load %arg14[%get3A_2122, %get3A_2123] {strides = array<i32>} : memref<80x128xf32, #tpu.memory_space<vmem>>, vector<1x16xf32>,
        %get3A_2125 = vector.shape_cast %get3A_2124 : vector<1x16xf32> to vector<16xf32>
        %add3A_2126 = arith.addf %get3A_2121, %get3A_2125 : vector<16xf32>
        %get3A_2127 = arith.constant 0 : index
        %get3A_2128 = tpu.vector_load %arg15[%get3A_2127] {strides = array<i32>} : memref<128xf32, #tpu.memory_space<vmem>>, vector<16xf32>,
        %get3A_2129 = vector.shape_cast %get3A_2128 : vector<16xf32> to vector<16xf32>
        %mul3A_2130 = arith.mulf %broadcast_in_dim3A_2117, %get3A_2129 : vector<16xf32>
        %add3A_2131 = arith.addf %add3A_2126, %mul3A_2130 : vector<16xf32>
        %max3A_2132 = arith.constant 0.000000e+00 : f32
        %max3A_2133 = vector.broadcast %max3A_2132 : f32 to vector<16xf32>
        %max3A_2134 = arith.maximumf %add3A_2131, %max3A_2133 : vector<16xf32>
        %swap3A_2135 = arith.index_cast %add3A_2114 : i32 to index
        %swap3A_2136 = arith.constant 0 : index
        %swap3A_2137 = tpu.vector_load %arg13[%swap3A_2135, %swap3A_2136] {strides = array<i32>} : memref<80x128xf32, #tpu.memory_space<vmem>>, vector<1x16xf32>,
        %swap3A_2138 = vector.shape_cast %swap3A_2137 : vector<1x16xf32> to vector<16xf32>
        %swap3A_2139 = vector.shape_cast %max3A_2134 : vector<16xf32> to vector<1x16xf32>
        tpu.vector_store %arg13[%swap3A_2135, %swap3A_2136], %swap3A_2139 {strides = array<i32>} : memref<80x128xf32, #tpu.memory_space<vmem>>, vector<1x16xf32>,
        %get3A_2140 = arith.index_cast %add3A_2114 : i32 to index
        %get3A_2141 = arith.constant 16 : index
        %get3A_2142 = tpu.vector_load %arg13[%get3A_2140, %get3A_2141] {strides = array<i32>} : memref<80x128xf32, #tpu.memory_space<vmem>>, vector<1x16xf32>,
        %get3A_2143 = vector.shape_cast %get3A_2142 : vector<1x16xf32> to vector<16xf32>
        %get3A_2144 = arith.index_cast %add3A_2114 : i32 to index
        %get3A_2145 = arith.constant 16 : index
        %get3A_2146 = tpu.vector_load %arg14[%get3A_2144, %get3A_2145] {strides = array<i32>} : memref<80x128xf32, #tpu.memory_space<vmem>>, vector<1x16xf32>,
        %get3A_2147 = vector.shape_cast %get3A_2146 : vector<1x16xf32> to vector<16xf32>
        %add3A_2148 = arith.addf %get3A_2143, %get3A_2147 : vector<16xf32>
        %get3A_2149 = arith.constant 16 : index
        %get3A_2150 = tpu.vector_load %arg15[%get3A_2149] {strides = array<i32>} : memref<128xf32, #tpu.memory_space<vmem>>, vector<16xf32>,
        %get3A_2151 = vector.shape_cast %get3A_2150 : vector<16xf32> to vector<16xf32>
        %mul3A_2152 = arith.mulf %broadcast_in_dim3A_2117, %get3A_2151 : vector<16xf32>
        %add3A_2153 = arith.addf %add3A_2148, %mul3A_2152 : vector<16xf32>
        %max3A_2154 = arith.constant 0.000000e+00 : f32
        %max3A_2155 = vector.broadcast %max3A_2154 : f32 to vector<16xf32>
        %max3A_2156 = arith.maximumf %add3A_2153, %max3A_2155 : vector<16xf32>
        %swap3A_2157 = arith.index_cast %add3A_2114 : i32 to index
        %swap3A_2158 = arith.constant 16 : index
        %swap3A_2159 = tpu.vector_load %arg13[%swap3A_2157, %swap3A_2158] {strides = array<i32>} : memref<80x128xf32, #tpu.memory_space<vmem>>, vector<1x16xf32>,
        %swap3A_2160 = vector.shape_cast %swap3A_2159 : vector<1x16xf32> to vector<16xf32>
        %swap3A_2161 = vector.shape_cast %max3A_2156 : vector<16xf32> to vector<1x16xf32>
        tpu.vector_store %arg13[%swap3A_2157, %swap3A_2158], %swap3A_2161 {strides = array<i32>} : memref<80x128xf32, #tpu.memory_space<vmem>>, vector<1x16xf32>,
        %get3A_2162 = arith.index_cast %add3A_2114 : i32 to index
        %get3A_2163 = arith.constant 32 : index
        %get3A_2164 = tpu.vector_load %arg13[%get3A_2162, %get3A_2163] {strides = array<i32>} : memref<80x128xf32, #tpu.memory_space<vmem>>, vector<1x16xf32>,
        %get3A_2165 = vector.shape_cast %get3A_2164 : vector<1x16xf32> to vector<16xf32>
        %get3A_2166 = arith.index_cast %add3A_2114 : i32 to index
        %get3A_2167 = arith.constant 32 : index
        %get3A_2168 = tpu.vector_load %arg14[%get3A_2166, %get3A_2167] {strides = array<i32>} : memref<80x128xf32, #tpu.memory_space<vmem>>, vector<1x16xf32>,
        %get3A_2169 = vector.shape_cast %get3A_2168 : vector<1x16xf32> to vector<16xf32>
        %add3A_2170 = arith.addf %get3A_2165, %get3A_2169 : vector<16xf32>
        %get3A_2171 = arith.constant 32 : index
        %get3A_2172 = tpu.vector_load %arg15[%get3A_2171] {strides = array<i32>} : memref<128xf32, #tpu.memory_space<vmem>>, vector<16xf32>,
        %get3A_2173 = vector.shape_cast %get3A_2172 : vector<16xf32> to vector<16xf32>
        %mul3A_2174 = arith.mulf %broadcast_in_dim3A_2117, %get3A_2173 : vector<16xf32>
        %add3A_2175 = arith.addf %add3A_2170, %mul3A_2174 : vector<16xf32>
        %max3A_2176 = arith.constant 0.000000e+00 : f32
        %max3A_2177 = vector.broadcast %max3A_2176 : f32 to vector<16xf32>
        %max3A_2178 = arith.maximumf %add3A_2175, %max3A_2177 : vector<16xf32>
        %swap3A_2179 = arith.index_cast %add3A_2114 : i32 to index
        %swap3A_2180 = arith.constant 32 : index
        %swap3A_2181 = tpu.vector_load %arg13[%swap3A_2179, %swap3A_2180] {strides = array<i32>} : memref<80x128xf32, #tpu.memory_space<vmem>>, vector<1x16xf32>,
        %swap3A_2182 = vector.shape_cast %swap3A_2181 : vector<1x16xf32> to vector<16xf32>
        %swap3A_2183 = vector.shape_cast %max3A_2178 : vector<16xf32> to vector<1x16xf32>
        tpu.vector_store %arg13[%swap3A_2179, %swap3A_2180], %swap3A_2183 {strides = array<i32>} : memref<80x128xf32, #tpu.memory_space<vmem>>, vector<1x16xf32>,
        %get3A_2184 = arith.index_cast %add3A_2114 : i32 to index
        %get3A_2185 = arith.constant 48 : index
        %get3A_2186 = tpu.vector_load %arg13[%get3A_2184, %get3A_2185] {strides = array<i32>} : memref<80x128xf32, #tpu.memory_space<vmem>>, vector<1x16xf32>,
        %get3A_2187 = vector.shape_cast %get3A_2186 : vector<1x16xf32> to vector<16xf32>
        %get3A_2188 = arith.index_cast %add3A_2114 : i32 to index
        %get3A_2189 = arith.constant 48 : index
        %get3A_2190 = tpu.vector_load %arg14[%get3A_2188, %get3A_2189] {strides = array<i32>} : memref<80x128xf32, #tpu.memory_space<vmem>>, vector<1x16xf32>,
        %get3A_2191 = vector.shape_cast %get3A_2190 : vector<1x16xf32> to vector<16xf32>
        %add3A_2192 = arith.addf %get3A_2187, %get3A_2191 : vector<16xf32>
        %get3A_2193 = arith.constant 48 : index
        %get3A_2194 = tpu.vector_load %arg15[%get3A_2193] {strides = array<i32>} : memref<128xf32, #tpu.memory_space<vmem>>, vector<16xf32>,
        %get3A_2195 = vector.shape_cast %get3A_2194 : vector<16xf32> to vector<16xf32>
        %mul3A_2196 = arith.mulf %broadcast_in_dim3A_2117, %get3A_2195 : vector<16xf32>
        %add3A_2197 = arith.addf %add3A_2192, %mul3A_2196 : vector<16xf32>
        %max3A_2198 = arith.constant 0.000000e+00 : f32
        %max3A_2199 = vector.broadcast %max3A_2198 : f32 to vector<16xf32>
        %max3A_2200 = arith.maximumf %add3A_2197, %max3A_2199 : vector<16xf32>
        %swap3A_2201 = arith.index_cast %add3A_2114 : i32 to index
        %swap3A_2202 = arith.constant 48 : index
        %swap3A_2203 = tpu.vector_load %arg13[%swap3A_2201, %swap3A_2202] {strides = array<i32>} : memref<80x128xf32, #tpu.memory_space<vmem>>, vector<1x16xf32>,
        %swap3A_2204 = vector.shape_cast %swap3A_2203 : vector<1x16xf32> to vector<16xf32>
        %swap3A_2205 = vector.shape_cast %max3A_2200 : vector<16xf32> to vector<1x16xf32>
        tpu.vector_store %arg13[%swap3A_2201, %swap3A_2202], %swap3A_2205 {strides = array<i32>} : memref<80x128xf32, #tpu.memory_space<vmem>>, vector<1x16xf32>,
        %get3A_2206 = arith.index_cast %add3A_2114 : i32 to index
        %get3A_2207 = arith.constant 64 : index
        %get3A_2208 = tpu.vector_load %arg13[%get3A_2206, %get3A_2207] {strides = array<i32>} : memref<80x128xf32, #tpu.memory_space<vmem>>, vector<1x16xf32>,
        %get3A_2209 = vector.shape_cast %get3A_2208 : vector<1x16xf32> to vector<16xf32>
        %get3A_2210 = arith.index_cast %add3A_2114 : i32 to index
        %get3A_2211 = arith.constant 64 : index
        %get3A_2212 = tpu.vector_load %arg14[%get3A_2210, %get3A_2211] {strides = array<i32>} : memref<80x128xf32, #tpu.memory_space<vmem>>, vector<1x16xf32>,
        %get3A_2213 = vector.shape_cast %get3A_2212 : vector<1x16xf32> to vector<16xf32>
        %add3A_2214 = arith.addf %get3A_2209, %get3A_2213 : vector<16xf32>
        %get3A_2215 = arith.constant 64 : index
        %get3A_2216 = tpu.vector_load %arg15[%get3A_2215] {strides = array<i32>} : memref<128xf32, #tpu.memory_space<vmem>>, vector<16xf32>,
        %get3A_2217 = vector.shape_cast %get3A_2216 : vector<16xf32> to vector<16xf32>
        %mul3A_2218 = arith.mulf %broadcast_in_dim3A_2117, %get3A_2217 : vector<16xf32>
        %add3A_2219 = arith.addf %add3A_2214, %mul3A_2218 : vector<16xf32>
        %max3A_2220 = arith.constant 0.000000e+00 : f32
        %max3A_2221 = vector.broadcast %max3A_2220 : f32 to vector<16xf32>
        %max3A_2222 = arith.maximumf %add3A_2219, %max3A_2221 : vector<16xf32>
        %swap3A_2223 = arith.index_cast %add3A_2114 : i32 to index
        %swap3A_2224 = arith.constant 64 : index
        %swap3A_2225 = tpu.vector_load %arg13[%swap3A_2223, %swap3A_2224] {strides = array<i32>} : memref<80x128xf32, #tpu.memory_space<vmem>>, vector<1x16xf32>,
        %swap3A_2226 = vector.shape_cast %swap3A_2225 : vector<1x16xf32> to vector<16xf32>
        %swap3A_2227 = vector.shape_cast %max3A_2222 : vector<16xf32> to vector<1x16xf32>
        tpu.vector_store %arg13[%swap3A_2223, %swap3A_2224], %swap3A_2227 {strides = array<i32>} : memref<80x128xf32, #tpu.memory_space<vmem>>, vector<1x16xf32>,
        %get3A_2228 = arith.index_cast %add3A_2114 : i32 to index
        %get3A_2229 = arith.constant 80 : index
        %get3A_2230 = tpu.vector_load %arg13[%get3A_2228, %get3A_2229] {strides = array<i32>} : memref<80x128xf32, #tpu.memory_space<vmem>>, vector<1x16xf32>,
        %get3A_2231 = vector.shape_cast %get3A_2230 : vector<1x16xf32> to vector<16xf32>
        %get3A_2232 = arith.index_cast %add3A_2114 : i32 to index
        %get3A_2233 = arith.constant 80 : index
        %get3A_2234 = tpu.vector_load %arg14[%get3A_2232, %get3A_2233] {strides = array<i32>} : memref<80x128xf32, #tpu.memory_space<vmem>>, vector<1x16xf32>,
        %get3A_2235 = vector.shape_cast %get3A_2234 : vector<1x16xf32> to vector<16xf32>
        %add3A_2236 = arith.addf %get3A_2231, %get3A_2235 : vector<16xf32>
        %get3A_2237 = arith.constant 80 : index
        %get3A_2238 = tpu.vector_load %arg15[%get3A_2237] {strides = array<i32>} : memref<128xf32, #tpu.memory_space<vmem>>, vector<16xf32>,
        %get3A_2239 = vector.shape_cast %get3A_2238 : vector<16xf32> to vector<16xf32>
        %mul3A_2240 = arith.mulf %broadcast_in_dim3A_2117, %get3A_2239 : vector<16xf32>
        %add3A_2241 = arith.addf %add3A_2236, %mul3A_2240 : vector<16xf32>
        %max3A_2242 = arith.constant 0.000000e+00 : f32
        %max3A_2243 = vector.broadcast %max3A_2242 : f32 to vector<16xf32>
        %max3A_2244 = arith.maximumf %add3A_2241, %max3A_2243 : vector<16xf32>
        %swap3A_2245 = arith.index_cast %add3A_2114 : i32 to index
        %swap3A_2246 = arith.constant 80 : index
        %swap3A_2247 = tpu.vector_load %arg13[%swap3A_2245, %swap3A_2246] {strides = array<i32>} : memref<80x128xf32, #tpu.memory_space<vmem>>, vector<1x16xf32>,
        %swap3A_2248 = vector.shape_cast %swap3A_2247 : vector<1x16xf32> to vector<16xf32>
        %swap3A_2249 = vector.shape_cast %max3A_2244 : vector<16xf32> to vector<1x16xf32>
        tpu.vector_store %arg13[%swap3A_2245, %swap3A_2246], %swap3A_2249 {strides = array<i32>} : memref<80x128xf32, #tpu.memory_space<vmem>>, vector<1x16xf32>,
        %get3A_2250 = arith.index_cast %add3A_2114 : i32 to index
        %get3A_2251 = arith.constant 96 : index
        %get3A_2252 = tpu.vector_load %arg13[%get3A_2250, %get3A_2251] {strides = array<i32>} : memref<80x128xf32, #tpu.memory_space<vmem>>, vector<1x16xf32>,
        %get3A_2253 = vector.shape_cast %get3A_2252 : vector<1x16xf32> to vector<16xf32>
        %get3A_2254 = arith.index_cast %add3A_2114 : i32 to index
        %get3A_2255 = arith.constant 96 : index
        %get3A_2256 = tpu.vector_load %arg14[%get3A_2254, %get3A_2255] {strides = array<i32>} : memref<80x128xf32, #tpu.memory_space<vmem>>, vector<1x16xf32>,
        %get3A_2257 = vector.shape_cast %get3A_2256 : vector<1x16xf32> to vector<16xf32>
        %add3A_2258 = arith.addf %get3A_2253, %get3A_2257 : vector<16xf32>
        %get3A_2259 = arith.constant 96 : index
        %get3A_2260 = tpu.vector_load %arg15[%get3A_2259] {strides = array<i32>} : memref<128xf32, #tpu.memory_space<vmem>>, vector<16xf32>,
        %get3A_2261 = vector.shape_cast %get3A_2260 : vector<16xf32> to vector<16xf32>
        %mul3A_2262 = arith.mulf %broadcast_in_dim3A_2117, %get3A_2261 : vector<16xf32>
        %add3A_2263 = arith.addf %add3A_2258, %mul3A_2262 : vector<16xf32>
        %max3A_2264 = arith.constant 0.000000e+00 : f32
        %max3A_2265 = vector.broadcast %max3A_2264 : f32 to vector<16xf32>
        %max3A_2266 = arith.maximumf %add3A_2263, %max3A_2265 : vector<16xf32>
        %swap3A_2267 = arith.index_cast %add3A_2114 : i32 to index
        %swap3A_2268 = arith.constant 96 : index
        %swap3A_2269 = tpu.vector_load %arg13[%swap3A_2267, %swap3A_2268] {strides = array<i32>} : memref<80x128xf32, #tpu.memory_space<vmem>>, vector<1x16xf32>,
        %swap3A_2270 = vector.shape_cast %swap3A_2269 : vector<1x16xf32> to vector<16xf32>
        %swap3A_2271 = vector.shape_cast %max3A_2266 : vector<16xf32> to vector<1x16xf32>
        tpu.vector_store %arg13[%swap3A_2267, %swap3A_2268], %swap3A_2271 {strides = array<i32>} : memref<80x128xf32, #tpu.memory_space<vmem>>, vector<1x16xf32>,
        %get3A_2272 = arith.index_cast %add3A_2114 : i32 to index
        %get3A_2273 = arith.constant 112 : index
        %get3A_2274 = tpu.vector_load %arg13[%get3A_2272, %get3A_2273] {strides = array<i32>} : memref<80x128xf32, #tpu.memory_space<vmem>>, vector<1x16xf32>,
        %get3A_2275 = vector.shape_cast %get3A_2274 : vector<1x16xf32> to vector<16xf32>
        %get3A_2276 = arith.index_cast %add3A_2114 : i32 to index
        %get3A_2277 = arith.constant 112 : index
        %get3A_2278 = tpu.vector_load %arg14[%get3A_2276, %get3A_2277] {strides = array<i32>} : memref<80x128xf32, #tpu.memory_space<vmem>>, vector<1x16xf32>,
        %get3A_2279 = vector.shape_cast %get3A_2278 : vector<1x16xf32> to vector<16xf32>
        %add3A_2280 = arith.addf %get3A_2275, %get3A_2279 : vector<16xf32>
        %get3A_2281 = arith.constant 112 : index
        %get3A_2282 = tpu.vector_load %arg15[%get3A_2281] {strides = array<i32>} : memref<128xf32, #tpu.memory_space<vmem>>, vector<16xf32>,
        %get3A_2283 = vector.shape_cast %get3A_2282 : vector<16xf32> to vector<16xf32>
        %mul3A_2284 = arith.mulf %broadcast_in_dim3A_2117, %get3A_2283 : vector<16xf32>
        %add3A_2285 = arith.addf %add3A_2280, %mul3A_2284 : vector<16xf32>
        %max3A_2286 = arith.constant 0.000000e+00 : f32
        %max3A_2287 = vector.broadcast %max3A_2286 : f32 to vector<16xf32>
        %max3A_2288 = arith.maximumf %add3A_2285, %max3A_2287 : vector<16xf32>
        %swap3A_2289 = arith.index_cast %add3A_2114 : i32 to index
        %swap3A_2290 = arith.constant 112 : index
        %swap3A_2291 = tpu.vector_load %arg13[%swap3A_2289, %swap3A_2290] {strides = array<i32>} : memref<80x128xf32, #tpu.memory_space<vmem>>, vector<1x16xf32>,
        %swap3A_2292 = vector.shape_cast %swap3A_2291 : vector<1x16xf32> to vector<16xf32>
        %swap3A_2293 = vector.shape_cast %max3A_2288 : vector<16xf32> to vector<1x16xf32>
        tpu.vector_store %arg13[%swap3A_2289, %swap3A_2290], %swap3A_2293 {strides = array<i32>} : memref<80x128xf32, #tpu.memory_space<vmem>>, vector<1x16xf32>,
        %mul3A_2294 = arith.constant 16 : i32
        %mul3A_2295 = arith.muli %scan3A_98, %mul3A_2294 : i32
        %add3A_2296 = arith.constant 12 : i32
        %add3A_2297 = arith.addi %mul3A_2295, %add3A_2296 : i32
        %slice3A_2298 = vector.extract_strided_slice %get3A_102 {offsets = [12], sizes = [1], strides = [1]} : vector<16xf32> to vector<1xf32>
        %squeeze3A_2299 = vector.extract %slice3A_2298[0] : f32 from vector<1xf32>
        %broadcast_in_dim3A_2300 = vector.broadcast %squeeze3A_2299 : f32 to vector<16xf32>
        %get3A_2301 = arith.index_cast %add3A_2297 : i32 to index
        %get3A_2302 = arith.constant 0 : index
        %get3A_2303 = tpu.vector_load %arg13[%get3A_2301, %get3A_2302] {strides = array<i32>} : memref<80x128xf32, #tpu.memory_space<vmem>>, vector<1x16xf32>,
        %get3A_2304 = vector.shape_cast %get3A_2303 : vector<1x16xf32> to vector<16xf32>
        %get3A_2305 = arith.index_cast %add3A_2297 : i32 to index
        %get3A_2306 = arith.constant 0 : index
        %get3A_2307 = tpu.vector_load %arg14[%get3A_2305, %get3A_2306] {strides = array<i32>} : memref<80x128xf32, #tpu.memory_space<vmem>>, vector<1x16xf32>,
        %get3A_2308 = vector.shape_cast %get3A_2307 : vector<1x16xf32> to vector<16xf32>
        %add3A_2309 = arith.addf %get3A_2304, %get3A_2308 : vector<16xf32>
        %get3A_2310 = arith.constant 0 : index
        %get3A_2311 = tpu.vector_load %arg15[%get3A_2310] {strides = array<i32>} : memref<128xf32, #tpu.memory_space<vmem>>, vector<16xf32>,
        %get3A_2312 = vector.shape_cast %get3A_2311 : vector<16xf32> to vector<16xf32>
        %mul3A_2313 = arith.mulf %broadcast_in_dim3A_2300, %get3A_2312 : vector<16xf32>
        %add3A_2314 = arith.addf %add3A_2309, %mul3A_2313 : vector<16xf32>
        %max3A_2315 = arith.constant 0.000000e+00 : f32
        %max3A_2316 = vector.broadcast %max3A_2315 : f32 to vector<16xf32>
        %max3A_2317 = arith.maximumf %add3A_2314, %max3A_2316 : vector<16xf32>
        %swap3A_2318 = arith.index_cast %add3A_2297 : i32 to index
        %swap3A_2319 = arith.constant 0 : index
        %swap3A_2320 = tpu.vector_load %arg13[%swap3A_2318, %swap3A_2319] {strides = array<i32>} : memref<80x128xf32, #tpu.memory_space<vmem>>, vector<1x16xf32>,
        %swap3A_2321 = vector.shape_cast %swap3A_2320 : vector<1x16xf32> to vector<16xf32>
        %swap3A_2322 = vector.shape_cast %max3A_2317 : vector<16xf32> to vector<1x16xf32>
        tpu.vector_store %arg13[%swap3A_2318, %swap3A_2319], %swap3A_2322 {strides = array<i32>} : memref<80x128xf32, #tpu.memory_space<vmem>>, vector<1x16xf32>,
        %get3A_2323 = arith.index_cast %add3A_2297 : i32 to index
        %get3A_2324 = arith.constant 16 : index
        %get3A_2325 = tpu.vector_load %arg13[%get3A_2323, %get3A_2324] {strides = array<i32>} : memref<80x128xf32, #tpu.memory_space<vmem>>, vector<1x16xf32>,
        %get3A_2326 = vector.shape_cast %get3A_2325 : vector<1x16xf32> to vector<16xf32>
        %get3A_2327 = arith.index_cast %add3A_2297 : i32 to index
        %get3A_2328 = arith.constant 16 : index
        %get3A_2329 = tpu.vector_load %arg14[%get3A_2327, %get3A_2328] {strides = array<i32>} : memref<80x128xf32, #tpu.memory_space<vmem>>, vector<1x16xf32>,
        %get3A_2330 = vector.shape_cast %get3A_2329 : vector<1x16xf32> to vector<16xf32>
        %add3A_2331 = arith.addf %get3A_2326, %get3A_2330 : vector<16xf32>
        %get3A_2332 = arith.constant 16 : index
        %get3A_2333 = tpu.vector_load %arg15[%get3A_2332] {strides = array<i32>} : memref<128xf32, #tpu.memory_space<vmem>>, vector<16xf32>,
        %get3A_2334 = vector.shape_cast %get3A_2333 : vector<16xf32> to vector<16xf32>
        %mul3A_2335 = arith.mulf %broadcast_in_dim3A_2300, %get3A_2334 : vector<16xf32>
        %add3A_2336 = arith.addf %add3A_2331, %mul3A_2335 : vector<16xf32>
        %max3A_2337 = arith.constant 0.000000e+00 : f32
        %max3A_2338 = vector.broadcast %max3A_2337 : f32 to vector<16xf32>
        %max3A_2339 = arith.maximumf %add3A_2336, %max3A_2338 : vector<16xf32>
        %swap3A_2340 = arith.index_cast %add3A_2297 : i32 to index
        %swap3A_2341 = arith.constant 16 : index
        %swap3A_2342 = tpu.vector_load %arg13[%swap3A_2340, %swap3A_2341] {strides = array<i32>} : memref<80x128xf32, #tpu.memory_space<vmem>>, vector<1x16xf32>,
        %swap3A_2343 = vector.shape_cast %swap3A_2342 : vector<1x16xf32> to vector<16xf32>
        %swap3A_2344 = vector.shape_cast %max3A_2339 : vector<16xf32> to vector<1x16xf32>
        tpu.vector_store %arg13[%swap3A_2340, %swap3A_2341], %swap3A_2344 {strides = array<i32>} : memref<80x128xf32, #tpu.memory_space<vmem>>, vector<1x16xf32>,
        %get3A_2345 = arith.index_cast %add3A_2297 : i32 to index
        %get3A_2346 = arith.constant 32 : index
        %get3A_2347 = tpu.vector_load %arg13[%get3A_2345, %get3A_2346] {strides = array<i32>} : memref<80x128xf32, #tpu.memory_space<vmem>>, vector<1x16xf32>,
        %get3A_2348 = vector.shape_cast %get3A_2347 : vector<1x16xf32> to vector<16xf32>
        %get3A_2349 = arith.index_cast %add3A_2297 : i32 to index
        %get3A_2350 = arith.constant 32 : index
        %get3A_2351 = tpu.vector_load %arg14[%get3A_2349, %get3A_2350] {strides = array<i32>} : memref<80x128xf32, #tpu.memory_space<vmem>>, vector<1x16xf32>,
        %get3A_2352 = vector.shape_cast %get3A_2351 : vector<1x16xf32> to vector<16xf32>
        %add3A_2353 = arith.addf %get3A_2348, %get3A_2352 : vector<16xf32>
        %get3A_2354 = arith.constant 32 : index
        %get3A_2355 = tpu.vector_load %arg15[%get3A_2354] {strides = array<i32>} : memref<128xf32, #tpu.memory_space<vmem>>, vector<16xf32>,
        %get3A_2356 = vector.shape_cast %get3A_2355 : vector<16xf32> to vector<16xf32>
        %mul3A_2357 = arith.mulf %broadcast_in_dim3A_2300, %get3A_2356 : vector<16xf32>
        %add3A_2358 = arith.addf %add3A_2353, %mul3A_2357 : vector<16xf32>
        %max3A_2359 = arith.constant 0.000000e+00 : f32
        %max3A_2360 = vector.broadcast %max3A_2359 : f32 to vector<16xf32>
        %max3A_2361 = arith.maximumf %add3A_2358, %max3A_2360 : vector<16xf32>
        %swap3A_2362 = arith.index_cast %add3A_2297 : i32 to index
        %swap3A_2363 = arith.constant 32 : index
        %swap3A_2364 = tpu.vector_load %arg13[%swap3A_2362, %swap3A_2363] {strides = array<i32>} : memref<80x128xf32, #tpu.memory_space<vmem>>, vector<1x16xf32>,
        %swap3A_2365 = vector.shape_cast %swap3A_2364 : vector<1x16xf32> to vector<16xf32>
        %swap3A_2366 = vector.shape_cast %max3A_2361 : vector<16xf32> to vector<1x16xf32>
        tpu.vector_store %arg13[%swap3A_2362, %swap3A_2363], %swap3A_2366 {strides = array<i32>} : memref<80x128xf32, #tpu.memory_space<vmem>>, vector<1x16xf32>,
        %get3A_2367 = arith.index_cast %add3A_2297 : i32 to index
        %get3A_2368 = arith.constant 48 : index
        %get3A_2369 = tpu.vector_load %arg13[%get3A_2367, %get3A_2368] {strides = array<i32>} : memref<80x128xf32, #tpu.memory_space<vmem>>, vector<1x16xf32>,
        %get3A_2370 = vector.shape_cast %get3A_2369 : vector<1x16xf32> to vector<16xf32>
        %get3A_2371 = arith.index_cast %add3A_2297 : i32 to index
        %get3A_2372 = arith.constant 48 : index
        %get3A_2373 = tpu.vector_load %arg14[%get3A_2371, %get3A_2372] {strides = array<i32>} : memref<80x128xf32, #tpu.memory_space<vmem>>, vector<1x16xf32>,
        %get3A_2374 = vector.shape_cast %get3A_2373 : vector<1x16xf32> to vector<16xf32>
        %add3A_2375 = arith.addf %get3A_2370, %get3A_2374 : vector<16xf32>
        %get3A_2376 = arith.constant 48 : index
        %get3A_2377 = tpu.vector_load %arg15[%get3A_2376] {strides = array<i32>} : memref<128xf32, #tpu.memory_space<vmem>>, vector<16xf32>,
        %get3A_2378 = vector.shape_cast %get3A_2377 : vector<16xf32> to vector<16xf32>
        %mul3A_2379 = arith.mulf %broadcast_in_dim3A_2300, %get3A_2378 : vector<16xf32>
        %add3A_2380 = arith.addf %add3A_2375, %mul3A_2379 : vector<16xf32>
        %max3A_2381 = arith.constant 0.000000e+00 : f32
        %max3A_2382 = vector.broadcast %max3A_2381 : f32 to vector<16xf32>
        %max3A_2383 = arith.maximumf %add3A_2380, %max3A_2382 : vector<16xf32>
        %swap3A_2384 = arith.index_cast %add3A_2297 : i32 to index
        %swap3A_2385 = arith.constant 48 : index
        %swap3A_2386 = tpu.vector_load %arg13[%swap3A_2384, %swap3A_2385] {strides = array<i32>} : memref<80x128xf32, #tpu.memory_space<vmem>>, vector<1x16xf32>,
        %swap3A_2387 = vector.shape_cast %swap3A_2386 : vector<1x16xf32> to vector<16xf32>
        %swap3A_2388 = vector.shape_cast %max3A_2383 : vector<16xf32> to vector<1x16xf32>
        tpu.vector_store %arg13[%swap3A_2384, %swap3A_2385], %swap3A_2388 {strides = array<i32>} : memref<80x128xf32, #tpu.memory_space<vmem>>, vector<1x16xf32>,
        %get3A_2389 = arith.index_cast %add3A_2297 : i32 to index
        %get3A_2390 = arith.constant 64 : index
        %get3A_2391 = tpu.vector_load %arg13[%get3A_2389, %get3A_2390] {strides = array<i32>} : memref<80x128xf32, #tpu.memory_space<vmem>>, vector<1x16xf32>,
        %get3A_2392 = vector.shape_cast %get3A_2391 : vector<1x16xf32> to vector<16xf32>
        %get3A_2393 = arith.index_cast %add3A_2297 : i32 to index
        %get3A_2394 = arith.constant 64 : index
        %get3A_2395 = tpu.vector_load %arg14[%get3A_2393, %get3A_2394] {strides = array<i32>} : memref<80x128xf32, #tpu.memory_space<vmem>>, vector<1x16xf32>,
        %get3A_2396 = vector.shape_cast %get3A_2395 : vector<1x16xf32> to vector<16xf32>
        %add3A_2397 = arith.addf %get3A_2392, %get3A_2396 : vector<16xf32>
        %get3A_2398 = arith.constant 64 : index
        %get3A_2399 = tpu.vector_load %arg15[%get3A_2398] {strides = array<i32>} : memref<128xf32, #tpu.memory_space<vmem>>, vector<16xf32>,
        %get3A_2400 = vector.shape_cast %get3A_2399 : vector<16xf32> to vector<16xf32>
        %mul3A_2401 = arith.mulf %broadcast_in_dim3A_2300, %get3A_2400 : vector<16xf32>
        %add3A_2402 = arith.addf %add3A_2397, %mul3A_2401 : vector<16xf32>
        %max3A_2403 = arith.constant 0.000000e+00 : f32
        %max3A_2404 = vector.broadcast %max3A_2403 : f32 to vector<16xf32>
        %max3A_2405 = arith.maximumf %add3A_2402, %max3A_2404 : vector<16xf32>
        %swap3A_2406 = arith.index_cast %add3A_2297 : i32 to index
        %swap3A_2407 = arith.constant 64 : index
        %swap3A_2408 = tpu.vector_load %arg13[%swap3A_2406, %swap3A_2407] {strides = array<i32>} : memref<80x128xf32, #tpu.memory_space<vmem>>, vector<1x16xf32>,
        %swap3A_2409 = vector.shape_cast %swap3A_2408 : vector<1x16xf32> to vector<16xf32>
        %swap3A_2410 = vector.shape_cast %max3A_2405 : vector<16xf32> to vector<1x16xf32>
        tpu.vector_store %arg13[%swap3A_2406, %swap3A_2407], %swap3A_2410 {strides = array<i32>} : memref<80x128xf32, #tpu.memory_space<vmem>>, vector<1x16xf32>,
        %get3A_2411 = arith.index_cast %add3A_2297 : i32 to index
        %get3A_2412 = arith.constant 80 : index
        %get3A_2413 = tpu.vector_load %arg13[%get3A_2411, %get3A_2412] {strides = array<i32>} : memref<80x128xf32, #tpu.memory_space<vmem>>, vector<1x16xf32>,
        %get3A_2414 = vector.shape_cast %get3A_2413 : vector<1x16xf32> to vector<16xf32>
        %get3A_2415 = arith.index_cast %add3A_2297 : i32 to index
        %get3A_2416 = arith.constant 80 : index
        %get3A_2417 = tpu.vector_load %arg14[%get3A_2415, %get3A_2416] {strides = array<i32>} : memref<80x128xf32, #tpu.memory_space<vmem>>, vector<1x16xf32>,
        %get3A_2418 = vector.shape_cast %get3A_2417 : vector<1x16xf32> to vector<16xf32>
        %add3A_2419 = arith.addf %get3A_2414, %get3A_2418 : vector<16xf32>
        %get3A_2420 = arith.constant 80 : index
        %get3A_2421 = tpu.vector_load %arg15[%get3A_2420] {strides = array<i32>} : memref<128xf32, #tpu.memory_space<vmem>>, vector<16xf32>,
        %get3A_2422 = vector.shape_cast %get3A_2421 : vector<16xf32> to vector<16xf32>
        %mul3A_2423 = arith.mulf %broadcast_in_dim3A_2300, %get3A_2422 : vector<16xf32>
        %add3A_2424 = arith.addf %add3A_2419, %mul3A_2423 : vector<16xf32>
        %max3A_2425 = arith.constant 0.000000e+00 : f32
        %max3A_2426 = vector.broadcast %max3A_2425 : f32 to vector<16xf32>
        %max3A_2427 = arith.maximumf %add3A_2424, %max3A_2426 : vector<16xf32>
        %swap3A_2428 = arith.index_cast %add3A_2297 : i32 to index
        %swap3A_2429 = arith.constant 80 : index
        %swap3A_2430 = tpu.vector_load %arg13[%swap3A_2428, %swap3A_2429] {strides = array<i32>} : memref<80x128xf32, #tpu.memory_space<vmem>>, vector<1x16xf32>,
        %swap3A_2431 = vector.shape_cast %swap3A_2430 : vector<1x16xf32> to vector<16xf32>
        %swap3A_2432 = vector.shape_cast %max3A_2427 : vector<16xf32> to vector<1x16xf32>
        tpu.vector_store %arg13[%swap3A_2428, %swap3A_2429], %swap3A_2432 {strides = array<i32>} : memref<80x128xf32, #tpu.memory_space<vmem>>, vector<1x16xf32>,
        %get3A_2433 = arith.index_cast %add3A_2297 : i32 to index
        %get3A_2434 = arith.constant 96 : index
        %get3A_2435 = tpu.vector_load %arg13[%get3A_2433, %get3A_2434] {strides = array<i32>} : memref<80x128xf32, #tpu.memory_space<vmem>>, vector<1x16xf32>,
        %get3A_2436 = vector.shape_cast %get3A_2435 : vector<1x16xf32> to vector<16xf32>
        %get3A_2437 = arith.index_cast %add3A_2297 : i32 to index
        %get3A_2438 = arith.constant 96 : index
        %get3A_2439 = tpu.vector_load %arg14[%get3A_2437, %get3A_2438] {strides = array<i32>} : memref<80x128xf32, #tpu.memory_space<vmem>>, vector<1x16xf32>,
        %get3A_2440 = vector.shape_cast %get3A_2439 : vector<1x16xf32> to vector<16xf32>
        %add3A_2441 = arith.addf %get3A_2436, %get3A_2440 : vector<16xf32>
        %get3A_2442 = arith.constant 96 : index
        %get3A_2443 = tpu.vector_load %arg15[%get3A_2442] {strides = array<i32>} : memref<128xf32, #tpu.memory_space<vmem>>, vector<16xf32>,
        %get3A_2444 = vector.shape_cast %get3A_2443 : vector<16xf32> to vector<16xf32>
        %mul3A_2445 = arith.mulf %broadcast_in_dim3A_2300, %get3A_2444 : vector<16xf32>
        %add3A_2446 = arith.addf %add3A_2441, %mul3A_2445 : vector<16xf32>
        %max3A_2447 = arith.constant 0.000000e+00 : f32
        %max3A_2448 = vector.broadcast %max3A_2447 : f32 to vector<16xf32>
        %max3A_2449 = arith.maximumf %add3A_2446, %max3A_2448 : vector<16xf32>
        %swap3A_2450 = arith.index_cast %add3A_2297 : i32 to index
        %swap3A_2451 = arith.constant 96 : index
        %swap3A_2452 = tpu.vector_load %arg13[%swap3A_2450, %swap3A_2451] {strides = array<i32>} : memref<80x128xf32, #tpu.memory_space<vmem>>, vector<1x16xf32>,
        %swap3A_2453 = vector.shape_cast %swap3A_2452 : vector<1x16xf32> to vector<16xf32>
        %swap3A_2454 = vector.shape_cast %max3A_2449 : vector<16xf32> to vector<1x16xf32>
        tpu.vector_store %arg13[%swap3A_2450, %swap3A_2451], %swap3A_2454 {strides = array<i32>} : memref<80x128xf32, #tpu.memory_space<vmem>>, vector<1x16xf32>,
        %get3A_2455 = arith.index_cast %add3A_2297 : i32 to index
        %get3A_2456 = arith.constant 112 : index
        %get3A_2457 = tpu.vector_load %arg13[%get3A_2455, %get3A_2456] {strides = array<i32>} : memref<80x128xf32, #tpu.memory_space<vmem>>, vector<1x16xf32>,
        %get3A_2458 = vector.shape_cast %get3A_2457 : vector<1x16xf32> to vector<16xf32>
        %get3A_2459 = arith.index_cast %add3A_2297 : i32 to index
        %get3A_2460 = arith.constant 112 : index
        %get3A_2461 = tpu.vector_load %arg14[%get3A_2459, %get3A_2460] {strides = array<i32>} : memref<80x128xf32, #tpu.memory_space<vmem>>, vector<1x16xf32>,
        %get3A_2462 = vector.shape_cast %get3A_2461 : vector<1x16xf32> to vector<16xf32>
        %add3A_2463 = arith.addf %get3A_2458, %get3A_2462 : vector<16xf32>
        %get3A_2464 = arith.constant 112 : index
        %get3A_2465 = tpu.vector_load %arg15[%get3A_2464] {strides = array<i32>} : memref<128xf32, #tpu.memory_space<vmem>>, vector<16xf32>,
        %get3A_2466 = vector.shape_cast %get3A_2465 : vector<16xf32> to vector<16xf32>
        %mul3A_2467 = arith.mulf %broadcast_in_dim3A_2300, %get3A_2466 : vector<16xf32>
        %add3A_2468 = arith.addf %add3A_2463, %mul3A_2467 : vector<16xf32>
        %max3A_2469 = arith.constant 0.000000e+00 : f32
        %max3A_2470 = vector.broadcast %max3A_2469 : f32 to vector<16xf32>
        %max3A_2471 = arith.maximumf %add3A_2468, %max3A_2470 : vector<16xf32>
        %swap3A_2472 = arith.index_cast %add3A_2297 : i32 to index
        %swap3A_2473 = arith.constant 112 : index
        %swap3A_2474 = tpu.vector_load %arg13[%swap3A_2472, %swap3A_2473] {strides = array<i32>} : memref<80x128xf32, #tpu.memory_space<vmem>>, vector<1x16xf32>,
        %swap3A_2475 = vector.shape_cast %swap3A_2474 : vector<1x16xf32> to vector<16xf32>
        %swap3A_2476 = vector.shape_cast %max3A_2471 : vector<16xf32> to vector<1x16xf32>
        tpu.vector_store %arg13[%swap3A_2472, %swap3A_2473], %swap3A_2476 {strides = array<i32>} : memref<80x128xf32, #tpu.memory_space<vmem>>, vector<1x16xf32>,
        %mul3A_2477 = arith.constant 16 : i32
        %mul3A_2478 = arith.muli %scan3A_98, %mul3A_2477 : i32
        %add3A_2479 = arith.constant 13 : i32
        %add3A_2480 = arith.addi %mul3A_2478, %add3A_2479 : i32
        %slice3A_2481 = vector.extract_strided_slice %get3A_102 {offsets = [13], sizes = [1], strides = [1]} : vector<16xf32> to vector<1xf32>
        %squeeze3A_2482 = vector.extract %slice3A_2481[0] : f32 from vector<1xf32>
        %broadcast_in_dim3A_2483 = vector.broadcast %squeeze3A_2482 : f32 to vector<16xf32>
        %get3A_2484 = arith.index_cast %add3A_2480 : i32 to index
        %get3A_2485 = arith.constant 0 : index
        %get3A_2486 = tpu.vector_load %arg13[%get3A_2484, %get3A_2485] {strides = array<i32>} : memref<80x128xf32, #tpu.memory_space<vmem>>, vector<1x16xf32>,
        %get3A_2487 = vector.shape_cast %get3A_2486 : vector<1x16xf32> to vector<16xf32>
        %get3A_2488 = arith.index_cast %add3A_2480 : i32 to index
        %get3A_2489 = arith.constant 0 : index
        %get3A_2490 = tpu.vector_load %arg14[%get3A_2488, %get3A_2489] {strides = array<i32>} : memref<80x128xf32, #tpu.memory_space<vmem>>, vector<1x16xf32>,
        %get3A_2491 = vector.shape_cast %get3A_2490 : vector<1x16xf32> to vector<16xf32>
        %add3A_2492 = arith.addf %get3A_2487, %get3A_2491 : vector<16xf32>
        %get3A_2493 = arith.constant 0 : index
        %get3A_2494 = tpu.vector_load %arg15[%get3A_2493] {strides = array<i32>} : memref<128xf32, #tpu.memory_space<vmem>>, vector<16xf32>,
        %get3A_2495 = vector.shape_cast %get3A_2494 : vector<16xf32> to vector<16xf32>
        %mul3A_2496 = arith.mulf %broadcast_in_dim3A_2483, %get3A_2495 : vector<16xf32>
        %add3A_2497 = arith.addf %add3A_2492, %mul3A_2496 : vector<16xf32>
        %max3A_2498 = arith.constant 0.000000e+00 : f32
        %max3A_2499 = vector.broadcast %max3A_2498 : f32 to vector<16xf32>
        %max3A_2500 = arith.maximumf %add3A_2497, %max3A_2499 : vector<16xf32>
        %swap3A_2501 = arith.index_cast %add3A_2480 : i32 to index
        %swap3A_2502 = arith.constant 0 : index
        %swap3A_2503 = tpu.vector_load %arg13[%swap3A_2501, %swap3A_2502] {strides = array<i32>} : memref<80x128xf32, #tpu.memory_space<vmem>>, vector<1x16xf32>,
        %swap3A_2504 = vector.shape_cast %swap3A_2503 : vector<1x16xf32> to vector<16xf32>
        %swap3A_2505 = vector.shape_cast %max3A_2500 : vector<16xf32> to vector<1x16xf32>
        tpu.vector_store %arg13[%swap3A_2501, %swap3A_2502], %swap3A_2505 {strides = array<i32>} : memref<80x128xf32, #tpu.memory_space<vmem>>, vector<1x16xf32>,
        %get3A_2506 = arith.index_cast %add3A_2480 : i32 to index
        %get3A_2507 = arith.constant 16 : index
        %get3A_2508 = tpu.vector_load %arg13[%get3A_2506, %get3A_2507] {strides = array<i32>} : memref<80x128xf32, #tpu.memory_space<vmem>>, vector<1x16xf32>,
        %get3A_2509 = vector.shape_cast %get3A_2508 : vector<1x16xf32> to vector<16xf32>
        %get3A_2510 = arith.index_cast %add3A_2480 : i32 to index
        %get3A_2511 = arith.constant 16 : index
        %get3A_2512 = tpu.vector_load %arg14[%get3A_2510, %get3A_2511] {strides = array<i32>} : memref<80x128xf32, #tpu.memory_space<vmem>>, vector<1x16xf32>,
        %get3A_2513 = vector.shape_cast %get3A_2512 : vector<1x16xf32> to vector<16xf32>
        %add3A_2514 = arith.addf %get3A_2509, %get3A_2513 : vector<16xf32>
        %get3A_2515 = arith.constant 16 : index
        %get3A_2516 = tpu.vector_load %arg15[%get3A_2515] {strides = array<i32>} : memref<128xf32, #tpu.memory_space<vmem>>, vector<16xf32>,
        %get3A_2517 = vector.shape_cast %get3A_2516 : vector<16xf32> to vector<16xf32>
        %mul3A_2518 = arith.mulf %broadcast_in_dim3A_2483, %get3A_2517 : vector<16xf32>
        %add3A_2519 = arith.addf %add3A_2514, %mul3A_2518 : vector<16xf32>
        %max3A_2520 = arith.constant 0.000000e+00 : f32
        %max3A_2521 = vector.broadcast %max3A_2520 : f32 to vector<16xf32>
        %max3A_2522 = arith.maximumf %add3A_2519, %max3A_2521 : vector<16xf32>
        %swap3A_2523 = arith.index_cast %add3A_2480 : i32 to index
        %swap3A_2524 = arith.constant 16 : index
        %swap3A_2525 = tpu.vector_load %arg13[%swap3A_2523, %swap3A_2524] {strides = array<i32>} : memref<80x128xf32, #tpu.memory_space<vmem>>, vector<1x16xf32>,
        %swap3A_2526 = vector.shape_cast %swap3A_2525 : vector<1x16xf32> to vector<16xf32>
        %swap3A_2527 = vector.shape_cast %max3A_2522 : vector<16xf32> to vector<1x16xf32>
        tpu.vector_store %arg13[%swap3A_2523, %swap3A_2524], %swap3A_2527 {strides = array<i32>} : memref<80x128xf32, #tpu.memory_space<vmem>>, vector<1x16xf32>,
        %get3A_2528 = arith.index_cast %add3A_2480 : i32 to index
        %get3A_2529 = arith.constant 32 : index
        %get3A_2530 = tpu.vector_load %arg13[%get3A_2528, %get3A_2529] {strides = array<i32>} : memref<80x128xf32, #tpu.memory_space<vmem>>, vector<1x16xf32>,
        %get3A_2531 = vector.shape_cast %get3A_2530 : vector<1x16xf32> to vector<16xf32>
        %get3A_2532 = arith.index_cast %add3A_2480 : i32 to index
        %get3A_2533 = arith.constant 32 : index
        %get3A_2534 = tpu.vector_load %arg14[%get3A_2532, %get3A_2533] {strides = array<i32>} : memref<80x128xf32, #tpu.memory_space<vmem>>, vector<1x16xf32>,
        %get3A_2535 = vector.shape_cast %get3A_2534 : vector<1x16xf32> to vector<16xf32>
        %add3A_2536 = arith.addf %get3A_2531, %get3A_2535 : vector<16xf32>
        %get3A_2537 = arith.constant 32 : index
        %get3A_2538 = tpu.vector_load %arg15[%get3A_2537] {strides = array<i32>} : memref<128xf32, #tpu.memory_space<vmem>>, vector<16xf32>,
        %get3A_2539 = vector.shape_cast %get3A_2538 : vector<16xf32> to vector<16xf32>
        %mul3A_2540 = arith.mulf %broadcast_in_dim3A_2483, %get3A_2539 : vector<16xf32>
        %add3A_2541 = arith.addf %add3A_2536, %mul3A_2540 : vector<16xf32>
        %max3A_2542 = arith.constant 0.000000e+00 : f32
        %max3A_2543 = vector.broadcast %max3A_2542 : f32 to vector<16xf32>
        %max3A_2544 = arith.maximumf %add3A_2541, %max3A_2543 : vector<16xf32>
        %swap3A_2545 = arith.index_cast %add3A_2480 : i32 to index
        %swap3A_2546 = arith.constant 32 : index
        %swap3A_2547 = tpu.vector_load %arg13[%swap3A_2545, %swap3A_2546] {strides = array<i32>} : memref<80x128xf32, #tpu.memory_space<vmem>>, vector<1x16xf32>,
        %swap3A_2548 = vector.shape_cast %swap3A_2547 : vector<1x16xf32> to vector<16xf32>
        %swap3A_2549 = vector.shape_cast %max3A_2544 : vector<16xf32> to vector<1x16xf32>
        tpu.vector_store %arg13[%swap3A_2545, %swap3A_2546], %swap3A_2549 {strides = array<i32>} : memref<80x128xf32, #tpu.memory_space<vmem>>, vector<1x16xf32>,
        %get3A_2550 = arith.index_cast %add3A_2480 : i32 to index
        %get3A_2551 = arith.constant 48 : index
        %get3A_2552 = tpu.vector_load %arg13[%get3A_2550, %get3A_2551] {strides = array<i32>} : memref<80x128xf32, #tpu.memory_space<vmem>>, vector<1x16xf32>,
        %get3A_2553 = vector.shape_cast %get3A_2552 : vector<1x16xf32> to vector<16xf32>
        %get3A_2554 = arith.index_cast %add3A_2480 : i32 to index
        %get3A_2555 = arith.constant 48 : index
        %get3A_2556 = tpu.vector_load %arg14[%get3A_2554, %get3A_2555] {strides = array<i32>} : memref<80x128xf32, #tpu.memory_space<vmem>>, vector<1x16xf32>,
        %get3A_2557 = vector.shape_cast %get3A_2556 : vector<1x16xf32> to vector<16xf32>
        %add3A_2558 = arith.addf %get3A_2553, %get3A_2557 : vector<16xf32>
        %get3A_2559 = arith.constant 48 : index
        %get3A_2560 = tpu.vector_load %arg15[%get3A_2559] {strides = array<i32>} : memref<128xf32, #tpu.memory_space<vmem>>, vector<16xf32>,
        %get3A_2561 = vector.shape_cast %get3A_2560 : vector<16xf32> to vector<16xf32>
        %mul3A_2562 = arith.mulf %broadcast_in_dim3A_2483, %get3A_2561 : vector<16xf32>
        %add3A_2563 = arith.addf %add3A_2558, %mul3A_2562 : vector<16xf32>
        %max3A_2564 = arith.constant 0.000000e+00 : f32
        %max3A_2565 = vector.broadcast %max3A_2564 : f32 to vector<16xf32>
        %max3A_2566 = arith.maximumf %add3A_2563, %max3A_2565 : vector<16xf32>
        %swap3A_2567 = arith.index_cast %add3A_2480 : i32 to index
        %swap3A_2568 = arith.constant 48 : index
        %swap3A_2569 = tpu.vector_load %arg13[%swap3A_2567, %swap3A_2568] {strides = array<i32>} : memref<80x128xf32, #tpu.memory_space<vmem>>, vector<1x16xf32>,
        %swap3A_2570 = vector.shape_cast %swap3A_2569 : vector<1x16xf32> to vector<16xf32>
        %swap3A_2571 = vector.shape_cast %max3A_2566 : vector<16xf32> to vector<1x16xf32>
        tpu.vector_store %arg13[%swap3A_2567, %swap3A_2568], %swap3A_2571 {strides = array<i32>} : memref<80x128xf32, #tpu.memory_space<vmem>>, vector<1x16xf32>,
        %get3A_2572 = arith.index_cast %add3A_2480 : i32 to index
        %get3A_2573 = arith.constant 64 : index
        %get3A_2574 = tpu.vector_load %arg13[%get3A_2572, %get3A_2573] {strides = array<i32>} : memref<80x128xf32, #tpu.memory_space<vmem>>, vector<1x16xf32>,
        %get3A_2575 = vector.shape_cast %get3A_2574 : vector<1x16xf32> to vector<16xf32>
        %get3A_2576 = arith.index_cast %add3A_2480 : i32 to index
        %get3A_2577 = arith.constant 64 : index
        %get3A_2578 = tpu.vector_load %arg14[%get3A_2576, %get3A_2577] {strides = array<i32>} : memref<80x128xf32, #tpu.memory_space<vmem>>, vector<1x16xf32>,
        %get3A_2579 = vector.shape_cast %get3A_2578 : vector<1x16xf32> to vector<16xf32>
        %add3A_2580 = arith.addf %get3A_2575, %get3A_2579 : vector<16xf32>
        %get3A_2581 = arith.constant 64 : index
        %get3A_2582 = tpu.vector_load %arg15[%get3A_2581] {strides = array<i32>} : memref<128xf32, #tpu.memory_space<vmem>>, vector<16xf32>,
        %get3A_2583 = vector.shape_cast %get3A_2582 : vector<16xf32> to vector<16xf32>
        %mul3A_2584 = arith.mulf %broadcast_in_dim3A_2483, %get3A_2583 : vector<16xf32>
        %add3A_2585 = arith.addf %add3A_2580, %mul3A_2584 : vector<16xf32>
        %max3A_2586 = arith.constant 0.000000e+00 : f32
        %max3A_2587 = vector.broadcast %max3A_2586 : f32 to vector<16xf32>
        %max3A_2588 = arith.maximumf %add3A_2585, %max3A_2587 : vector<16xf32>
        %swap3A_2589 = arith.index_cast %add3A_2480 : i32 to index
        %swap3A_2590 = arith.constant 64 : index
        %swap3A_2591 = tpu.vector_load %arg13[%swap3A_2589, %swap3A_2590] {strides = array<i32>} : memref<80x128xf32, #tpu.memory_space<vmem>>, vector<1x16xf32>,
        %swap3A_2592 = vector.shape_cast %swap3A_2591 : vector<1x16xf32> to vector<16xf32>
        %swap3A_2593 = vector.shape_cast %max3A_2588 : vector<16xf32> to vector<1x16xf32>
        tpu.vector_store %arg13[%swap3A_2589, %swap3A_2590], %swap3A_2593 {strides = array<i32>} : memref<80x128xf32, #tpu.memory_space<vmem>>, vector<1x16xf32>,
        %get3A_2594 = arith.index_cast %add3A_2480 : i32 to index
        %get3A_2595 = arith.constant 80 : index
        %get3A_2596 = tpu.vector_load %arg13[%get3A_2594, %get3A_2595] {strides = array<i32>} : memref<80x128xf32, #tpu.memory_space<vmem>>, vector<1x16xf32>,
        %get3A_2597 = vector.shape_cast %get3A_2596 : vector<1x16xf32> to vector<16xf32>
        %get3A_2598 = arith.index_cast %add3A_2480 : i32 to index
        %get3A_2599 = arith.constant 80 : index
        %get3A_2600 = tpu.vector_load %arg14[%get3A_2598, %get3A_2599] {strides = array<i32>} : memref<80x128xf32, #tpu.memory_space<vmem>>, vector<1x16xf32>,
        %get3A_2601 = vector.shape_cast %get3A_2600 : vector<1x16xf32> to vector<16xf32>
        %add3A_2602 = arith.addf %get3A_2597, %get3A_2601 : vector<16xf32>
        %get3A_2603 = arith.constant 80 : index
        %get3A_2604 = tpu.vector_load %arg15[%get3A_2603] {strides = array<i32>} : memref<128xf32, #tpu.memory_space<vmem>>, vector<16xf32>,
        %get3A_2605 = vector.shape_cast %get3A_2604 : vector<16xf32> to vector<16xf32>
        %mul3A_2606 = arith.mulf %broadcast_in_dim3A_2483, %get3A_2605 : vector<16xf32>
        %add3A_2607 = arith.addf %add3A_2602, %mul3A_2606 : vector<16xf32>
        %max3A_2608 = arith.constant 0.000000e+00 : f32
        %max3A_2609 = vector.broadcast %max3A_2608 : f32 to vector<16xf32>
        %max3A_2610 = arith.maximumf %add3A_2607, %max3A_2609 : vector<16xf32>
        %swap3A_2611 = arith.index_cast %add3A_2480 : i32 to index
        %swap3A_2612 = arith.constant 80 : index
        %swap3A_2613 = tpu.vector_load %arg13[%swap3A_2611, %swap3A_2612] {strides = array<i32>} : memref<80x128xf32, #tpu.memory_space<vmem>>, vector<1x16xf32>,
        %swap3A_2614 = vector.shape_cast %swap3A_2613 : vector<1x16xf32> to vector<16xf32>
        %swap3A_2615 = vector.shape_cast %max3A_2610 : vector<16xf32> to vector<1x16xf32>
        tpu.vector_store %arg13[%swap3A_2611, %swap3A_2612], %swap3A_2615 {strides = array<i32>} : memref<80x128xf32, #tpu.memory_space<vmem>>, vector<1x16xf32>,
        %get3A_2616 = arith.index_cast %add3A_2480 : i32 to index
        %get3A_2617 = arith.constant 96 : index
        %get3A_2618 = tpu.vector_load %arg13[%get3A_2616, %get3A_2617] {strides = array<i32>} : memref<80x128xf32, #tpu.memory_space<vmem>>, vector<1x16xf32>,
        %get3A_2619 = vector.shape_cast %get3A_2618 : vector<1x16xf32> to vector<16xf32>
        %get3A_2620 = arith.index_cast %add3A_2480 : i32 to index
        %get3A_2621 = arith.constant 96 : index
        %get3A_2622 = tpu.vector_load %arg14[%get3A_2620, %get3A_2621] {strides = array<i32>} : memref<80x128xf32, #tpu.memory_space<vmem>>, vector<1x16xf32>,
        %get3A_2623 = vector.shape_cast %get3A_2622 : vector<1x16xf32> to vector<16xf32>
        %add3A_2624 = arith.addf %get3A_2619, %get3A_2623 : vector<16xf32>
        %get3A_2625 = arith.constant 96 : index
        %get3A_2626 = tpu.vector_load %arg15[%get3A_2625] {strides = array<i32>} : memref<128xf32, #tpu.memory_space<vmem>>, vector<16xf32>,
        %get3A_2627 = vector.shape_cast %get3A_2626 : vector<16xf32> to vector<16xf32>
        %mul3A_2628 = arith.mulf %broadcast_in_dim3A_2483, %get3A_2627 : vector<16xf32>
        %add3A_2629 = arith.addf %add3A_2624, %mul3A_2628 : vector<16xf32>
        %max3A_2630 = arith.constant 0.000000e+00 : f32
        %max3A_2631 = vector.broadcast %max3A_2630 : f32 to vector<16xf32>
        %max3A_2632 = arith.maximumf %add3A_2629, %max3A_2631 : vector<16xf32>
        %swap3A_2633 = arith.index_cast %add3A_2480 : i32 to index
        %swap3A_2634 = arith.constant 96 : index
        %swap3A_2635 = tpu.vector_load %arg13[%swap3A_2633, %swap3A_2634] {strides = array<i32>} : memref<80x128xf32, #tpu.memory_space<vmem>>, vector<1x16xf32>,
        %swap3A_2636 = vector.shape_cast %swap3A_2635 : vector<1x16xf32> to vector<16xf32>
        %swap3A_2637 = vector.shape_cast %max3A_2632 : vector<16xf32> to vector<1x16xf32>
        tpu.vector_store %arg13[%swap3A_2633, %swap3A_2634], %swap3A_2637 {strides = array<i32>} : memref<80x128xf32, #tpu.memory_space<vmem>>, vector<1x16xf32>,
        %get3A_2638 = arith.index_cast %add3A_2480 : i32 to index
        %get3A_2639 = arith.constant 112 : index
        %get3A_2640 = tpu.vector_load %arg13[%get3A_2638, %get3A_2639] {strides = array<i32>} : memref<80x128xf32, #tpu.memory_space<vmem>>, vector<1x16xf32>,
        %get3A_2641 = vector.shape_cast %get3A_2640 : vector<1x16xf32> to vector<16xf32>
        %get3A_2642 = arith.index_cast %add3A_2480 : i32 to index
        %get3A_2643 = arith.constant 112 : index
        %get3A_2644 = tpu.vector_load %arg14[%get3A_2642, %get3A_2643] {strides = array<i32>} : memref<80x128xf32, #tpu.memory_space<vmem>>, vector<1x16xf32>,
        %get3A_2645 = vector.shape_cast %get3A_2644 : vector<1x16xf32> to vector<16xf32>
        %add3A_2646 = arith.addf %get3A_2641, %get3A_2645 : vector<16xf32>
        %get3A_2647 = arith.constant 112 : index
        %get3A_2648 = tpu.vector_load %arg15[%get3A_2647] {strides = array<i32>} : memref<128xf32, #tpu.memory_space<vmem>>, vector<16xf32>,
        %get3A_2649 = vector.shape_cast %get3A_2648 : vector<16xf32> to vector<16xf32>
        %mul3A_2650 = arith.mulf %broadcast_in_dim3A_2483, %get3A_2649 : vector<16xf32>
        %add3A_2651 = arith.addf %add3A_2646, %mul3A_2650 : vector<16xf32>
        %max3A_2652 = arith.constant 0.000000e+00 : f32
        %max3A_2653 = vector.broadcast %max3A_2652 : f32 to vector<16xf32>
        %max3A_2654 = arith.maximumf %add3A_2651, %max3A_2653 : vector<16xf32>
        %swap3A_2655 = arith.index_cast %add3A_2480 : i32 to index
        %swap3A_2656 = arith.constant 112 : index
        %swap3A_2657 = tpu.vector_load %arg13[%swap3A_2655, %swap3A_2656] {strides = array<i32>} : memref<80x128xf32, #tpu.memory_space<vmem>>, vector<1x16xf32>,
        %swap3A_2658 = vector.shape_cast %swap3A_2657 : vector<1x16xf32> to vector<16xf32>
        %swap3A_2659 = vector.shape_cast %max3A_2654 : vector<16xf32> to vector<1x16xf32>
        tpu.vector_store %arg13[%swap3A_2655, %swap3A_2656], %swap3A_2659 {strides = array<i32>} : memref<80x128xf32, #tpu.memory_space<vmem>>, vector<1x16xf32>,
        %mul3A_2660 = arith.constant 16 : i32
        %mul3A_2661 = arith.muli %scan3A_98, %mul3A_2660 : i32
        %add3A_2662 = arith.constant 14 : i32
        %add3A_2663 = arith.addi %mul3A_2661, %add3A_2662 : i32
        %slice3A_2664 = vector.extract_strided_slice %get3A_102 {offsets = [14], sizes = [1], strides = [1]} : vector<16xf32> to vector<1xf32>
        %squeeze3A_2665 = vector.extract %slice3A_2664[0] : f32 from vector<1xf32>
        %broadcast_in_dim3A_2666 = vector.broadcast %squeeze3A_2665 : f32 to vector<16xf32>
        %get3A_2667 = arith.index_cast %add3A_2663 : i32 to index
        %get3A_2668 = arith.constant 0 : index
        %get3A_2669 = tpu.vector_load %arg13[%get3A_2667, %get3A_2668] {strides = array<i32>} : memref<80x128xf32, #tpu.memory_space<vmem>>, vector<1x16xf32>,
        %get3A_2670 = vector.shape_cast %get3A_2669 : vector<1x16xf32> to vector<16xf32>
        %get3A_2671 = arith.index_cast %add3A_2663 : i32 to index
        %get3A_2672 = arith.constant 0 : index
        %get3A_2673 = tpu.vector_load %arg14[%get3A_2671, %get3A_2672] {strides = array<i32>} : memref<80x128xf32, #tpu.memory_space<vmem>>, vector<1x16xf32>,
        %get3A_2674 = vector.shape_cast %get3A_2673 : vector<1x16xf32> to vector<16xf32>
        %add3A_2675 = arith.addf %get3A_2670, %get3A_2674 : vector<16xf32>
        %get3A_2676 = arith.constant 0 : index
        %get3A_2677 = tpu.vector_load %arg15[%get3A_2676] {strides = array<i32>} : memref<128xf32, #tpu.memory_space<vmem>>, vector<16xf32>,
        %get3A_2678 = vector.shape_cast %get3A_2677 : vector<16xf32> to vector<16xf32>
        %mul3A_2679 = arith.mulf %broadcast_in_dim3A_2666, %get3A_2678 : vector<16xf32>
        %add3A_2680 = arith.addf %add3A_2675, %mul3A_2679 : vector<16xf32>
        %max3A_2681 = arith.constant 0.000000e+00 : f32
        %max3A_2682 = vector.broadcast %max3A_2681 : f32 to vector<16xf32>
        %max3A_2683 = arith.maximumf %add3A_2680, %max3A_2682 : vector<16xf32>
        %swap3A_2684 = arith.index_cast %add3A_2663 : i32 to index
        %swap3A_2685 = arith.constant 0 : index
        %swap3A_2686 = tpu.vector_load %arg13[%swap3A_2684, %swap3A_2685] {strides = array<i32>} : memref<80x128xf32, #tpu.memory_space<vmem>>, vector<1x16xf32>,
        %swap3A_2687 = vector.shape_cast %swap3A_2686 : vector<1x16xf32> to vector<16xf32>
        %swap3A_2688 = vector.shape_cast %max3A_2683 : vector<16xf32> to vector<1x16xf32>
        tpu.vector_store %arg13[%swap3A_2684, %swap3A_2685], %swap3A_2688 {strides = array<i32>} : memref<80x128xf32, #tpu.memory_space<vmem>>, vector<1x16xf32>,
        %get3A_2689 = arith.index_cast %add3A_2663 : i32 to index
        %get3A_2690 = arith.constant 16 : index
        %get3A_2691 = tpu.vector_load %arg13[%get3A_2689, %get3A_2690] {strides = array<i32>} : memref<80x128xf32, #tpu.memory_space<vmem>>, vector<1x16xf32>,
        %get3A_2692 = vector.shape_cast %get3A_2691 : vector<1x16xf32> to vector<16xf32>
        %get3A_2693 = arith.index_cast %add3A_2663 : i32 to index
        %get3A_2694 = arith.constant 16 : index
        %get3A_2695 = tpu.vector_load %arg14[%get3A_2693, %get3A_2694] {strides = array<i32>} : memref<80x128xf32, #tpu.memory_space<vmem>>, vector<1x16xf32>,
        %get3A_2696 = vector.shape_cast %get3A_2695 : vector<1x16xf32> to vector<16xf32>
        %add3A_2697 = arith.addf %get3A_2692, %get3A_2696 : vector<16xf32>
        %get3A_2698 = arith.constant 16 : index
        %get3A_2699 = tpu.vector_load %arg15[%get3A_2698] {strides = array<i32>} : memref<128xf32, #tpu.memory_space<vmem>>, vector<16xf32>,
        %get3A_2700 = vector.shape_cast %get3A_2699 : vector<16xf32> to vector<16xf32>
        %mul3A_2701 = arith.mulf %broadcast_in_dim3A_2666, %get3A_2700 : vector<16xf32>
        %add3A_2702 = arith.addf %add3A_2697, %mul3A_2701 : vector<16xf32>
        %max3A_2703 = arith.constant 0.000000e+00 : f32
        %max3A_2704 = vector.broadcast %max3A_2703 : f32 to vector<16xf32>
        %max3A_2705 = arith.maximumf %add3A_2702, %max3A_2704 : vector<16xf32>
        %swap3A_2706 = arith.index_cast %add3A_2663 : i32 to index
        %swap3A_2707 = arith.constant 16 : index
        %swap3A_2708 = tpu.vector_load %arg13[%swap3A_2706, %swap3A_2707] {strides = array<i32>} : memref<80x128xf32, #tpu.memory_space<vmem>>, vector<1x16xf32>,
        %swap3A_2709 = vector.shape_cast %swap3A_2708 : vector<1x16xf32> to vector<16xf32>
        %swap3A_2710 = vector.shape_cast %max3A_2705 : vector<16xf32> to vector<1x16xf32>
        tpu.vector_store %arg13[%swap3A_2706, %swap3A_2707], %swap3A_2710 {strides = array<i32>} : memref<80x128xf32, #tpu.memory_space<vmem>>, vector<1x16xf32>,
        %get3A_2711 = arith.index_cast %add3A_2663 : i32 to index
        %get3A_2712 = arith.constant 32 : index
        %get3A_2713 = tpu.vector_load %arg13[%get3A_2711, %get3A_2712] {strides = array<i32>} : memref<80x128xf32, #tpu.memory_space<vmem>>, vector<1x16xf32>,
        %get3A_2714 = vector.shape_cast %get3A_2713 : vector<1x16xf32> to vector<16xf32>
        %get3A_2715 = arith.index_cast %add3A_2663 : i32 to index
        %get3A_2716 = arith.constant 32 : index
        %get3A_2717 = tpu.vector_load %arg14[%get3A_2715, %get3A_2716] {strides = array<i32>} : memref<80x128xf32, #tpu.memory_space<vmem>>, vector<1x16xf32>,
        %get3A_2718 = vector.shape_cast %get3A_2717 : vector<1x16xf32> to vector<16xf32>
        %add3A_2719 = arith.addf %get3A_2714, %get3A_2718 : vector<16xf32>
        %get3A_2720 = arith.constant 32 : index
        %get3A_2721 = tpu.vector_load %arg15[%get3A_2720] {strides = array<i32>} : memref<128xf32, #tpu.memory_space<vmem>>, vector<16xf32>,
        %get3A_2722 = vector.shape_cast %get3A_2721 : vector<16xf32> to vector<16xf32>
        %mul3A_2723 = arith.mulf %broadcast_in_dim3A_2666, %get3A_2722 : vector<16xf32>
        %add3A_2724 = arith.addf %add3A_2719, %mul3A_2723 : vector<16xf32>
        %max3A_2725 = arith.constant 0.000000e+00 : f32
        %max3A_2726 = vector.broadcast %max3A_2725 : f32 to vector<16xf32>
        %max3A_2727 = arith.maximumf %add3A_2724, %max3A_2726 : vector<16xf32>
        %swap3A_2728 = arith.index_cast %add3A_2663 : i32 to index
        %swap3A_2729 = arith.constant 32 : index
        %swap3A_2730 = tpu.vector_load %arg13[%swap3A_2728, %swap3A_2729] {strides = array<i32>} : memref<80x128xf32, #tpu.memory_space<vmem>>, vector<1x16xf32>,
        %swap3A_2731 = vector.shape_cast %swap3A_2730 : vector<1x16xf32> to vector<16xf32>
        %swap3A_2732 = vector.shape_cast %max3A_2727 : vector<16xf32> to vector<1x16xf32>
        tpu.vector_store %arg13[%swap3A_2728, %swap3A_2729], %swap3A_2732 {strides = array<i32>} : memref<80x128xf32, #tpu.memory_space<vmem>>, vector<1x16xf32>,
        %get3A_2733 = arith.index_cast %add3A_2663 : i32 to index
        %get3A_2734 = arith.constant 48 : index
        %get3A_2735 = tpu.vector_load %arg13[%get3A_2733, %get3A_2734] {strides = array<i32>} : memref<80x128xf32, #tpu.memory_space<vmem>>, vector<1x16xf32>,
        %get3A_2736 = vector.shape_cast %get3A_2735 : vector<1x16xf32> to vector<16xf32>
        %get3A_2737 = arith.index_cast %add3A_2663 : i32 to index
        %get3A_2738 = arith.constant 48 : index
        %get3A_2739 = tpu.vector_load %arg14[%get3A_2737, %get3A_2738] {strides = array<i32>} : memref<80x128xf32, #tpu.memory_space<vmem>>, vector<1x16xf32>,
        %get3A_2740 = vector.shape_cast %get3A_2739 : vector<1x16xf32> to vector<16xf32>
        %add3A_2741 = arith.addf %get3A_2736, %get3A_2740 : vector<16xf32>
        %get3A_2742 = arith.constant 48 : index
        %get3A_2743 = tpu.vector_load %arg15[%get3A_2742] {strides = array<i32>} : memref<128xf32, #tpu.memory_space<vmem>>, vector<16xf32>,
        %get3A_2744 = vector.shape_cast %get3A_2743 : vector<16xf32> to vector<16xf32>
        %mul3A_2745 = arith.mulf %broadcast_in_dim3A_2666, %get3A_2744 : vector<16xf32>
        %add3A_2746 = arith.addf %add3A_2741, %mul3A_2745 : vector<16xf32>
        %max3A_2747 = arith.constant 0.000000e+00 : f32
        %max3A_2748 = vector.broadcast %max3A_2747 : f32 to vector<16xf32>
        %max3A_2749 = arith.maximumf %add3A_2746, %max3A_2748 : vector<16xf32>
        %swap3A_2750 = arith.index_cast %add3A_2663 : i32 to index
        %swap3A_2751 = arith.constant 48 : index
        %swap3A_2752 = tpu.vector_load %arg13[%swap3A_2750, %swap3A_2751] {strides = array<i32>} : memref<80x128xf32, #tpu.memory_space<vmem>>, vector<1x16xf32>,
        %swap3A_2753 = vector.shape_cast %swap3A_2752 : vector<1x16xf32> to vector<16xf32>
        %swap3A_2754 = vector.shape_cast %max3A_2749 : vector<16xf32> to vector<1x16xf32>
        tpu.vector_store %arg13[%swap3A_2750, %swap3A_2751], %swap3A_2754 {strides = array<i32>} : memref<80x128xf32, #tpu.memory_space<vmem>>, vector<1x16xf32>,
        %get3A_2755 = arith.index_cast %add3A_2663 : i32 to index
        %get3A_2756 = arith.constant 64 : index
        %get3A_2757 = tpu.vector_load %arg13[%get3A_2755, %get3A_2756] {strides = array<i32>} : memref<80x128xf32, #tpu.memory_space<vmem>>, vector<1x16xf32>,
        %get3A_2758 = vector.shape_cast %get3A_2757 : vector<1x16xf32> to vector<16xf32>
        %get3A_2759 = arith.index_cast %add3A_2663 : i32 to index
        %get3A_2760 = arith.constant 64 : index
        %get3A_2761 = tpu.vector_load %arg14[%get3A_2759, %get3A_2760] {strides = array<i32>} : memref<80x128xf32, #tpu.memory_space<vmem>>, vector<1x16xf32>,
        %get3A_2762 = vector.shape_cast %get3A_2761 : vector<1x16xf32> to vector<16xf32>
        %add3A_2763 = arith.addf %get3A_2758, %get3A_2762 : vector<16xf32>
        %get3A_2764 = arith.constant 64 : index
        %get3A_2765 = tpu.vector_load %arg15[%get3A_2764] {strides = array<i32>} : memref<128xf32, #tpu.memory_space<vmem>>, vector<16xf32>,
        %get3A_2766 = vector.shape_cast %get3A_2765 : vector<16xf32> to vector<16xf32>
        %mul3A_2767 = arith.mulf %broadcast_in_dim3A_2666, %get3A_2766 : vector<16xf32>
        %add3A_2768 = arith.addf %add3A_2763, %mul3A_2767 : vector<16xf32>
        %max3A_2769 = arith.constant 0.000000e+00 : f32
        %max3A_2770 = vector.broadcast %max3A_2769 : f32 to vector<16xf32>
        %max3A_2771 = arith.maximumf %add3A_2768, %max3A_2770 : vector<16xf32>
        %swap3A_2772 = arith.index_cast %add3A_2663 : i32 to index
        %swap3A_2773 = arith.constant 64 : index
        %swap3A_2774 = tpu.vector_load %arg13[%swap3A_2772, %swap3A_2773] {strides = array<i32>} : memref<80x128xf32, #tpu.memory_space<vmem>>, vector<1x16xf32>,
        %swap3A_2775 = vector.shape_cast %swap3A_2774 : vector<1x16xf32> to vector<16xf32>
        %swap3A_2776 = vector.shape_cast %max3A_2771 : vector<16xf32> to vector<1x16xf32>
        tpu.vector_store %arg13[%swap3A_2772, %swap3A_2773], %swap3A_2776 {strides = array<i32>} : memref<80x128xf32, #tpu.memory_space<vmem>>, vector<1x16xf32>,
        %get3A_2777 = arith.index_cast %add3A_2663 : i32 to index
        %get3A_2778 = arith.constant 80 : index
        %get3A_2779 = tpu.vector_load %arg13[%get3A_2777, %get3A_2778] {strides = array<i32>} : memref<80x128xf32, #tpu.memory_space<vmem>>, vector<1x16xf32>,
        %get3A_2780 = vector.shape_cast %get3A_2779 : vector<1x16xf32> to vector<16xf32>
        %get3A_2781 = arith.index_cast %add3A_2663 : i32 to index
        %get3A_2782 = arith.constant 80 : index
        %get3A_2783 = tpu.vector_load %arg14[%get3A_2781, %get3A_2782] {strides = array<i32>} : memref<80x128xf32, #tpu.memory_space<vmem>>, vector<1x16xf32>,
        %get3A_2784 = vector.shape_cast %get3A_2783 : vector<1x16xf32> to vector<16xf32>
        %add3A_2785 = arith.addf %get3A_2780, %get3A_2784 : vector<16xf32>
        %get3A_2786 = arith.constant 80 : index
        %get3A_2787 = tpu.vector_load %arg15[%get3A_2786] {strides = array<i32>} : memref<128xf32, #tpu.memory_space<vmem>>, vector<16xf32>,
        %get3A_2788 = vector.shape_cast %get3A_2787 : vector<16xf32> to vector<16xf32>
        %mul3A_2789 = arith.mulf %broadcast_in_dim3A_2666, %get3A_2788 : vector<16xf32>
        %add3A_2790 = arith.addf %add3A_2785, %mul3A_2789 : vector<16xf32>
        %max3A_2791 = arith.constant 0.000000e+00 : f32
        %max3A_2792 = vector.broadcast %max3A_2791 : f32 to vector<16xf32>
        %max3A_2793 = arith.maximumf %add3A_2790, %max3A_2792 : vector<16xf32>
        %swap3A_2794 = arith.index_cast %add3A_2663 : i32 to index
        %swap3A_2795 = arith.constant 80 : index
        %swap3A_2796 = tpu.vector_load %arg13[%swap3A_2794, %swap3A_2795] {strides = array<i32>} : memref<80x128xf32, #tpu.memory_space<vmem>>, vector<1x16xf32>,
        %swap3A_2797 = vector.shape_cast %swap3A_2796 : vector<1x16xf32> to vector<16xf32>
        %swap3A_2798 = vector.shape_cast %max3A_2793 : vector<16xf32> to vector<1x16xf32>
        tpu.vector_store %arg13[%swap3A_2794, %swap3A_2795], %swap3A_2798 {strides = array<i32>} : memref<80x128xf32, #tpu.memory_space<vmem>>, vector<1x16xf32>,
        %get3A_2799 = arith.index_cast %add3A_2663 : i32 to index
        %get3A_2800 = arith.constant 96 : index
        %get3A_2801 = tpu.vector_load %arg13[%get3A_2799, %get3A_2800] {strides = array<i32>} : memref<80x128xf32, #tpu.memory_space<vmem>>, vector<1x16xf32>,
        %get3A_2802 = vector.shape_cast %get3A_2801 : vector<1x16xf32> to vector<16xf32>
        %get3A_2803 = arith.index_cast %add3A_2663 : i32 to index
        %get3A_2804 = arith.constant 96 : index
        %get3A_2805 = tpu.vector_load %arg14[%get3A_2803, %get3A_2804] {strides = array<i32>} : memref<80x128xf32, #tpu.memory_space<vmem>>, vector<1x16xf32>,
        %get3A_2806 = vector.shape_cast %get3A_2805 : vector<1x16xf32> to vector<16xf32>
        %add3A_2807 = arith.addf %get3A_2802, %get3A_2806 : vector<16xf32>
        %get3A_2808 = arith.constant 96 : index
        %get3A_2809 = tpu.vector_load %arg15[%get3A_2808] {strides = array<i32>} : memref<128xf32, #tpu.memory_space<vmem>>, vector<16xf32>,
        %get3A_2810 = vector.shape_cast %get3A_2809 : vector<16xf32> to vector<16xf32>
        %mul3A_2811 = arith.mulf %broadcast_in_dim3A_2666, %get3A_2810 : vector<16xf32>
        %add3A_2812 = arith.addf %add3A_2807, %mul3A_2811 : vector<16xf32>
        %max3A_2813 = arith.constant 0.000000e+00 : f32
        %max3A_2814 = vector.broadcast %max3A_2813 : f32 to vector<16xf32>
        %max3A_2815 = arith.maximumf %add3A_2812, %max3A_2814 : vector<16xf32>
        %swap3A_2816 = arith.index_cast %add3A_2663 : i32 to index
        %swap3A_2817 = arith.constant 96 : index
        %swap3A_2818 = tpu.vector_load %arg13[%swap3A_2816, %swap3A_2817] {strides = array<i32>} : memref<80x128xf32, #tpu.memory_space<vmem>>, vector<1x16xf32>,
        %swap3A_2819 = vector.shape_cast %swap3A_2818 : vector<1x16xf32> to vector<16xf32>
        %swap3A_2820 = vector.shape_cast %max3A_2815 : vector<16xf32> to vector<1x16xf32>
        tpu.vector_store %arg13[%swap3A_2816, %swap3A_2817], %swap3A_2820 {strides = array<i32>} : memref<80x128xf32, #tpu.memory_space<vmem>>, vector<1x16xf32>,
        %get3A_2821 = arith.index_cast %add3A_2663 : i32 to index
        %get3A_2822 = arith.constant 112 : index
        %get3A_2823 = tpu.vector_load %arg13[%get3A_2821, %get3A_2822] {strides = array<i32>} : memref<80x128xf32, #tpu.memory_space<vmem>>, vector<1x16xf32>,
        %get3A_2824 = vector.shape_cast %get3A_2823 : vector<1x16xf32> to vector<16xf32>
        %get3A_2825 = arith.index_cast %add3A_2663 : i32 to index
        %get3A_2826 = arith.constant 112 : index
        %get3A_2827 = tpu.vector_load %arg14[%get3A_2825, %get3A_2826] {strides = array<i32>} : memref<80x128xf32, #tpu.memory_space<vmem>>, vector<1x16xf32>,
        %get3A_2828 = vector.shape_cast %get3A_2827 : vector<1x16xf32> to vector<16xf32>
        %add3A_2829 = arith.addf %get3A_2824, %get3A_2828 : vector<16xf32>
        %get3A_2830 = arith.constant 112 : index
        %get3A_2831 = tpu.vector_load %arg15[%get3A_2830] {strides = array<i32>} : memref<128xf32, #tpu.memory_space<vmem>>, vector<16xf32>,
        %get3A_2832 = vector.shape_cast %get3A_2831 : vector<16xf32> to vector<16xf32>
        %mul3A_2833 = arith.mulf %broadcast_in_dim3A_2666, %get3A_2832 : vector<16xf32>
        %add3A_2834 = arith.addf %add3A_2829, %mul3A_2833 : vector<16xf32>
        %max3A_2835 = arith.constant 0.000000e+00 : f32
        %max3A_2836 = vector.broadcast %max3A_2835 : f32 to vector<16xf32>
        %max3A_2837 = arith.maximumf %add3A_2834, %max3A_2836 : vector<16xf32>
        %swap3A_2838 = arith.index_cast %add3A_2663 : i32 to index
        %swap3A_2839 = arith.constant 112 : index
        %swap3A_2840 = tpu.vector_load %arg13[%swap3A_2838, %swap3A_2839] {strides = array<i32>} : memref<80x128xf32, #tpu.memory_space<vmem>>, vector<1x16xf32>,
        %swap3A_2841 = vector.shape_cast %swap3A_2840 : vector<1x16xf32> to vector<16xf32>
        %swap3A_2842 = vector.shape_cast %max3A_2837 : vector<16xf32> to vector<1x16xf32>
        tpu.vector_store %arg13[%swap3A_2838, %swap3A_2839], %swap3A_2842 {strides = array<i32>} : memref<80x128xf32, #tpu.memory_space<vmem>>, vector<1x16xf32>,
        %mul3A_2843 = arith.constant 16 : i32
        %mul3A_2844 = arith.muli %scan3A_98, %mul3A_2843 : i32
        %add3A_2845 = arith.constant 15 : i32
        %add3A_2846 = arith.addi %mul3A_2844, %add3A_2845 : i32
        %slice3A_2847 = vector.extract_strided_slice %get3A_102 {offsets = [15], sizes = [1], strides = [1]} : vector<16xf32> to vector<1xf32>
        %squeeze3A_2848 = vector.extract %slice3A_2847[0] : f32 from vector<1xf32>
        %broadcast_in_dim3A_2849 = vector.broadcast %squeeze3A_2848 : f32 to vector<16xf32>
        %get3A_2850 = arith.index_cast %add3A_2846 : i32 to index
        %get3A_2851 = arith.constant 0 : index
        %get3A_2852 = tpu.vector_load %arg13[%get3A_2850, %get3A_2851] {strides = array<i32>} : memref<80x128xf32, #tpu.memory_space<vmem>>, vector<1x16xf32>,
        %get3A_2853 = vector.shape_cast %get3A_2852 : vector<1x16xf32> to vector<16xf32>
        %get3A_2854 = arith.index_cast %add3A_2846 : i32 to index
        %get3A_2855 = arith.constant 0 : index
        %get3A_2856 = tpu.vector_load %arg14[%get3A_2854, %get3A_2855] {strides = array<i32>} : memref<80x128xf32, #tpu.memory_space<vmem>>, vector<1x16xf32>,
        %get3A_2857 = vector.shape_cast %get3A_2856 : vector<1x16xf32> to vector<16xf32>
        %add3A_2858 = arith.addf %get3A_2853, %get3A_2857 : vector<16xf32>
        %get3A_2859 = arith.constant 0 : index
        %get3A_2860 = tpu.vector_load %arg15[%get3A_2859] {strides = array<i32>} : memref<128xf32, #tpu.memory_space<vmem>>, vector<16xf32>,
        %get3A_2861 = vector.shape_cast %get3A_2860 : vector<16xf32> to vector<16xf32>
        %mul3A_2862 = arith.mulf %broadcast_in_dim3A_2849, %get3A_2861 : vector<16xf32>
        %add3A_2863 = arith.addf %add3A_2858, %mul3A_2862 : vector<16xf32>
        %max3A_2864 = arith.constant 0.000000e+00 : f32
        %max3A_2865 = vector.broadcast %max3A_2864 : f32 to vector<16xf32>
        %max3A_2866 = arith.maximumf %add3A_2863, %max3A_2865 : vector<16xf32>
        %swap3A_2867 = arith.index_cast %add3A_2846 : i32 to index
        %swap3A_2868 = arith.constant 0 : index
        %swap3A_2869 = tpu.vector_load %arg13[%swap3A_2867, %swap3A_2868] {strides = array<i32>} : memref<80x128xf32, #tpu.memory_space<vmem>>, vector<1x16xf32>,
        %swap3A_2870 = vector.shape_cast %swap3A_2869 : vector<1x16xf32> to vector<16xf32>
        %swap3A_2871 = vector.shape_cast %max3A_2866 : vector<16xf32> to vector<1x16xf32>
        tpu.vector_store %arg13[%swap3A_2867, %swap3A_2868], %swap3A_2871 {strides = array<i32>} : memref<80x128xf32, #tpu.memory_space<vmem>>, vector<1x16xf32>,
        %get3A_2872 = arith.index_cast %add3A_2846 : i32 to index
        %get3A_2873 = arith.constant 16 : index
        %get3A_2874 = tpu.vector_load %arg13[%get3A_2872, %get3A_2873] {strides = array<i32>} : memref<80x128xf32, #tpu.memory_space<vmem>>, vector<1x16xf32>,
        %get3A_2875 = vector.shape_cast %get3A_2874 : vector<1x16xf32> to vector<16xf32>
        %get3A_2876 = arith.index_cast %add3A_2846 : i32 to index
        %get3A_2877 = arith.constant 16 : index
        %get3A_2878 = tpu.vector_load %arg14[%get3A_2876, %get3A_2877] {strides = array<i32>} : memref<80x128xf32, #tpu.memory_space<vmem>>, vector<1x16xf32>,
        %get3A_2879 = vector.shape_cast %get3A_2878 : vector<1x16xf32> to vector<16xf32>
        %add3A_2880 = arith.addf %get3A_2875, %get3A_2879 : vector<16xf32>
        %get3A_2881 = arith.constant 16 : index
        %get3A_2882 = tpu.vector_load %arg15[%get3A_2881] {strides = array<i32>} : memref<128xf32, #tpu.memory_space<vmem>>, vector<16xf32>,
        %get3A_2883 = vector.shape_cast %get3A_2882 : vector<16xf32> to vector<16xf32>
        %mul3A_2884 = arith.mulf %broadcast_in_dim3A_2849, %get3A_2883 : vector<16xf32>
        %add3A_2885 = arith.addf %add3A_2880, %mul3A_2884 : vector<16xf32>
        %max3A_2886 = arith.constant 0.000000e+00 : f32
        %max3A_2887 = vector.broadcast %max3A_2886 : f32 to vector<16xf32>
        %max3A_2888 = arith.maximumf %add3A_2885, %max3A_2887 : vector<16xf32>
        %swap3A_2889 = arith.index_cast %add3A_2846 : i32 to index
        %swap3A_2890 = arith.constant 16 : index
        %swap3A_2891 = tpu.vector_load %arg13[%swap3A_2889, %swap3A_2890] {strides = array<i32>} : memref<80x128xf32, #tpu.memory_space<vmem>>, vector<1x16xf32>,
        %swap3A_2892 = vector.shape_cast %swap3A_2891 : vector<1x16xf32> to vector<16xf32>
        %swap3A_2893 = vector.shape_cast %max3A_2888 : vector<16xf32> to vector<1x16xf32>
        tpu.vector_store %arg13[%swap3A_2889, %swap3A_2890], %swap3A_2893 {strides = array<i32>} : memref<80x128xf32, #tpu.memory_space<vmem>>, vector<1x16xf32>,
        %get3A_2894 = arith.index_cast %add3A_2846 : i32 to index
        %get3A_2895 = arith.constant 32 : index
        %get3A_2896 = tpu.vector_load %arg13[%get3A_2894, %get3A_2895] {strides = array<i32>} : memref<80x128xf32, #tpu.memory_space<vmem>>, vector<1x16xf32>,
        %get3A_2897 = vector.shape_cast %get3A_2896 : vector<1x16xf32> to vector<16xf32>
        %get3A_2898 = arith.index_cast %add3A_2846 : i32 to index
        %get3A_2899 = arith.constant 32 : index
        %get3A_2900 = tpu.vector_load %arg14[%get3A_2898, %get3A_2899] {strides = array<i32>} : memref<80x128xf32, #tpu.memory_space<vmem>>, vector<1x16xf32>,
        %get3A_2901 = vector.shape_cast %get3A_2900 : vector<1x16xf32> to vector<16xf32>
        %add3A_2902 = arith.addf %get3A_2897, %get3A_2901 : vector<16xf32>
        %get3A_2903 = arith.constant 32 : index
        %get3A_2904 = tpu.vector_load %arg15[%get3A_2903] {strides = array<i32>} : memref<128xf32, #tpu.memory_space<vmem>>, vector<16xf32>,
        %get3A_2905 = vector.shape_cast %get3A_2904 : vector<16xf32> to vector<16xf32>
        %mul3A_2906 = arith.mulf %broadcast_in_dim3A_2849, %get3A_2905 : vector<16xf32>
        %add3A_2907 = arith.addf %add3A_2902, %mul3A_2906 : vector<16xf32>
        %max3A_2908 = arith.constant 0.000000e+00 : f32
        %max3A_2909 = vector.broadcast %max3A_2908 : f32 to vector<16xf32>
        %max3A_2910 = arith.maximumf %add3A_2907, %max3A_2909 : vector<16xf32>
        %swap3A_2911 = arith.index_cast %add3A_2846 : i32 to index
        %swap3A_2912 = arith.constant 32 : index
        %swap3A_2913 = tpu.vector_load %arg13[%swap3A_2911, %swap3A_2912] {strides = array<i32>} : memref<80x128xf32, #tpu.memory_space<vmem>>, vector<1x16xf32>,
        %swap3A_2914 = vector.shape_cast %swap3A_2913 : vector<1x16xf32> to vector<16xf32>
        %swap3A_2915 = vector.shape_cast %max3A_2910 : vector<16xf32> to vector<1x16xf32>
        tpu.vector_store %arg13[%swap3A_2911, %swap3A_2912], %swap3A_2915 {strides = array<i32>} : memref<80x128xf32, #tpu.memory_space<vmem>>, vector<1x16xf32>,
        %get3A_2916 = arith.index_cast %add3A_2846 : i32 to index
        %get3A_2917 = arith.constant 48 : index
        %get3A_2918 = tpu.vector_load %arg13[%get3A_2916, %get3A_2917] {strides = array<i32>} : memref<80x128xf32, #tpu.memory_space<vmem>>, vector<1x16xf32>,
        %get3A_2919 = vector.shape_cast %get3A_2918 : vector<1x16xf32> to vector<16xf32>
        %get3A_2920 = arith.index_cast %add3A_2846 : i32 to index
        %get3A_2921 = arith.constant 48 : index
        %get3A_2922 = tpu.vector_load %arg14[%get3A_2920, %get3A_2921] {strides = array<i32>} : memref<80x128xf32, #tpu.memory_space<vmem>>, vector<1x16xf32>,
        %get3A_2923 = vector.shape_cast %get3A_2922 : vector<1x16xf32> to vector<16xf32>
        %add3A_2924 = arith.addf %get3A_2919, %get3A_2923 : vector<16xf32>
        %get3A_2925 = arith.constant 48 : index
        %get3A_2926 = tpu.vector_load %arg15[%get3A_2925] {strides = array<i32>} : memref<128xf32, #tpu.memory_space<vmem>>, vector<16xf32>,
        %get3A_2927 = vector.shape_cast %get3A_2926 : vector<16xf32> to vector<16xf32>
        %mul3A_2928 = arith.mulf %broadcast_in_dim3A_2849, %get3A_2927 : vector<16xf32>
        %add3A_2929 = arith.addf %add3A_2924, %mul3A_2928 : vector<16xf32>
        %max3A_2930 = arith.constant 0.000000e+00 : f32
        %max3A_2931 = vector.broadcast %max3A_2930 : f32 to vector<16xf32>
        %max3A_2932 = arith.maximumf %add3A_2929, %max3A_2931 : vector<16xf32>
        %swap3A_2933 = arith.index_cast %add3A_2846 : i32 to index
        %swap3A_2934 = arith.constant 48 : index
        %swap3A_2935 = tpu.vector_load %arg13[%swap3A_2933, %swap3A_2934] {strides = array<i32>} : memref<80x128xf32, #tpu.memory_space<vmem>>, vector<1x16xf32>,
        %swap3A_2936 = vector.shape_cast %swap3A_2935 : vector<1x16xf32> to vector<16xf32>
        %swap3A_2937 = vector.shape_cast %max3A_2932 : vector<16xf32> to vector<1x16xf32>
        tpu.vector_store %arg13[%swap3A_2933, %swap3A_2934], %swap3A_2937 {strides = array<i32>} : memref<80x128xf32, #tpu.memory_space<vmem>>, vector<1x16xf32>,
        %get3A_2938 = arith.index_cast %add3A_2846 : i32 to index
        %get3A_2939 = arith.constant 64 : index
        %get3A_2940 = tpu.vector_load %arg13[%get3A_2938, %get3A_2939] {strides = array<i32>} : memref<80x128xf32, #tpu.memory_space<vmem>>, vector<1x16xf32>,
        %get3A_2941 = vector.shape_cast %get3A_2940 : vector<1x16xf32> to vector<16xf32>
        %get3A_2942 = arith.index_cast %add3A_2846 : i32 to index
        %get3A_2943 = arith.constant 64 : index
        %get3A_2944 = tpu.vector_load %arg14[%get3A_2942, %get3A_2943] {strides = array<i32>} : memref<80x128xf32, #tpu.memory_space<vmem>>, vector<1x16xf32>,
        %get3A_2945 = vector.shape_cast %get3A_2944 : vector<1x16xf32> to vector<16xf32>
        %add3A_2946 = arith.addf %get3A_2941, %get3A_2945 : vector<16xf32>
        %get3A_2947 = arith.constant 64 : index
        %get3A_2948 = tpu.vector_load %arg15[%get3A_2947] {strides = array<i32>} : memref<128xf32, #tpu.memory_space<vmem>>, vector<16xf32>,
        %get3A_2949 = vector.shape_cast %get3A_2948 : vector<16xf32> to vector<16xf32>
        %mul3A_2950 = arith.mulf %broadcast_in_dim3A_2849, %get3A_2949 : vector<16xf32>
        %add3A_2951 = arith.addf %add3A_2946, %mul3A_2950 : vector<16xf32>
        %max3A_2952 = arith.constant 0.000000e+00 : f32
        %max3A_2953 = vector.broadcast %max3A_2952 : f32 to vector<16xf32>
        %max3A_2954 = arith.maximumf %add3A_2951, %max3A_2953 : vector<16xf32>
        %swap3A_2955 = arith.index_cast %add3A_2846 : i32 to index
        %swap3A_2956 = arith.constant 64 : index
        %swap3A_2957 = tpu.vector_load %arg13[%swap3A_2955, %swap3A_2956] {strides = array<i32>} : memref<80x128xf32, #tpu.memory_space<vmem>>, vector<1x16xf32>,
        %swap3A_2958 = vector.shape_cast %swap3A_2957 : vector<1x16xf32> to vector<16xf32>
        %swap3A_2959 = vector.shape_cast %max3A_2954 : vector<16xf32> to vector<1x16xf32>
        tpu.vector_store %arg13[%swap3A_2955, %swap3A_2956], %swap3A_2959 {strides = array<i32>} : memref<80x128xf32, #tpu.memory_space<vmem>>, vector<1x16xf32>,
        %get3A_2960 = arith.index_cast %add3A_2846 : i32 to index
        %get3A_2961 = arith.constant 80 : index
        %get3A_2962 = tpu.vector_load %arg13[%get3A_2960, %get3A_2961] {strides = array<i32>} : memref<80x128xf32, #tpu.memory_space<vmem>>, vector<1x16xf32>,
        %get3A_2963 = vector.shape_cast %get3A_2962 : vector<1x16xf32> to vector<16xf32>
        %get3A_2964 = arith.index_cast %add3A_2846 : i32 to index
        %get3A_2965 = arith.constant 80 : index
        %get3A_2966 = tpu.vector_load %arg14[%get3A_2964, %get3A_2965] {strides = array<i32>} : memref<80x128xf32, #tpu.memory_space<vmem>>, vector<1x16xf32>,
        %get3A_2967 = vector.shape_cast %get3A_2966 : vector<1x16xf32> to vector<16xf32>
        %add3A_2968 = arith.addf %get3A_2963, %get3A_2967 : vector<16xf32>
        %get3A_2969 = arith.constant 80 : index
        %get3A_2970 = tpu.vector_load %arg15[%get3A_2969] {strides = array<i32>} : memref<128xf32, #tpu.memory_space<vmem>>, vector<16xf32>,
        %get3A_2971 = vector.shape_cast %get3A_2970 : vector<16xf32> to vector<16xf32>
        %mul3A_2972 = arith.mulf %broadcast_in_dim3A_2849, %get3A_2971 : vector<16xf32>
        %add3A_2973 = arith.addf %add3A_2968, %mul3A_2972 : vector<16xf32>
        %max3A_2974 = arith.constant 0.000000e+00 : f32
        %max3A_2975 = vector.broadcast %max3A_2974 : f32 to vector<16xf32>
        %max3A_2976 = arith.maximumf %add3A_2973, %max3A_2975 : vector<16xf32>
        %swap3A_2977 = arith.index_cast %add3A_2846 : i32 to index
        %swap3A_2978 = arith.constant 80 : index
        %swap3A_2979 = tpu.vector_load %arg13[%swap3A_2977, %swap3A_2978] {strides = array<i32>} : memref<80x128xf32, #tpu.memory_space<vmem>>, vector<1x16xf32>,
        %swap3A_2980 = vector.shape_cast %swap3A_2979 : vector<1x16xf32> to vector<16xf32>
        %swap3A_2981 = vector.shape_cast %max3A_2976 : vector<16xf32> to vector<1x16xf32>
        tpu.vector_store %arg13[%swap3A_2977, %swap3A_2978], %swap3A_2981 {strides = array<i32>} : memref<80x128xf32, #tpu.memory_space<vmem>>, vector<1x16xf32>,
        %get3A_2982 = arith.index_cast %add3A_2846 : i32 to index
        %get3A_2983 = arith.constant 96 : index
        %get3A_2984 = tpu.vector_load %arg13[%get3A_2982, %get3A_2983] {strides = array<i32>} : memref<80x128xf32, #tpu.memory_space<vmem>>, vector<1x16xf32>,
        %get3A_2985 = vector.shape_cast %get3A_2984 : vector<1x16xf32> to vector<16xf32>
        %get3A_2986 = arith.index_cast %add3A_2846 : i32 to index
        %get3A_2987 = arith.constant 96 : index
        %get3A_2988 = tpu.vector_load %arg14[%get3A_2986, %get3A_2987] {strides = array<i32>} : memref<80x128xf32, #tpu.memory_space<vmem>>, vector<1x16xf32>,
        %get3A_2989 = vector.shape_cast %get3A_2988 : vector<1x16xf32> to vector<16xf32>
        %add3A_2990 = arith.addf %get3A_2985, %get3A_2989 : vector<16xf32>
        %get3A_2991 = arith.constant 96 : index
        %get3A_2992 = tpu.vector_load %arg15[%get3A_2991] {strides = array<i32>} : memref<128xf32, #tpu.memory_space<vmem>>, vector<16xf32>,
        %get3A_2993 = vector.shape_cast %get3A_2992 : vector<16xf32> to vector<16xf32>
        %mul3A_2994 = arith.mulf %broadcast_in_dim3A_2849, %get3A_2993 : vector<16xf32>
        %add3A_2995 = arith.addf %add3A_2990, %mul3A_2994 : vector<16xf32>
        %max3A_2996 = arith.constant 0.000000e+00 : f32
        %max3A_2997 = vector.broadcast %max3A_2996 : f32 to vector<16xf32>
        %max3A_2998 = arith.maximumf %add3A_2995, %max3A_2997 : vector<16xf32>
        %swap3A_2999 = arith.index_cast %add3A_2846 : i32 to index
        %swap3A_3000 = arith.constant 96 : index
        %swap3A_3001 = tpu.vector_load %arg13[%swap3A_2999, %swap3A_3000] {strides = array<i32>} : memref<80x128xf32, #tpu.memory_space<vmem>>, vector<1x16xf32>,
        %swap3A_3002 = vector.shape_cast %swap3A_3001 : vector<1x16xf32> to vector<16xf32>
        %swap3A_3003 = vector.shape_cast %max3A_2998 : vector<16xf32> to vector<1x16xf32>
        tpu.vector_store %arg13[%swap3A_2999, %swap3A_3000], %swap3A_3003 {strides = array<i32>} : memref<80x128xf32, #tpu.memory_space<vmem>>, vector<1x16xf32>,
        %get3A_3004 = arith.index_cast %add3A_2846 : i32 to index
        %get3A_3005 = arith.constant 112 : index
        %get3A_3006 = tpu.vector_load %arg13[%get3A_3004, %get3A_3005] {strides = array<i32>} : memref<80x128xf32, #tpu.memory_space<vmem>>, vector<1x16xf32>,
        %get3A_3007 = vector.shape_cast %get3A_3006 : vector<1x16xf32> to vector<16xf32>
        %get3A_3008 = arith.index_cast %add3A_2846 : i32 to index
        %get3A_3009 = arith.constant 112 : index
        %get3A_3010 = tpu.vector_load %arg14[%get3A_3008, %get3A_3009] {strides = array<i32>} : memref<80x128xf32, #tpu.memory_space<vmem>>, vector<1x16xf32>,
        %get3A_3011 = vector.shape_cast %get3A_3010 : vector<1x16xf32> to vector<16xf32>
        %add3A_3012 = arith.addf %get3A_3007, %get3A_3011 : vector<16xf32>
        %get3A_3013 = arith.constant 112 : index
        %get3A_3014 = tpu.vector_load %arg15[%get3A_3013] {strides = array<i32>} : memref<128xf32, #tpu.memory_space<vmem>>, vector<16xf32>,
        %get3A_3015 = vector.shape_cast %get3A_3014 : vector<16xf32> to vector<16xf32>
        %mul3A_3016 = arith.mulf %broadcast_in_dim3A_2849, %get3A_3015 : vector<16xf32>
        %add3A_3017 = arith.addf %add3A_3012, %mul3A_3016 : vector<16xf32>
        %max3A_3018 = arith.constant 0.000000e+00 : f32
        %max3A_3019 = vector.broadcast %max3A_3018 : f32 to vector<16xf32>
        %max3A_3020 = arith.maximumf %add3A_3017, %max3A_3019 : vector<16xf32>
        %swap3A_3021 = arith.index_cast %add3A_2846 : i32 to index
        %swap3A_3022 = arith.constant 112 : index
        %swap3A_3023 = tpu.vector_load %arg13[%swap3A_3021, %swap3A_3022] {strides = array<i32>} : memref<80x128xf32, #tpu.memory_space<vmem>>, vector<1x16xf32>,
        %swap3A_3024 = vector.shape_cast %swap3A_3023 : vector<1x16xf32> to vector<16xf32>
        %swap3A_3025 = vector.shape_cast %max3A_3020 : vector<16xf32> to vector<1x16xf32>
        tpu.vector_store %arg13[%swap3A_3021, %swap3A_3022], %swap3A_3025 {strides = array<i32>} : memref<80x128xf32, #tpu.memory_space<vmem>>, vector<1x16xf32>,
      }
      %scan3A_97 = arith.constant 5 : i32
      "tpu.region"() ({
        %run_scoped3A = tpu.sem_alloc : memref<!tpu.dma_semaphore, #tpu.memory_space<semaphore_mem>>
        %dma_start3A_98 = arith.constant 0 : i32
        %dma_start3A_99 = arith.constant 0 : i32
        %dma_start3A_100 = tpu.memref_slice %arg17[%dma_start3A_98, %dma_start3A_99] : memref<10000x128xf32, #tpu.memory_space<vmem_shared>> -> memref<10000x128xf32, #tpu.memory_space<vmem_shared>>
        tpu.enqueue_indirect_dma source(%arg13 : memref<80x128xf32, #tpu.memory_space<vmem>>) target(%dma_start3A_100 : memref<10000x128xf32, #tpu.memory_space<vmem_shared>>) offsets(%arg11 : memref<80xi32, #tpu.memory_space<vmem>>) semaphore(%run_scoped3A : memref<!tpu.dma_semaphore, #tpu.memory_space<semaphore_mem>>) {add = true}
        %dma_wait3A_101 = arith.constant 0 : i32
        %dma_wait3A_102 = arith.constant 0 : i32
        %dma_wait3A_103 = tpu.memref_slice %arg17[%dma_wait3A_101, %dma_wait3A_102] : memref<10000x128xf32, #tpu.memory_space<vmem_shared>> -> memref<10000x128xf32, #tpu.memory_space<vmem_shared>>
        tpu.wait_indirect_dma semaphore(%run_scoped3A : memref<!tpu.dma_semaphore, #tpu.memory_space<semaphore_mem>>) src(%arg13 : memref<80x128xf32, #tpu.memory_space<vmem>>) dst(%dma_wait3A_103 : memref<10000x128xf32, #tpu.memory_space<vmem_shared>>)
        tpu.yield
      }) : () -> ()
    }
    %scan3A_38 = arith.constant 125 : i32
    %barrier3A_39 = arith.constant 0 : index
    tpu.barrier barrier_id(%barrier3A_39)
    %mul3A_40 = arith.constant 4 : i32
    %mul3A_41 = arith.muli %arg1, %mul3A_40 : i32
    %add3A_42 = arith.constant 0 : i32
    %add3A_43 = arith.addi %mul3A_41, %add3A_42 : i32
    %lt3A_44 = arith.constant 50 : i32
    %lt3A_45 = arith.cmpi slt, %add3A_43, %lt3A_44 : i32
    %convert_element_type3A_46 = arith.extui %lt3A_45 : i1 to i32
    %cond3A_47 = arith.constant 0 : i32
    %cond3A_48 = arith.cmpi ne, %convert_element_type3A_46, %cond3A_47 : i32
    scf.if %cond3A_48 {
      %mul3A_76 = arith.constant 200 : i32
      %mul3A_77 = arith.muli %add3A_43, %mul3A_76 : i32
      "tpu.region"() ({
        %run_scoped3A = tpu.sem_alloc : memref<!tpu.dma_semaphore, #tpu.memory_space<semaphore_mem>>
        %dma_start3A = arith.constant 0 : i32
        %dma_start3A_78 = tpu.memref_slice %arg17[%mul3A_77, %dma_start3A] : memref<10000x128xf32, #tpu.memory_space<vmem_shared>> -> memref<200x128xf32, #tpu.memory_space<vmem_shared>>
        %dma_start3A_79 = arith.constant 0 : i32
        %dma_start3A_80 = tpu.memref_slice %arg17[%mul3A_77, %dma_start3A_79] : memref<10000x128xf32, #tpu.memory_space<vmem_shared>> -> memref<200x128xf32, #tpu.memory_space<vmem_shared>>
        tpu.enqueue_dma source(%dma_start3A_80 : memref<200x128xf32, #tpu.memory_space<vmem_shared>>) target(%arg16 : memref<200x128xf32, #tpu.memory_space<vmem>>) target_semaphore(%run_scoped3A : memref<!tpu.dma_semaphore, #tpu.memory_space<semaphore_mem>>)
        %dma_wait3A = arith.constant 0 : i32
        %dma_wait3A_81 = tpu.memref_slice %arg17[%mul3A_77, %dma_wait3A] : memref<10000x128xf32, #tpu.memory_space<vmem_shared>> -> memref<200x128xf32, #tpu.memory_space<vmem_shared>>
        %dma_wait3A_82 = arith.constant 0 : i32
        %dma_wait3A_83 = tpu.memref_slice %arg17[%mul3A_77, %dma_wait3A_82] : memref<10000x128xf32, #tpu.memory_space<vmem_shared>> -> memref<200x128xf32, #tpu.memory_space<vmem_shared>>
        tpu.wait_dma2 semaphore(%run_scoped3A : memref<!tpu.dma_semaphore, #tpu.memory_space<semaphore_mem>>) src(%dma_wait3A_83 : memref<200x128xf32, #tpu.memory_space<vmem_shared>>) dst(%arg16 : memref<200x128xf32, #tpu.memory_space<vmem>>)
        tpu.yield
      }) : () -> ()
      "tpu.region"() ({
        %run_scoped3A = tpu.sem_alloc : memref<!tpu.dma_semaphore, #tpu.memory_space<semaphore_mem>>
        %dma_start3A = arith.constant 0 : i32
        %dma_start3A_78 = tpu.memref_slice %arg9[%arg0, %mul3A_77, %dma_start3A] : memref<2x10000x128xf32, #tpu.memory_space<hbm>> -> memref<1x200x128xf32, #tpu.memory_space<hbm>>
        %dma_start3A_79 = tpu.memref_squeeze %dma_start3A_78 : memref<1x200x128xf32, #tpu.memory_space<hbm>> -> memref<200x128xf32, #tpu.memory_space<hbm>>
        %dma_start3A_80 = arith.constant 0 : i32
        %dma_start3A_81 = tpu.memref_slice %arg9[%arg0, %mul3A_77, %dma_start3A_80] : memref<2x10000x128xf32, #tpu.memory_space<hbm>> -> memref<1x200x128xf32, #tpu.memory_space<hbm>>
        %dma_start3A_82 = tpu.memref_squeeze %dma_start3A_81 : memref<1x200x128xf32, #tpu.memory_space<hbm>> -> memref<200x128xf32, #tpu.memory_space<hbm>>
        tpu.enqueue_dma source(%arg16 : memref<200x128xf32, #tpu.memory_space<vmem>>) target(%dma_start3A_82 : memref<200x128xf32, #tpu.memory_space<hbm>>) target_semaphore(%run_scoped3A : memref<!tpu.dma_semaphore, #tpu.memory_space<semaphore_mem>>)
        %dma_wait3A = arith.constant 0 : i32
        %dma_wait3A_83 = tpu.memref_slice %arg9[%arg0, %mul3A_77, %dma_wait3A] : memref<2x10000x128xf32, #tpu.memory_space<hbm>> -> memref<1x200x128xf32, #tpu.memory_space<hbm>>
        %dma_wait3A_84 = tpu.memref_squeeze %dma_wait3A_83 : memref<1x200x128xf32, #tpu.memory_space<hbm>> -> memref<200x128xf32, #tpu.memory_space<hbm>>
        %dma_wait3A_85 = arith.constant 0 : i32
        %dma_wait3A_86 = tpu.memref_slice %arg9[%arg0, %mul3A_77, %dma_wait3A_85] : memref<2x10000x128xf32, #tpu.memory_space<hbm>> -> memref<1x200x128xf32, #tpu.memory_space<hbm>>
        %dma_wait3A_87 = tpu.memref_squeeze %dma_wait3A_86 : memref<1x200x128xf32, #tpu.memory_space<hbm>> -> memref<200x128xf32, #tpu.memory_space<hbm>>
        tpu.wait_dma2 semaphore(%run_scoped3A : memref<!tpu.dma_semaphore, #tpu.memory_space<semaphore_mem>>) src(%arg16 : memref<200x128xf32, #tpu.memory_space<vmem>>) dst(%dma_wait3A_87 : memref<200x128xf32, #tpu.memory_space<hbm>>)
        tpu.yield
      }) : () -> ()
    } else {
    }
    %mul3A_49 = arith.constant 4 : i32
    %mul3A_50 = arith.muli %arg1, %mul3A_49 : i32
    %add3A_51 = arith.constant 1 : i32
    %add3A_52 = arith.addi %mul3A_50, %add3A_51 : i32
    %lt3A_53 = arith.constant 50 : i32
    %lt3A_54 = arith.cmpi slt, %add3A_52, %lt3A_53 : i32
    %convert_element_type3A_55 = arith.extui %lt3A_54 : i1 to i32
    %cond3A_56 = arith.constant 0 : i32
    %cond3A_57 = arith.cmpi ne, %convert_element_type3A_55, %cond3A_56 : i32
    scf.if %cond3A_57 {
      %mul3A_76 = arith.constant 200 : i32
      %mul3A_77 = arith.muli %add3A_52, %mul3A_76 : i32
      "tpu.region"() ({
        %run_scoped3A = tpu.sem_alloc : memref<!tpu.dma_semaphore, #tpu.memory_space<semaphore_mem>>
        %dma_start3A = arith.constant 0 : i32
        %dma_start3A_78 = tpu.memref_slice %arg17[%mul3A_77, %dma_start3A] : memref<10000x128xf32, #tpu.memory_space<vmem_shared>> -> memref<200x128xf32, #tpu.memory_space<vmem_shared>>
        %dma_start3A_79 = arith.constant 0 : i32
        %dma_start3A_80 = tpu.memref_slice %arg17[%mul3A_77, %dma_start3A_79] : memref<10000x128xf32, #tpu.memory_space<vmem_shared>> -> memref<200x128xf32, #tpu.memory_space<vmem_shared>>
        tpu.enqueue_dma source(%dma_start3A_80 : memref<200x128xf32, #tpu.memory_space<vmem_shared>>) target(%arg16 : memref<200x128xf32, #tpu.memory_space<vmem>>) target_semaphore(%run_scoped3A : memref<!tpu.dma_semaphore, #tpu.memory_space<semaphore_mem>>)
        %dma_wait3A = arith.constant 0 : i32
        %dma_wait3A_81 = tpu.memref_slice %arg17[%mul3A_77, %dma_wait3A] : memref<10000x128xf32, #tpu.memory_space<vmem_shared>> -> memref<200x128xf32, #tpu.memory_space<vmem_shared>>
        %dma_wait3A_82 = arith.constant 0 : i32
        %dma_wait3A_83 = tpu.memref_slice %arg17[%mul3A_77, %dma_wait3A_82] : memref<10000x128xf32, #tpu.memory_space<vmem_shared>> -> memref<200x128xf32, #tpu.memory_space<vmem_shared>>
        tpu.wait_dma2 semaphore(%run_scoped3A : memref<!tpu.dma_semaphore, #tpu.memory_space<semaphore_mem>>) src(%dma_wait3A_83 : memref<200x128xf32, #tpu.memory_space<vmem_shared>>) dst(%arg16 : memref<200x128xf32, #tpu.memory_space<vmem>>)
        tpu.yield
      }) : () -> ()
      "tpu.region"() ({
        %run_scoped3A = tpu.sem_alloc : memref<!tpu.dma_semaphore, #tpu.memory_space<semaphore_mem>>
        %dma_start3A = arith.constant 0 : i32
        %dma_start3A_78 = tpu.memref_slice %arg9[%arg0, %mul3A_77, %dma_start3A] : memref<2x10000x128xf32, #tpu.memory_space<hbm>> -> memref<1x200x128xf32, #tpu.memory_space<hbm>>
        %dma_start3A_79 = tpu.memref_squeeze %dma_start3A_78 : memref<1x200x128xf32, #tpu.memory_space<hbm>> -> memref<200x128xf32, #tpu.memory_space<hbm>>
        %dma_start3A_80 = arith.constant 0 : i32
        %dma_start3A_81 = tpu.memref_slice %arg9[%arg0, %mul3A_77, %dma_start3A_80] : memref<2x10000x128xf32, #tpu.memory_space<hbm>> -> memref<1x200x128xf32, #tpu.memory_space<hbm>>
        %dma_start3A_82 = tpu.memref_squeeze %dma_start3A_81 : memref<1x200x128xf32, #tpu.memory_space<hbm>> -> memref<200x128xf32, #tpu.memory_space<hbm>>
        tpu.enqueue_dma source(%arg16 : memref<200x128xf32, #tpu.memory_space<vmem>>) target(%dma_start3A_82 : memref<200x128xf32, #tpu.memory_space<hbm>>) target_semaphore(%run_scoped3A : memref<!tpu.dma_semaphore, #tpu.memory_space<semaphore_mem>>)
        %dma_wait3A = arith.constant 0 : i32
        %dma_wait3A_83 = tpu.memref_slice %arg9[%arg0, %mul3A_77, %dma_wait3A] : memref<2x10000x128xf32, #tpu.memory_space<hbm>> -> memref<1x200x128xf32, #tpu.memory_space<hbm>>
        %dma_wait3A_84 = tpu.memref_squeeze %dma_wait3A_83 : memref<1x200x128xf32, #tpu.memory_space<hbm>> -> memref<200x128xf32, #tpu.memory_space<hbm>>
        %dma_wait3A_85 = arith.constant 0 : i32
        %dma_wait3A_86 = tpu.memref_slice %arg9[%arg0, %mul3A_77, %dma_wait3A_85] : memref<2x10000x128xf32, #tpu.memory_space<hbm>> -> memref<1x200x128xf32, #tpu.memory_space<hbm>>
        %dma_wait3A_87 = tpu.memref_squeeze %dma_wait3A_86 : memref<1x200x128xf32, #tpu.memory_space<hbm>> -> memref<200x128xf32, #tpu.memory_space<hbm>>
        tpu.wait_dma2 semaphore(%run_scoped3A : memref<!tpu.dma_semaphore, #tpu.memory_space<semaphore_mem>>) src(%arg16 : memref<200x128xf32, #tpu.memory_space<vmem>>) dst(%dma_wait3A_87 : memref<200x128xf32, #tpu.memory_space<hbm>>)
        tpu.yield
      }) : () -> ()
    } else {
    }
    %mul3A_58 = arith.constant 4 : i32
    %mul3A_59 = arith.muli %arg1, %mul3A_58 : i32
    %add3A_60 = arith.constant 2 : i32
    %add3A_61 = arith.addi %mul3A_59, %add3A_60 : i32
    %lt3A_62 = arith.constant 50 : i32
    %lt3A_63 = arith.cmpi slt, %add3A_61, %lt3A_62 : i32
    %convert_element_type3A_64 = arith.extui %lt3A_63 : i1 to i32
    %cond3A_65 = arith.constant 0 : i32
    %cond3A_66 = arith.cmpi ne, %convert_element_type3A_64, %cond3A_65 : i32
    scf.if %cond3A_66 {
      %mul3A_76 = arith.constant 200 : i32
      %mul3A_77 = arith.muli %add3A_61, %mul3A_76 : i32
      "tpu.region"() ({
        %run_scoped3A = tpu.sem_alloc : memref<!tpu.dma_semaphore, #tpu.memory_space<semaphore_mem>>
        %dma_start3A = arith.constant 0 : i32
        %dma_start3A_78 = tpu.memref_slice %arg17[%mul3A_77, %dma_start3A] : memref<10000x128xf32, #tpu.memory_space<vmem_shared>> -> memref<200x128xf32, #tpu.memory_space<vmem_shared>>
        %dma_start3A_79 = arith.constant 0 : i32
        %dma_start3A_80 = tpu.memref_slice %arg17[%mul3A_77, %dma_start3A_79] : memref<10000x128xf32, #tpu.memory_space<vmem_shared>> -> memref<200x128xf32, #tpu.memory_space<vmem_shared>>
        tpu.enqueue_dma source(%dma_start3A_80 : memref<200x128xf32, #tpu.memory_space<vmem_shared>>) target(%arg16 : memref<200x128xf32, #tpu.memory_space<vmem>>) target_semaphore(%run_scoped3A : memref<!tpu.dma_semaphore, #tpu.memory_space<semaphore_mem>>)
        %dma_wait3A = arith.constant 0 : i32
        %dma_wait3A_81 = tpu.memref_slice %arg17[%mul3A_77, %dma_wait3A] : memref<10000x128xf32, #tpu.memory_space<vmem_shared>> -> memref<200x128xf32, #tpu.memory_space<vmem_shared>>
        %dma_wait3A_82 = arith.constant 0 : i32
        %dma_wait3A_83 = tpu.memref_slice %arg17[%mul3A_77, %dma_wait3A_82] : memref<10000x128xf32, #tpu.memory_space<vmem_shared>> -> memref<200x128xf32, #tpu.memory_space<vmem_shared>>
        tpu.wait_dma2 semaphore(%run_scoped3A : memref<!tpu.dma_semaphore, #tpu.memory_space<semaphore_mem>>) src(%dma_wait3A_83 : memref<200x128xf32, #tpu.memory_space<vmem_shared>>) dst(%arg16 : memref<200x128xf32, #tpu.memory_space<vmem>>)
        tpu.yield
      }) : () -> ()
      "tpu.region"() ({
        %run_scoped3A = tpu.sem_alloc : memref<!tpu.dma_semaphore, #tpu.memory_space<semaphore_mem>>
        %dma_start3A = arith.constant 0 : i32
        %dma_start3A_78 = tpu.memref_slice %arg9[%arg0, %mul3A_77, %dma_start3A] : memref<2x10000x128xf32, #tpu.memory_space<hbm>> -> memref<1x200x128xf32, #tpu.memory_space<hbm>>
        %dma_start3A_79 = tpu.memref_squeeze %dma_start3A_78 : memref<1x200x128xf32, #tpu.memory_space<hbm>> -> memref<200x128xf32, #tpu.memory_space<hbm>>
        %dma_start3A_80 = arith.constant 0 : i32
        %dma_start3A_81 = tpu.memref_slice %arg9[%arg0, %mul3A_77, %dma_start3A_80] : memref<2x10000x128xf32, #tpu.memory_space<hbm>> -> memref<1x200x128xf32, #tpu.memory_space<hbm>>
        %dma_start3A_82 = tpu.memref_squeeze %dma_start3A_81 : memref<1x200x128xf32, #tpu.memory_space<hbm>> -> memref<200x128xf32, #tpu.memory_space<hbm>>
        tpu.enqueue_dma source(%arg16 : memref<200x128xf32, #tpu.memory_space<vmem>>) target(%dma_start3A_82 : memref<200x128xf32, #tpu.memory_space<hbm>>) target_semaphore(%run_scoped3A : memref<!tpu.dma_semaphore, #tpu.memory_space<semaphore_mem>>)
        %dma_wait3A = arith.constant 0 : i32
        %dma_wait3A_83 = tpu.memref_slice %arg9[%arg0, %mul3A_77, %dma_wait3A] : memref<2x10000x128xf32, #tpu.memory_space<hbm>> -> memref<1x200x128xf32, #tpu.memory_space<hbm>>
        %dma_wait3A_84 = tpu.memref_squeeze %dma_wait3A_83 : memref<1x200x128xf32, #tpu.memory_space<hbm>> -> memref<200x128xf32, #tpu.memory_space<hbm>>
        %dma_wait3A_85 = arith.constant 0 : i32
        %dma_wait3A_86 = tpu.memref_slice %arg9[%arg0, %mul3A_77, %dma_wait3A_85] : memref<2x10000x128xf32, #tpu.memory_space<hbm>> -> memref<1x200x128xf32, #tpu.memory_space<hbm>>
        %dma_wait3A_87 = tpu.memref_squeeze %dma_wait3A_86 : memref<1x200x128xf32, #tpu.memory_space<hbm>> -> memref<200x128xf32, #tpu.memory_space<hbm>>
        tpu.wait_dma2 semaphore(%run_scoped3A : memref<!tpu.dma_semaphore, #tpu.memory_space<semaphore_mem>>) src(%arg16 : memref<200x128xf32, #tpu.memory_space<vmem>>) dst(%dma_wait3A_87 : memref<200x128xf32, #tpu.memory_space<hbm>>)
        tpu.yield
      }) : () -> ()
    } else {
    }
    %mul3A_67 = arith.constant 4 : i32
    %mul3A_68 = arith.muli %arg1, %mul3A_67 : i32
    %add3A_69 = arith.constant 3 : i32
    %add3A_70 = arith.addi %mul3A_68, %add3A_69 : i32
    %lt3A_71 = arith.constant 50 : i32
    %lt3A_72 = arith.cmpi slt, %add3A_70, %lt3A_71 : i32
    %convert_element_type3A_73 = arith.extui %lt3A_72 : i1 to i32
    %cond3A_74 = arith.constant 0 : i32
    %cond3A_75 = arith.cmpi ne, %convert_element_type3A_73, %cond3A_74 : i32
    scf.if %cond3A_75 {
      %mul3A_76 = arith.constant 200 : i32
      %mul3A_77 = arith.muli %add3A_70, %mul3A_76 : i32
      "tpu.region"() ({
        %run_scoped3A = tpu.sem_alloc : memref<!tpu.dma_semaphore, #tpu.memory_space<semaphore_mem>>
        %dma_start3A = arith.constant 0 : i32
        %dma_start3A_78 = tpu.memref_slice %arg17[%mul3A_77, %dma_start3A] : memref<10000x128xf32, #tpu.memory_space<vmem_shared>> -> memref<200x128xf32, #tpu.memory_space<vmem_shared>>
        %dma_start3A_79 = arith.constant 0 : i32
        %dma_start3A_80 = tpu.memref_slice %arg17[%mul3A_77, %dma_start3A_79] : memref<10000x128xf32, #tpu.memory_space<vmem_shared>> -> memref<200x128xf32, #tpu.memory_space<vmem_shared>>
        tpu.enqueue_dma source(%dma_start3A_80 : memref<200x128xf32, #tpu.memory_space<vmem_shared>>) target(%arg16 : memref<200x128xf32, #tpu.memory_space<vmem>>) target_semaphore(%run_scoped3A : memref<!tpu.dma_semaphore, #tpu.memory_space<semaphore_mem>>)
        %dma_wait3A = arith.constant 0 : i32
        %dma_wait3A_81 = tpu.memref_slice %arg17[%mul3A_77, %dma_wait3A] : memref<10000x128xf32, #tpu.memory_space<vmem_shared>> -> memref<200x128xf32, #tpu.memory_space<vmem_shared>>
        %dma_wait3A_82 = arith.constant 0 : i32
        %dma_wait3A_83 = tpu.memref_slice %arg17[%mul3A_77, %dma_wait3A_82] : memref<10000x128xf32, #tpu.memory_space<vmem_shared>> -> memref<200x128xf32, #tpu.memory_space<vmem_shared>>
        tpu.wait_dma2 semaphore(%run_scoped3A : memref<!tpu.dma_semaphore, #tpu.memory_space<semaphore_mem>>) src(%dma_wait3A_83 : memref<200x128xf32, #tpu.memory_space<vmem_shared>>) dst(%arg16 : memref<200x128xf32, #tpu.memory_space<vmem>>)
        tpu.yield
      }) : () -> ()
      "tpu.region"() ({
        %run_scoped3A = tpu.sem_alloc : memref<!tpu.dma_semaphore, #tpu.memory_space<semaphore_mem>>
        %dma_start3A = arith.constant 0 : i32
        %dma_start3A_78 = tpu.memref_slice %arg9[%arg0, %mul3A_77, %dma_start3A] : memref<2x10000x128xf32, #tpu.memory_space<hbm>> -> memref<1x200x128xf32, #tpu.memory_space<hbm>>
        %dma_start3A_79 = tpu.memref_squeeze %dma_start3A_78 : memref<1x200x128xf32, #tpu.memory_space<hbm>> -> memref<200x128xf32, #tpu.memory_space<hbm>>
        %dma_start3A_80 = arith.constant 0 : i32
        %dma_start3A_81 = tpu.memref_slice %arg9[%arg0, %mul3A_77, %dma_start3A_80] : memref<2x10000x128xf32, #tpu.memory_space<hbm>> -> memref<1x200x128xf32, #tpu.memory_space<hbm>>
        %dma_start3A_82 = tpu.memref_squeeze %dma_start3A_81 : memref<1x200x128xf32, #tpu.memory_space<hbm>> -> memref<200x128xf32, #tpu.memory_space<hbm>>
        tpu.enqueue_dma source(%arg16 : memref<200x128xf32, #tpu.memory_space<vmem>>) target(%dma_start3A_82 : memref<200x128xf32, #tpu.memory_space<hbm>>) target_semaphore(%run_scoped3A : memref<!tpu.dma_semaphore, #tpu.memory_space<semaphore_mem>>)
        %dma_wait3A = arith.constant 0 : i32
        %dma_wait3A_83 = tpu.memref_slice %arg9[%arg0, %mul3A_77, %dma_wait3A] : memref<2x10000x128xf32, #tpu.memory_space<hbm>> -> memref<1x200x128xf32, #tpu.memory_space<hbm>>
        %dma_wait3A_84 = tpu.memref_squeeze %dma_wait3A_83 : memref<1x200x128xf32, #tpu.memory_space<hbm>> -> memref<200x128xf32, #tpu.memory_space<hbm>>
        %dma_wait3A_85 = arith.constant 0 : i32
        %dma_wait3A_86 = tpu.memref_slice %arg9[%arg0, %mul3A_77, %dma_wait3A_85] : memref<2x10000x128xf32, #tpu.memory_space<hbm>> -> memref<1x200x128xf32, #tpu.memory_space<hbm>>
        %dma_wait3A_87 = tpu.memref_squeeze %dma_wait3A_86 : memref<1x200x128xf32, #tpu.memory_space<hbm>> -> memref<200x128xf32, #tpu.memory_space<hbm>>
        tpu.wait_dma2 semaphore(%run_scoped3A : memref<!tpu.dma_semaphore, #tpu.memory_space<semaphore_mem>>) src(%arg16 : memref<200x128xf32, #tpu.memory_space<vmem>>) dst(%dma_wait3A_87 : memref<200x128xf32, #tpu.memory_space<hbm>>)
        tpu.yield
      }) : () -> ()
    } else {
    }
    return
  }
}

module attributes {stable_mosaic.version = 14 : i64} {
  func.func @_proj_body(%arg0: i32, %arg1: memref<2000x128xf32, #tpu.memory_space<vmem>>, %arg2: memref<128x128xf32, #tpu.memory_space<vmem>>, %arg3: memref<128x128xf32, #tpu.memory_space<vmem>>, %arg4: memref<1x128xf32, #tpu.memory_space<vmem>>, %arg5: memref<2000x128xf32, #tpu.memory_space<vmem>>, %arg6: memref<2000x128xf32, #tpu.memory_space<vmem>>) attributes {dimension_semantics = [#tpu.dimension_semantics<arbitrary>], iteration_bounds = array<i64: 5>, scalar_prefetch = 0 : i64, scratch_operands = 0 : i64, tpu.core_type = #tpu.core_type<tc>, window_params = [{transform_indices = @transform_0, window_bounds = array<i64: 2000, 128>}, {pipeline_mode = #tpu.pipeline_mode<synchronous>, transform_indices = @transform_1, window_bounds = array<i64: 128, 128>}, {pipeline_mode = #tpu.pipeline_mode<synchronous>, transform_indices = @transform_2, window_bounds = array<i64: 128, 128>}, {pipeline_mode = #tpu.pipeline_mode<synchronous>, transform_indices = @transform_3, window_bounds = array<i64: 1, 128>}, {transform_indices = @transform_4, window_bounds = array<i64: 2000, 128>}, {transform_indices = @transform_5, window_bounds = array<i64: 2000, 128>}]} {
    %get3A = arith.constant 0 : index
    %get3A_0 = arith.constant 0 : index
    %get3A_1 = vector.load %arg1[%get3A, %get3A_0] : memref<2000x128xf32, #tpu.memory_space<vmem>>, vector<2000x128xf32>
    %get3A_2 = arith.constant 0 : index
    %get3A_3 = arith.constant 0 : index
    %get3A_4 = vector.load %arg2[%get3A_2, %get3A_3] : memref<128x128xf32, #tpu.memory_space<vmem>>, vector<128x128xf32>
    %dot_general3A = arith.constant dense<0.000000e+00> : vector<2000x128xf32>
    %dot_general3A_5 = tpu.matmul %get3A_1, %get3A_4, %dot_general3A {dimension_numbers = #tpu.dot_dimension_numbers<[1], [0], [0], [1], [0, 0, 1, 1], [], []>, transpose_lhs_hint = false} : vector<2000x128xf32>, vector<128x128xf32>, vector<2000x128xf32> -> vector<2000x128xf32>
    %swap3A = arith.constant 0 : index
    %swap3A_6 = arith.constant 0 : index
    %swap3A_7 = vector.load %arg5[%swap3A, %swap3A_6] : memref<2000x128xf32, #tpu.memory_space<vmem>>, vector<2000x128xf32>
    tpu.vector_store %arg5[%swap3A, %swap3A_6], %dot_general3A_5 {strides = array<i32>} : memref<2000x128xf32, #tpu.memory_space<vmem>>, vector<2000x128xf32>,
    %get3A_8 = arith.constant 0 : index
    %get3A_9 = arith.constant 0 : index
    %get3A_10 = vector.load %arg3[%get3A_8, %get3A_9] : memref<128x128xf32, #tpu.memory_space<vmem>>, vector<128x128xf32>
    %dot_general3A_11 = arith.constant dense<0.000000e+00> : vector<2000x128xf32>
    %dot_general3A_12 = tpu.matmul %get3A_1, %get3A_10, %dot_general3A_11 {dimension_numbers = #tpu.dot_dimension_numbers<[1], [0], [0], [1], [0, 0, 1, 1], [], []>, transpose_lhs_hint = false} : vector<2000x128xf32>, vector<128x128xf32>, vector<2000x128xf32> -> vector<2000x128xf32>
    %get3A_13 = arith.constant 0 : index
    %get3A_14 = arith.constant 0 : index
    %get3A_15 = vector.load %arg4[%get3A_13, %get3A_14] : memref<1x128xf32, #tpu.memory_space<vmem>>, vector<1x128xf32>
    %add3A = vector.broadcast %get3A_15 : vector<1x128xf32> to vector<2000x128xf32>
    %add3A_16 = arith.addf %dot_general3A_12, %add3A : vector<2000x128xf32>
    %swap3A_17 = arith.constant 0 : index
    %swap3A_18 = arith.constant 0 : index
    %swap3A_19 = vector.load %arg6[%swap3A_17, %swap3A_18] : memref<2000x128xf32, #tpu.memory_space<vmem>>, vector<2000x128xf32>
    tpu.vector_store %arg6[%swap3A_17, %swap3A_18], %add3A_16 {strides = array<i32>} : memref<2000x128xf32, #tpu.memory_space<vmem>>, vector<2000x128xf32>,
    return
  }
  func.func @transform_0(%arg0: i32) -> (i32, i32) {
    %c0_i32 = arith.constant 0 : i32
    %c0_i32_0 = arith.constant 0 : i32
    return %arg0, %c0_i32 : i32, i32
  }
  func.func @transform_1(%arg0: i32) -> (i32, i32) {
    %c0_i32 = arith.constant 0 : i32
    %c0_i32_0 = arith.constant 0 : i32
    %c0_i32_1 = arith.constant 0 : i32
    return %c0_i32, %c0_i32_0 : i32, i32
  }
  func.func @transform_2(%arg0: i32) -> (i32, i32) {
    %c0_i32 = arith.constant 0 : i32
    %c0_i32_0 = arith.constant 0 : i32
    %c0_i32_1 = arith.constant 0 : i32
    return %c0_i32, %c0_i32_0 : i32, i32
  }
  func.func @transform_3(%arg0: i32) -> (i32, i32) {
    %c0_i32 = arith.constant 0 : i32
    %c0_i32_0 = arith.constant 0 : i32
    %c0_i32_1 = arith.constant 0 : i32
    return %c0_i32, %c0_i32_0 : i32, i32
  }
  func.func @transform_4(%arg0: i32) -> (i32, i32) {
    %c0_i32 = arith.constant 0 : i32
    %c0_i32_0 = arith.constant 0 : i32
    return %arg0, %c0_i32 : i32, i32
  }
  func.func @transform_5(%arg0: i32) -> (i32, i32) {
    %c0_i32 = arith.constant 0 : i32
    %c0_i32_0 = arith.constant 0 : i32
    return %arg0, %c0_i32 : i32, i32
  }
}

module attributes {stable_mosaic.version = 14 : i64} {
  func.func @_upd_body(%arg0: i32, %arg1: memref<2000x128xf32, #tpu.memory_space<vmem>>, %arg2: memref<2000x128xf32, #tpu.memory_space<vmem>>, %arg3: memref<2000x128xf32, #tpu.memory_space<vmem>>, %arg4: memref<128x128xf32, #tpu.memory_space<vmem>>, %arg5: memref<128x128xf32, #tpu.memory_space<vmem>>, %arg6: memref<128x128xf32, #tpu.memory_space<vmem>>, %arg7: memref<1x128xf32, #tpu.memory_space<vmem>>, %arg8: memref<2000x128xf32, #tpu.memory_space<vmem>>) attributes {dimension_semantics = [#tpu.dimension_semantics<arbitrary>], iteration_bounds = array<i64: 5>, scalar_prefetch = 0 : i64, scratch_operands = 0 : i64, tpu.core_type = #tpu.core_type<tc>, window_params = [{transform_indices = @transform_0, window_bounds = array<i64: 2000, 128>}, {transform_indices = @transform_1, window_bounds = array<i64: 2000, 128>}, {transform_indices = @transform_2, window_bounds = array<i64: 2000, 128>}, {pipeline_mode = #tpu.pipeline_mode<synchronous>, transform_indices = @transform_3, window_bounds = array<i64: 128, 128>}, {pipeline_mode = #tpu.pipeline_mode<synchronous>, transform_indices = @transform_4, window_bounds = array<i64: 128, 128>}, {pipeline_mode = #tpu.pipeline_mode<synchronous>, transform_indices = @transform_5, window_bounds = array<i64: 128, 128>}, {pipeline_mode = #tpu.pipeline_mode<synchronous>, transform_indices = @transform_6, window_bounds = array<i64: 1, 128>}, {transform_indices = @transform_7, window_bounds = array<i64: 2000, 128>}]} {
    %get3A = arith.constant 0 : index
    %get3A_0 = arith.constant 0 : index
    %get3A_1 = vector.load %arg1[%get3A, %get3A_0] : memref<2000x128xf32, #tpu.memory_space<vmem>>, vector<2000x128xf32>
    %get3A_2 = arith.constant 0 : index
    %get3A_3 = arith.constant 0 : index
    %get3A_4 = vector.load %arg2[%get3A_2, %get3A_3] : memref<2000x128xf32, #tpu.memory_space<vmem>>, vector<2000x128xf32>
    %get3A_5 = arith.constant 0 : index
    %get3A_6 = arith.constant 0 : index
    %get3A_7 = vector.load %arg3[%get3A_5, %get3A_6] : memref<2000x128xf32, #tpu.memory_space<vmem>>, vector<2000x128xf32>
    %add3A = arith.addf %get3A_4, %get3A_7 : vector<2000x128xf32>
    %get3A_8 = arith.constant 0 : index
    %get3A_9 = arith.constant 0 : index
    %get3A_10 = vector.load %arg5[%get3A_8, %get3A_9] : memref<128x128xf32, #tpu.memory_space<vmem>>, vector<128x128xf32>
    %dot_general3A = arith.constant dense<0.000000e+00> : vector<2000x128xf32>
    %dot_general3A_11 = tpu.matmul %get3A_1, %get3A_10, %dot_general3A {dimension_numbers = #tpu.dot_dimension_numbers<[1], [0], [0], [1], [0, 0, 1, 1], [], []>, transpose_lhs_hint = false} : vector<2000x128xf32>, vector<128x128xf32>, vector<2000x128xf32> -> vector<2000x128xf32>
    %get3A_12 = arith.constant 0 : index
    %get3A_13 = arith.constant 0 : index
    %get3A_14 = vector.load %arg6[%get3A_12, %get3A_13] : memref<128x128xf32, #tpu.memory_space<vmem>>, vector<128x128xf32>
    %dot_general3A_15 = arith.constant dense<0.000000e+00> : vector<2000x128xf32>
    %dot_general3A_16 = tpu.matmul %add3A, %get3A_14, %dot_general3A_15 {dimension_numbers = #tpu.dot_dimension_numbers<[1], [0], [0], [1], [0, 0, 1, 1], [], []>, transpose_lhs_hint = false} : vector<2000x128xf32>, vector<128x128xf32>, vector<2000x128xf32> -> vector<2000x128xf32>
    %add3A_17 = arith.addf %dot_general3A_11, %dot_general3A_16 : vector<2000x128xf32>
    %get3A_18 = arith.constant 0 : index
    %get3A_19 = arith.constant 0 : index
    %get3A_20 = vector.load %arg7[%get3A_18, %get3A_19] : memref<1x128xf32, #tpu.memory_space<vmem>>, vector<1x128xf32>
    %add3A_21 = vector.broadcast %get3A_20 : vector<1x128xf32> to vector<2000x128xf32>
    %add3A_22 = arith.addf %add3A_17, %add3A_21 : vector<2000x128xf32>
    %get3A_23 = arith.constant 0 : index
    %get3A_24 = arith.constant 0 : index
    %get3A_25 = vector.load %arg4[%get3A_23, %get3A_24] : memref<128x128xf32, #tpu.memory_space<vmem>>, vector<128x128xf32>
    %dot_general3A_26 = arith.constant dense<0.000000e+00> : vector<2000x128xf32>
    %dot_general3A_27 = tpu.matmul %get3A_1, %get3A_25, %dot_general3A_26 {dimension_numbers = #tpu.dot_dimension_numbers<[1], [0], [0], [1], [0, 0, 1, 1], [], []>, transpose_lhs_hint = false} : vector<2000x128xf32>, vector<128x128xf32>, vector<2000x128xf32> -> vector<2000x128xf32>
    %max3A = arith.constant 0.000000e+00 : f32
    %max3A_28 = vector.broadcast %max3A : f32 to vector<2000x128xf32>
    %max3A_29 = arith.maximumf %add3A_22, %max3A_28 : vector<2000x128xf32>
    %add3A_30 = arith.addf %dot_general3A_27, %max3A_29 : vector<2000x128xf32>
    %swap3A = arith.constant 0 : index
    %swap3A_31 = arith.constant 0 : index
    %swap3A_32 = vector.load %arg8[%swap3A, %swap3A_31] : memref<2000x128xf32, #tpu.memory_space<vmem>>, vector<2000x128xf32>
    tpu.vector_store %arg8[%swap3A, %swap3A_31], %add3A_30 {strides = array<i32>} : memref<2000x128xf32, #tpu.memory_space<vmem>>, vector<2000x128xf32>,
    return
  }
  func.func @transform_0(%arg0: i32) -> (i32, i32) {
    %c0_i32 = arith.constant 0 : i32
    %c0_i32_0 = arith.constant 0 : i32
    return %arg0, %c0_i32 : i32, i32
  }
  func.func @transform_1(%arg0: i32) -> (i32, i32) {
    %c0_i32 = arith.constant 0 : i32
    %c0_i32_0 = arith.constant 0 : i32
    return %arg0, %c0_i32 : i32, i32
  }
  func.func @transform_2(%arg0: i32) -> (i32, i32) {
    %c0_i32 = arith.constant 0 : i32
    %c0_i32_0 = arith.constant 0 : i32
    return %arg0, %c0_i32 : i32, i32
  }
  func.func @transform_3(%arg0: i32) -> (i32, i32) {
    %c0_i32 = arith.constant 0 : i32
    %c0_i32_0 = arith.constant 0 : i32
    %c0_i32_1 = arith.constant 0 : i32
    return %c0_i32, %c0_i32_0 : i32, i32
  }
  func.func @transform_4(%arg0: i32) -> (i32, i32) {
    %c0_i32 = arith.constant 0 : i32
    %c0_i32_0 = arith.constant 0 : i32
    %c0_i32_1 = arith.constant 0 : i32
    return %c0_i32, %c0_i32_0 : i32, i32
  }
  func.func @transform_5(%arg0: i32) -> (i32, i32) {
    %c0_i32 = arith.constant 0 : i32
    %c0_i32_0 = arith.constant 0 : i32
    %c0_i32_1 = arith.constant 0 : i32
    return %c0_i32, %c0_i32_0 : i32, i32
  }
  func.func @transform_6(%arg0: i32) -> (i32, i32) {
    %c0_i32 = arith.constant 0 : i32
    %c0_i32_0 = arith.constant 0 : i32
    %c0_i32_1 = arith.constant 0 : i32
    return %c0_i32, %c0_i32_0 : i32, i32
  }
  func.func @transform_7(%arg0: i32) -> (i32, i32) {
    %c0_i32 = arith.constant 0 : i32
    %c0_i32_0 = arith.constant 0 : i32
    return %arg0, %c0_i32 : i32, i32
  }
}

</mosaic_0001>

<sc_bundles>
// kernel: kernel.5.cloned.1.call-start
scs
__scs_entry_jumppad:
0x0: {  	(pc) =	sbr.rel $0x88, $3  }
0x1: {  	(tag) =	ssettag $0x0;
	lr =	simm.s32 $0x1  }
0x2: {  	[smem:$0x3F99] =	sst lr;
	_ =	strace $0xD0000000  }
0x3: {  	_ = 	snop  }
0x4: {  	_ = 	snop  }
0x5: {  	_ = 	snop  }
0x6: {  	_ = 	snop  }
0x7: {  	_ = 	snop  }
__scs_overlays_trampoline_lowered:
0x8: {  	[smem:$0x3FA8] =	sst s0  }
0x9: {  	[smem:$0x3FA9] =	sst s1  }
0xa: {  	[smem:$0x3FAA] =	sst s2  }
0xb: {  	[smem:$0x3FAB] =	sst s3  }
0xc: {  	[smem:$0x3FAC] =	sst s4  }
0xd: {  	[smem:$0x3FAD] =	sst s5  }
0xe: {  	[smem:$0x3FAE] =	sst s6  }
0xf: {  	[smem:$0x3FAF] =	sst s7  }
0x10: {  	[smem:$0x3FB0] =	sst s8  }
0x11: {  	[smem:$0x3FB1] =	sst s9;
	s0 =	simm.s32 @!p0 $0x0  }
0x12: {  	s1 =	sld [smem:$0x3F97];
	s0 =	simm.s32 @p0 $0x1  }
0x13: {  	[smem:$0x3FB2] =	sst s0;
	s0 =	simm.s32 @!p1 $0x0  }
0x14: {  	s2 =	sld [smem:$0x3F96];
	s0 =	simm.s32 @p1 $0x1  }
0x15: {  	[smem:$0x3FB3] =	sst s0;
	s0 =	simm.s32 @!p2 $0x0  }
0x16: {  	s3 =	sld [smem:$0x3FDB];
	s0 =	simm.s32 @p2 $0x1  }
0x17: {  	s4 =	simm.s32 $0x1BF5;
	[smem:$0x3FB5] =	sst s0  }
0x18: {  	s0 =	sld [smem:$0x3F98];
	_ =	swait.ge [sflag:s4], $0x0  }
0x19: {  	s7 =	sld [smem:$0x3F99]  }
0x1a: {  	s8 =	sadd.s32 $0xFFFFE003, lr  }
0x1b: {  	s9 =	sadd.s32 $0xFFFFFEF7, lr;
	s5 =	simm.s32 $0xFFFFFFFF;
	p2 =	slt.u32 s8, $0xFFFFF086  }
0x1c: {  	p1 =	slt.u32 s9, $0xF7A;
	s5 =	simm.s32 @!p2 $0x0  }
0x1d: {  	s5 =	simm.s32 @p1 $0x1;
	p0 =	seq.s32 s7, s2  }
0x1e: {  	s7 =	smul.u32 @!p0 $0xF7A, s2;
	p2 =	seq.s32 @!p0 s5, $0x0  }
0x1f: {  	s9 =	smul.u32 $0xF7A, s1;
	s8 =	simm.s32 @!p0 $0x1BF5;
	p2 =	por !p2, p0  }
0x20: {  	[sflag:s8] =	ssyncset.s32 @!p0 $0xFFFFF086;
	s6 =	sadd.s32 @!p0 s3, s7;
	s7 =	simm.s32 @!p0 $0x108  }
0x21: {  	s3 =	sadd.s32 s3, s9;
	s6 =	sadd.s32 @!p0 $0x88, s6;
	s7 =	simm.s32 @p2 $0x1082  }
0x22: {  	[simem:s7], [sflag:s8] =	dma.local @!p0 [hbm:s6], $0xF7A  }
0x23: {  	s9 =	sor.u32 $0xD0000000, s2;
	s6 =	simm.s32 $0x108;
	_ =	swait.ge @!p0 [sflag:s8], $0x0  }
0x24: {  	s3 =	sadd.s32 $0x88, s3;
	s6 =	simm.s32 @!p1 $0x1082;
	[sflag:s4] =	ssyncset.s32 $0xFFFFF086  }
0x25: {  	[simem:s6], [sflag:s4] =	dma.local [hbm:s3], $0xF7A  }
0x26: {  	[smem:$0x3F99] =	sst s1;
	(tag) =	ssettag s2;
	_ =	strace s9  }
0x27: {  	s1 =	sld [smem:$0x3FA9]  }
0x28: {  	s2 =	sld [smem:$0x3FAA]  }
0x29: {  	s4 =	sld [smem:$0x3FAC]  }
0x2a: {  	p0 =	seq.s32 s5, $0x0;
	s5 =	sld [smem:$0x3FAD]  }
0x2b: {  	s6 =	sld [smem:$0x3FAE]  }
0x2c: {  	s7 =	sld [smem:$0x3FAF]  }
0x2d: {  	s3 =	simm.s32 $0x108;
	s8 =	sld [smem:$0x3FB0]  }
0x2e: {  	s3 =	simm.s32 @!p0 $0x1082;
	s9 =	sld [smem:$0x3FB1]  }
0x2f: {  	lr =	sadd.s32 s0, s3;
	s0 =	sld [smem:$0x3FA8]  }
0x30: {  	s3 =	sld [smem:$0x3FAB]  }
0x31: {  	[smem:$0x3FB4] =	sst s10  }
0x32: {  	s10 =	sld [smem:$0x3FB2];
	_ =	sdelay $0x3  }
0x33: {  	p0 =	seq.s32 s10, $0x1;
	s10 =	sld [smem:$0x3FB4];
	_ =	sdelay $0x3  }
0x34: {  	[smem:$0x3FB4] =	sst s10  }
0x35: {  	s10 =	sld [smem:$0x3FB3];
	_ =	sdelay $0x3  }
0x36: {  	p1 =	seq.s32 s10, $0x1;
	s10 =	sld [smem:$0x3FB4];
	_ =	sdelay $0x3  }
0x37: {  	[smem:$0x3FB4] =	sst s10  }
0x38: {  	s10 =	sld [smem:$0x3FB5]  }
0x39: {  	_ = 	snop;
	(pc) =	sbr.ind lr, $3  }
0x3a: {  	_ = 	snop  }
0x3b: {  	_ = 	snop  }
0x3c: {  	p2 =	seq.s32 s10, $0x1;
	s10 =	sld [smem:$0x3FB4]  }
0x3d: {  	_ =	shalt  }
0x3e: {  	_ =	shalt  }
0x3f: {  	_ =	shalt  }
0x40: {  	_ =	shalt  }
0x41: {  	_ =	shalt  }
0x42: {  	_ =	shalt  }
0x43: {  	_ =	shalt  }
0x44: {  	_ =	shalt  }
0x45: {  	_ =	shalt  }
0x46: {  	_ =	shalt  }
0x47: {  	_ =	shalt  }
0x48: {  	_ =	shalt  }
0x49: {  	_ =	shalt  }
0x4a: {  	_ =	shalt  }
0x4b: {  	_ =	shalt  }
0x4c: {  	_ =	shalt  }
0x4d: {  	_ =	shalt  }
0x4e: {  	_ =	shalt  }
0x4f: {  	_ =	shalt  }
0x50: {  	_ =	shalt  }
0x51: {  	_ =	shalt  }
0x52: {  	_ =	shalt  }
0x53: {  	_ =	shalt  }
0x54: {  	_ =	shalt  }
0x55: {  	_ =	shalt  }
0x56: {  	_ =	shalt  }
0x57: {  	_ =	shalt  }
0x58: {  	_ =	shalt  }
0x59: {  	_ =	shalt  }
0x5a: {  	_ =	shalt  }
0x5b: {  	_ =	shalt  }
0x5c: {  	_ =	shalt  }
0x5d: {  	_ =	shalt  }
0x5e: {  	_ =	shalt  }
0x5f: {  	_ =	shalt  }
0x60: {  	_ =	shalt  }
0x61: {  	_ =	shalt  }
0x62: {  	_ =	shalt  }
0x63: {  	_ =	shalt  }
0x64: {  	_ =	shalt  }
0x65: {  	_ =	shalt  }
0x66: {  	_ =	shalt  }
0x67: {  	_ =	shalt  }
0x68: {  	_ =	shalt  }
0x69: {  	_ =	shalt  }
0x6a: {  	_ =	shalt  }
0x6b: {  	_ =	shalt  }
0x6c: {  	_ =	shalt  }
0x6d: {  	_ =	shalt  }
0x6e: {  	_ =	shalt  }
0x6f: {  	_ =	shalt  }
0x70: {  	_ =	shalt  }
0x71: {  	_ =	shalt  }
0x72: {  	_ =	shalt  }
0x73: {  	_ =	shalt  }
0x74: {  	_ =	shalt  }
0x75: {  	_ =	shalt  }
0x76: {  	_ =	shalt  }
0x77: {  	_ =	shalt  }
0x78: {  	_ =	shalt  }
0x79: {  	_ =	shalt  }
0x7a: {  	_ =	shalt  }
0x7b: {  	_ =	shalt  }
0x7c: {  	_ =	shalt  }
0x7d: {  	_ =	shalt  }
0x7e: {  	_ =	shalt  }
0x7f: {  	_ =	shalt  }
0x80: {  	_ =	shalt  }
0x81: {  	_ =	shalt  }
0x82: {  	_ =	shalt  }
0x83: {  	_ =	shalt  }
0x84: {  	_ =	shalt  }
0x85: {  	_ =	shalt  }
0x86: {  	_ =	shalt  }
0x87: {  	_ =	shalt  }
.Lfunc_end0:
.L_simem_size_0:
called_computation_lowered:
.L_overlay_start_0:
0x88: {  	s2 =	sld [smem:$0x3FD9]  }
0x89: {  	s3 =	sld [smem:$0x3FFE];
	_ =	sdelay $0x1  }
0x8a: {  	s1 =	srdreg.scid  }
0x8b: {  	s0 =	sand.u32 $0x1, s1  }
0x8c: {  	s17 =	sshll.u32 s0, $0xA;
	s2 =	sadd.s32 s3, s2  }
0x8d: {  	s2 =	sadd.s32 s2, s17  }
0x8e: {  	[smem:$0x3FC0] =	sst s2  }
0x8f: {  	_ = 	snop  }
0x90: {  	s2 =	sld [smem:$0x3FD0];
	(tm) =	ssettm $0x1  }
0x91: {  	s18 =	sld [smem:$0x3FFB];
	_ =	sdelay $0x3  }
0x92: {  	_ =	strace s18  }
0x93: {  	s3 =	sld [smem:$0x3FFC];
	_ =	sdelay $0x3  }
0x94: {  	_ =	strace s3  }
0x95: {  	s3 =	sld [smem:$0x3FFD];
	_ =	sdelay $0x3  }
0x96: {  	_ =	strace s3  }
0x97: {  	_ =	strace $0x8FFFFFFF  }
0x98: {  	s19 =	sld [smem:$0x3FDB];
	_ =	sdelay $0x1  }
0x99: {  	s4 =	simm.s32 $_scs_section_size  }
0x9a: {  	s5 =	simm.s32 $_size__tile_overlayer_lowered;
	s6 =	simm.s32 $_tile_overlayer_lowered  }
0x9b: {  	s22 =	simm.s32 $0x1BFF;
	s21 =	sshll.u32 s6, $0x1;
	s3 =	sadd.s32 s4, s19  }
0x9c: {  	s7 =	simm.s32 $0x0;
	s20 =	sshll.u32 s5, $0x1;
	s5 =	sadd.s32 s21, s3  }
0x9d: {  	[timem:s7], [sflag:s22] =	dma.local [hbm:s5], s20  }
0x9e: {  	_ =	swait.ge [sflag:s22], s20  }
0x9f: {  	s4 =	ssub.s32 $0x0, s20;
	[sflag:s22] =	ssyncset.done $0x0  }
0xa0: {  	[sflag:s22] =	ssyncadd.s32 s4;
	_ =	sdelay $0x1  }
0xa1: {  	s23 =	simm.s32 $0x1B8B  }
0xa2: {  	_ =	swait.ge [sflag:s23], $0x1  }
0xa3: {  	[sflag:s23] =	ssyncset.done $0x0  }
0xa4: {  	s25 =	simm.s32 $0x1B8E;
	s24 =	sld [smem:$0x3FFE];
	[sflag:s23] =	ssyncadd.s32 $0xFFFFFFFF  }
0xa5: {  	s26 =	simm.s32 $execute0_lowered;
	[smem:$0x3FD2] =	sst s25  }
0xa6: {  	s5 =	sshll.u32 s26, $0x1;
	_ =	strace $0x80000046;
	[dreg:$0x1] =	wrdreg $0xFFFFFFFF  }
0xa7: {  	s28 =	simm.s32 $_size_execute0_lowered;
	s3 =	sadd.s32 s3, s5;
	[dreg:$0x0] =	wrdreg $0x0  }
0xa8: {  	s5 =	sshll.u32 s28, $0x1;
	[dreg:$0x2] =	wrdreg s3  }
0xa9: {  	[dreg:$0x3] =	wrdreg s5  }
0xaa: {  	[dreg:$0x4] =	wrdreg $0xC0  }
0xab: {  	_ =	task [dreg:s7], $0x5FFFF  }
0xac: {  	[dreg:$0x1] =	wrdreg $0xFFFFFFFF  }
0xad: {  	[dreg:$0x0] =	wrdreg $0x60  }
0xae: {  	[dreg:$0x2] =	wrdreg s24  }
0xaf: {  	[dreg:$0x3] =	wrdreg s2  }
0xb0: {  	[dreg:$0x4] =	wrdreg $0xB6000  }
0xb1: {  	[dreg:$0x5] =	wrdreg $0x9  }
0xb2: {  	_ =	task.clear_ibuf [dreg:s7], $0x6FFFF;
	_ =	strace $0x90000046  }
0xb3: {  	s29 =	simm.s32 $0x9;
	_ =	strace $0x80000048  }
0xb4: {  	_ =	swait.ge [sflag:s29], $0x1  }
0xb5: {  	[sflag:s29] =	ssyncadd.s32 $0xFFFFFFFF  }
0xb6: {  	_ =	strace $0x90000048  }
0xb7: {  	_ =	sfence  }
0xb8: {  	s30 =	sld [smem:$0x0];
	_ =	sdelay $0x2  }
0xb9: {  	s31 =	sshll.u32 s1, $0xD;
	s1 =	sshrl.u32 s1, $0x2  }
0xba: {  	s3 =	sand.u32 $0x4000, s31;
	s1 =	sadd.s32 s1, s30  }
0xbb: {  	s0 =	sor.u32 s3, s0;
	s1 =	sshll.u32 s1, $0x11  }
0xbc: {  	s0 =	sor.u32 s1, s0  }
0xbd: {  	s0 =	sadd.s32 $0x8F2B, s0  }
0xbe: {  	[sflag:s0] =	ssyncadd.remote.s32 $0x1  }
0xbf: {  	_ =	sfence.sel $0xFFFF  }
0xc0: {  	[dreg:$0x0] =	wrdreg $0xFFFFFFFF;
	(pc) =	sbr.abs _section_cstart, $3  }
0xc1: {  	[dreg:$0x1] =	wrdreg $0xFFFFFFFF  }
0xc2: {  	_ =	task.clear_ibuf [dreg:s7], $0x2FFFF;
	_ =	strace $0x9FFFFFFF  }
0xc3: {  	(tm) =	ssettm $0x7FFFFFFF  }
tec
execute0_lowered:
.L_overlay_start_1:
0x0: {  	(tag) =	ssettag $0x1  }
0x1: {  	s0 =	rddreg [dreg:$0x0]  }
0x2: {  	s1 =	rddreg [dreg:$0x1]  }
0x3: {  	s2 =	rddreg [dreg:$0x2];
	s3 =	simm.s32 $0x0;
	s6 =	srdreg.scid  }
0x4: {  	s28 =	simm.s32 $0x180;
	s29 =	simm.s32 $0x2980;
	s30 =	simm.s32 $0x1  }
0x5: {  	s31 =	simm.s32 $0x2;
	[smem:$0x7FF] =	sst s3;
	s4 =	sadd.s32 $0xAE00, s0  }
0x6: {  	s5 =	sadd.s32 $0x1000, s0;
	s7 =	sadd.s32 $0x14C00, s0;
	s8 =	sadd.s32 $0x1EA00, s0  }
0x7: {  	s9 =	sadd.s32 $0xE00, s0;
	s10 =	sadd.s32 $0x45C00, s0;
	s3 =	stileid.u32  }
0x8: {  	s0 =	sadd.s32 $0x46A00, s0;
	s6 =	sand.u32 $0x1, s6;
	s12 =	smul.u32 $0x64000, s3  }
0x9: {  	s13 =	ssub.s32 $0x2, s6;
	s26 =	sshll.u32 s6, $0x4;
	s6 =	smul.u32 $0x138800, s6  }
0xa: {  	s11 =	sshll.u32 s3, $0x2;
	s23 =	sshllo.u32 s3, $0x2;
	s20 =	smul.u32 $0x19000, s3  }
0xb: {  	_ =	strace $0x80000047;
	s16 =	sor.u32 $0x1, s11;
	s18 =	smul.u32 $0x19000, s23  }
0xc: {  	p0 =	sgt.u32 s3, $0xC;
	s21 =	sor.u32 $0x2, s11;
	s14 =	smul.u32 $0x19000, s16  }
0xd: {  	s17 =	sshrl.u32 s13, $0x1;
	s11 =	sor.u32 s3, s26;
	s15 =	smul.u32 $0x19000, s21  }
0xe: {  	p2 =	sgt.u32 s23, $0x31;
	s19 =	ssub.s32 s13, s17;
	s11 =	smul.u32 $0x2710, s11  }
0xf: {  	s12 =	sshrl.u32 s12, $0x2;
	s24 =	smul.u32 $0x6400, s21;
	p1 =	sgt.u32 s21, $0x31  }
0x10: {  	s12 =	sadd.s32 s12, s2;
	s22 =	sshrl.u32 s18, $0x2;
	s19 =	smax.u32 s19, $0x1  }
0x11: {  	s14 =	sshrl.u32 s14, $0x2;
	s17 =	sshrl.u32 s15, $0x2;
	s15 =	sadd.s32 s22, s2  }
0x12: {  	s18 =	sadd.s32 s6, s24;
	s22 =	smul.u32 $0x6400, s16;
	s13 =	sadd.s32 s14, s2  }
0x13: {  	s14 =	sadd.s32 s17, s2;
	s17 =	sadd.s32 s20, s6;
	s20 =	smul.u32 $0x6400, s23  }
0x14: {  	s24 =	simm.s32 $0x80;
	s25 =	sshrl.u32 s18, $0x3;
	s17 =	sshrl.u32 s17, $0x3  }
0x15: {  	s16 =	sadd.s32 s0, s17;
	s26 =	sadd.s32 s6, s20;
	s17 =	sadd.s32 s0, s25  }
0x16: {  	s6 =	sadd.s32 s6, s22;
	s22 =	simm.s32 $0x3;
	s25 =	simm.s32 $0x100  }
0x17: {  	s18 =	sshrl.u32 s26, $0x3;
	s6 =	sshrl.u32 s6, $0x3;
	s26 =	simm.s32 $0x50  }
0x18: {  	s18 =	sadd.s32 s0, s18;
	s20 =	sadd.s32 s0, s6;
	s0 =	simm.s32 $0x0  }
.LBB2_1:
0x19: {  	s3 =	simm.s32 $0x0;
	s6 =	simm.s32 $0x5180  }
0x1a: {  	[tilespmem:s6], [sflag:$0x3] =	stream.linear.gather [hbm4b:s9+s3], $0x80, $0x38;
	[tilespmem:$0x1EE80] =	vst v63  }
0x1b: {  	_ =	swait.ge [sflag:s22], $0x80  }
0x1c: {  	[sflag:s22] =	ssyncset.done $0x0  }
0x1d: {  	s23 =	simm.s32 $0x5200;
	[sflag:s22] =	ssyncadd.s32 $0xFFFFFF80  }
0x1e: {  	[tilespmem:s23], [sflag:$0x3] =	stream.linear.gather [hbm4b:s10+s3], $0x6400, $0x38;
	[tilespmem:$0x1EE80] =	vst v63  }
0x1f: {  	_ =	swait.ge [sflag:s22], $0x6400  }
0x20: {  	[sflag:s22] =	ssyncset.done $0x0  }
0x21: {  	s21 =	simm.s32 @!p0 $0x3;
	s6 =	simm.s32 @!p0 $0x5200;
	[sflag:s22] =	ssyncadd.s32 $0xFFFF9C00  }
0x22: {  	[spmem:s12] =	stream.linear.scatter @!p0 [tilespmem:s6], [sflag:$0x3], $0x6400, $0x38;
	[tilespmem:$0x1EE80] =	vst v63  }
0x23: {  	_ =	swait.ge @!p0 [sflag:s21], $0x6400  }
0x24: {  	[sflag:s21] =	ssyncset.done @!p0 $0x0  }
0x25: {  	[sflag:s21] =	ssyncadd.s32 @!p0 $0xFFFF9C00  }
0x26: {  	[spmem:s13] =	stream.linear.scatter @!p0 [tilespmem:s6], [sflag:$0x3], $0x6400, $0x38;
	[tilespmem:$0x1EE80] =	vst v63  }
0x27: {  	_ =	swait.ge @!p0 [sflag:s21], $0x6400  }
0x28: {  	[sflag:s21] =	ssyncset.done @!p0 $0x0  }
0x29: {  	s6 =	simm.s32 @!p1 $0x5200;
	[sflag:s21] =	ssyncadd.s32 @!p0 $0xFFFF9C00  }
0x2a: {  	[spmem:s14] =	stream.linear.scatter @!p1 [tilespmem:s6], [sflag:$0x3], $0x6400, $0x38;
	[tilespmem:$0x1EE80] =	vst v63  }
0x2b: {  	s6 =	simm.s32 @!p1 $0x3  }
0x2c: {  	_ =	swait.ge @!p1 [sflag:s6], $0x6400  }
0x2d: {  	[sflag:s6] =	ssyncset.done @!p1 $0x0  }
0x2e: {  	[sflag:s6] =	ssyncadd.s32 @!p1 $0xFFFF9C00;
	s6 =	simm.s32 @!p2 $0x5200  }
0x2f: {  	[spmem:s15] =	stream.linear.scatter @!p2 [tilespmem:s6], [sflag:$0x3], $0x6400, $0x38;
	[tilespmem:$0x1EE80] =	vst v63  }
0x30: {  	s6 =	simm.s32 @!p2 $0x3  }
0x31: {  	_ =	swait.ge @!p2 [sflag:s6], $0x6400  }
0x32: {  	[sflag:s6] =	ssyncset.done @!p2 $0x0  }
0x33: {  	[sflag:s6] =	ssyncadd.s32 @!p2 $0xFFFF9C00  }
0x34: {  	s6 =	simm.s32 $0x0;
	[bflag:$0x0] =	sbarrier.arrive $0xFFFF  }
.LBB2_2:
0x35: {  	s21 =	smul.u32 $0x50, s6;
	_ =	sdelay $0x1  }
0x36: {  	s21 =	sadd.s32 s11, s21  }
0x37: {  	s23 =	sshrl.u32 s21, $0x3  }
0x38: {  	s21 =	simm.s32 $0x0;
	s3 =	sadd.s32 s4, s23  }
0x39: {  	[tilespmem:s21], [sflag:$0x3] =	stream.linear.gather [hbm4b:s3+s21], $0x50, $0x38;
	[tilespmem:$0x1EE80] =	vst v63  }
0x3a: {  	_ =	swait.ge [sflag:s22], $0x50  }
0x3b: {  	[sflag:s22] =	ssyncset.done $0x0  }
0x3c: {  	s3 =	sadd.s32 s5, s23;
	[sflag:s22] =	ssyncadd.s32 $0xFFFFFFB0  }
0x3d: {  	[tilespmem:s24], [sflag:$0x3] =	stream.linear.gather [hbm4b:s3+s21], $0x50, $0x38;
	[tilespmem:$0x1EE80] =	vst v63  }
0x3e: {  	_ =	swait.ge [sflag:s22], $0x50  }
0x3f: {  	[sflag:s22] =	ssyncset.done $0x0  }
0x40: {  	s23 =	sadd.s32 s7, s23;
	[sflag:s22] =	ssyncadd.s32 $0xFFFFFFB0  }
0x41: {  	[tilespmem:s25], [sflag:$0x3] =	stream.linear.gather [hbm4b:s23+s21], $0x50, $0x38;
	[tilespmem:$0x1EE80] =	vst v63  }
0x42: {  	_ =	swait.ge [sflag:s22], $0x50  }
0x43: {  	[sflag:s22] =	ssyncset.done $0x0  }
0x44: {  	[sflag:s22] =	ssyncadd.s32 $0xFFFFFFB0  }
0x45: {  	[tilespmem:s28], [sflag:$0x1] =	stream.indirect.gather [hbm4b:s1+s26], $0x80, s21, s26, $0xb8;
	[tilespmem:$0x1EE80] =	vst v63  }
0x46: {  	_ = 	snop  }
0x47: {  	[tilespmem:s29], [sflag:$0x2] =	stream.indirect.gather [hbm4b:s8+s26], $0x80, s24, s26, $0xb8;
	[tilespmem:$0x1EE80] =	vst v63  }
0x48: {  	_ =	swait.ge [sflag:s30], $0x2800  }
0x49: {  	[sflag:s30] =	ssyncset.done $0x0  }
0x4a: {  	[sflag:s30] =	ssyncadd.s32 $0xFFFFD800  }
0x4b: {  	_ =	swait.ge [sflag:s31], $0x2800  }
0x4c: {  	[sflag:s31] =	ssyncset.done $0x0  }
0x4d: {  	[sflag:s31] =	ssyncadd.s32 $0xFFFFD800  }
.LBB2_3:
0x4e: {  	s3 =	sshll.u32 s21, $0x4  }
0x4f: {  	v3 =	vld [tilespmem:$0x5180];
	s3 =	sand.u32 $0x3FFFFFF0, s3  }
0x50: {  	s23 =	sshll.u32 s21, $0xB;
	v0 =	vld [tilespmem:s3+$0x100]  }
0x51: {  	v1 =	vld [tilespmem:s23+$0x180]  }
0x52: {  	v2 =	vld [tilespmem:s23+$0x2980];
	_ =	sdelay $0x2  }
0x53: {  	v4 =	vbroadcast v0, $0x0;
	_ =	sdelay $0x1  }
0x54: {  	v1 =	vadd.f32 v2, v1;
	v8 =	vmul.f32 v3, v4;
	_ =	sdelay $0x1  }
0x55: {  	v1 =	vadd.f32 v8, v1;
	_ =	sdelay $0x1  }
0x56: {  	v9 =	vld [tilespmem:s23+$0x190];
	v1 =	vmax.f32 v1, $0.0e+00  }
0x57: {  	v10 =	vld [tilespmem:s23+$0x2990];
	[tilespmem:s23+$0x180] =	vst v1  }
0x58: {  	v11 =	vld [tilespmem:$0x5190];
	_ =	sdelay $0x4  }
0x59: {  	v1 =	vadd.f32 v10, v9;
	v12 =	vmul.f32 v11, v4;
	_ =	sdelay $0x1  }
0x5a: {  	v1 =	vadd.f32 v12, v1;
	_ =	sdelay $0x1  }
0x5b: {  	v13 =	vld [tilespmem:s23+$0x1A0];
	v1 =	vmax.f32 v1, $0.0e+00  }
0x5c: {  	v14 =	vld [tilespmem:s23+$0x29A0];
	[tilespmem:s23+$0x190] =	vst v1  }
0x5d: {  	v15 =	vld [tilespmem:$0x51A0];
	_ =	sdelay $0x4  }
0x5e: {  	v1 =	vadd.f32 v14, v13;
	v16 =	vmul.f32 v15, v4;
	_ =	sdelay $0x1  }
0x5f: {  	v1 =	vadd.f32 v16, v1;
	_ =	sdelay $0x1  }
0x60: {  	v1 =	vmax.f32 v1, $0.0e+00  }
0x61: {  	[tilespmem:s23+$0x1A0] =	vst v1  }
0x62: {  	v1 =	vld [tilespmem:s23+$0x1B0]  }
0x63: {  	v17 =	vld [tilespmem:s23+$0x29B0]  }
0x64: {  	v18 =	vld [tilespmem:$0x51B0];
	_ =	sdelay $0x4  }
0x65: {  	v1 =	vadd.f32 v17, v1;
	v19 =	vmul.f32 v18, v4;
	_ =	sdelay $0x1  }
0x66: {  	v1 =	vadd.f32 v19, v1;
	_ =	sdelay $0x1  }
0x67: {  	v20 =	vld [tilespmem:s23+$0x1C0];
	v1 =	vmax.f32 v1, $0.0e+00  }
0x68: {  	v21 =	vld [tilespmem:s23+$0x29C0];
	[tilespmem:s23+$0x1B0] =	vst v1  }
0x69: {  	v22 =	vld [tilespmem:$0x51C0];
	_ =	sdelay $0x4  }
0x6a: {  	v1 =	vadd.f32 v21, v20;
	v23 =	vmul.f32 v22, v4;
	_ =	sdelay $0x1  }
0x6b: {  	v1 =	vadd.f32 v23, v1;
	_ =	sdelay $0x1  }
0x6c: {  	v24 =	vld [tilespmem:s23+$0x1D0];
	v1 =	vmax.f32 v1, $0.0e+00  }
0x6d: {  	v25 =	vld [tilespmem:s23+$0x29D0];
	[tilespmem:s23+$0x1C0] =	vst v1  }
0x6e: {  	v26 =	vld [tilespmem:$0x51D0];
	_ =	sdelay $0x4  }
0x6f: {  	v1 =	vadd.f32 v25, v24;
	v27 =	vmul.f32 v26, v4;
	_ =	sdelay $0x1  }
0x70: {  	v1 =	vadd.f32 v27, v1;
	_ =	sdelay $0x1  }
0x71: {  	v28 =	vld [tilespmem:s23+$0x1E0];
	v1 =	vmax.f32 v1, $0.0e+00  }
0x72: {  	v29 =	vld [tilespmem:s23+$0x29E0];
	[tilespmem:s23+$0x1D0] =	vst v1  }
0x73: {  	v30 =	vld [tilespmem:$0x51E0];
	_ =	sdelay $0x4  }
0x74: {  	v1 =	vadd.f32 v29, v28;
	v31 =	vmul.f32 v30, v4;
	_ =	sdelay $0x1  }
0x75: {  	v1 =	vadd.f32 v31, v1;
	_ =	sdelay $0x1  }
0x76: {  	v32 =	vld [tilespmem:s23+$0x1F0];
	v1 =	vmax.f32 v1, $0.0e+00  }
0x77: {  	v33 =	vld [tilespmem:s23+$0x29F0];
	[tilespmem:s23+$0x1E0] =	vst v1  }
0x78: {  	v34 =	vld [tilespmem:$0x51F0];
	_ =	sdelay $0x4  }
0x79: {  	v1 =	vadd.f32 v33, v32;
	v35 =	vmul.f32 v34, v4;
	_ =	sdelay $0x1  }
0x7a: {  	v1 =	vadd.f32 v35, v1;
	_ =	sdelay $0x1  }
0x7b: {  	v36 =	vld [tilespmem:s23+$0x200];
	v1 =	vmax.f32 v1, $0.0e+00  }
0x7c: {  	v37 =	vld [tilespmem:s23+$0x2A00];
	[tilespmem:s23+$0x1F0] =	vst v1  }
0x7d: {  	v38 =	vld [tilespmem:$0x5180];
	_ =	sdelay $0x2  }
0x7e: {  	v39 =	vbroadcast v0, $0x1;
	_ =	sdelay $0x1  }
0x7f: {  	v1 =	vadd.f32 v37, v36;
	v40 =	vmul.f32 v38, v39;
	_ =	sdelay $0x1  }
0x80: {  	v1 =	vadd.f32 v40, v1;
	_ =	sdelay $0x1  }
0x81: {  	v41 =	vld [tilespmem:s23+$0x210];
	v1 =	vmax.f32 v1, $0.0e+00  }
0x82: {  	v42 =	vld [tilespmem:s23+$0x2A10];
	[tilespmem:s23+$0x200] =	vst v1  }
0x83: {  	v43 =	vld [tilespmem:$0x5190];
	_ =	sdelay $0x4  }
0x84: {  	v1 =	vadd.f32 v42, v41;
	v44 =	vmul.f32 v43, v39;
	_ =	sdelay $0x1  }
0x85: {  	v1 =	vadd.f32 v44, v1;
	_ =	sdelay $0x1  }
0x86: {  	v45 =	vld [tilespmem:s23+$0x220];
	v1 =	vmax.f32 v1, $0.0e+00  }
0x87: {  	v46 =	vld [tilespmem:s23+$0x2A20];
	[tilespmem:s23+$0x210] =	vst v1  }
0x88: {  	v47 =	vld [tilespmem:$0x51A0];
	_ =	sdelay $0x4  }
0x89: {  	v1 =	vadd.f32 v46, v45;
	v48 =	vmul.f32 v47, v39;
	_ =	sdelay $0x1  }
0x8a: {  	v1 =	vadd.f32 v48, v1;
	_ =	sdelay $0x1  }
0x8b: {  	v49 =	vld [tilespmem:s23+$0x230];
	v1 =	vmax.f32 v1, $0.0e+00  }
0x8c: {  	v50 =	vld [tilespmem:s23+$0x2A30];
	[tilespmem:s23+$0x220] =	vst v1  }
0x8d: {  	v51 =	vld [tilespmem:$0x51B0];
	_ =	sdelay $0x4  }
0x8e: {  	v1 =	vadd.f32 v50, v49;
	v52 =	vmul.f32 v51, v39;
	_ =	sdelay $0x1  }
0x8f: {  	v1 =	vadd.f32 v52, v1;
	_ =	sdelay $0x1  }
0x90: {  	v53 =	vld [tilespmem:s23+$0x240];
	v1 =	vmax.f32 v1, $0.0e+00  }
0x91: {  	v54 =	vld [tilespmem:s23+$0x2A40];
	[tilespmem:s23+$0x230] =	vst v1  }
0x92: {  	v55 =	vld [tilespmem:$0x51C0];
	_ =	sdelay $0x4  }
0x93: {  	v1 =	vadd.f32 v54, v53;
	v56 =	vmul.f32 v55, v39;
	_ =	sdelay $0x1  }
0x94: {  	v1 =	vadd.f32 v56, v1;
	_ =	sdelay $0x1  }
0x95: {  	v57 =	vld [tilespmem:s23+$0x250];
	v1 =	vmax.f32 v1, $0.0e+00  }
0x96: {  	v58 =	vld [tilespmem:s23+$0x2A50];
	[tilespmem:s23+$0x240] =	vst v1  }
0x97: {  	v59 =	vld [tilespmem:$0x51D0];
	_ =	sdelay $0x4  }
0x98: {  	v1 =	vadd.f32 v58, v57;
	v60 =	vmul.f32 v59, v39;
	_ =	sdelay $0x1  }
0x99: {  	v1 =	vadd.f32 v60, v1;
	_ =	sdelay $0x1  }
0x9a: {  	v61 =	vld [tilespmem:s23+$0x260];
	v1 =	vmax.f32 v1, $0.0e+00  }
0x9b: {  	v62 =	vld [tilespmem:s23+$0x2A60];
	[tilespmem:s23+$0x250] =	vst v1  }
0x9c: {  	v63 =	vld [tilespmem:$0x51E0];
	_ =	sdelay $0x4  }
0x9d: {  	v1 =	vadd.f32 v62, v61;
	v6 =	vmul.f32 v63, v39;
	_ =	sdelay $0x1  }
0x9e: {  	v1 =	vadd.f32 v6, v1;
	_ =	sdelay $0x1  }
0x9f: {  	v7 =	vld [tilespmem:s23+$0x270];
	v1 =	vmax.f32 v1, $0.0e+00  }
0xa0: {  	v8 =	vld [tilespmem:s23+$0x2A70];
	[tilespmem:s23+$0x260] =	vst v1  }
0xa1: {  	v9 =	vld [tilespmem:$0x51F0];
	_ =	sdelay $0x4  }
0xa2: {  	v1 =	vadd.f32 v8, v7;
	v10 =	vmul.f32 v9, v39;
	_ =	sdelay $0x1  }
0xa3: {  	v1 =	vadd.f32 v10, v1;
	_ =	sdelay $0x1  }
0xa4: {  	v11 =	vld [tilespmem:s23+$0x280];
	v1 =	vmax.f32 v1, $0.0e+00  }
0xa5: {  	v12 =	vld [tilespmem:s23+$0x2A80];
	[tilespmem:s23+$0x270] =	vst v1  }
0xa6: {  	v13 =	vld [tilespmem:$0x5180];
	_ =	sdelay $0x2  }
0xa7: {  	v14 =	vbroadcast v0, $0x2;
	_ =	sdelay $0x1  }
0xa8: {  	v1 =	vadd.f32 v12, v11;
	v15 =	vmul.f32 v13, v14;
	_ =	sdelay $0x1  }
0xa9: {  	v1 =	vadd.f32 v15, v1;
	_ =	sdelay $0x1  }
0xaa: {  	v16 =	vld [tilespmem:s23+$0x290];
	v1 =	vmax.f32 v1, $0.0e+00  }
0xab: {  	v17 =	vld [tilespmem:s23+$0x2A90];
	[tilespmem:s23+$0x280] =	vst v1  }
0xac: {  	v18 =	vld [tilespmem:$0x5190];
	_ =	sdelay $0x4  }
0xad: {  	v1 =	vadd.f32 v17, v16;
	v19 =	vmul.f32 v18, v14;
	_ =	sdelay $0x1  }
0xae: {  	v1 =	vadd.f32 v19, v1;
	_ =	sdelay $0x1  }
0xaf: {  	v20 =	vld [tilespmem:s23+$0x2A0];
	v1 =	vmax.f32 v1, $0.0e+00  }
0xb0: {  	v21 =	vld [tilespmem:s23+$0x2AA0];
	[tilespmem:s23+$0x290] =	vst v1  }
0xb1: {  	v22 =	vld [tilespmem:$0x51A0];
	_ =	sdelay $0x4  }
0xb2: {  	v1 =	vadd.f32 v21, v20;
	v23 =	vmul.f32 v22, v14;
	_ =	sdelay $0x1  }
0xb3: {  	v1 =	vadd.f32 v23, v1;
	_ =	sdelay $0x1  }
0xb4: {  	v24 =	vld [tilespmem:s23+$0x2B0];
	v1 =	vmax.f32 v1, $0.0e+00  }
0xb5: {  	v25 =	vld [tilespmem:s23+$0x2AB0];
	[tilespmem:s23+$0x2A0] =	vst v1  }
0xb6: {  	v26 =	vld [tilespmem:$0x51B0];
	_ =	sdelay $0x4  }
0xb7: {  	v1 =	vadd.f32 v25, v24;
	v27 =	vmul.f32 v26, v14;
	_ =	sdelay $0x1  }
0xb8: {  	v1 =	vadd.f32 v27, v1;
	_ =	sdelay $0x1  }
0xb9: {  	v28 =	vld [tilespmem:s23+$0x2C0];
	v1 =	vmax.f32 v1, $0.0e+00  }
0xba: {  	v29 =	vld [tilespmem:s23+$0x2AC0];
	[tilespmem:s23+$0x2B0] =	vst v1  }
0xbb: {  	v30 =	vld [tilespmem:$0x51C0];
	_ =	sdelay $0x4  }
0xbc: {  	v1 =	vadd.f32 v29, v28;
	v31 =	vmul.f32 v30, v14;
	_ =	sdelay $0x1  }
0xbd: {  	v1 =	vadd.f32 v31, v1;
	_ =	sdelay $0x1  }
0xbe: {  	v32 =	vld [tilespmem:s23+$0x2D0];
	v1 =	vmax.f32 v1, $0.0e+00  }
0xbf: {  	v33 =	vld [tilespmem:s23+$0x2AD0];
	[tilespmem:s23+$0x2C0] =	vst v1  }
0xc0: {  	v34 =	vld [tilespmem:$0x51D0];
	_ =	sdelay $0x4  }
0xc1: {  	v1 =	vadd.f32 v33, v32;
	v35 =	vmul.f32 v34, v14;
	_ =	sdelay $0x1  }
0xc2: {  	v1 =	vadd.f32 v35, v1;
	_ =	sdelay $0x1  }
0xc3: {  	v36 =	vld [tilespmem:s23+$0x2E0];
	v1 =	vmax.f32 v1, $0.0e+00  }
0xc4: {  	v37 =	vld [tilespmem:s23+$0x2AE0];
	[tilespmem:s23+$0x2D0] =	vst v1  }
0xc5: {  	v38 =	vld [tilespmem:$0x51E0];
	_ =	sdelay $0x4  }
0xc6: {  	v1 =	vadd.f32 v37, v36;
	v39 =	vmul.f32 v38, v14;
	_ =	sdelay $0x1  }
0xc7: {  	v1 =	vadd.f32 v39, v1;
	_ =	sdelay $0x1  }
0xc8: {  	v40 =	vld [tilespmem:s23+$0x2F0];
	v1 =	vmax.f32 v1, $0.0e+00  }
0xc9: {  	v41 =	vld [tilespmem:s23+$0x2AF0];
	[tilespmem:s23+$0x2E0] =	vst v1  }
0xca: {  	v42 =	vld [tilespmem:$0x51F0];
	_ =	sdelay $0x4  }
0xcb: {  	v1 =	vadd.f32 v41, v40;
	v43 =	vmul.f32 v42, v14;
	_ =	sdelay $0x1  }
0xcc: {  	v1 =	vadd.f32 v43, v1;
	_ =	sdelay $0x1  }
0xcd: {  	v44 =	vld [tilespmem:s23+$0x300];
	v1 =	vmax.f32 v1, $0.0e+00  }
0xce: {  	v45 =	vld [tilespmem:s23+$0x2B00];
	[tilespmem:s23+$0x2F0] =	vst v1  }
0xcf: {  	v46 =	vld [tilespmem:$0x5180];
	_ =	sdelay $0x2  }
0xd0: {  	v47 =	vbroadcast v0, $0x3;
	_ =	sdelay $0x1  }
0xd1: {  	v1 =	vadd.f32 v45, v44;
	v48 =	vmul.f32 v46, v47;
	_ =	sdelay $0x1  }
0xd2: {  	v1 =	vadd.f32 v48, v1;
	_ =	sdelay $0x1  }
0xd3: {  	v49 =	vld [tilespmem:s23+$0x310];
	v1 =	vmax.f32 v1, $0.0e+00  }
0xd4: {  	v50 =	vld [tilespmem:s23+$0x2B10];
	[tilespmem:s23+$0x300] =	vst v1  }
0xd5: {  	v51 =	vld [tilespmem:$0x5190];
	_ =	sdelay $0x4  }
0xd6: {  	v1 =	vadd.f32 v50, v49;
	v52 =	vmul.f32 v51, v47;
	_ =	sdelay $0x1  }
0xd7: {  	v1 =	vadd.f32 v52, v1;
	_ =	sdelay $0x1  }
0xd8: {  	v53 =	vld [tilespmem:s23+$0x320];
	v1 =	vmax.f32 v1, $0.0e+00  }
0xd9: {  	v54 =	vld [tilespmem:s23+$0x2B20];
	[tilespmem:s23+$0x310] =	vst v1  }
0xda: {  	v55 =	vld [tilespmem:$0x51A0];
	_ =	sdelay $0x4  }
0xdb: {  	v1 =	vadd.f32 v54, v53;
	v56 =	vmul.f32 v55, v47;
	_ =	sdelay $0x1  }
0xdc: {  	v1 =	vadd.f32 v56, v1;
	_ =	sdelay $0x1  }
0xdd: {  	v57 =	vld [tilespmem:s23+$0x330];
	v1 =	vmax.f32 v1, $0.0e+00  }
0xde: {  	v58 =	vld [tilespmem:s23+$0x2B30];
	[tilespmem:s23+$0x320] =	vst v1  }
0xdf: {  	v59 =	vld [tilespmem:$0x51B0];
	_ =	sdelay $0x4  }
0xe0: {  	v1 =	vadd.f32 v58, v57;
	v60 =	vmul.f32 v59, v47;
	_ =	sdelay $0x1  }
0xe1: {  	v1 =	vadd.f32 v60, v1;
	_ =	sdelay $0x1  }
0xe2: {  	v61 =	vld [tilespmem:s23+$0x340];
	v1 =	vmax.f32 v1, $0.0e+00  }
0xe3: {  	v62 =	vld [tilespmem:s23+$0x2B40];
	[tilespmem:s23+$0x330] =	vst v1  }
0xe4: {  	v63 =	vld [tilespmem:$0x51C0];
	_ =	sdelay $0x4  }
0xe5: {  	v1 =	vadd.f32 v62, v61;
	v6 =	vmul.f32 v63, v47;
	_ =	sdelay $0x1  }
0xe6: {  	v1 =	vadd.f32 v6, v1;
	_ =	sdelay $0x1  }
0xe7: {  	v7 =	vld [tilespmem:s23+$0x350];
	v1 =	vmax.f32 v1, $0.0e+00  }
0xe8: {  	v8 =	vld [tilespmem:s23+$0x2B50];
	[tilespmem:s23+$0x340] =	vst v1  }
0xe9: {  	v9 =	vld [tilespmem:$0x51D0];
	_ =	sdelay $0x4  }
0xea: {  	v1 =	vadd.f32 v8, v7;
	v10 =	vmul.f32 v9, v47;
	_ =	sdelay $0x1  }
0xeb: {  	v1 =	vadd.f32 v10, v1;
	_ =	sdelay $0x1  }
0xec: {  	v11 =	vld [tilespmem:s23+$0x360];
	v1 =	vmax.f32 v1, $0.0e+00  }
0xed: {  	v12 =	vld [tilespmem:s23+$0x2B60];
	[tilespmem:s23+$0x350] =	vst v1  }
0xee: {  	v13 =	vld [tilespmem:$0x51E0];
	_ =	sdelay $0x4  }
0xef: {  	v1 =	vadd.f32 v12, v11;
	v14 =	vmul.f32 v13, v47;
	_ =	sdelay $0x1  }
0xf0: {  	v1 =	vadd.f32 v14, v1;
	_ =	sdelay $0x1  }
0xf1: {  	v15 =	vld [tilespmem:s23+$0x370];
	v1 =	vmax.f32 v1, $0.0e+00  }
0xf2: {  	v16 =	vld [tilespmem:s23+$0x2B70];
	[tilespmem:s23+$0x360] =	vst v1  }
0xf3: {  	v17 =	vld [tilespmem:$0x51F0];
	_ =	sdelay $0x4  }
0xf4: {  	v1 =	vadd.f32 v16, v15;
	v18 =	vmul.f32 v17, v47;
	_ =	sdelay $0x1  }
0xf5: {  	v1 =	vadd.f32 v18, v1;
	_ =	sdelay $0x1  }
0xf6: {  	v19 =	vld [tilespmem:s23+$0x380];
	v1 =	vmax.f32 v1, $0.0e+00  }
0xf7: {  	v20 =	vld [tilespmem:s23+$0x2B80];
	[tilespmem:s23+$0x370] =	vst v1  }
0xf8: {  	v21 =	vld [tilespmem:$0x5180];
	_ =	sdelay $0x2  }
0xf9: {  	v22 =	vbroadcast v0, $0x4;
	_ =	sdelay $0x1  }
0xfa: {  	v1 =	vadd.f32 v20, v19;
	v23 =	vmul.f32 v21, v22;
	_ =	sdelay $0x1  }
0xfb: {  	v1 =	vadd.f32 v23, v1;
	_ =	sdelay $0x1  }
0xfc: {  	v24 =	vld [tilespmem:s23+$0x390];
	v1 =	vmax.f32 v1, $0.0e+00  }
0xfd: {  	v25 =	vld [tilespmem:s23+$0x2B90];
	[tilespmem:s23+$0x380] =	vst v1  }
0xfe: {  	v26 =	vld [tilespmem:$0x5190];
	_ =	sdelay $0x4  }
0xff: {  	v1 =	vadd.f32 v25, v24;
	v27 =	vmul.f32 v26, v22;
	_ =	sdelay $0x1  }
0x100: {  	v1 =	vadd.f32 v27, v1;
	_ =	sdelay $0x1  }
0x101: {  	v28 =	vld [tilespmem:s23+$0x3A0];
	v1 =	vmax.f32 v1, $0.0e+00  }
0x102: {  	v29 =	vld [tilespmem:s23+$0x2BA0];
	[tilespmem:s23+$0x390] =	vst v1  }
0x103: {  	v30 =	vld [tilespmem:$0x51A0];
	_ =	sdelay $0x4  }
0x104: {  	v1 =	vadd.f32 v29, v28;
	v31 =	vmul.f32 v30, v22;
	_ =	sdelay $0x1  }
0x105: {  	v1 =	vadd.f32 v31, v1;
	_ =	sdelay $0x1  }
0x106: {  	v32 =	vld [tilespmem:s23+$0x3B0];
	v1 =	vmax.f32 v1, $0.0e+00  }
0x107: {  	v33 =	vld [tilespmem:s23+$0x2BB0];
	[tilespmem:s23+$0x3A0] =	vst v1  }
0x108: {  	v34 =	vld [tilespmem:$0x51B0];
	_ =	sdelay $0x4  }
0x109: {  	v1 =	vadd.f32 v33, v32;
	v35 =	vmul.f32 v34, v22;
	_ =	sdelay $0x1  }
0x10a: {  	v1 =	vadd.f32 v35, v1;
	_ =	sdelay $0x1  }
0x10b: {  	v36 =	vld [tilespmem:s23+$0x3C0];
	v1 =	vmax.f32 v1, $0.0e+00  }
0x10c: {  	v37 =	vld [tilespmem:s23+$0x2BC0];
	[tilespmem:s23+$0x3B0] =	vst v1  }
0x10d: {  	v38 =	vld [tilespmem:$0x51C0];
	_ =	sdelay $0x4  }
0x10e: {  	v1 =	vadd.f32 v37, v36;
	v39 =	vmul.f32 v38, v22;
	_ =	sdelay $0x1  }
0x10f: {  	v1 =	vadd.f32 v39, v1;
	_ =	sdelay $0x1  }
0x110: {  	v40 =	vld [tilespmem:s23+$0x3D0];
	v1 =	vmax.f32 v1, $0.0e+00  }
0x111: {  	v41 =	vld [tilespmem:s23+$0x2BD0];
	[tilespmem:s23+$0x3C0] =	vst v1  }
0x112: {  	v42 =	vld [tilespmem:$0x51D0];
	_ =	sdelay $0x4  }
0x113: {  	v1 =	vadd.f32 v41, v40;
	v43 =	vmul.f32 v42, v22;
	_ =	sdelay $0x1  }
0x114: {  	v1 =	vadd.f32 v43, v1;
	_ =	sdelay $0x1  }
0x115: {  	v44 =	vld [tilespmem:s23+$0x3E0];
	v1 =	vmax.f32 v1, $0.0e+00  }
0x116: {  	v45 =	vld [tilespmem:s23+$0x2BE0];
	[tilespmem:s23+$0x3D0] =	vst v1  }
0x117: {  	v46 =	vld [tilespmem:$0x51E0];
	_ =	sdelay $0x4  }
0x118: {  	v1 =	vadd.f32 v45, v44;
	v47 =	vmul.f32 v46, v22;
	_ =	sdelay $0x1  }
0x119: {  	v1 =	vadd.f32 v47, v1;
	_ =	sdelay $0x1  }
0x11a: {  	v48 =	vld [tilespmem:s23+$0x3F0];
	v1 =	vmax.f32 v1, $0.0e+00  }
0x11b: {  	v49 =	vld [tilespmem:s23+$0x2BF0];
	[tilespmem:s23+$0x3E0] =	vst v1  }
0x11c: {  	v50 =	vld [tilespmem:$0x51F0];
	_ =	sdelay $0x4  }
0x11d: {  	v1 =	vadd.f32 v49, v48;
	v51 =	vmul.f32 v50, v22;
	_ =	sdelay $0x1  }
0x11e: {  	v1 =	vadd.f32 v51, v1;
	_ =	sdelay $0x1  }
0x11f: {  	v52 =	vld [tilespmem:s23+$0x400];
	v1 =	vmax.f32 v1, $0.0e+00  }
0x120: {  	v53 =	vld [tilespmem:s23+$0x2C00];
	[tilespmem:s23+$0x3F0] =	vst v1  }
0x121: {  	v54 =	vld [tilespmem:$0x5180];
	_ =	sdelay $0x2  }
0x122: {  	v55 =	vbroadcast v0, $0x5;
	_ =	sdelay $0x1  }
0x123: {  	v1 =	vadd.f32 v53, v52;
	v56 =	vmul.f32 v54, v55;
	_ =	sdelay $0x1  }
0x124: {  	v1 =	vadd.f32 v56, v1;
	_ =	sdelay $0x1  }
0x125: {  	v57 =	vld [tilespmem:s23+$0x410];
	v1 =	vmax.f32 v1, $0.0e+00  }
0x126: {  	v58 =	vld [tilespmem:s23+$0x2C10];
	[tilespmem:s23+$0x400] =	vst v1  }
0x127: {  	v59 =	vld [tilespmem:$0x5190];
	_ =	sdelay $0x4  }
0x128: {  	v1 =	vadd.f32 v58, v57;
	v60 =	vmul.f32 v59, v55;
	_ =	sdelay $0x1  }
0x129: {  	v1 =	vadd.f32 v60, v1;
	_ =	sdelay $0x1  }
0x12a: {  	v61 =	vld [tilespmem:s23+$0x420];
	v1 =	vmax.f32 v1, $0.0e+00  }
0x12b: {  	v62 =	vld [tilespmem:s23+$0x2C20];
	[tilespmem:s23+$0x410] =	vst v1  }
0x12c: {  	v63 =	vld [tilespmem:$0x51A0];
	_ =	sdelay $0x4  }
0x12d: {  	v1 =	vadd.f32 v62, v61;
	v6 =	vmul.f32 v63, v55;
	_ =	sdelay $0x1  }
0x12e: {  	v1 =	vadd.f32 v6, v1;
	_ =	sdelay $0x1  }
0x12f: {  	v7 =	vld [tilespmem:s23+$0x430];
	v1 =	vmax.f32 v1, $0.0e+00  }
0x130: {  	v8 =	vld [tilespmem:s23+$0x2C30];
	[tilespmem:s23+$0x420] =	vst v1  }
0x131: {  	v9 =	vld [tilespmem:$0x51B0];
	_ =	sdelay $0x4  }
0x132: {  	v1 =	vadd.f32 v8, v7;
	v10 =	vmul.f32 v9, v55;
	_ =	sdelay $0x1  }
0x133: {  	v1 =	vadd.f32 v10, v1;
	_ =	sdelay $0x1  }
0x134: {  	v11 =	vld [tilespmem:s23+$0x440];
	v1 =	vmax.f32 v1, $0.0e+00  }
0x135: {  	v12 =	vld [tilespmem:s23+$0x2C40];
	[tilespmem:s23+$0x430] =	vst v1  }
0x136: {  	v13 =	vld [tilespmem:$0x51C0];
	_ =	sdelay $0x4  }
0x137: {  	v1 =	vadd.f32 v12, v11;
	v14 =	vmul.f32 v13, v55;
	_ =	sdelay $0x1  }
0x138: {  	v1 =	vadd.f32 v14, v1;
	_ =	sdelay $0x1  }
0x139: {  	v15 =	vld [tilespmem:s23+$0x450];
	v1 =	vmax.f32 v1, $0.0e+00  }
0x13a: {  	v16 =	vld [tilespmem:s23+$0x2C50];
	[tilespmem:s23+$0x440] =	vst v1  }
0x13b: {  	v17 =	vld [tilespmem:$0x51D0];
	_ =	sdelay $0x4  }
0x13c: {  	v1 =	vadd.f32 v16, v15;
	v18 =	vmul.f32 v17, v55;
	_ =	sdelay $0x1  }
0x13d: {  	v1 =	vadd.f32 v18, v1;
	_ =	sdelay $0x1  }
0x13e: {  	v19 =	vld [tilespmem:s23+$0x460];
	v1 =	vmax.f32 v1, $0.0e+00  }
0x13f: {  	v20 =	vld [tilespmem:s23+$0x2C60];
	[tilespmem:s23+$0x450] =	vst v1  }
0x140: {  	v21 =	vld [tilespmem:$0x51E0];
	_ =	sdelay $0x4  }
0x141: {  	v1 =	vadd.f32 v20, v19;
	v22 =	vmul.f32 v21, v55;
	_ =	sdelay $0x1  }
0x142: {  	v1 =	vadd.f32 v22, v1;
	_ =	sdelay $0x1  }
0x143: {  	v23 =	vld [tilespmem:s23+$0x470];
	v1 =	vmax.f32 v1, $0.0e+00  }
0x144: {  	v24 =	vld [tilespmem:s23+$0x2C70];
	[tilespmem:s23+$0x460] =	vst v1  }
0x145: {  	v25 =	vld [tilespmem:$0x51F0];
	_ =	sdelay $0x4  }
0x146: {  	v1 =	vadd.f32 v24, v23;
	v26 =	vmul.f32 v25, v55;
	_ =	sdelay $0x1  }
0x147: {  	v1 =	vadd.f32 v26, v1;
	_ =	sdelay $0x1  }
0x148: {  	v27 =	vld [tilespmem:s23+$0x480];
	v1 =	vmax.f32 v1, $0.0e+00  }
0x149: {  	v28 =	vld [tilespmem:s23+$0x2C80];
	[tilespmem:s23+$0x470] =	vst v1  }
0x14a: {  	v29 =	vld [tilespmem:$0x5180];
	_ =	sdelay $0x2  }
0x14b: {  	v30 =	vbroadcast v0, $0x6;
	_ =	sdelay $0x1  }
0x14c: {  	v1 =	vadd.f32 v28, v27;
	v31 =	vmul.f32 v29, v30;
	_ =	sdelay $0x1  }
0x14d: {  	v1 =	vadd.f32 v31, v1;
	_ =	sdelay $0x1  }
0x14e: {  	v32 =	vld [tilespmem:s23+$0x490];
	v1 =	vmax.f32 v1, $0.0e+00  }
0x14f: {  	v33 =	vld [tilespmem:s23+$0x2C90];
	[tilespmem:s23+$0x480] =	vst v1  }
0x150: {  	v34 =	vld [tilespmem:$0x5190];
	_ =	sdelay $0x4  }
0x151: {  	v1 =	vadd.f32 v33, v32;
	v35 =	vmul.f32 v34, v30;
	_ =	sdelay $0x1  }
0x152: {  	v1 =	vadd.f32 v35, v1;
	_ =	sdelay $0x1  }
0x153: {  	v36 =	vld [tilespmem:s23+$0x4A0];
	v1 =	vmax.f32 v1, $0.0e+00  }
0x154: {  	v37 =	vld [tilespmem:s23+$0x2CA0];
	[tilespmem:s23+$0x490] =	vst v1  }
0x155: {  	v38 =	vld [tilespmem:$0x51A0];
	_ =	sdelay $0x4  }
0x156: {  	v1 =	vadd.f32 v37, v36;
	v39 =	vmul.f32 v38, v30;
	_ =	sdelay $0x1  }
0x157: {  	v1 =	vadd.f32 v39, v1;
	_ =	sdelay $0x1  }
0x158: {  	v40 =	vld [tilespmem:s23+$0x4B0];
	v1 =	vmax.f32 v1, $0.0e+00  }
0x159: {  	v41 =	vld [tilespmem:s23+$0x2CB0];
	[tilespmem:s23+$0x4A0] =	vst v1  }
0x15a: {  	v42 =	vld [tilespmem:$0x51B0];
	_ =	sdelay $0x4  }
0x15b: {  	v1 =	vadd.f32 v41, v40;
	v43 =	vmul.f32 v42, v30;
	_ =	sdelay $0x1  }
0x15c: {  	v1 =	vadd.f32 v43, v1;
	_ =	sdelay $0x1  }
0x15d: {  	v44 =	vld [tilespmem:s23+$0x4C0];
	v1 =	vmax.f32 v1, $0.0e+00  }
0x15e: {  	v45 =	vld [tilespmem:s23+$0x2CC0];
	[tilespmem:s23+$0x4B0] =	vst v1  }
0x15f: {  	v46 =	vld [tilespmem:$0x51C0];
	_ =	sdelay $0x4  }
0x160: {  	v1 =	vadd.f32 v45, v44;
	v47 =	vmul.f32 v46, v30;
	_ =	sdelay $0x1  }
0x161: {  	v1 =	vadd.f32 v47, v1;
	_ =	sdelay $0x1  }
0x162: {  	v48 =	vld [tilespmem:s23+$0x4D0];
	v1 =	vmax.f32 v1, $0.0e+00  }
0x163: {  	v49 =	vld [tilespmem:s23+$0x2CD0];
	[tilespmem:s23+$0x4C0] =	vst v1  }
0x164: {  	v50 =	vld [tilespmem:$0x51D0];
	_ =	sdelay $0x4  }
0x165: {  	v1 =	vadd.f32 v49, v48;
	v51 =	vmul.f32 v50, v30;
	_ =	sdelay $0x1  }
0x166: {  	v1 =	vadd.f32 v51, v1;
	_ =	sdelay $0x1  }
0x167: {  	v52 =	vld [tilespmem:s23+$0x4E0];
	v1 =	vmax.f32 v1, $0.0e+00  }
0x168: {  	v53 =	vld [tilespmem:s23+$0x2CE0];
	[tilespmem:s23+$0x4D0] =	vst v1  }
0x169: {  	v54 =	vld [tilespmem:$0x51E0];
	_ =	sdelay $0x4  }
0x16a: {  	v1 =	vadd.f32 v53, v52;
	v55 =	vmul.f32 v54, v30;
	_ =	sdelay $0x1  }
0x16b: {  	v1 =	vadd.f32 v55, v1;
	_ =	sdelay $0x1  }
0x16c: {  	v56 =	vld [tilespmem:s23+$0x4F0];
	v1 =	vmax.f32 v1, $0.0e+00  }
0x16d: {  	v57 =	vld [tilespmem:s23+$0x2CF0];
	[tilespmem:s23+$0x4E0] =	vst v1  }
0x16e: {  	v58 =	vld [tilespmem:$0x51F0];
	_ =	sdelay $0x4  }
0x16f: {  	v1 =	vadd.f32 v57, v56;
	v59 =	vmul.f32 v58, v30;
	_ =	sdelay $0x1  }
0x170: {  	v1 =	vadd.f32 v59, v1;
	_ =	sdelay $0x1  }
0x171: {  	v60 =	vld [tilespmem:s23+$0x500];
	v1 =	vmax.f32 v1, $0.0e+00  }
0x172: {  	v61 =	vld [tilespmem:s23+$0x2D00];
	[tilespmem:s23+$0x4F0] =	vst v1  }
0x173: {  	v62 =	vld [tilespmem:$0x5180];
	_ =	sdelay $0x2  }
0x174: {  	v63 =	vbroadcast v0, $0x7;
	_ =	sdelay $0x1  }
0x175: {  	v1 =	vadd.f32 v61, v60;
	v5 =	vmul.f32 v62, v63;
	_ =	sdelay $0x1  }
0x176: {  	v1 =	vadd.f32 v5, v1;
	_ =	sdelay $0x1  }
0x177: {  	v6 =	vld [tilespmem:s23+$0x510];
	v1 =	vmax.f32 v1, $0.0e+00  }
0x178: {  	v7 =	vld [tilespmem:s23+$0x2D10];
	[tilespmem:s23+$0x500] =	vst v1  }
0x179: {  	v8 =	vld [tilespmem:$0x5190];
	_ =	sdelay $0x4  }
0x17a: {  	v1 =	vadd.f32 v7, v6;
	v9 =	vmul.f32 v8, v63;
	_ =	sdelay $0x1  }
0x17b: {  	v1 =	vadd.f32 v9, v1;
	_ =	sdelay $0x1  }
0x17c: {  	v10 =	vld [tilespmem:s23+$0x520];
	v1 =	vmax.f32 v1, $0.0e+00  }
0x17d: {  	v11 =	vld [tilespmem:s23+$0x2D20];
	[tilespmem:s23+$0x510] =	vst v1  }
0x17e: {  	v12 =	vld [tilespmem:$0x51A0];
	_ =	sdelay $0x4  }
0x17f: {  	v1 =	vadd.f32 v11, v10;
	v13 =	vmul.f32 v12, v63;
	_ =	sdelay $0x1  }
0x180: {  	v1 =	vadd.f32 v13, v1;
	_ =	sdelay $0x1  }
0x181: {  	v14 =	vld [tilespmem:s23+$0x530];
	v1 =	vmax.f32 v1, $0.0e+00  }
0x182: {  	v15 =	vld [tilespmem:s23+$0x2D30];
	[tilespmem:s23+$0x520] =	vst v1  }
0x183: {  	v16 =	vld [tilespmem:$0x51B0];
	_ =	sdelay $0x4  }
0x184: {  	v1 =	vadd.f32 v15, v14;
	v17 =	vmul.f32 v16, v63;
	_ =	sdelay $0x1  }
0x185: {  	v1 =	vadd.f32 v17, v1;
	_ =	sdelay $0x1  }
0x186: {  	v18 =	vld [tilespmem:s23+$0x540];
	v1 =	vmax.f32 v1, $0.0e+00  }
0x187: {  	v19 =	vld [tilespmem:s23+$0x2D40];
	[tilespmem:s23+$0x530] =	vst v1  }
0x188: {  	v20 =	vld [tilespmem:$0x51C0];
	_ =	sdelay $0x4  }
0x189: {  	v1 =	vadd.f32 v19, v18;
	v21 =	vmul.f32 v20, v63;
	_ =	sdelay $0x1  }
0x18a: {  	v1 =	vadd.f32 v21, v1;
	_ =	sdelay $0x1  }
0x18b: {  	v22 =	vld [tilespmem:s23+$0x550];
	v1 =	vmax.f32 v1, $0.0e+00  }
0x18c: {  	v23 =	vld [tilespmem:s23+$0x2D50];
	[tilespmem:s23+$0x540] =	vst v1  }
0x18d: {  	v24 =	vld [tilespmem:$0x51D0];
	_ =	sdelay $0x4  }
0x18e: {  	v1 =	vadd.f32 v23, v22;
	v25 =	vmul.f32 v24, v63;
	_ =	sdelay $0x1  }
0x18f: {  	v1 =	vadd.f32 v25, v1;
	_ =	sdelay $0x1  }
0x190: {  	v26 =	vld [tilespmem:s23+$0x560];
	v1 =	vmax.f32 v1, $0.0e+00  }
0x191: {  	v27 =	vld [tilespmem:s23+$0x2D60];
	[tilespmem:s23+$0x550] =	vst v1  }
0x192: {  	v28 =	vld [tilespmem:$0x51E0];
	_ =	sdelay $0x4  }
0x193: {  	v1 =	vadd.f32 v27, v26;
	v29 =	vmul.f32 v28, v63;
	_ =	sdelay $0x1  }
0x194: {  	v1 =	vadd.f32 v29, v1;
	_ =	sdelay $0x1  }
0x195: {  	v31 =	vld [tilespmem:s23+$0x2D70];
	v1 =	vmax.f32 v1, $0.0e+00  }
0x196: {  	v30 =	vld [tilespmem:s23+$0x570];
	[tilespmem:s23+$0x560] =	vst v1  }
0x197: {  	v32 =	vld [tilespmem:$0x51F0];
	_ =	sdelay $0x4  }
0x198: {  	v1 =	vadd.f32 v31, v30;
	v33 =	vmul.f32 v32, v63;
	_ =	sdelay $0x1  }
0x199: {  	v1 =	vadd.f32 v33, v1;
	_ =	sdelay $0x1  }
0x19a: {  	v34 =	vld [tilespmem:s23+$0x580];
	v1 =	vmax.f32 v1, $0.0e+00  }
0x19b: {  	v35 =	vld [tilespmem:s23+$0x2D80];
	[tilespmem:s23+$0x570] =	vst v1  }
0x19c: {  	v36 =	vld [tilespmem:$0x5180];
	_ =	sdelay $0x2  }
0x19d: {  	v37 =	vbroadcast v0, $0x8;
	_ =	sdelay $0x1  }
0x19e: {  	v1 =	vadd.f32 v35, v34;
	v38 =	vmul.f32 v36, v37;
	_ =	sdelay $0x1  }
0x19f: {  	v1 =	vadd.f32 v38, v1;
	_ =	sdelay $0x1  }
0x1a0: {  	v39 =	vld [tilespmem:s23+$0x590];
	v1 =	vmax.f32 v1, $0.0e+00  }
0x1a1: {  	v40 =	vld [tilespmem:s23+$0x2D90];
	[tilespmem:s23+$0x580] =	vst v1  }
0x1a2: {  	v41 =	vld [tilespmem:$0x5190];
	_ =	sdelay $0x4  }
0x1a3: {  	v1 =	vadd.f32 v40, v39;
	v42 =	vmul.f32 v41, v37;
	_ =	sdelay $0x1  }
0x1a4: {  	v1 =	vadd.f32 v42, v1;
	_ =	sdelay $0x1  }
0x1a5: {  	v43 =	vld [tilespmem:s23+$0x5A0];
	v1 =	vmax.f32 v1, $0.0e+00  }
0x1a6: {  	v44 =	vld [tilespmem:s23+$0x2DA0];
	[tilespmem:s23+$0x590] =	vst v1  }
0x1a7: {  	v45 =	vld [tilespmem:$0x51A0];
	_ =	sdelay $0x4  }
0x1a8: {  	v1 =	vadd.f32 v44, v43;
	v46 =	vmul.f32 v45, v37;
	_ =	sdelay $0x1  }
0x1a9: {  	v1 =	vadd.f32 v46, v1;
	_ =	sdelay $0x1  }
0x1aa: {  	v47 =	vld [tilespmem:s23+$0x5B0];
	v1 =	vmax.f32 v1, $0.0e+00  }
0x1ab: {  	v48 =	vld [tilespmem:s23+$0x2DB0];
	[tilespmem:s23+$0x5A0] =	vst v1  }
0x1ac: {  	v49 =	vld [tilespmem:$0x51B0];
	_ =	sdelay $0x4  }
0x1ad: {  	v1 =	vadd.f32 v48, v47;
	v50 =	vmul.f32 v49, v37;
	_ =	sdelay $0x1  }
0x1ae: {  	v1 =	vadd.f32 v50, v1;
	_ =	sdelay $0x1  }
0x1af: {  	v51 =	vld [tilespmem:s23+$0x5C0];
	v1 =	vmax.f32 v1, $0.0e+00  }
0x1b0: {  	v52 =	vld [tilespmem:s23+$0x2DC0];
	[tilespmem:s23+$0x5B0] =	vst v1  }
0x1b1: {  	v53 =	vld [tilespmem:$0x51C0];
	_ =	sdelay $0x4  }
0x1b2: {  	v1 =	vadd.f32 v52, v51;
	v54 =	vmul.f32 v53, v37;
	_ =	sdelay $0x1  }
0x1b3: {  	v1 =	vadd.f32 v54, v1;
	_ =	sdelay $0x1  }
0x1b4: {  	v55 =	vld [tilespmem:s23+$0x5D0];
	v1 =	vmax.f32 v1, $0.0e+00  }
0x1b5: {  	v56 =	vld [tilespmem:s23+$0x2DD0];
	[tilespmem:s23+$0x5C0] =	vst v1  }
0x1b6: {  	v57 =	vld [tilespmem:$0x51D0];
	_ =	sdelay $0x4  }
0x1b7: {  	v1 =	vadd.f32 v56, v55;
	v58 =	vmul.f32 v57, v37;
	_ =	sdelay $0x1  }
0x1b8: {  	v1 =	vadd.f32 v58, v1;
	_ =	sdelay $0x1  }
0x1b9: {  	v59 =	vld [tilespmem:s23+$0x5E0];
	v1 =	vmax.f32 v1, $0.0e+00  }
0x1ba: {  	v60 =	vld [tilespmem:s23+$0x2DE0];
	[tilespmem:s23+$0x5D0] =	vst v1  }
0x1bb: {  	v61 =	vld [tilespmem:$0x51E0];
	_ =	sdelay $0x4  }
0x1bc: {  	v1 =	vadd.f32 v60, v59;
	v62 =	vmul.f32 v61, v37;
	_ =	sdelay $0x1  }
0x1bd: {  	v1 =	vadd.f32 v62, v1;
	_ =	sdelay $0x1  }
0x1be: {  	v6 =	vld [tilespmem:s23+$0x2DF0];
	v1 =	vmax.f32 v1, $0.0e+00  }
0x1bf: {  	v63 =	vld [tilespmem:s23+$0x5F0];
	[tilespmem:s23+$0x5E0] =	vst v1  }
0x1c0: {  	v7 =	vld [tilespmem:$0x51F0];
	_ =	sdelay $0x4  }
0x1c1: {  	v1 =	vadd.f32 v6, v63;
	v8 =	vmul.f32 v7, v37;
	_ =	sdelay $0x1  }
0x1c2: {  	v1 =	vadd.f32 v8, v1;
	_ =	sdelay $0x1  }
0x1c3: {  	v9 =	vld [tilespmem:s23+$0x600];
	v1 =	vmax.f32 v1, $0.0e+00  }
0x1c4: {  	v10 =	vld [tilespmem:s23+$0x2E00];
	[tilespmem:s23+$0x5F0] =	vst v1  }
0x1c5: {  	v11 =	vld [tilespmem:$0x5180];
	_ =	sdelay $0x2  }
0x1c6: {  	v12 =	vbroadcast v0, $0x9;
	_ =	sdelay $0x1  }
0x1c7: {  	v1 =	vadd.f32 v10, v9;
	v13 =	vmul.f32 v11, v12;
	_ =	sdelay $0x1  }
0x1c8: {  	v1 =	vadd.f32 v13, v1;
	_ =	sdelay $0x1  }
0x1c9: {  	v14 =	vld [tilespmem:s23+$0x610];
	v1 =	vmax.f32 v1, $0.0e+00  }
0x1ca: {  	v15 =	vld [tilespmem:s23+$0x2E10];
	[tilespmem:s23+$0x600] =	vst v1  }
0x1cb: {  	v16 =	vld [tilespmem:$0x5190];
	_ =	sdelay $0x4  }
0x1cc: {  	v1 =	vadd.f32 v15, v14;
	v17 =	vmul.f32 v16, v12;
	_ =	sdelay $0x1  }
0x1cd: {  	v1 =	vadd.f32 v17, v1;
	_ =	sdelay $0x1  }
0x1ce: {  	v18 =	vld [tilespmem:s23+$0x620];
	v1 =	vmax.f32 v1, $0.0e+00  }
0x1cf: {  	v19 =	vld [tilespmem:s23+$0x2E20];
	[tilespmem:s23+$0x610] =	vst v1  }
0x1d0: {  	v20 =	vld [tilespmem:$0x51A0];
	_ =	sdelay $0x4  }
0x1d1: {  	v1 =	vadd.f32 v19, v18;
	v21 =	vmul.f32 v20, v12;
	_ =	sdelay $0x1  }
0x1d2: {  	v1 =	vadd.f32 v21, v1;
	_ =	sdelay $0x1  }
0x1d3: {  	v22 =	vld [tilespmem:s23+$0x630];
	v1 =	vmax.f32 v1, $0.0e+00  }
0x1d4: {  	v23 =	vld [tilespmem:s23+$0x2E30];
	[tilespmem:s23+$0x620] =	vst v1  }
0x1d5: {  	v24 =	vld [tilespmem:$0x51B0];
	_ =	sdelay $0x4  }
0x1d6: {  	v1 =	vadd.f32 v23, v22;
	v25 =	vmul.f32 v24, v12;
	_ =	sdelay $0x1  }
0x1d7: {  	v1 =	vadd.f32 v25, v1;
	_ =	sdelay $0x1  }
0x1d8: {  	v26 =	vld [tilespmem:s23+$0x640];
	v1 =	vmax.f32 v1, $0.0e+00  }
0x1d9: {  	v27 =	vld [tilespmem:s23+$0x2E40];
	[tilespmem:s23+$0x630] =	vst v1  }
0x1da: {  	v28 =	vld [tilespmem:$0x51C0];
	_ =	sdelay $0x4  }
0x1db: {  	v1 =	vadd.f32 v27, v26;
	v29 =	vmul.f32 v28, v12;
	_ =	sdelay $0x1  }
0x1dc: {  	v1 =	vadd.f32 v29, v1;
	_ =	sdelay $0x1  }
0x1dd: {  	v30 =	vld [tilespmem:s23+$0x650];
	v1 =	vmax.f32 v1, $0.0e+00  }
0x1de: {  	v31 =	vld [tilespmem:s23+$0x2E50];
	[tilespmem:s23+$0x640] =	vst v1  }
0x1df: {  	v32 =	vld [tilespmem:$0x51D0];
	_ =	sdelay $0x4  }
0x1e0: {  	v1 =	vadd.f32 v31, v30;
	v33 =	vmul.f32 v32, v12;
	_ =	sdelay $0x1  }
0x1e1: {  	v1 =	vadd.f32 v33, v1;
	_ =	sdelay $0x1  }
0x1e2: {  	v34 =	vld [tilespmem:s23+$0x660];
	v1 =	vmax.f32 v1, $0.0e+00  }
0x1e3: {  	v35 =	vld [tilespmem:s23+$0x2E60];
	[tilespmem:s23+$0x650] =	vst v1  }
0x1e4: {  	v36 =	vld [tilespmem:$0x51E0];
	_ =	sdelay $0x4  }
0x1e5: {  	v1 =	vadd.f32 v35, v34;
	v37 =	vmul.f32 v36, v12;
	_ =	sdelay $0x1  }
0x1e6: {  	v1 =	vadd.f32 v37, v1;
	_ =	sdelay $0x1  }
0x1e7: {  	v38 =	vld [tilespmem:s23+$0x670];
	v1 =	vmax.f32 v1, $0.0e+00  }
0x1e8: {  	v39 =	vld [tilespmem:s23+$0x2E70];
	[tilespmem:s23+$0x660] =	vst v1  }
0x1e9: {  	v40 =	vld [tilespmem:$0x51F0];
	_ =	sdelay $0x4  }
0x1ea: {  	v1 =	vadd.f32 v39, v38;
	v41 =	vmul.f32 v40, v12;
	_ =	sdelay $0x1  }
0x1eb: {  	v1 =	vadd.f32 v41, v1;
	_ =	sdelay $0x1  }
0x1ec: {  	v42 =	vld [tilespmem:s23+$0x680];
	v1 =	vmax.f32 v1, $0.0e+00  }
0x1ed: {  	v43 =	vld [tilespmem:s23+$0x2E80];
	[tilespmem:s23+$0x670] =	vst v1  }
0x1ee: {  	v44 =	vld [tilespmem:$0x5180];
	_ =	sdelay $0x2  }
0x1ef: {  	v45 =	vbroadcast v0, $0xA;
	_ =	sdelay $0x1  }
0x1f0: {  	v1 =	vadd.f32 v43, v42;
	v46 =	vmul.f32 v44, v45;
	_ =	sdelay $0x1  }
0x1f1: {  	v1 =	vadd.f32 v46, v1;
	_ =	sdelay $0x1  }
0x1f2: {  	v47 =	vld [tilespmem:s23+$0x690];
	v1 =	vmax.f32 v1, $0.0e+00  }
0x1f3: {  	v48 =	vld [tilespmem:s23+$0x2E90];
	[tilespmem:s23+$0x680] =	vst v1  }
0x1f4: {  	v49 =	vld [tilespmem:$0x5190];
	_ =	sdelay $0x4  }
0x1f5: {  	v1 =	vadd.f32 v48, v47;
	v50 =	vmul.f32 v49, v45;
	_ =	sdelay $0x1  }
0x1f6: {  	v1 =	vadd.f32 v50, v1;
	_ =	sdelay $0x1  }
0x1f7: {  	v51 =	vld [tilespmem:s23+$0x6A0];
	v1 =	vmax.f32 v1, $0.0e+00  }
0x1f8: {  	v52 =	vld [tilespmem:s23+$0x2EA0];
	[tilespmem:s23+$0x690] =	vst v1  }
0x1f9: {  	v53 =	vld [tilespmem:$0x51A0];
	_ =	sdelay $0x4  }
0x1fa: {  	v1 =	vadd.f32 v52, v51;
	v54 =	vmul.f32 v53, v45;
	_ =	sdelay $0x1  }
0x1fb: {  	v1 =	vadd.f32 v54, v1;
	_ =	sdelay $0x1  }
0x1fc: {  	v55 =	vld [tilespmem:s23+$0x6B0];
	v1 =	vmax.f32 v1, $0.0e+00  }
0x1fd: {  	v56 =	vld [tilespmem:s23+$0x2EB0];
	[tilespmem:s23+$0x6A0] =	vst v1  }
0x1fe: {  	v57 =	vld [tilespmem:$0x51B0];
	_ =	sdelay $0x4  }
0x1ff: {  	v1 =	vadd.f32 v56, v55;
	v58 =	vmul.f32 v57, v45;
	_ =	sdelay $0x1  }
0x200: {  	v1 =	vadd.f32 v58, v1;
	_ =	sdelay $0x1  }
0x201: {  	v59 =	vld [tilespmem:s23+$0x6C0];
	v1 =	vmax.f32 v1, $0.0e+00  }
0x202: {  	v60 =	vld [tilespmem:s23+$0x2EC0];
	[tilespmem:s23+$0x6B0] =	vst v1  }
0x203: {  	v61 =	vld [tilespmem:$0x51C0];
	_ =	sdelay $0x4  }
0x204: {  	v1 =	vadd.f32 v60, v59;
	v62 =	vmul.f32 v61, v45;
	_ =	sdelay $0x1  }
0x205: {  	v1 =	vadd.f32 v62, v1;
	_ =	sdelay $0x1  }
0x206: {  	v63 =	vld [tilespmem:s23+$0x6D0];
	v1 =	vmax.f32 v1, $0.0e+00  }
0x207: {  	v6 =	vld [tilespmem:s23+$0x2ED0];
	[tilespmem:s23+$0x6C0] =	vst v1  }
0x208: {  	v7 =	vld [tilespmem:$0x51D0];
	_ =	sdelay $0x4  }
0x209: {  	v1 =	vadd.f32 v6, v63;
	v8 =	vmul.f32 v7, v45;
	_ =	sdelay $0x1  }
0x20a: {  	v1 =	vadd.f32 v8, v1;
	_ =	sdelay $0x1  }
0x20b: {  	v9 =	vld [tilespmem:s23+$0x6E0];
	v1 =	vmax.f32 v1, $0.0e+00  }
0x20c: {  	v10 =	vld [tilespmem:s23+$0x2EE0];
	[tilespmem:s23+$0x6D0] =	vst v1  }
0x20d: {  	v11 =	vld [tilespmem:$0x51E0];
	_ =	sdelay $0x4  }
0x20e: {  	v1 =	vadd.f32 v10, v9;
	v12 =	vmul.f32 v11, v45;
	_ =	sdelay $0x1  }
0x20f: {  	v1 =	vadd.f32 v12, v1;
	_ =	sdelay $0x1  }
0x210: {  	v13 =	vld [tilespmem:s23+$0x6F0];
	v1 =	vmax.f32 v1, $0.0e+00  }
0x211: {  	v14 =	vld [tilespmem:s23+$0x2EF0];
	[tilespmem:s23+$0x6E0] =	vst v1  }
0x212: {  	v15 =	vld [tilespmem:$0x51F0];
	_ =	sdelay $0x4  }
0x213: {  	v1 =	vadd.f32 v14, v13;
	v16 =	vmul.f32 v15, v45;
	_ =	sdelay $0x1  }
0x214: {  	v1 =	vadd.f32 v16, v1;
	_ =	sdelay $0x1  }
0x215: {  	v17 =	vld [tilespmem:s23+$0x700];
	v1 =	vmax.f32 v1, $0.0e+00  }
0x216: {  	v18 =	vld [tilespmem:s23+$0x2F00];
	[tilespmem:s23+$0x6F0] =	vst v1  }
0x217: {  	v19 =	vld [tilespmem:$0x5180];
	_ =	sdelay $0x2  }
0x218: {  	v20 =	vbroadcast v0, $0xB;
	_ =	sdelay $0x1  }
0x219: {  	v1 =	vadd.f32 v18, v17;
	v21 =	vmul.f32 v19, v20;
	_ =	sdelay $0x1  }
0x21a: {  	v1 =	vadd.f32 v21, v1;
	_ =	sdelay $0x1  }
0x21b: {  	v22 =	vld [tilespmem:s23+$0x710];
	v1 =	vmax.f32 v1, $0.0e+00  }
0x21c: {  	v23 =	vld [tilespmem:s23+$0x2F10];
	[tilespmem:s23+$0x700] =	vst v1  }
0x21d: {  	v24 =	vld [tilespmem:$0x5190];
	_ =	sdelay $0x4  }
0x21e: {  	v1 =	vadd.f32 v23, v22;
	v25 =	vmul.f32 v24, v20;
	_ =	sdelay $0x1  }
0x21f: {  	v1 =	vadd.f32 v25, v1;
	_ =	sdelay $0x1  }
0x220: {  	v26 =	vld [tilespmem:s23+$0x720];
	v1 =	vmax.f32 v1, $0.0e+00  }
0x221: {  	v27 =	vld [tilespmem:s23+$0x2F20];
	[tilespmem:s23+$0x710] =	vst v1  }
0x222: {  	v28 =	vld [tilespmem:$0x51A0];
	_ =	sdelay $0x4  }
0x223: {  	v1 =	vadd.f32 v27, v26;
	v29 =	vmul.f32 v28, v20;
	_ =	sdelay $0x1  }
0x224: {  	v1 =	vadd.f32 v29, v1;
	_ =	sdelay $0x1  }
0x225: {  	v30 =	vld [tilespmem:s23+$0x730];
	v1 =	vmax.f32 v1, $0.0e+00  }
0x226: {  	v31 =	vld [tilespmem:s23+$0x2F30];
	[tilespmem:s23+$0x720] =	vst v1  }
0x227: {  	v32 =	vld [tilespmem:$0x51B0];
	_ =	sdelay $0x4  }
0x228: {  	v1 =	vadd.f32 v31, v30;
	v33 =	vmul.f32 v32, v20;
	_ =	sdelay $0x1  }
0x229: {  	v1 =	vadd.f32 v33, v1;
	_ =	sdelay $0x1  }
0x22a: {  	v34 =	vld [tilespmem:s23+$0x740];
	v1 =	vmax.f32 v1, $0.0e+00  }
0x22b: {  	v35 =	vld [tilespmem:s23+$0x2F40];
	[tilespmem:s23+$0x730] =	vst v1  }
0x22c: {  	v36 =	vld [tilespmem:$0x51C0];
	_ =	sdelay $0x4  }
0x22d: {  	v1 =	vadd.f32 v35, v34;
	v37 =	vmul.f32 v36, v20;
	_ =	sdelay $0x1  }
0x22e: {  	v1 =	vadd.f32 v37, v1;
	_ =	sdelay $0x1  }
0x22f: {  	v38 =	vld [tilespmem:s23+$0x750];
	v1 =	vmax.f32 v1, $0.0e+00  }
0x230: {  	v39 =	vld [tilespmem:s23+$0x2F50];
	[tilespmem:s23+$0x740] =	vst v1  }
0x231: {  	v40 =	vld [tilespmem:$0x51D0];
	_ =	sdelay $0x4  }
0x232: {  	v1 =	vadd.f32 v39, v38;
	v41 =	vmul.f32 v40, v20;
	_ =	sdelay $0x1  }
0x233: {  	v1 =	vadd.f32 v41, v1;
	_ =	sdelay $0x1  }
0x234: {  	v42 =	vld [tilespmem:s23+$0x760];
	v1 =	vmax.f32 v1, $0.0e+00  }
0x235: {  	v43 =	vld [tilespmem:s23+$0x2F60];
	[tilespmem:s23+$0x750] =	vst v1  }
0x236: {  	v44 =	vld [tilespmem:$0x51E0];
	_ =	sdelay $0x4  }
0x237: {  	v1 =	vadd.f32 v43, v42;
	v45 =	vmul.f32 v44, v20;
	_ =	sdelay $0x1  }
0x238: {  	v1 =	vadd.f32 v45, v1;
	_ =	sdelay $0x1  }
0x239: {  	v46 =	vld [tilespmem:s23+$0x770];
	v1 =	vmax.f32 v1, $0.0e+00  }
0x23a: {  	v47 =	vld [tilespmem:s23+$0x2F70];
	[tilespmem:s23+$0x760] =	vst v1  }
0x23b: {  	v48 =	vld [tilespmem:$0x51F0];
	_ =	sdelay $0x4  }
0x23c: {  	v1 =	vadd.f32 v47, v46;
	v49 =	vmul.f32 v48, v20;
	_ =	sdelay $0x1  }
0x23d: {  	v1 =	vadd.f32 v49, v1;
	_ =	sdelay $0x1  }
0x23e: {  	v50 =	vld [tilespmem:s23+$0x780];
	v1 =	vmax.f32 v1, $0.0e+00  }
0x23f: {  	v51 =	vld [tilespmem:s23+$0x2F80];
	[tilespmem:s23+$0x770] =	vst v1  }
0x240: {  	v52 =	vld [tilespmem:$0x5180];
	_ =	sdelay $0x2  }
0x241: {  	v53 =	vbroadcast v0, $0xC;
	_ =	sdelay $0x1  }
0x242: {  	v1 =	vadd.f32 v51, v50;
	v54 =	vmul.f32 v52, v53;
	_ =	sdelay $0x1  }
0x243: {  	v1 =	vadd.f32 v54, v1;
	_ =	sdelay $0x1  }
0x244: {  	v55 =	vld [tilespmem:s23+$0x790];
	v1 =	vmax.f32 v1, $0.0e+00  }
0x245: {  	v56 =	vld [tilespmem:s23+$0x2F90];
	[tilespmem:s23+$0x780] =	vst v1  }
0x246: {  	v57 =	vld [tilespmem:$0x5190];
	_ =	sdelay $0x4  }
0x247: {  	v1 =	vadd.f32 v56, v55;
	v58 =	vmul.f32 v57, v53;
	_ =	sdelay $0x1  }
0x248: {  	v1 =	vadd.f32 v58, v1;
	_ =	sdelay $0x1  }
0x249: {  	v59 =	vld [tilespmem:s23+$0x7A0];
	v1 =	vmax.f32 v1, $0.0e+00  }
0x24a: {  	v60 =	vld [tilespmem:s23+$0x2FA0];
	[tilespmem:s23+$0x790] =	vst v1  }
0x24b: {  	v61 =	vld [tilespmem:$0x51A0];
	_ =	sdelay $0x4  }
0x24c: {  	v1 =	vadd.f32 v60, v59;
	v62 =	vmul.f32 v61, v53;
	_ =	sdelay $0x1  }
0x24d: {  	v1 =	vadd.f32 v62, v1;
	_ =	sdelay $0x1  }
0x24e: {  	v63 =	vld [tilespmem:s23+$0x7B0];
	v1 =	vmax.f32 v1, $0.0e+00  }
0x24f: {  	v6 =	vld [tilespmem:s23+$0x2FB0];
	[tilespmem:s23+$0x7A0] =	vst v1  }
0x250: {  	v7 =	vld [tilespmem:$0x51B0];
	_ =	sdelay $0x4  }
0x251: {  	v1 =	vadd.f32 v6, v63;
	v8 =	vmul.f32 v7, v53;
	_ =	sdelay $0x1  }
0x252: {  	v1 =	vadd.f32 v8, v1;
	_ =	sdelay $0x1  }
0x253: {  	v9 =	vld [tilespmem:s23+$0x7C0];
	v1 =	vmax.f32 v1, $0.0e+00  }
0x254: {  	v10 =	vld [tilespmem:s23+$0x2FC0];
	[tilespmem:s23+$0x7B0] =	vst v1  }
0x255: {  	v11 =	vld [tilespmem:$0x51C0];
	_ =	sdelay $0x4  }
0x256: {  	v1 =	vadd.f32 v10, v9;
	v12 =	vmul.f32 v11, v53;
	_ =	sdelay $0x1  }
0x257: {  	v1 =	vadd.f32 v12, v1;
	_ =	sdelay $0x1  }
0x258: {  	v13 =	vld [tilespmem:s23+$0x7D0];
	v1 =	vmax.f32 v1, $0.0e+00  }
0x259: {  	v14 =	vld [tilespmem:s23+$0x2FD0];
	[tilespmem:s23+$0x7C0] =	vst v1  }
0x25a: {  	v15 =	vld [tilespmem:$0x51D0];
	_ =	sdelay $0x4  }
0x25b: {  	v1 =	vadd.f32 v14, v13;
	v16 =	vmul.f32 v15, v53;
	_ =	sdelay $0x1  }
0x25c: {  	v1 =	vadd.f32 v16, v1;
	_ =	sdelay $0x1  }
0x25d: {  	v17 =	vld [tilespmem:s23+$0x7E0];
	v1 =	vmax.f32 v1, $0.0e+00  }
0x25e: {  	v18 =	vld [tilespmem:s23+$0x2FE0];
	[tilespmem:s23+$0x7D0] =	vst v1  }
0x25f: {  	v19 =	vld [tilespmem:$0x51E0];
	_ =	sdelay $0x4  }
0x260: {  	v1 =	vadd.f32 v18, v17;
	v20 =	vmul.f32 v19, v53;
	_ =	sdelay $0x1  }
0x261: {  	v1 =	vadd.f32 v20, v1;
	_ =	sdelay $0x1  }
0x262: {  	v21 =	vld [tilespmem:s23+$0x7F0];
	v1 =	vmax.f32 v1, $0.0e+00  }
0x263: {  	v22 =	vld [tilespmem:s23+$0x2FF0];
	[tilespmem:s23+$0x7E0] =	vst v1  }
0x264: {  	v23 =	vld [tilespmem:$0x51F0];
	_ =	sdelay $0x4  }
0x265: {  	v1 =	vadd.f32 v22, v21;
	v24 =	vmul.f32 v23, v53;
	_ =	sdelay $0x1  }
0x266: {  	v1 =	vadd.f32 v24, v1;
	_ =	sdelay $0x1  }
0x267: {  	v25 =	vld [tilespmem:s23+$0x800];
	v1 =	vmax.f32 v1, $0.0e+00  }
0x268: {  	v26 =	vld [tilespmem:s23+$0x3000];
	[tilespmem:s23+$0x7F0] =	vst v1  }
0x269: {  	v27 =	vld [tilespmem:$0x5180];
	_ =	sdelay $0x2  }
0x26a: {  	v28 =	vbroadcast v0, $0xD;
	_ =	sdelay $0x1  }
0x26b: {  	v1 =	vadd.f32 v26, v25;
	v29 =	vmul.f32 v27, v28;
	_ =	sdelay $0x1  }
0x26c: {  	v1 =	vadd.f32 v29, v1;
	_ =	sdelay $0x1  }
0x26d: {  	v30 =	vld [tilespmem:s23+$0x810];
	v1 =	vmax.f32 v1, $0.0e+00  }
0x26e: {  	v31 =	vld [tilespmem:s23+$0x3010];
	[tilespmem:s23+$0x800] =	vst v1  }
0x26f: {  	v32 =	vld [tilespmem:$0x5190];
	_ =	sdelay $0x4  }
0x270: {  	v1 =	vadd.f32 v31, v30;
	v33 =	vmul.f32 v32, v28;
	_ =	sdelay $0x1  }
0x271: {  	v1 =	vadd.f32 v33, v1;
	_ =	sdelay $0x1  }
0x272: {  	v34 =	vld [tilespmem:s23+$0x820];
	v1 =	vmax.f32 v1, $0.0e+00  }
0x273: {  	v35 =	vld [tilespmem:s23+$0x3020];
	[tilespmem:s23+$0x810] =	vst v1  }
0x274: {  	v36 =	vld [tilespmem:$0x51A0];
	_ =	sdelay $0x4  }
0x275: {  	v1 =	vadd.f32 v35, v34;
	v37 =	vmul.f32 v36, v28;
	_ =	sdelay $0x1  }
0x276: {  	v1 =	vadd.f32 v37, v1;
	_ =	sdelay $0x1  }
0x277: {  	v38 =	vld [tilespmem:s23+$0x830];
	v1 =	vmax.f32 v1, $0.0e+00  }
0x278: {  	v39 =	vld [tilespmem:s23+$0x3030];
	[tilespmem:s23+$0x820] =	vst v1  }
0x279: {  	v40 =	vld [tilespmem:$0x51B0];
	_ =	sdelay $0x4  }
0x27a: {  	v1 =	vadd.f32 v39, v38;
	v41 =	vmul.f32 v40, v28;
	_ =	sdelay $0x1  }
0x27b: {  	v1 =	vadd.f32 v41, v1;
	_ =	sdelay $0x1  }
0x27c: {  	v42 =	vld [tilespmem:s23+$0x840];
	v1 =	vmax.f32 v1, $0.0e+00  }
0x27d: {  	v43 =	vld [tilespmem:s23+$0x3040];
	[tilespmem:s23+$0x830] =	vst v1  }
0x27e: {  	v44 =	vld [tilespmem:$0x51C0];
	_ =	sdelay $0x4  }
0x27f: {  	v1 =	vadd.f32 v43, v42;
	v45 =	vmul.f32 v44, v28;
	_ =	sdelay $0x1  }
0x280: {  	v1 =	vadd.f32 v45, v1;
	_ =	sdelay $0x1  }
0x281: {  	v46 =	vld [tilespmem:s23+$0x850];
	v1 =	vmax.f32 v1, $0.0e+00  }
0x282: {  	v47 =	vld [tilespmem:s23+$0x3050];
	[tilespmem:s23+$0x840] =	vst v1  }
0x283: {  	v48 =	vld [tilespmem:$0x51D0];
	_ =	sdelay $0x4  }
0x284: {  	v1 =	vadd.f32 v47, v46;
	v49 =	vmul.f32 v48, v28;
	_ =	sdelay $0x1  }
0x285: {  	v1 =	vadd.f32 v49, v1;
	_ =	sdelay $0x1  }
0x286: {  	v50 =	vld [tilespmem:s23+$0x860];
	v1 =	vmax.f32 v1, $0.0e+00  }
0x287: {  	v51 =	vld [tilespmem:s23+$0x3060];
	[tilespmem:s23+$0x850] =	vst v1  }
0x288: {  	v52 =	vld [tilespmem:$0x51E0];
	_ =	sdelay $0x4  }
0x289: {  	v1 =	vadd.f32 v51, v50;
	v53 =	vmul.f32 v52, v28;
	_ =	sdelay $0x1  }
0x28a: {  	v1 =	vadd.f32 v53, v1;
	_ =	sdelay $0x1  }
0x28b: {  	v54 =	vld [tilespmem:s23+$0x870];
	v1 =	vmax.f32 v1, $0.0e+00  }
0x28c: {  	v55 =	vld [tilespmem:s23+$0x3070];
	[tilespmem:s23+$0x860] =	vst v1  }
0x28d: {  	v56 =	vld [tilespmem:$0x51F0];
	_ =	sdelay $0x4  }
0x28e: {  	v1 =	vadd.f32 v55, v54;
	v57 =	vmul.f32 v56, v28;
	_ =	sdelay $0x1  }
0x28f: {  	v1 =	vadd.f32 v57, v1;
	_ =	sdelay $0x1  }
0x290: {  	v58 =	vld [tilespmem:s23+$0x880];
	v1 =	vmax.f32 v1, $0.0e+00  }
0x291: {  	v59 =	vld [tilespmem:s23+$0x3080];
	[tilespmem:s23+$0x870] =	vst v1  }
0x292: {  	v60 =	vld [tilespmem:$0x5180];
	_ =	sdelay $0x2  }
0x293: {  	v61 =	vbroadcast v0, $0xE;
	_ =	sdelay $0x1  }
0x294: {  	v1 =	vadd.f32 v59, v58;
	v62 =	vmul.f32 v60, v61;
	_ =	sdelay $0x1  }
0x295: {  	v1 =	vadd.f32 v62, v1;
	_ =	sdelay $0x1  }
0x296: {  	v63 =	vld [tilespmem:s23+$0x890];
	v1 =	vmax.f32 v1, $0.0e+00  }
0x297: {  	v6 =	vld [tilespmem:s23+$0x3090];
	[tilespmem:s23+$0x880] =	vst v1  }
0x298: {  	v7 =	vld [tilespmem:$0x5190];
	_ =	sdelay $0x4  }
0x299: {  	v1 =	vadd.f32 v6, v63;
	v8 =	vmul.f32 v7, v61;
	_ =	sdelay $0x1  }
0x29a: {  	v1 =	vadd.f32 v8, v1;
	_ =	sdelay $0x1  }
0x29b: {  	v9 =	vld [tilespmem:s23+$0x8A0];
	v1 =	vmax.f32 v1, $0.0e+00  }
0x29c: {  	v10 =	vld [tilespmem:s23+$0x30A0];
	[tilespmem:s23+$0x890] =	vst v1  }
0x29d: {  	v11 =	vld [tilespmem:$0x51A0];
	_ =	sdelay $0x4  }
0x29e: {  	v1 =	vadd.f32 v10, v9;
	v12 =	vmul.f32 v11, v61;
	_ =	sdelay $0x1  }
0x29f: {  	v1 =	vadd.f32 v12, v1;
	_ =	sdelay $0x1  }
0x2a0: {  	v13 =	vld [tilespmem:s23+$0x8B0];
	v1 =	vmax.f32 v1, $0.0e+00  }
0x2a1: {  	v14 =	vld [tilespmem:s23+$0x30B0];
	[tilespmem:s23+$0x8A0] =	vst v1  }
0x2a2: {  	v15 =	vld [tilespmem:$0x51B0];
	_ =	sdelay $0x4  }
0x2a3: {  	v1 =	vadd.f32 v14, v13;
	v16 =	vmul.f32 v15, v61;
	_ =	sdelay $0x1  }
0x2a4: {  	v1 =	vadd.f32 v16, v1;
	_ =	sdelay $0x1  }
0x2a5: {  	v17 =	vld [tilespmem:s23+$0x8C0];
	v1 =	vmax.f32 v1, $0.0e+00  }
0x2a6: {  	v18 =	vld [tilespmem:s23+$0x30C0];
	[tilespmem:s23+$0x8B0] =	vst v1  }
0x2a7: {  	v19 =	vld [tilespmem:$0x51C0];
	_ =	sdelay $0x4  }
0x2a8: {  	v1 =	vadd.f32 v18, v17;
	v20 =	vmul.f32 v19, v61;
	_ =	sdelay $0x1  }
0x2a9: {  	v1 =	vadd.f32 v20, v1;
	_ =	sdelay $0x1  }
0x2aa: {  	v21 =	vld [tilespmem:s23+$0x8D0];
	v1 =	vmax.f32 v1, $0.0e+00  }
0x2ab: {  	v22 =	vld [tilespmem:s23+$0x30D0];
	[tilespmem:s23+$0x8C0] =	vst v1  }
0x2ac: {  	v23 =	vld [tilespmem:$0x51D0];
	_ =	sdelay $0x4  }
0x2ad: {  	v1 =	vadd.f32 v22, v21;
	v24 =	vmul.f32 v23, v61;
	_ =	sdelay $0x1  }
0x2ae: {  	v1 =	vadd.f32 v24, v1;
	_ =	sdelay $0x1  }
0x2af: {  	v25 =	vld [tilespmem:s23+$0x8E0];
	v1 =	vmax.f32 v1, $0.0e+00  }
0x2b0: {  	v26 =	vld [tilespmem:s23+$0x30E0];
	[tilespmem:s23+$0x8D0] =	vst v1  }
0x2b1: {  	v27 =	vld [tilespmem:$0x51E0];
	_ =	sdelay $0x4  }
0x2b2: {  	v1 =	vadd.f32 v26, v25;
	v28 =	vmul.f32 v27, v61;
	_ =	sdelay $0x1  }
0x2b3: {  	v1 =	vadd.f32 v28, v1;
	_ =	sdelay $0x1  }
0x2b4: {  	v29 =	vld [tilespmem:s23+$0x8F0];
	v1 =	vmax.f32 v1, $0.0e+00  }
0x2b5: {  	v30 =	vld [tilespmem:s23+$0x30F0];
	[tilespmem:s23+$0x8E0] =	vst v1  }
0x2b6: {  	v31 =	vld [tilespmem:$0x51F0];
	_ =	sdelay $0x4  }
0x2b7: {  	v1 =	vadd.f32 v30, v29;
	v32 =	vmul.f32 v31, v61;
	_ =	sdelay $0x1  }
0x2b8: {  	v1 =	vadd.f32 v32, v1;
	_ =	sdelay $0x1  }
0x2b9: {  	v33 =	vld [tilespmem:s23+$0x900];
	v1 =	vmax.f32 v1, $0.0e+00  }
0x2ba: {  	v34 =	vld [tilespmem:s23+$0x3100];
	[tilespmem:s23+$0x8F0] =	vst v1  }
0x2bb: {  	v35 =	vld [tilespmem:$0x5180];
	_ =	sdelay $0x2  }
0x2bc: {  	v0 =	vbroadcast v0, $0xF;
	_ =	sdelay $0x1  }
0x2bd: {  	v1 =	vadd.f32 v34, v33;
	v36 =	vmul.f32 v35, v0;
	_ =	sdelay $0x1  }
0x2be: {  	v1 =	vadd.f32 v36, v1;
	_ =	sdelay $0x1  }
0x2bf: {  	v37 =	vld [tilespmem:s23+$0x910];
	v1 =	vmax.f32 v1, $0.0e+00  }
0x2c0: {  	v38 =	vld [tilespmem:s23+$0x3110];
	[tilespmem:s23+$0x900] =	vst v1  }
0x2c1: {  	v39 =	vld [tilespmem:$0x5190];
	_ =	sdelay $0x4  }
0x2c2: {  	v1 =	vadd.f32 v38, v37;
	v40 =	vmul.f32 v39, v0;
	_ =	sdelay $0x1  }
0x2c3: {  	v1 =	vadd.f32 v40, v1;
	_ =	sdelay $0x1  }
0x2c4: {  	v41 =	vld [tilespmem:s23+$0x920];
	v1 =	vmax.f32 v1, $0.0e+00  }
0x2c5: {  	v42 =	vld [tilespmem:s23+$0x3120];
	[tilespmem:s23+$0x910] =	vst v1  }
0x2c6: {  	v43 =	vld [tilespmem:$0x51A0];
	_ =	sdelay $0x4  }
0x2c7: {  	v1 =	vadd.f32 v42, v41;
	v44 =	vmul.f32 v43, v0;
	_ =	sdelay $0x1  }
0x2c8: {  	v1 =	vadd.f32 v44, v1;
	_ =	sdelay $0x1  }
0x2c9: {  	v45 =	vld [tilespmem:s23+$0x930];
	v1 =	vmax.f32 v1, $0.0e+00  }
0x2ca: {  	v46 =	vld [tilespmem:s23+$0x3130];
	[tilespmem:s23+$0x920] =	vst v1  }
0x2cb: {  	v47 =	vld [tilespmem:$0x51B0];
	_ =	sdelay $0x4  }
0x2cc: {  	v1 =	vadd.f32 v46, v45;
	v48 =	vmul.f32 v47, v0;
	_ =	sdelay $0x1  }
0x2cd: {  	v1 =	vadd.f32 v48, v1;
	_ =	sdelay $0x1  }
0x2ce: {  	v49 =	vld [tilespmem:s23+$0x940];
	v1 =	vmax.f32 v1, $0.0e+00  }
0x2cf: {  	v50 =	vld [tilespmem:s23+$0x3140];
	[tilespmem:s23+$0x930] =	vst v1  }
0x2d0: {  	v51 =	vld [tilespmem:$0x51C0];
	_ =	sdelay $0x4  }
0x2d1: {  	v1 =	vadd.f32 v50, v49;
	v52 =	vmul.f32 v51, v0;
	_ =	sdelay $0x1  }
0x2d2: {  	v1 =	vadd.f32 v52, v1;
	_ =	sdelay $0x1  }
0x2d3: {  	v53 =	vld [tilespmem:s23+$0x950];
	v1 =	vmax.f32 v1, $0.0e+00  }
0x2d4: {  	v54 =	vld [tilespmem:s23+$0x3150];
	[tilespmem:s23+$0x940] =	vst v1  }
0x2d5: {  	v55 =	vld [tilespmem:$0x51D0];
	_ =	sdelay $0x4  }
0x2d6: {  	v1 =	vadd.f32 v54, v53;
	v56 =	vmul.f32 v55, v0;
	_ =	sdelay $0x1  }
0x2d7: {  	v1 =	vadd.f32 v56, v1;
	_ =	sdelay $0x1  }
0x2d8: {  	v57 =	vld [tilespmem:s23+$0x960];
	v1 =	vmax.f32 v1, $0.0e+00  }
0x2d9: {  	v58 =	vld [tilespmem:s23+$0x3160];
	[tilespmem:s23+$0x950] =	vst v1  }
0x2da: {  	v59 =	vld [tilespmem:$0x51E0];
	_ =	sdelay $0x4  }
0x2db: {  	v1 =	vadd.f32 v58, v57;
	v60 =	vmul.f32 v59, v0;
	_ =	sdelay $0x1  }
0x2dc: {  	v1 =	vadd.f32 v60, v1;
	_ =	sdelay $0x1  }
0x2dd: {  	v62 =	vld [tilespmem:s23+$0x3170];
	v1 =	vmax.f32 v1, $0.0e+00  }
0x2de: {  	v61 =	vld [tilespmem:s23+$0x970];
	[tilespmem:s23+$0x960] =	vst v1  }
0x2df: {  	v63 =	vld [tilespmem:$0x51F0];
	_ =	sdelay $0x4  }
0x2e0: {  	p3 =	sne.s32 s21, $0x4;
	v1 =	vadd.f32 v62, v61;
	v0 =	vmul.f32 v63, v0  }
.Ltmp0:
0x2e1: {  	_ = 	snop;
	(pc) =	sbr.rel @p3 .LBB2_3-.Ltmp0, $3  }
0x2e2: {  	v0 =	vadd.f32 v0, v1;
	_ =	sdelay $0x1  }
0x2e3: {  	v0 =	vmax.f32 v0, $0.0e+00  }
0x2e4: {  	s21 =	sadd.s32 $0x1, s21;
	[tilespmem:s23+$0x970] =	vst v0  }
0x2e5: {  	s6 =	sadd.s32 $0x1, s6  }
0x2e6: {  	p3 =	sne.s32 s6, $0x7D  }
.Ltmp1:
0x2e7: {  	_ = 	snop;
	(pc) =	sbr.rel @p3 .LBB2_2-.Ltmp1, $4  }
0x2e8: {  	[spmem:s2] =	stream.indirect.scatter.add.f32 [tilespmem:s28], [sflag:$0x3], $0x80, s24, s26, $0xb8;
	[tilespmem:$0x1EE80] =	vst v63  }
0x2e9: {  	_ =	swait.ge [sflag:s22], $0x2800  }
0x2ea: {  	[sflag:s22] =	ssyncset.done $0x0  }
0x2eb: {  	[sflag:s22] =	ssyncadd.s32 $0xFFFFD800  }
0x2ec: {  	[bflag:$0x0] =	sbarrier.arrive $0xFFFF;
	s3 =	simm.s32 @!p0 $0x5200;
	s6 =	simm.s32 @!p0 $0x3  }
0x2ed: {  	[tilespmem:s3], [sflag:$0x3] =	stream.linear.gather @!p0 [spmem:s12], $0x6400, $0x38;
	[tilespmem:$0x1EE80] =	vst v63  }
0x2ee: {  	_ =	swait.ge @!p0 [sflag:s6], $0x6400  }
0x2ef: {  	[sflag:s6] =	ssyncset.done @!p0 $0x0  }
0x2f0: {  	s21 =	simm.s32 @!p0 $0x0;
	[sflag:s6] =	ssyncadd.s32 @!p0 $0xFFFF9C00  }
0x2f1: {  	[hbm4b:s16+s21] =	stream.linear.scatter @!p0 [tilespmem:s3], [sflag:$0x3], $0x6400, $0x38;
	[tilespmem:$0x1EE80] =	vst v63  }
0x2f2: {  	_ =	swait.ge @!p0 [sflag:s6], $0x6400  }
0x2f3: {  	[sflag:s6] =	ssyncset.done @!p0 $0x0  }
0x2f4: {  	[sflag:s6] =	ssyncadd.s32 @!p0 $0xFFFF9C00  }
0x2f5: {  	[tilespmem:s3], [sflag:$0x3] =	stream.linear.gather @!p0 [spmem:s13], $0x6400, $0x38;
	[tilespmem:$0x1EE80] =	vst v63  }
0x2f6: {  	_ =	swait.ge @!p0 [sflag:s6], $0x6400  }
0x2f7: {  	[sflag:s6] =	ssyncset.done @!p0 $0x0  }
0x2f8: {  	[sflag:s6] =	ssyncadd.s32 @!p0 $0xFFFF9C00  }
0x2f9: {  	[hbm4b:s20+s21] =	stream.linear.scatter @!p0 [tilespmem:s3], [sflag:$0x3], $0x6400, $0x38;
	[tilespmem:$0x1EE80] =	vst v63  }
0x2fa: {  	_ =	swait.ge @!p0 [sflag:s6], $0x6400  }
0x2fb: {  	[sflag:s6] =	ssyncset.done @!p0 $0x0  }
0x2fc: {  	s3 =	simm.s32 @!p1 $0x5200;
	[sflag:s6] =	ssyncadd.s32 @!p0 $0xFFFF9C00;
	s6 =	simm.s32 @!p1 $0x3  }
0x2fd: {  	[tilespmem:s3], [sflag:$0x3] =	stream.linear.gather @!p1 [spmem:s14], $0x6400, $0x38;
	[tilespmem:$0x1EE80] =	vst v63  }
0x2fe: {  	_ =	swait.ge @!p1 [sflag:s6], $0x6400  }
0x2ff: {  	[sflag:s6] =	ssyncset.done @!p1 $0x0  }
0x300: {  	s21 =	simm.s32 @!p1 $0x0;
	[sflag:s6] =	ssyncadd.s32 @!p1 $0xFFFF9C00  }
0x301: {  	[hbm4b:s17+s21] =	stream.linear.scatter @!p1 [tilespmem:s3], [sflag:$0x3], $0x6400, $0x38;
	[tilespmem:$0x1EE80] =	vst v63  }
0x302: {  	_ =	swait.ge @!p1 [sflag:s6], $0x6400  }
0x303: {  	[sflag:s6] =	ssyncset.done @!p1 $0x0  }
0x304: {  	s3 =	simm.s32 @!p2 $0x5200;
	[sflag:s6] =	ssyncadd.s32 @!p1 $0xFFFF9C00;
	s6 =	simm.s32 @!p2 $0x3  }
0x305: {  	[tilespmem:s3], [sflag:$0x3] =	stream.linear.gather @!p2 [spmem:s15], $0x6400, $0x38;
	[tilespmem:$0x1EE80] =	vst v63  }
0x306: {  	s0 =	sadd.s32 $0x1, s0;
	_ =	swait.ge @!p2 [sflag:s6], $0x6400  }
0x307: {  	p3 =	sne.s32 s0, s19;
	[sflag:s6] =	ssyncset.done @!p2 $0x0  }
.Ltmp2:
0x308: {  	s21 =	simm.s32 @!p2 $0x0;
	[sflag:s6] =	ssyncadd.s32 @!p2 $0xFFFF9C00;
	(pc) =	sbr.rel @p3 .LBB2_1-.Ltmp2, $4  }
0x309: {  	[hbm4b:s18+s21] =	stream.linear.scatter @!p2 [tilespmem:s3], [sflag:$0x3], $0x6400, $0x38;
	[tilespmem:$0x1EE80] =	vst v63  }
0x30a: {  	_ =	swait.ge @!p2 [sflag:s6], $0x6400  }
0x30b: {  	[sflag:s6] =	ssyncset.done @!p2 $0x0  }
0x30c: {  	[sflag:s6] =	ssyncadd.s32 @!p2 $0xFFFF9C00  }
0x30d: {  	_ =	sfence.sel $0x180000  }
0x30e: {  	[bflag:$0x0] =	sbarrier.arrive $0xFFFF  }
0x30f: {  	_ =	strace $0x90000047  }
0x310: {  	s0 =	stileid.u32;
	[bflag:$0x2] =	sbarrier.arrive $0xFFFF  }
0x311: {  	p0 =	sne.s32 s0, $0x0;
	s0 =	rddreg [dreg:$0x3]  }
0x312: {  	s0 =	sadd.s32 @!p0 $0x100000, s0  }
0x313: {  	[sflag:s0] =	ssyncadd.tile.s32 @!p0 $0x1;
	_ =	shalt  }
.Lfunc_end2:
_tile_overlayer_lowered:
.L_overlay_start_2:
0x314: {  	(tag) =	ssettag $0x2  }
0x315: {  	s0 =	rddreg [dreg:$0x0];
	s2 =	stileid.u32  }
0x316: {  	s1 =	rddreg [dreg:$0x1];
	p0 =	sne.s32 s2, $0x0  }
0x317: {  	s3 =	rddreg [dreg:$0x2];
	[bflag:$0x3] =	sbarrier.arrive $0xFFFF;
	s2 =	simm.s32 @!p0 $0x1C03  }
0x318: {  	[timem:s3], [sflag:s2] =	dma.local @!p0 [hbm:s0], s1  }
0x319: {  	s0 =	simm.s32 @!p0 $0x3  }
0x31a: {  	_ =	swait.ge @!p0 [sflag:s0], s1  }
0x31b: {  	s1 =	ssub.s32 @!p0 $0x0, s1;
	[sflag:s0] =	ssyncset.done @!p0 $0x0  }
0x31c: {  	[sflag:s0] =	ssyncadd.s32 @!p0 s1  }
0x31d: {  	[bflag:$0x3] =	sbarrier.arrive $0xFFFF  }
0x31e: {  	_ =	shalt  }

</sc_bundles>
